<compile_context>
chip_gen: v7x
topology: tpu7x:2x2x1
jax: 0.10.2.dev20260603
libtpu: 0.0.44.dev20260713+nightly
codegen_flags: <defaults>
</compile_context>

<pallas_src>
import functools

import jax
import jax.numpy as jnp
from jax import lax
from jax.experimental import pallas as pl
from jax.experimental.pallas import tpu as pltpu
from jax.experimental.pallas import tpu_sc as plsc

NUM_CORES = 2
NUM_SUBCORES = 16
NUM_WORKERS = NUM_CORES * NUM_SUBCORES
CHUNK = 80


def _make_segsum_sc(N, D, deg):
    n_chunks = N // CHUNK
    assert n_chunks * CHUNK == N
    ch_base = n_chunks // NUM_WORKERS
    n_hi = n_chunks - ch_base * NUM_WORKERS
    ch_hi = ch_base + 1
    max_nodes = ch_hi * CHUNK

    mesh = plsc.VectorSubcoreMesh(
        core_axis_name="c", subcore_axis_name="s",
        num_cores=NUM_CORES, num_subcores=NUM_SUBCORES)

    @functools.partial(
        pl.kernel,
        out_type=jax.ShapeDtypeStruct((N, D), jnp.float32),
        mesh=mesh,
        scratch_types=[
            pltpu.VMEM((ch_hi, deg, CHUNK), jnp.int32),
            pltpu.VMEM((max_nodes, D), jnp.float32),
        ] + [pltpu.SemaphoreType.DMA] * (ch_hi + 2),
    )
    def segsum(x_hbm, nt_hbm, s_hbm, idxT, out_all, *sems):
        c = lax.axis_index("c")
        s = lax.axis_index("s")
        w = c * NUM_SUBCORES + s
        is_hi = w < n_hi
        chunk0 = w * ch_base + jnp.minimum(w, n_hi)
        chunks_w = jnp.where(is_hi, ch_hi, ch_base)
        base = chunk0 * CHUNK

        ssem = sems[ch_hi]
        fsem = sems[ch_hi + 1]

        @pl.when(is_hi)
        def _():
            pltpu.async_copy(nt_hbm.at[pl.ds(chunk0, ch_hi)], idxT, ssem)

        @pl.when(jnp.logical_not(is_hi))
        def _():
            pltpu.async_copy(nt_hbm.at[pl.ds(chunk0, ch_base)],
                             idxT.at[pl.ds(0, ch_base)], ssem)

        zeros_f = jnp.zeros((16,), jnp.float32)

        def zero_chunk(ch):
            def zrow(i, carry):
                for cc in range(D // 16):
                    out_all[i, pl.ds(cc * 16, 16)] = zeros_f
                return carry

            lax.fori_loop(ch * CHUNK, (ch + 1) * CHUNK, zrow, 0)

        def issue(ch, sem):
            dst = out_all.at[pl.ds(ch * CHUNK, CHUNK)]
            for g in range(deg):
                pltpu.async_copy(x_hbm.at[idxT.at[ch, g]], dst, sem, add=True)

        def drain(ch, sem):
            dst = out_all.at[pl.ds(ch * CHUNK, CHUNK)]
            for g in range(deg):
                pltpu.make_async_copy(x_hbm.at[idxT.at[ch, g]], dst,
                                      sem).wait()

        zero_chunk(0)

        @pl.when(is_hi)
        def _():
            pltpu.make_async_copy(nt_hbm.at[pl.ds(chunk0, ch_hi)], idxT,
                                  ssem).wait()

        @pl.when(jnp.logical_not(is_hi))
        def _():
            pltpu.make_async_copy(nt_hbm.at[pl.ds(chunk0, ch_base)],
                                  idxT.at[pl.ds(0, ch_base)], ssem).wait()

        for ch in range(ch_hi):
            @pl.when(ch < chunks_w)
            def _(ch=ch):
                if ch > 0:
                    zero_chunk(ch)
                issue(ch, sems[ch])

        for ch in range(ch_hi):
            @pl.when(ch < chunks_w)
            def _(ch=ch):
                drain(ch, sems[ch])
                pltpu.async_copy(out_all.at[pl.ds(ch * CHUNK, CHUNK)],
                                 s_hbm.at[pl.ds(base + ch * CHUNK, CHUNK)],
                                 fsem)

        for ch in range(ch_hi):
            @pl.when(ch < chunks_w)
            def _(ch=ch):
                pltpu.make_async_copy(
                    out_all.at[pl.ds(ch * CHUNK, CHUNK)],
                    s_hbm.at[pl.ds(base + ch * CHUNK, CHUNK)], fsem).wait()

    return segsum


def _tc_fuse_body(x_ref, s_ref, wg_ref, wc_ref, b_ref, o_ref):
    dn = (((1,), (1,)), ((), ()))
    o = lax.dot_general(x_ref[...], wg_ref[...], dn,
                        preferred_element_type=jnp.float32)
    o = o + lax.dot_general(s_ref[...], wc_ref[...], dn,
                            preferred_element_type=jnp.float32)
    o = o + b_ref[...]
    o_ref[...] = jnp.where(o > 0, o, jnp.exp(jnp.minimum(o, 0.0)) - 1.0)


def _tc_fuse(x, S, Wg, Wc, bias2d):
    N, D = x.shape
    DO = Wg.shape[0]
    blk = 2000
    return pl.pallas_call(
        _tc_fuse_body,
        grid=(N // blk,),
        in_specs=[
            pl.BlockSpec((blk, D), lambda i: (i, 0)),
            pl.BlockSpec((blk, D), lambda i: (i, 0)),
            pl.BlockSpec((DO, D), lambda i: (0, 0)),
            pl.BlockSpec((DO, D), lambda i: (0, 0)),
            pl.BlockSpec((1, DO), lambda i: (0, 0)),
        ],
        out_specs=pl.BlockSpec((blk, DO), lambda i: (i, 0)),
        out_shape=jax.ShapeDtypeStruct((N, DO), jnp.float32),
    )(x, S, Wg, Wc, bias2d)


def kernel(x, W_global, W_local, bias, node_ids, neigh_ids, deg):
    N, D = x.shape
    E = neigh_ids.shape[0]
    deg_static = E // N
    nT = (neigh_ids.astype(jnp.int32)
          .reshape(N // CHUNK, CHUNK, deg_static)
          .transpose(0, 2, 1))
    segsum = _make_segsum_sc(N, D, deg_static)
    S = segsum(x, nT)
    inv_deg = 1.0 / jnp.asarray(deg, jnp.float32)
    Wc = (W_local + W_global) * inv_deg
    out = _tc_fuse(x, S, W_global, Wc, bias.reshape(1, -1))
    return out

# --- scband reference (transcript-rebuilt; emitter-appended) ---
"""Pipeline reference for scband-weight-block-3083786518782 (READ-ONLY COPY).

The authoritative reference and input builder live on the scoring server;
editing this copy changes nothing except your own understanding.
"""

import jax, jax.numpy as jnp
import numpy as np

N = 10000
DEG = 32
D_IN = 128
D_OUT = 128


def setup_inputs(seed: int = 0) -> dict:
    key = jax.random.key(seed)
    k1, k2, k3 = jax.random.split(key, 3)
    x = jax.random.normal(k1, (N, D_IN), dtype=jnp.float32)
    node_ids = jnp.arange(N, dtype=jnp.int64) if jax.config.jax_enable_x64 else jnp.arange(N, dtype=jnp.int32)
    neigh_ids = jax.random.randint(k2, (N * DEG,), 0, N, dtype=jnp.int32)
    # learned params (nn.Linear(in,out,bias=False).weight has shape [out, in]); xavier-ish init
    kw1, kw2 = jax.random.split(k3)
    scale = float(np.sqrt(2.0 / (D_IN + D_OUT)))
    W_global = jax.random.normal(kw1, (D_OUT, D_IN), dtype=jnp.float32) * scale
    W_local = jax.random.normal(kw2, (D_OUT, D_IN), dtype=jnp.float32) * scale
    bias = jnp.zeros((D_OUT,), dtype=jnp.float32)
    return {
        "x": x,
        "W_global": W_global,
        "W_local": W_local,
        "bias": bias,
        "node_ids": node_ids,
        "neigh_ids": neigh_ids,
        "deg": DEG,
    }


def reference(x, W_global, W_local, bias, node_ids, neigh_ids, deg):
    # global 1x1 mapping on all nodes
    global_maps = x @ W_global.T
    # single degree group covering all nodes (deg > 0 branch)
    neigh_x = jnp.take(x, neigh_ids, axis=0)
    local_neigh = neigh_x @ W_local.T
    global_neigh = jnp.take(global_maps, neigh_ids, axis=0)
    mixed = local_neigh + global_neigh
    deg_static = neigh_ids.shape[0] // node_ids.shape[0]
    mixed = mixed.reshape(node_ids.shape[0], deg_static, -1).sum(axis=1) / jnp.asarray(deg, mixed.dtype)
    # _scatter_to_nodes: out[idx] = concat(group_outs)  (scatter-overwrite)
    neigh_agg = jnp.zeros((x.shape[0], W_global.shape[0]), dtype=x.dtype).at[node_ids].set(mixed)
    self_map = global_maps
    out = neigh_agg + self_map + bias
    return jax.nn.elu(out)

if __name__ == "__main__":
    import jax
    _d = setup_inputs()
    print(jax.jit(kernel)(*tuple(_d.values())))

</pallas_src>

<mosaic_0001>
#map = affine_map<(d0, d1) -> (0, 0)>
#map1 = affine_map<(d0, d1) -> (0, 0, 0)>
module attributes {stable_mosaic.version = 14 : i64} {
  func.func @segsum(%arg0: i32, %arg1: i32, %arg2: memref<10000x128xf32, #tpu.memory_space<hbm>>, %arg3: memref<125x32x80xi32, #tpu.memory_space<hbm>>, %arg4: memref<10000x128xf32, #tpu.memory_space<hbm>>, %arg5: memref<4x32x80xi32, #tpu.memory_space<vmem>>, %arg6: memref<320x128xf32, #tpu.memory_space<vmem>>, %arg7: memref<!tpu.dma_semaphore, #tpu.memory_space<semaphore_mem>>, %arg8: memref<!tpu.dma_semaphore, #tpu.memory_space<semaphore_mem>>, %arg9: memref<!tpu.dma_semaphore, #tpu.memory_space<semaphore_mem>>, %arg10: memref<!tpu.dma_semaphore, #tpu.memory_space<semaphore_mem>>, %arg11: memref<!tpu.dma_semaphore, #tpu.memory_space<semaphore_mem>>, %arg12: memref<!tpu.dma_semaphore, #tpu.memory_space<semaphore_mem>>) attributes {dimension_semantics = [#tpu.dimension_semantics<core_parallel>, #tpu.dimension_semantics<subcore_parallel>], iteration_bounds = array<i64: 2, 16>, scalar_prefetch = 0 : i64, scratch_operands = 8 : i64, tpu.core_type = #tpu.core_type<sc_vector_subcore>, window_params = [{transform_indices = #map}, {transform_indices = #map1}, {transform_indices = #map}]} {
    %mul3A = arith.constant 16 : i32
    %mul3A_0 = arith.muli %arg0, %mul3A : i32
    %add3A = arith.addi %mul3A_0, %arg1 : i32
    %lt3A = arith.constant 29 : i32
    %lt3A_1 = arith.cmpi slt, %add3A, %lt3A : i32
    %mul3A_2 = arith.constant 3 : i32
    %mul3A_3 = arith.muli %add3A, %mul3A_2 : i32
    %min3A = arith.constant 29 : i32
    %min3A_4 = arith.minsi %add3A, %min3A : i32
    %add3A_5 = arith.addi %mul3A_3, %min3A_4 : i32
    %jit3A = arith.constant 4 : i32
    %jit3A_6 = arith.constant 3 : i32
    %select_n3A = arith.select %lt3A_1, %jit3A, %jit3A_6 : i32
    %mul3A_7 = arith.constant 80 : i32
    %mul3A_8 = arith.muli %add3A_5, %mul3A_7 : i32
    %convert_element_type3A = arith.extui %lt3A_1 : i1 to i32
    %cond3A = arith.constant 0 : i32
    %cond3A_9 = arith.cmpi ne, %convert_element_type3A, %cond3A : i32
    scf.if %cond3A_9 {
      %dma_start3A = arith.constant 0 : i32
      %dma_start3A_87 = arith.constant 0 : i32
      %dma_start3A_88 = tpu.memref_slice %arg3[%add3A_5, %dma_start3A, %dma_start3A_87] : memref<125x32x80xi32, #tpu.memory_space<hbm>> -> memref<4x32x80xi32, #tpu.memory_space<hbm>>
      %dma_start3A_89 = arith.constant 0 : i32
      %dma_start3A_90 = arith.constant 0 : i32
      %dma_start3A_91 = tpu.memref_slice %arg3[%add3A_5, %dma_start3A_89, %dma_start3A_90] : memref<125x32x80xi32, #tpu.memory_space<hbm>> -> memref<4x32x80xi32, #tpu.memory_space<hbm>>
      tpu.enqueue_dma source(%dma_start3A_91 : memref<4x32x80xi32, #tpu.memory_space<hbm>>) target(%arg5 : memref<4x32x80xi32, #tpu.memory_space<vmem>>) target_semaphore(%arg11 : memref<!tpu.dma_semaphore, #tpu.memory_space<semaphore_mem>>)
    } else {
    }
    %not3A = arith.constant true
    %not3A_10 = arith.xori %lt3A_1, %not3A : i1
    %convert_element_type3A_11 = arith.extui %not3A_10 : i1 to i32
    %cond3A_12 = arith.constant 0 : i32
    %cond3A_13 = arith.cmpi ne, %convert_element_type3A_11, %cond3A_12 : i32
    scf.if %cond3A_13 {
      %dma_start3A = arith.constant 0 : i32
      %dma_start3A_87 = arith.constant 0 : i32
      %dma_start3A_88 = arith.constant 0 : i32
      %dma_start3A_89 = tpu.memref_slice %arg5[%dma_start3A, %dma_start3A_87, %dma_start3A_88] : memref<4x32x80xi32, #tpu.memory_space<vmem>> -> memref<3x32x80xi32, #tpu.memory_space<vmem>>
      %dma_start3A_90 = arith.constant 0 : i32
      %dma_start3A_91 = arith.constant 0 : i32
      %dma_start3A_92 = tpu.memref_slice %arg3[%add3A_5, %dma_start3A_90, %dma_start3A_91] : memref<125x32x80xi32, #tpu.memory_space<hbm>> -> memref<3x32x80xi32, #tpu.memory_space<hbm>>
      %dma_start3A_93 = arith.constant 0 : i32
      %dma_start3A_94 = arith.constant 0 : i32
      %dma_start3A_95 = arith.constant 0 : i32
      %dma_start3A_96 = tpu.memref_slice %arg5[%dma_start3A_93, %dma_start3A_94, %dma_start3A_95] : memref<4x32x80xi32, #tpu.memory_space<vmem>> -> memref<3x32x80xi32, #tpu.memory_space<vmem>>
      %dma_start3A_97 = arith.constant 0 : i32
      %dma_start3A_98 = arith.constant 0 : i32
      %dma_start3A_99 = tpu.memref_slice %arg3[%add3A_5, %dma_start3A_97, %dma_start3A_98] : memref<125x32x80xi32, #tpu.memory_space<hbm>> -> memref<3x32x80xi32, #tpu.memory_space<hbm>>
      tpu.enqueue_dma source(%dma_start3A_99 : memref<3x32x80xi32, #tpu.memory_space<hbm>>) target(%dma_start3A_96 : memref<3x32x80xi32, #tpu.memory_space<vmem>>) target_semaphore(%arg11 : memref<!tpu.dma_semaphore, #tpu.memory_space<semaphore_mem>>)
    } else {
    }
    %broadcast_in_dim3A = arith.constant 0.000000e+00 : f32
    %broadcast_in_dim3A_14 = vector.broadcast %broadcast_in_dim3A : f32 to vector<16xf32>
    %scan3A = arith.constant 0 : i32
    %scan3A_15 = arith.constant 0 : i32
    %scan3A_16 = arith.constant 80 : i32
    %scan3A_17 = arith.addi %scan3A_15, %scan3A_16 : i32
    %scan3A_18 = arith.constant 1 : i32
    scf.for %scan3A_87 = %scan3A_15 to %scan3A_17 step %scan3A_18  : i32 {
      %swap3A = arith.index_cast %scan3A_87 : i32 to index
      %swap3A_88 = arith.constant 0 : index
      %swap3A_89 = tpu.vector_load %arg6[%swap3A, %swap3A_88] {strides = array<i32>} : memref<320x128xf32, #tpu.memory_space<vmem>>, vector<1x16xf32>,
      %swap3A_90 = vector.shape_cast %swap3A_89 : vector<1x16xf32> to vector<16xf32>
      %swap3A_91 = vector.shape_cast %broadcast_in_dim3A_14 : vector<16xf32> to vector<1x16xf32>
      tpu.vector_store %arg6[%swap3A, %swap3A_88], %swap3A_91 {strides = array<i32>} : memref<320x128xf32, #tpu.memory_space<vmem>>, vector<1x16xf32>,
      %swap3A_92 = arith.index_cast %scan3A_87 : i32 to index
      %swap3A_93 = arith.constant 16 : index
      %swap3A_94 = tpu.vector_load %arg6[%swap3A_92, %swap3A_93] {strides = array<i32>} : memref<320x128xf32, #tpu.memory_space<vmem>>, vector<1x16xf32>,
      %swap3A_95 = vector.shape_cast %swap3A_94 : vector<1x16xf32> to vector<16xf32>
      %swap3A_96 = vector.shape_cast %broadcast_in_dim3A_14 : vector<16xf32> to vector<1x16xf32>
      tpu.vector_store %arg6[%swap3A_92, %swap3A_93], %swap3A_96 {strides = array<i32>} : memref<320x128xf32, #tpu.memory_space<vmem>>, vector<1x16xf32>,
      %swap3A_97 = arith.index_cast %scan3A_87 : i32 to index
      %swap3A_98 = arith.constant 32 : index
      %swap3A_99 = tpu.vector_load %arg6[%swap3A_97, %swap3A_98] {strides = array<i32>} : memref<320x128xf32, #tpu.memory_space<vmem>>, vector<1x16xf32>,
      %swap3A_100 = vector.shape_cast %swap3A_99 : vector<1x16xf32> to vector<16xf32>
      %swap3A_101 = vector.shape_cast %broadcast_in_dim3A_14 : vector<16xf32> to vector<1x16xf32>
      tpu.vector_store %arg6[%swap3A_97, %swap3A_98], %swap3A_101 {strides = array<i32>} : memref<320x128xf32, #tpu.memory_space<vmem>>, vector<1x16xf32>,
      %swap3A_102 = arith.index_cast %scan3A_87 : i32 to index
      %swap3A_103 = arith.constant 48 : index
      %swap3A_104 = tpu.vector_load %arg6[%swap3A_102, %swap3A_103] {strides = array<i32>} : memref<320x128xf32, #tpu.memory_space<vmem>>, vector<1x16xf32>,
      %swap3A_105 = vector.shape_cast %swap3A_104 : vector<1x16xf32> to vector<16xf32>
      %swap3A_106 = vector.shape_cast %broadcast_in_dim3A_14 : vector<16xf32> to vector<1x16xf32>
      tpu.vector_store %arg6[%swap3A_102, %swap3A_103], %swap3A_106 {strides = array<i32>} : memref<320x128xf32, #tpu.memory_space<vmem>>, vector<1x16xf32>,
      %swap3A_107 = arith.index_cast %scan3A_87 : i32 to index
      %swap3A_108 = arith.constant 64 : index
      %swap3A_109 = tpu.vector_load %arg6[%swap3A_107, %swap3A_108] {strides = array<i32>} : memref<320x128xf32, #tpu.memory_space<vmem>>, vector<1x16xf32>,
      %swap3A_110 = vector.shape_cast %swap3A_109 : vector<1x16xf32> to vector<16xf32>
      %swap3A_111 = vector.shape_cast %broadcast_in_dim3A_14 : vector<16xf32> to vector<1x16xf32>
      tpu.vector_store %arg6[%swap3A_107, %swap3A_108], %swap3A_111 {strides = array<i32>} : memref<320x128xf32, #tpu.memory_space<vmem>>, vector<1x16xf32>,
      %swap3A_112 = arith.index_cast %scan3A_87 : i32 to index
      %swap3A_113 = arith.constant 80 : index
      %swap3A_114 = tpu.vector_load %arg6[%swap3A_112, %swap3A_113] {strides = array<i32>} : memref<320x128xf32, #tpu.memory_space<vmem>>, vector<1x16xf32>,
      %swap3A_115 = vector.shape_cast %swap3A_114 : vector<1x16xf32> to vector<16xf32>
      %swap3A_116 = vector.shape_cast %broadcast_in_dim3A_14 : vector<16xf32> to vector<1x16xf32>
      tpu.vector_store %arg6[%swap3A_112, %swap3A_113], %swap3A_116 {strides = array<i32>} : memref<320x128xf32, #tpu.memory_space<vmem>>, vector<1x16xf32>,
      %swap3A_117 = arith.index_cast %scan3A_87 : i32 to index
      %swap3A_118 = arith.constant 96 : index
      %swap3A_119 = tpu.vector_load %arg6[%swap3A_117, %swap3A_118] {strides = array<i32>} : memref<320x128xf32, #tpu.memory_space<vmem>>, vector<1x16xf32>,
      %swap3A_120 = vector.shape_cast %swap3A_119 : vector<1x16xf32> to vector<16xf32>
      %swap3A_121 = vector.shape_cast %broadcast_in_dim3A_14 : vector<16xf32> to vector<1x16xf32>
      tpu.vector_store %arg6[%swap3A_117, %swap3A_118], %swap3A_121 {strides = array<i32>} : memref<320x128xf32, #tpu.memory_space<vmem>>, vector<1x16xf32>,
      %swap3A_122 = arith.index_cast %scan3A_87 : i32 to index
      %swap3A_123 = arith.constant 112 : index
      %swap3A_124 = tpu.vector_load %arg6[%swap3A_122, %swap3A_123] {strides = array<i32>} : memref<320x128xf32, #tpu.memory_space<vmem>>, vector<1x16xf32>,
      %swap3A_125 = vector.shape_cast %swap3A_124 : vector<1x16xf32> to vector<16xf32>
      %swap3A_126 = vector.shape_cast %broadcast_in_dim3A_14 : vector<16xf32> to vector<1x16xf32>
      tpu.vector_store %arg6[%swap3A_122, %swap3A_123], %swap3A_126 {strides = array<i32>} : memref<320x128xf32, #tpu.memory_space<vmem>>, vector<1x16xf32>,
    }
    %scan3A_19 = arith.constant 80 : i32
    %convert_element_type3A_20 = arith.extui %lt3A_1 : i1 to i32
    %cond3A_21 = arith.constant 0 : i32
    %cond3A_22 = arith.cmpi ne, %convert_element_type3A_20, %cond3A_21 : i32
    scf.if %cond3A_22 {
      %dma_wait3A = arith.constant 0 : i32
      %dma_wait3A_87 = arith.constant 0 : i32
      %dma_wait3A_88 = tpu.memref_slice %arg3[%add3A_5, %dma_wait3A, %dma_wait3A_87] : memref<125x32x80xi32, #tpu.memory_space<hbm>> -> memref<4x32x80xi32, #tpu.memory_space<hbm>>
      %dma_wait3A_89 = arith.constant 0 : i32
      %dma_wait3A_90 = arith.constant 0 : i32
      %dma_wait3A_91 = tpu.memref_slice %arg3[%add3A_5, %dma_wait3A_89, %dma_wait3A_90] : memref<125x32x80xi32, #tpu.memory_space<hbm>> -> memref<4x32x80xi32, #tpu.memory_space<hbm>>
      tpu.wait_dma2 semaphore(%arg11 : memref<!tpu.dma_semaphore, #tpu.memory_space<semaphore_mem>>) src(%dma_wait3A_91 : memref<4x32x80xi32, #tpu.memory_space<hbm>>) dst(%arg5 : memref<4x32x80xi32, #tpu.memory_space<vmem>>)
    } else {
    }
    %not3A_23 = arith.constant true
    %not3A_24 = arith.xori %lt3A_1, %not3A_23 : i1
    %convert_element_type3A_25 = arith.extui %not3A_24 : i1 to i32
    %cond3A_26 = arith.constant 0 : i32
    %cond3A_27 = arith.cmpi ne, %convert_element_type3A_25, %cond3A_26 : i32
    scf.if %cond3A_27 {
      %dma_wait3A = arith.constant 0 : i32
      %dma_wait3A_87 = arith.constant 0 : i32
      %dma_wait3A_88 = arith.constant 0 : i32
      %dma_wait3A_89 = tpu.memref_slice %arg5[%dma_wait3A, %dma_wait3A_87, %dma_wait3A_88] : memref<4x32x80xi32, #tpu.memory_space<vmem>> -> memref<3x32x80xi32, #tpu.memory_space<vmem>>
      %dma_wait3A_90 = arith.constant 0 : i32
      %dma_wait3A_91 = arith.constant 0 : i32
      %dma_wait3A_92 = tpu.memref_slice %arg3[%add3A_5, %dma_wait3A_90, %dma_wait3A_91] : memref<125x32x80xi32, #tpu.memory_space<hbm>> -> memref<3x32x80xi32, #tpu.memory_space<hbm>>
      %dma_wait3A_93 = arith.constant 0 : i32
      %dma_wait3A_94 = arith.constant 0 : i32
      %dma_wait3A_95 = arith.constant 0 : i32
      %dma_wait3A_96 = tpu.memref_slice %arg5[%dma_wait3A_93, %dma_wait3A_94, %dma_wait3A_95] : memref<4x32x80xi32, #tpu.memory_space<vmem>> -> memref<3x32x80xi32, #tpu.memory_space<vmem>>
      %dma_wait3A_97 = arith.constant 0 : i32
      %dma_wait3A_98 = arith.constant 0 : i32
      %dma_wait3A_99 = tpu.memref_slice %arg3[%add3A_5, %dma_wait3A_97, %dma_wait3A_98] : memref<125x32x80xi32, #tpu.memory_space<hbm>> -> memref<3x32x80xi32, #tpu.memory_space<hbm>>
      tpu.wait_dma2 semaphore(%arg11 : memref<!tpu.dma_semaphore, #tpu.memory_space<semaphore_mem>>) src(%dma_wait3A_99 : memref<3x32x80xi32, #tpu.memory_space<hbm>>) dst(%dma_wait3A_96 : memref<3x32x80xi32, #tpu.memory_space<vmem>>)
    } else {
    }
    %gt3A = arith.constant 0 : i32
    %gt3A_28 = arith.cmpi sgt, %select_n3A, %gt3A : i32
    %convert_element_type3A_29 = arith.extui %gt3A_28 : i1 to i32
    %cond3A_30 = arith.constant 0 : i32
    %cond3A_31 = arith.cmpi ne, %convert_element_type3A_29, %cond3A_30 : i32
    scf.if %cond3A_31 {
      %dma_start3A = arith.constant 0 : i32
      %dma_start3A_87 = arith.constant 0 : i32
      %dma_start3A_88 = arith.constant 0 : i32
      %dma_start3A_89 = arith.constant 0 : i32
      %dma_start3A_90 = tpu.memref_slice %arg6[%dma_start3A_88, %dma_start3A_89] : memref<320x128xf32, #tpu.memory_space<vmem>> -> memref<80x128xf32, #tpu.memory_space<vmem>>
      %dma_start3A_91 = arith.constant 0 : i32
      %dma_start3A_92 = tpu.memref_slice %arg5[%dma_start3A, %dma_start3A_87, %dma_start3A_91] : memref<4x32x80xi32, #tpu.memory_space<vmem>> -> memref<1x1x80xi32, #tpu.memory_space<vmem>>
      %dma_start3A_93 = tpu.memref_squeeze %dma_start3A_92 : memref<1x1x80xi32, #tpu.memory_space<vmem>> -> memref<80xi32, #tpu.memory_space<vmem>>
      %dma_start3A_94 = arith.constant 0 : i32
      %dma_start3A_95 = arith.constant 0 : i32
      %dma_start3A_96 = tpu.memref_slice %arg2[%dma_start3A_94, %dma_start3A_95] : memref<10000x128xf32, #tpu.memory_space<hbm>> -> memref<10000x128xf32, #tpu.memory_space<hbm>>
      tpu.enqueue_indirect_dma source(%dma_start3A_96 : memref<10000x128xf32, #tpu.memory_space<hbm>>) target(%dma_start3A_90 : memref<80x128xf32, #tpu.memory_space<vmem>>) offsets(%dma_start3A_93 : memref<80xi32, #tpu.memory_space<vmem>>) semaphore(%arg7 : memref<!tpu.dma_semaphore, #tpu.memory_space<semaphore_mem>>) {add = true}
      %dma_start3A_97 = arith.constant 0 : i32
      %dma_start3A_98 = arith.constant 1 : i32
      %dma_start3A_99 = arith.constant 0 : i32
      %dma_start3A_100 = arith.constant 0 : i32
      %dma_start3A_101 = tpu.memref_slice %arg6[%dma_start3A_99, %dma_start3A_100] : memref<320x128xf32, #tpu.memory_space<vmem>> -> memref<80x128xf32, #tpu.memory_space<vmem>>
      %dma_start3A_102 = arith.constant 0 : i32
      %dma_start3A_103 = tpu.memref_slice %arg5[%dma_start3A_97, %dma_start3A_98, %dma_start3A_102] : memref<4x32x80xi32, #tpu.memory_space<vmem>> -> memref<1x1x80xi32, #tpu.memory_space<vmem>>
      %dma_start3A_104 = tpu.memref_squeeze %dma_start3A_103 : memref<1x1x80xi32, #tpu.memory_space<vmem>> -> memref<80xi32, #tpu.memory_space<vmem>>
      %dma_start3A_105 = arith.constant 0 : i32
      %dma_start3A_106 = arith.constant 0 : i32
      %dma_start3A_107 = tpu.memref_slice %arg2[%dma_start3A_105, %dma_start3A_106] : memref<10000x128xf32, #tpu.memory_space<hbm>> -> memref<10000x128xf32, #tpu.memory_space<hbm>>
      tpu.enqueue_indirect_dma source(%dma_start3A_107 : memref<10000x128xf32, #tpu.memory_space<hbm>>) target(%dma_start3A_101 : memref<80x128xf32, #tpu.memory_space<vmem>>) offsets(%dma_start3A_104 : memref<80xi32, #tpu.memory_space<vmem>>) semaphore(%arg7 : memref<!tpu.dma_semaphore, #tpu.memory_space<semaphore_mem>>) {add = true}
      %dma_start3A_108 = arith.constant 0 : i32
      %dma_start3A_109 = arith.constant 2 : i32
      %dma_start3A_110 = arith.constant 0 : i32
      %dma_start3A_111 = arith.constant 0 : i32
      %dma_start3A_112 = tpu.memref_slice %arg6[%dma_start3A_110, %dma_start3A_111] : memref<320x128xf32, #tpu.memory_space<vmem>> -> memref<80x128xf32, #tpu.memory_space<vmem>>
      %dma_start3A_113 = arith.constant 0 : i32
      %dma_start3A_114 = tpu.memref_slice %arg5[%dma_start3A_108, %dma_start3A_109, %dma_start3A_113] : memref<4x32x80xi32, #tpu.memory_space<vmem>> -> memref<1x1x80xi32, #tpu.memory_space<vmem>>
      %dma_start3A_115 = tpu.memref_squeeze %dma_start3A_114 : memref<1x1x80xi32, #tpu.memory_space<vmem>> -> memref<80xi32, #tpu.memory_space<vmem>>
      %dma_start3A_116 = arith.constant 0 : i32
      %dma_start3A_117 = arith.constant 0 : i32
      %dma_start3A_118 = tpu.memref_slice %arg2[%dma_start3A_116, %dma_start3A_117] : memref<10000x128xf32, #tpu.memory_space<hbm>> -> memref<10000x128xf32, #tpu.memory_space<hbm>>
      tpu.enqueue_indirect_dma source(%dma_start3A_118 : memref<10000x128xf32, #tpu.memory_space<hbm>>) target(%dma_start3A_112 : memref<80x128xf32, #tpu.memory_space<vmem>>) offsets(%dma_start3A_115 : memref<80xi32, #tpu.memory_space<vmem>>) semaphore(%arg7 : memref<!tpu.dma_semaphore, #tpu.memory_space<semaphore_mem>>) {add = true}
      %dma_start3A_119 = arith.constant 0 : i32
      %dma_start3A_120 = arith.constant 3 : i32
      %dma_start3A_121 = arith.constant 0 : i32
      %dma_start3A_122 = arith.constant 0 : i32
      %dma_start3A_123 = tpu.memref_slice %arg6[%dma_start3A_121, %dma_start3A_122] : memref<320x128xf32, #tpu.memory_space<vmem>> -> memref<80x128xf32, #tpu.memory_space<vmem>>
      %dma_start3A_124 = arith.constant 0 : i32
      %dma_start3A_125 = tpu.memref_slice %arg5[%dma_start3A_119, %dma_start3A_120, %dma_start3A_124] : memref<4x32x80xi32, #tpu.memory_space<vmem>> -> memref<1x1x80xi32, #tpu.memory_space<vmem>>
      %dma_start3A_126 = tpu.memref_squeeze %dma_start3A_125 : memref<1x1x80xi32, #tpu.memory_space<vmem>> -> memref<80xi32, #tpu.memory_space<vmem>>
      %dma_start3A_127 = arith.constant 0 : i32
      %dma_start3A_128 = arith.constant 0 : i32
      %dma_start3A_129 = tpu.memref_slice %arg2[%dma_start3A_127, %dma_start3A_128] : memref<10000x128xf32, #tpu.memory_space<hbm>> -> memref<10000x128xf32, #tpu.memory_space<hbm>>
      tpu.enqueue_indirect_dma source(%dma_start3A_129 : memref<10000x128xf32, #tpu.memory_space<hbm>>) target(%dma_start3A_123 : memref<80x128xf32, #tpu.memory_space<vmem>>) offsets(%dma_start3A_126 : memref<80xi32, #tpu.memory_space<vmem>>) semaphore(%arg7 : memref<!tpu.dma_semaphore, #tpu.memory_space<semaphore_mem>>) {add = true}
      %dma_start3A_130 = arith.constant 0 : i32
      %dma_start3A_131 = arith.constant 4 : i32
      %dma_start3A_132 = arith.constant 0 : i32
      %dma_start3A_133 = arith.constant 0 : i32
      %dma_start3A_134 = tpu.memref_slice %arg6[%dma_start3A_132, %dma_start3A_133] : memref<320x128xf32, #tpu.memory_space<vmem>> -> memref<80x128xf32, #tpu.memory_space<vmem>>
      %dma_start3A_135 = arith.constant 0 : i32
      %dma_start3A_136 = tpu.memref_slice %arg5[%dma_start3A_130, %dma_start3A_131, %dma_start3A_135] : memref<4x32x80xi32, #tpu.memory_space<vmem>> -> memref<1x1x80xi32, #tpu.memory_space<vmem>>
      %dma_start3A_137 = tpu.memref_squeeze %dma_start3A_136 : memref<1x1x80xi32, #tpu.memory_space<vmem>> -> memref<80xi32, #tpu.memory_space<vmem>>
      %dma_start3A_138 = arith.constant 0 : i32
      %dma_start3A_139 = arith.constant 0 : i32
      %dma_start3A_140 = tpu.memref_slice %arg2[%dma_start3A_138, %dma_start3A_139] : memref<10000x128xf32, #tpu.memory_space<hbm>> -> memref<10000x128xf32, #tpu.memory_space<hbm>>
      tpu.enqueue_indirect_dma source(%dma_start3A_140 : memref<10000x128xf32, #tpu.memory_space<hbm>>) target(%dma_start3A_134 : memref<80x128xf32, #tpu.memory_space<vmem>>) offsets(%dma_start3A_137 : memref<80xi32, #tpu.memory_space<vmem>>) semaphore(%arg7 : memref<!tpu.dma_semaphore, #tpu.memory_space<semaphore_mem>>) {add = true}
      %dma_start3A_141 = arith.constant 0 : i32
      %dma_start3A_142 = arith.constant 5 : i32
      %dma_start3A_143 = arith.constant 0 : i32
      %dma_start3A_144 = arith.constant 0 : i32
      %dma_start3A_145 = tpu.memref_slice %arg6[%dma_start3A_143, %dma_start3A_144] : memref<320x128xf32, #tpu.memory_space<vmem>> -> memref<80x128xf32, #tpu.memory_space<vmem>>
      %dma_start3A_146 = arith.constant 0 : i32
      %dma_start3A_147 = tpu.memref_slice %arg5[%dma_start3A_141, %dma_start3A_142, %dma_start3A_146] : memref<4x32x80xi32, #tpu.memory_space<vmem>> -> memref<1x1x80xi32, #tpu.memory_space<vmem>>
      %dma_start3A_148 = tpu.memref_squeeze %dma_start3A_147 : memref<1x1x80xi32, #tpu.memory_space<vmem>> -> memref<80xi32, #tpu.memory_space<vmem>>
      %dma_start3A_149 = arith.constant 0 : i32
      %dma_start3A_150 = arith.constant 0 : i32
      %dma_start3A_151 = tpu.memref_slice %arg2[%dma_start3A_149, %dma_start3A_150] : memref<10000x128xf32, #tpu.memory_space<hbm>> -> memref<10000x128xf32, #tpu.memory_space<hbm>>
      tpu.enqueue_indirect_dma source(%dma_start3A_151 : memref<10000x128xf32, #tpu.memory_space<hbm>>) target(%dma_start3A_145 : memref<80x128xf32, #tpu.memory_space<vmem>>) offsets(%dma_start3A_148 : memref<80xi32, #tpu.memory_space<vmem>>) semaphore(%arg7 : memref<!tpu.dma_semaphore, #tpu.memory_space<semaphore_mem>>) {add = true}
      %dma_start3A_152 = arith.constant 0 : i32
      %dma_start3A_153 = arith.constant 6 : i32
      %dma_start3A_154 = arith.constant 0 : i32
      %dma_start3A_155 = arith.constant 0 : i32
      %dma_start3A_156 = tpu.memref_slice %arg6[%dma_start3A_154, %dma_start3A_155] : memref<320x128xf32, #tpu.memory_space<vmem>> -> memref<80x128xf32, #tpu.memory_space<vmem>>
      %dma_start3A_157 = arith.constant 0 : i32
      %dma_start3A_158 = tpu.memref_slice %arg5[%dma_start3A_152, %dma_start3A_153, %dma_start3A_157] : memref<4x32x80xi32, #tpu.memory_space<vmem>> -> memref<1x1x80xi32, #tpu.memory_space<vmem>>
      %dma_start3A_159 = tpu.memref_squeeze %dma_start3A_158 : memref<1x1x80xi32, #tpu.memory_space<vmem>> -> memref<80xi32, #tpu.memory_space<vmem>>
      %dma_start3A_160 = arith.constant 0 : i32
      %dma_start3A_161 = arith.constant 0 : i32
      %dma_start3A_162 = tpu.memref_slice %arg2[%dma_start3A_160, %dma_start3A_161] : memref<10000x128xf32, #tpu.memory_space<hbm>> -> memref<10000x128xf32, #tpu.memory_space<hbm>>
      tpu.enqueue_indirect_dma source(%dma_start3A_162 : memref<10000x128xf32, #tpu.memory_space<hbm>>) target(%dma_start3A_156 : memref<80x128xf32, #tpu.memory_space<vmem>>) offsets(%dma_start3A_159 : memref<80xi32, #tpu.memory_space<vmem>>) semaphore(%arg7 : memref<!tpu.dma_semaphore, #tpu.memory_space<semaphore_mem>>) {add = true}
      %dma_start3A_163 = arith.constant 0 : i32
      %dma_start3A_164 = arith.constant 7 : i32
      %dma_start3A_165 = arith.constant 0 : i32
      %dma_start3A_166 = arith.constant 0 : i32
      %dma_start3A_167 = tpu.memref_slice %arg6[%dma_start3A_165, %dma_start3A_166] : memref<320x128xf32, #tpu.memory_space<vmem>> -> memref<80x128xf32, #tpu.memory_space<vmem>>
      %dma_start3A_168 = arith.constant 0 : i32
      %dma_start3A_169 = tpu.memref_slice %arg5[%dma_start3A_163, %dma_start3A_164, %dma_start3A_168] : memref<4x32x80xi32, #tpu.memory_space<vmem>> -> memref<1x1x80xi32, #tpu.memory_space<vmem>>
      %dma_start3A_170 = tpu.memref_squeeze %dma_start3A_169 : memref<1x1x80xi32, #tpu.memory_space<vmem>> -> memref<80xi32, #tpu.memory_space<vmem>>
      %dma_start3A_171 = arith.constant 0 : i32
      %dma_start3A_172 = arith.constant 0 : i32
      %dma_start3A_173 = tpu.memref_slice %arg2[%dma_start3A_171, %dma_start3A_172] : memref<10000x128xf32, #tpu.memory_space<hbm>> -> memref<10000x128xf32, #tpu.memory_space<hbm>>
      tpu.enqueue_indirect_dma source(%dma_start3A_173 : memref<10000x128xf32, #tpu.memory_space<hbm>>) target(%dma_start3A_167 : memref<80x128xf32, #tpu.memory_space<vmem>>) offsets(%dma_start3A_170 : memref<80xi32, #tpu.memory_space<vmem>>) semaphore(%arg7 : memref<!tpu.dma_semaphore, #tpu.memory_space<semaphore_mem>>) {add = true}
      %dma_start3A_174 = arith.constant 0 : i32
      %dma_start3A_175 = arith.constant 8 : i32
      %dma_start3A_176 = arith.constant 0 : i32
      %dma_start3A_177 = arith.constant 0 : i32
      %dma_start3A_178 = tpu.memref_slice %arg6[%dma_start3A_176, %dma_start3A_177] : memref<320x128xf32, #tpu.memory_space<vmem>> -> memref<80x128xf32, #tpu.memory_space<vmem>>
      %dma_start3A_179 = arith.constant 0 : i32
      %dma_start3A_180 = tpu.memref_slice %arg5[%dma_start3A_174, %dma_start3A_175, %dma_start3A_179] : memref<4x32x80xi32, #tpu.memory_space<vmem>> -> memref<1x1x80xi32, #tpu.memory_space<vmem>>
      %dma_start3A_181 = tpu.memref_squeeze %dma_start3A_180 : memref<1x1x80xi32, #tpu.memory_space<vmem>> -> memref<80xi32, #tpu.memory_space<vmem>>
      %dma_start3A_182 = arith.constant 0 : i32
      %dma_start3A_183 = arith.constant 0 : i32
      %dma_start3A_184 = tpu.memref_slice %arg2[%dma_start3A_182, %dma_start3A_183] : memref<10000x128xf32, #tpu.memory_space<hbm>> -> memref<10000x128xf32, #tpu.memory_space<hbm>>
      tpu.enqueue_indirect_dma source(%dma_start3A_184 : memref<10000x128xf32, #tpu.memory_space<hbm>>) target(%dma_start3A_178 : memref<80x128xf32, #tpu.memory_space<vmem>>) offsets(%dma_start3A_181 : memref<80xi32, #tpu.memory_space<vmem>>) semaphore(%arg7 : memref<!tpu.dma_semaphore, #tpu.memory_space<semaphore_mem>>) {add = true}
      %dma_start3A_185 = arith.constant 0 : i32
      %dma_start3A_186 = arith.constant 9 : i32
      %dma_start3A_187 = arith.constant 0 : i32
      %dma_start3A_188 = arith.constant 0 : i32
      %dma_start3A_189 = tpu.memref_slice %arg6[%dma_start3A_187, %dma_start3A_188] : memref<320x128xf32, #tpu.memory_space<vmem>> -> memref<80x128xf32, #tpu.memory_space<vmem>>
      %dma_start3A_190 = arith.constant 0 : i32
      %dma_start3A_191 = tpu.memref_slice %arg5[%dma_start3A_185, %dma_start3A_186, %dma_start3A_190] : memref<4x32x80xi32, #tpu.memory_space<vmem>> -> memref<1x1x80xi32, #tpu.memory_space<vmem>>
      %dma_start3A_192 = tpu.memref_squeeze %dma_start3A_191 : memref<1x1x80xi32, #tpu.memory_space<vmem>> -> memref<80xi32, #tpu.memory_space<vmem>>
      %dma_start3A_193 = arith.constant 0 : i32
      %dma_start3A_194 = arith.constant 0 : i32
      %dma_start3A_195 = tpu.memref_slice %arg2[%dma_start3A_193, %dma_start3A_194] : memref<10000x128xf32, #tpu.memory_space<hbm>> -> memref<10000x128xf32, #tpu.memory_space<hbm>>
      tpu.enqueue_indirect_dma source(%dma_start3A_195 : memref<10000x128xf32, #tpu.memory_space<hbm>>) target(%dma_start3A_189 : memref<80x128xf32, #tpu.memory_space<vmem>>) offsets(%dma_start3A_192 : memref<80xi32, #tpu.memory_space<vmem>>) semaphore(%arg7 : memref<!tpu.dma_semaphore, #tpu.memory_space<semaphore_mem>>) {add = true}
      %dma_start3A_196 = arith.constant 0 : i32
      %dma_start3A_197 = arith.constant 10 : i32
      %dma_start3A_198 = arith.constant 0 : i32
      %dma_start3A_199 = arith.constant 0 : i32
      %dma_start3A_200 = tpu.memref_slice %arg6[%dma_start3A_198, %dma_start3A_199] : memref<320x128xf32, #tpu.memory_space<vmem>> -> memref<80x128xf32, #tpu.memory_space<vmem>>
      %dma_start3A_201 = arith.constant 0 : i32
      %dma_start3A_202 = tpu.memref_slice %arg5[%dma_start3A_196, %dma_start3A_197, %dma_start3A_201] : memref<4x32x80xi32, #tpu.memory_space<vmem>> -> memref<1x1x80xi32, #tpu.memory_space<vmem>>
      %dma_start3A_203 = tpu.memref_squeeze %dma_start3A_202 : memref<1x1x80xi32, #tpu.memory_space<vmem>> -> memref<80xi32, #tpu.memory_space<vmem>>
      %dma_start3A_204 = arith.constant 0 : i32
      %dma_start3A_205 = arith.constant 0 : i32
      %dma_start3A_206 = tpu.memref_slice %arg2[%dma_start3A_204, %dma_start3A_205] : memref<10000x128xf32, #tpu.memory_space<hbm>> -> memref<10000x128xf32, #tpu.memory_space<hbm>>
      tpu.enqueue_indirect_dma source(%dma_start3A_206 : memref<10000x128xf32, #tpu.memory_space<hbm>>) target(%dma_start3A_200 : memref<80x128xf32, #tpu.memory_space<vmem>>) offsets(%dma_start3A_203 : memref<80xi32, #tpu.memory_space<vmem>>) semaphore(%arg7 : memref<!tpu.dma_semaphore, #tpu.memory_space<semaphore_mem>>) {add = true}
      %dma_start3A_207 = arith.constant 0 : i32
      %dma_start3A_208 = arith.constant 11 : i32
      %dma_start3A_209 = arith.constant 0 : i32
      %dma_start3A_210 = arith.constant 0 : i32
      %dma_start3A_211 = tpu.memref_slice %arg6[%dma_start3A_209, %dma_start3A_210] : memref<320x128xf32, #tpu.memory_space<vmem>> -> memref<80x128xf32, #tpu.memory_space<vmem>>
      %dma_start3A_212 = arith.constant 0 : i32
      %dma_start3A_213 = tpu.memref_slice %arg5[%dma_start3A_207, %dma_start3A_208, %dma_start3A_212] : memref<4x32x80xi32, #tpu.memory_space<vmem>> -> memref<1x1x80xi32, #tpu.memory_space<vmem>>
      %dma_start3A_214 = tpu.memref_squeeze %dma_start3A_213 : memref<1x1x80xi32, #tpu.memory_space<vmem>> -> memref<80xi32, #tpu.memory_space<vmem>>
      %dma_start3A_215 = arith.constant 0 : i32
      %dma_start3A_216 = arith.constant 0 : i32
      %dma_start3A_217 = tpu.memref_slice %arg2[%dma_start3A_215, %dma_start3A_216] : memref<10000x128xf32, #tpu.memory_space<hbm>> -> memref<10000x128xf32, #tpu.memory_space<hbm>>
      tpu.enqueue_indirect_dma source(%dma_start3A_217 : memref<10000x128xf32, #tpu.memory_space<hbm>>) target(%dma_start3A_211 : memref<80x128xf32, #tpu.memory_space<vmem>>) offsets(%dma_start3A_214 : memref<80xi32, #tpu.memory_space<vmem>>) semaphore(%arg7 : memref<!tpu.dma_semaphore, #tpu.memory_space<semaphore_mem>>) {add = true}
      %dma_start3A_218 = arith.constant 0 : i32
      %dma_start3A_219 = arith.constant 12 : i32
      %dma_start3A_220 = arith.constant 0 : i32
      %dma_start3A_221 = arith.constant 0 : i32
      %dma_start3A_222 = tpu.memref_slice %arg6[%dma_start3A_220, %dma_start3A_221] : memref<320x128xf32, #tpu.memory_space<vmem>> -> memref<80x128xf32, #tpu.memory_space<vmem>>
      %dma_start3A_223 = arith.constant 0 : i32
      %dma_start3A_224 = tpu.memref_slice %arg5[%dma_start3A_218, %dma_start3A_219, %dma_start3A_223] : memref<4x32x80xi32, #tpu.memory_space<vmem>> -> memref<1x1x80xi32, #tpu.memory_space<vmem>>
      %dma_start3A_225 = tpu.memref_squeeze %dma_start3A_224 : memref<1x1x80xi32, #tpu.memory_space<vmem>> -> memref<80xi32, #tpu.memory_space<vmem>>
      %dma_start3A_226 = arith.constant 0 : i32
      %dma_start3A_227 = arith.constant 0 : i32
      %dma_start3A_228 = tpu.memref_slice %arg2[%dma_start3A_226, %dma_start3A_227] : memref<10000x128xf32, #tpu.memory_space<hbm>> -> memref<10000x128xf32, #tpu.memory_space<hbm>>
      tpu.enqueue_indirect_dma source(%dma_start3A_228 : memref<10000x128xf32, #tpu.memory_space<hbm>>) target(%dma_start3A_222 : memref<80x128xf32, #tpu.memory_space<vmem>>) offsets(%dma_start3A_225 : memref<80xi32, #tpu.memory_space<vmem>>) semaphore(%arg7 : memref<!tpu.dma_semaphore, #tpu.memory_space<semaphore_mem>>) {add = true}
      %dma_start3A_229 = arith.constant 0 : i32
      %dma_start3A_230 = arith.constant 13 : i32
      %dma_start3A_231 = arith.constant 0 : i32
      %dma_start3A_232 = arith.constant 0 : i32
      %dma_start3A_233 = tpu.memref_slice %arg6[%dma_start3A_231, %dma_start3A_232] : memref<320x128xf32, #tpu.memory_space<vmem>> -> memref<80x128xf32, #tpu.memory_space<vmem>>
      %dma_start3A_234 = arith.constant 0 : i32
      %dma_start3A_235 = tpu.memref_slice %arg5[%dma_start3A_229, %dma_start3A_230, %dma_start3A_234] : memref<4x32x80xi32, #tpu.memory_space<vmem>> -> memref<1x1x80xi32, #tpu.memory_space<vmem>>
      %dma_start3A_236 = tpu.memref_squeeze %dma_start3A_235 : memref<1x1x80xi32, #tpu.memory_space<vmem>> -> memref<80xi32, #tpu.memory_space<vmem>>
      %dma_start3A_237 = arith.constant 0 : i32
      %dma_start3A_238 = arith.constant 0 : i32
      %dma_start3A_239 = tpu.memref_slice %arg2[%dma_start3A_237, %dma_start3A_238] : memref<10000x128xf32, #tpu.memory_space<hbm>> -> memref<10000x128xf32, #tpu.memory_space<hbm>>
      tpu.enqueue_indirect_dma source(%dma_start3A_239 : memref<10000x128xf32, #tpu.memory_space<hbm>>) target(%dma_start3A_233 : memref<80x128xf32, #tpu.memory_space<vmem>>) offsets(%dma_start3A_236 : memref<80xi32, #tpu.memory_space<vmem>>) semaphore(%arg7 : memref<!tpu.dma_semaphore, #tpu.memory_space<semaphore_mem>>) {add = true}
      %dma_start3A_240 = arith.constant 0 : i32
      %dma_start3A_241 = arith.constant 14 : i32
      %dma_start3A_242 = arith.constant 0 : i32
      %dma_start3A_243 = arith.constant 0 : i32
      %dma_start3A_244 = tpu.memref_slice %arg6[%dma_start3A_242, %dma_start3A_243] : memref<320x128xf32, #tpu.memory_space<vmem>> -> memref<80x128xf32, #tpu.memory_space<vmem>>
      %dma_start3A_245 = arith.constant 0 : i32
      %dma_start3A_246 = tpu.memref_slice %arg5[%dma_start3A_240, %dma_start3A_241, %dma_start3A_245] : memref<4x32x80xi32, #tpu.memory_space<vmem>> -> memref<1x1x80xi32, #tpu.memory_space<vmem>>
      %dma_start3A_247 = tpu.memref_squeeze %dma_start3A_246 : memref<1x1x80xi32, #tpu.memory_space<vmem>> -> memref<80xi32, #tpu.memory_space<vmem>>
      %dma_start3A_248 = arith.constant 0 : i32
      %dma_start3A_249 = arith.constant 0 : i32
      %dma_start3A_250 = tpu.memref_slice %arg2[%dma_start3A_248, %dma_start3A_249] : memref<10000x128xf32, #tpu.memory_space<hbm>> -> memref<10000x128xf32, #tpu.memory_space<hbm>>
      tpu.enqueue_indirect_dma source(%dma_start3A_250 : memref<10000x128xf32, #tpu.memory_space<hbm>>) target(%dma_start3A_244 : memref<80x128xf32, #tpu.memory_space<vmem>>) offsets(%dma_start3A_247 : memref<80xi32, #tpu.memory_space<vmem>>) semaphore(%arg7 : memref<!tpu.dma_semaphore, #tpu.memory_space<semaphore_mem>>) {add = true}
      %dma_start3A_251 = arith.constant 0 : i32
      %dma_start3A_252 = arith.constant 15 : i32
      %dma_start3A_253 = arith.constant 0 : i32
      %dma_start3A_254 = arith.constant 0 : i32
      %dma_start3A_255 = tpu.memref_slice %arg6[%dma_start3A_253, %dma_start3A_254] : memref<320x128xf32, #tpu.memory_space<vmem>> -> memref<80x128xf32, #tpu.memory_space<vmem>>
      %dma_start3A_256 = arith.constant 0 : i32
      %dma_start3A_257 = tpu.memref_slice %arg5[%dma_start3A_251, %dma_start3A_252, %dma_start3A_256] : memref<4x32x80xi32, #tpu.memory_space<vmem>> -> memref<1x1x80xi32, #tpu.memory_space<vmem>>
      %dma_start3A_258 = tpu.memref_squeeze %dma_start3A_257 : memref<1x1x80xi32, #tpu.memory_space<vmem>> -> memref<80xi32, #tpu.memory_space<vmem>>
      %dma_start3A_259 = arith.constant 0 : i32
      %dma_start3A_260 = arith.constant 0 : i32
      %dma_start3A_261 = tpu.memref_slice %arg2[%dma_start3A_259, %dma_start3A_260] : memref<10000x128xf32, #tpu.memory_space<hbm>> -> memref<10000x128xf32, #tpu.memory_space<hbm>>
      tpu.enqueue_indirect_dma source(%dma_start3A_261 : memref<10000x128xf32, #tpu.memory_space<hbm>>) target(%dma_start3A_255 : memref<80x128xf32, #tpu.memory_space<vmem>>) offsets(%dma_start3A_258 : memref<80xi32, #tpu.memory_space<vmem>>) semaphore(%arg7 : memref<!tpu.dma_semaphore, #tpu.memory_space<semaphore_mem>>) {add = true}
      %dma_start3A_262 = arith.constant 0 : i32
      %dma_start3A_263 = arith.constant 16 : i32
      %dma_start3A_264 = arith.constant 0 : i32
      %dma_start3A_265 = arith.constant 0 : i32
      %dma_start3A_266 = tpu.memref_slice %arg6[%dma_start3A_264, %dma_start3A_265] : memref<320x128xf32, #tpu.memory_space<vmem>> -> memref<80x128xf32, #tpu.memory_space<vmem>>
      %dma_start3A_267 = arith.constant 0 : i32
      %dma_start3A_268 = tpu.memref_slice %arg5[%dma_start3A_262, %dma_start3A_263, %dma_start3A_267] : memref<4x32x80xi32, #tpu.memory_space<vmem>> -> memref<1x1x80xi32, #tpu.memory_space<vmem>>
      %dma_start3A_269 = tpu.memref_squeeze %dma_start3A_268 : memref<1x1x80xi32, #tpu.memory_space<vmem>> -> memref<80xi32, #tpu.memory_space<vmem>>
      %dma_start3A_270 = arith.constant 0 : i32
      %dma_start3A_271 = arith.constant 0 : i32
      %dma_start3A_272 = tpu.memref_slice %arg2[%dma_start3A_270, %dma_start3A_271] : memref<10000x128xf32, #tpu.memory_space<hbm>> -> memref<10000x128xf32, #tpu.memory_space<hbm>>
      tpu.enqueue_indirect_dma source(%dma_start3A_272 : memref<10000x128xf32, #tpu.memory_space<hbm>>) target(%dma_start3A_266 : memref<80x128xf32, #tpu.memory_space<vmem>>) offsets(%dma_start3A_269 : memref<80xi32, #tpu.memory_space<vmem>>) semaphore(%arg7 : memref<!tpu.dma_semaphore, #tpu.memory_space<semaphore_mem>>) {add = true}
      %dma_start3A_273 = arith.constant 0 : i32
      %dma_start3A_274 = arith.constant 17 : i32
      %dma_start3A_275 = arith.constant 0 : i32
      %dma_start3A_276 = arith.constant 0 : i32
      %dma_start3A_277 = tpu.memref_slice %arg6[%dma_start3A_275, %dma_start3A_276] : memref<320x128xf32, #tpu.memory_space<vmem>> -> memref<80x128xf32, #tpu.memory_space<vmem>>
      %dma_start3A_278 = arith.constant 0 : i32
      %dma_start3A_279 = tpu.memref_slice %arg5[%dma_start3A_273, %dma_start3A_274, %dma_start3A_278] : memref<4x32x80xi32, #tpu.memory_space<vmem>> -> memref<1x1x80xi32, #tpu.memory_space<vmem>>
      %dma_start3A_280 = tpu.memref_squeeze %dma_start3A_279 : memref<1x1x80xi32, #tpu.memory_space<vmem>> -> memref<80xi32, #tpu.memory_space<vmem>>
      %dma_start3A_281 = arith.constant 0 : i32
      %dma_start3A_282 = arith.constant 0 : i32
      %dma_start3A_283 = tpu.memref_slice %arg2[%dma_start3A_281, %dma_start3A_282] : memref<10000x128xf32, #tpu.memory_space<hbm>> -> memref<10000x128xf32, #tpu.memory_space<hbm>>
      tpu.enqueue_indirect_dma source(%dma_start3A_283 : memref<10000x128xf32, #tpu.memory_space<hbm>>) target(%dma_start3A_277 : memref<80x128xf32, #tpu.memory_space<vmem>>) offsets(%dma_start3A_280 : memref<80xi32, #tpu.memory_space<vmem>>) semaphore(%arg7 : memref<!tpu.dma_semaphore, #tpu.memory_space<semaphore_mem>>) {add = true}
      %dma_start3A_284 = arith.constant 0 : i32
      %dma_start3A_285 = arith.constant 18 : i32
      %dma_start3A_286 = arith.constant 0 : i32
      %dma_start3A_287 = arith.constant 0 : i32
      %dma_start3A_288 = tpu.memref_slice %arg6[%dma_start3A_286, %dma_start3A_287] : memref<320x128xf32, #tpu.memory_space<vmem>> -> memref<80x128xf32, #tpu.memory_space<vmem>>
      %dma_start3A_289 = arith.constant 0 : i32
      %dma_start3A_290 = tpu.memref_slice %arg5[%dma_start3A_284, %dma_start3A_285, %dma_start3A_289] : memref<4x32x80xi32, #tpu.memory_space<vmem>> -> memref<1x1x80xi32, #tpu.memory_space<vmem>>
      %dma_start3A_291 = tpu.memref_squeeze %dma_start3A_290 : memref<1x1x80xi32, #tpu.memory_space<vmem>> -> memref<80xi32, #tpu.memory_space<vmem>>
      %dma_start3A_292 = arith.constant 0 : i32
      %dma_start3A_293 = arith.constant 0 : i32
      %dma_start3A_294 = tpu.memref_slice %arg2[%dma_start3A_292, %dma_start3A_293] : memref<10000x128xf32, #tpu.memory_space<hbm>> -> memref<10000x128xf32, #tpu.memory_space<hbm>>
      tpu.enqueue_indirect_dma source(%dma_start3A_294 : memref<10000x128xf32, #tpu.memory_space<hbm>>) target(%dma_start3A_288 : memref<80x128xf32, #tpu.memory_space<vmem>>) offsets(%dma_start3A_291 : memref<80xi32, #tpu.memory_space<vmem>>) semaphore(%arg7 : memref<!tpu.dma_semaphore, #tpu.memory_space<semaphore_mem>>) {add = true}
      %dma_start3A_295 = arith.constant 0 : i32
      %dma_start3A_296 = arith.constant 19 : i32
      %dma_start3A_297 = arith.constant 0 : i32
      %dma_start3A_298 = arith.constant 0 : i32
      %dma_start3A_299 = tpu.memref_slice %arg6[%dma_start3A_297, %dma_start3A_298] : memref<320x128xf32, #tpu.memory_space<vmem>> -> memref<80x128xf32, #tpu.memory_space<vmem>>
      %dma_start3A_300 = arith.constant 0 : i32
      %dma_start3A_301 = tpu.memref_slice %arg5[%dma_start3A_295, %dma_start3A_296, %dma_start3A_300] : memref<4x32x80xi32, #tpu.memory_space<vmem>> -> memref<1x1x80xi32, #tpu.memory_space<vmem>>
      %dma_start3A_302 = tpu.memref_squeeze %dma_start3A_301 : memref<1x1x80xi32, #tpu.memory_space<vmem>> -> memref<80xi32, #tpu.memory_space<vmem>>
      %dma_start3A_303 = arith.constant 0 : i32
      %dma_start3A_304 = arith.constant 0 : i32
      %dma_start3A_305 = tpu.memref_slice %arg2[%dma_start3A_303, %dma_start3A_304] : memref<10000x128xf32, #tpu.memory_space<hbm>> -> memref<10000x128xf32, #tpu.memory_space<hbm>>
      tpu.enqueue_indirect_dma source(%dma_start3A_305 : memref<10000x128xf32, #tpu.memory_space<hbm>>) target(%dma_start3A_299 : memref<80x128xf32, #tpu.memory_space<vmem>>) offsets(%dma_start3A_302 : memref<80xi32, #tpu.memory_space<vmem>>) semaphore(%arg7 : memref<!tpu.dma_semaphore, #tpu.memory_space<semaphore_mem>>) {add = true}
      %dma_start3A_306 = arith.constant 0 : i32
      %dma_start3A_307 = arith.constant 20 : i32
      %dma_start3A_308 = arith.constant 0 : i32
      %dma_start3A_309 = arith.constant 0 : i32
      %dma_start3A_310 = tpu.memref_slice %arg6[%dma_start3A_308, %dma_start3A_309] : memref<320x128xf32, #tpu.memory_space<vmem>> -> memref<80x128xf32, #tpu.memory_space<vmem>>
      %dma_start3A_311 = arith.constant 0 : i32
      %dma_start3A_312 = tpu.memref_slice %arg5[%dma_start3A_306, %dma_start3A_307, %dma_start3A_311] : memref<4x32x80xi32, #tpu.memory_space<vmem>> -> memref<1x1x80xi32, #tpu.memory_space<vmem>>
      %dma_start3A_313 = tpu.memref_squeeze %dma_start3A_312 : memref<1x1x80xi32, #tpu.memory_space<vmem>> -> memref<80xi32, #tpu.memory_space<vmem>>
      %dma_start3A_314 = arith.constant 0 : i32
      %dma_start3A_315 = arith.constant 0 : i32
      %dma_start3A_316 = tpu.memref_slice %arg2[%dma_start3A_314, %dma_start3A_315] : memref<10000x128xf32, #tpu.memory_space<hbm>> -> memref<10000x128xf32, #tpu.memory_space<hbm>>
      tpu.enqueue_indirect_dma source(%dma_start3A_316 : memref<10000x128xf32, #tpu.memory_space<hbm>>) target(%dma_start3A_310 : memref<80x128xf32, #tpu.memory_space<vmem>>) offsets(%dma_start3A_313 : memref<80xi32, #tpu.memory_space<vmem>>) semaphore(%arg7 : memref<!tpu.dma_semaphore, #tpu.memory_space<semaphore_mem>>) {add = true}
      %dma_start3A_317 = arith.constant 0 : i32
      %dma_start3A_318 = arith.constant 21 : i32
      %dma_start3A_319 = arith.constant 0 : i32
      %dma_start3A_320 = arith.constant 0 : i32
      %dma_start3A_321 = tpu.memref_slice %arg6[%dma_start3A_319, %dma_start3A_320] : memref<320x128xf32, #tpu.memory_space<vmem>> -> memref<80x128xf32, #tpu.memory_space<vmem>>
      %dma_start3A_322 = arith.constant 0 : i32
      %dma_start3A_323 = tpu.memref_slice %arg5[%dma_start3A_317, %dma_start3A_318, %dma_start3A_322] : memref<4x32x80xi32, #tpu.memory_space<vmem>> -> memref<1x1x80xi32, #tpu.memory_space<vmem>>
      %dma_start3A_324 = tpu.memref_squeeze %dma_start3A_323 : memref<1x1x80xi32, #tpu.memory_space<vmem>> -> memref<80xi32, #tpu.memory_space<vmem>>
      %dma_start3A_325 = arith.constant 0 : i32
      %dma_start3A_326 = arith.constant 0 : i32
      %dma_start3A_327 = tpu.memref_slice %arg2[%dma_start3A_325, %dma_start3A_326] : memref<10000x128xf32, #tpu.memory_space<hbm>> -> memref<10000x128xf32, #tpu.memory_space<hbm>>
      tpu.enqueue_indirect_dma source(%dma_start3A_327 : memref<10000x128xf32, #tpu.memory_space<hbm>>) target(%dma_start3A_321 : memref<80x128xf32, #tpu.memory_space<vmem>>) offsets(%dma_start3A_324 : memref<80xi32, #tpu.memory_space<vmem>>) semaphore(%arg7 : memref<!tpu.dma_semaphore, #tpu.memory_space<semaphore_mem>>) {add = true}
      %dma_start3A_328 = arith.constant 0 : i32
      %dma_start3A_329 = arith.constant 22 : i32
      %dma_start3A_330 = arith.constant 0 : i32
      %dma_start3A_331 = arith.constant 0 : i32
      %dma_start3A_332 = tpu.memref_slice %arg6[%dma_start3A_330, %dma_start3A_331] : memref<320x128xf32, #tpu.memory_space<vmem>> -> memref<80x128xf32, #tpu.memory_space<vmem>>
      %dma_start3A_333 = arith.constant 0 : i32
      %dma_start3A_334 = tpu.memref_slice %arg5[%dma_start3A_328, %dma_start3A_329, %dma_start3A_333] : memref<4x32x80xi32, #tpu.memory_space<vmem>> -> memref<1x1x80xi32, #tpu.memory_space<vmem>>
      %dma_start3A_335 = tpu.memref_squeeze %dma_start3A_334 : memref<1x1x80xi32, #tpu.memory_space<vmem>> -> memref<80xi32, #tpu.memory_space<vmem>>
      %dma_start3A_336 = arith.constant 0 : i32
      %dma_start3A_337 = arith.constant 0 : i32
      %dma_start3A_338 = tpu.memref_slice %arg2[%dma_start3A_336, %dma_start3A_337] : memref<10000x128xf32, #tpu.memory_space<hbm>> -> memref<10000x128xf32, #tpu.memory_space<hbm>>
      tpu.enqueue_indirect_dma source(%dma_start3A_338 : memref<10000x128xf32, #tpu.memory_space<hbm>>) target(%dma_start3A_332 : memref<80x128xf32, #tpu.memory_space<vmem>>) offsets(%dma_start3A_335 : memref<80xi32, #tpu.memory_space<vmem>>) semaphore(%arg7 : memref<!tpu.dma_semaphore, #tpu.memory_space<semaphore_mem>>) {add = true}
      %dma_start3A_339 = arith.constant 0 : i32
      %dma_start3A_340 = arith.constant 23 : i32
      %dma_start3A_341 = arith.constant 0 : i32
      %dma_start3A_342 = arith.constant 0 : i32
      %dma_start3A_343 = tpu.memref_slice %arg6[%dma_start3A_341, %dma_start3A_342] : memref<320x128xf32, #tpu.memory_space<vmem>> -> memref<80x128xf32, #tpu.memory_space<vmem>>
      %dma_start3A_344 = arith.constant 0 : i32
      %dma_start3A_345 = tpu.memref_slice %arg5[%dma_start3A_339, %dma_start3A_340, %dma_start3A_344] : memref<4x32x80xi32, #tpu.memory_space<vmem>> -> memref<1x1x80xi32, #tpu.memory_space<vmem>>
      %dma_start3A_346 = tpu.memref_squeeze %dma_start3A_345 : memref<1x1x80xi32, #tpu.memory_space<vmem>> -> memref<80xi32, #tpu.memory_space<vmem>>
      %dma_start3A_347 = arith.constant 0 : i32
      %dma_start3A_348 = arith.constant 0 : i32
      %dma_start3A_349 = tpu.memref_slice %arg2[%dma_start3A_347, %dma_start3A_348] : memref<10000x128xf32, #tpu.memory_space<hbm>> -> memref<10000x128xf32, #tpu.memory_space<hbm>>
      tpu.enqueue_indirect_dma source(%dma_start3A_349 : memref<10000x128xf32, #tpu.memory_space<hbm>>) target(%dma_start3A_343 : memref<80x128xf32, #tpu.memory_space<vmem>>) offsets(%dma_start3A_346 : memref<80xi32, #tpu.memory_space<vmem>>) semaphore(%arg7 : memref<!tpu.dma_semaphore, #tpu.memory_space<semaphore_mem>>) {add = true}
      %dma_start3A_350 = arith.constant 0 : i32
      %dma_start3A_351 = arith.constant 24 : i32
      %dma_start3A_352 = arith.constant 0 : i32
      %dma_start3A_353 = arith.constant 0 : i32
      %dma_start3A_354 = tpu.memref_slice %arg6[%dma_start3A_352, %dma_start3A_353] : memref<320x128xf32, #tpu.memory_space<vmem>> -> memref<80x128xf32, #tpu.memory_space<vmem>>
      %dma_start3A_355 = arith.constant 0 : i32
      %dma_start3A_356 = tpu.memref_slice %arg5[%dma_start3A_350, %dma_start3A_351, %dma_start3A_355] : memref<4x32x80xi32, #tpu.memory_space<vmem>> -> memref<1x1x80xi32, #tpu.memory_space<vmem>>
      %dma_start3A_357 = tpu.memref_squeeze %dma_start3A_356 : memref<1x1x80xi32, #tpu.memory_space<vmem>> -> memref<80xi32, #tpu.memory_space<vmem>>
      %dma_start3A_358 = arith.constant 0 : i32
      %dma_start3A_359 = arith.constant 0 : i32
      %dma_start3A_360 = tpu.memref_slice %arg2[%dma_start3A_358, %dma_start3A_359] : memref<10000x128xf32, #tpu.memory_space<hbm>> -> memref<10000x128xf32, #tpu.memory_space<hbm>>
      tpu.enqueue_indirect_dma source(%dma_start3A_360 : memref<10000x128xf32, #tpu.memory_space<hbm>>) target(%dma_start3A_354 : memref<80x128xf32, #tpu.memory_space<vmem>>) offsets(%dma_start3A_357 : memref<80xi32, #tpu.memory_space<vmem>>) semaphore(%arg7 : memref<!tpu.dma_semaphore, #tpu.memory_space<semaphore_mem>>) {add = true}
      %dma_start3A_361 = arith.constant 0 : i32
      %dma_start3A_362 = arith.constant 25 : i32
      %dma_start3A_363 = arith.constant 0 : i32
      %dma_start3A_364 = arith.constant 0 : i32
      %dma_start3A_365 = tpu.memref_slice %arg6[%dma_start3A_363, %dma_start3A_364] : memref<320x128xf32, #tpu.memory_space<vmem>> -> memref<80x128xf32, #tpu.memory_space<vmem>>
      %dma_start3A_366 = arith.constant 0 : i32
      %dma_start3A_367 = tpu.memref_slice %arg5[%dma_start3A_361, %dma_start3A_362, %dma_start3A_366] : memref<4x32x80xi32, #tpu.memory_space<vmem>> -> memref<1x1x80xi32, #tpu.memory_space<vmem>>
      %dma_start3A_368 = tpu.memref_squeeze %dma_start3A_367 : memref<1x1x80xi32, #tpu.memory_space<vmem>> -> memref<80xi32, #tpu.memory_space<vmem>>
      %dma_start3A_369 = arith.constant 0 : i32
      %dma_start3A_370 = arith.constant 0 : i32
      %dma_start3A_371 = tpu.memref_slice %arg2[%dma_start3A_369, %dma_start3A_370] : memref<10000x128xf32, #tpu.memory_space<hbm>> -> memref<10000x128xf32, #tpu.memory_space<hbm>>
      tpu.enqueue_indirect_dma source(%dma_start3A_371 : memref<10000x128xf32, #tpu.memory_space<hbm>>) target(%dma_start3A_365 : memref<80x128xf32, #tpu.memory_space<vmem>>) offsets(%dma_start3A_368 : memref<80xi32, #tpu.memory_space<vmem>>) semaphore(%arg7 : memref<!tpu.dma_semaphore, #tpu.memory_space<semaphore_mem>>) {add = true}
      %dma_start3A_372 = arith.constant 0 : i32
      %dma_start3A_373 = arith.constant 26 : i32
      %dma_start3A_374 = arith.constant 0 : i32
      %dma_start3A_375 = arith.constant 0 : i32
      %dma_start3A_376 = tpu.memref_slice %arg6[%dma_start3A_374, %dma_start3A_375] : memref<320x128xf32, #tpu.memory_space<vmem>> -> memref<80x128xf32, #tpu.memory_space<vmem>>
      %dma_start3A_377 = arith.constant 0 : i32
      %dma_start3A_378 = tpu.memref_slice %arg5[%dma_start3A_372, %dma_start3A_373, %dma_start3A_377] : memref<4x32x80xi32, #tpu.memory_space<vmem>> -> memref<1x1x80xi32, #tpu.memory_space<vmem>>
      %dma_start3A_379 = tpu.memref_squeeze %dma_start3A_378 : memref<1x1x80xi32, #tpu.memory_space<vmem>> -> memref<80xi32, #tpu.memory_space<vmem>>
      %dma_start3A_380 = arith.constant 0 : i32
      %dma_start3A_381 = arith.constant 0 : i32
      %dma_start3A_382 = tpu.memref_slice %arg2[%dma_start3A_380, %dma_start3A_381] : memref<10000x128xf32, #tpu.memory_space<hbm>> -> memref<10000x128xf32, #tpu.memory_space<hbm>>
      tpu.enqueue_indirect_dma source(%dma_start3A_382 : memref<10000x128xf32, #tpu.memory_space<hbm>>) target(%dma_start3A_376 : memref<80x128xf32, #tpu.memory_space<vmem>>) offsets(%dma_start3A_379 : memref<80xi32, #tpu.memory_space<vmem>>) semaphore(%arg7 : memref<!tpu.dma_semaphore, #tpu.memory_space<semaphore_mem>>) {add = true}
      %dma_start3A_383 = arith.constant 0 : i32
      %dma_start3A_384 = arith.constant 27 : i32
      %dma_start3A_385 = arith.constant 0 : i32
      %dma_start3A_386 = arith.constant 0 : i32
      %dma_start3A_387 = tpu.memref_slice %arg6[%dma_start3A_385, %dma_start3A_386] : memref<320x128xf32, #tpu.memory_space<vmem>> -> memref<80x128xf32, #tpu.memory_space<vmem>>
      %dma_start3A_388 = arith.constant 0 : i32
      %dma_start3A_389 = tpu.memref_slice %arg5[%dma_start3A_383, %dma_start3A_384, %dma_start3A_388] : memref<4x32x80xi32, #tpu.memory_space<vmem>> -> memref<1x1x80xi32, #tpu.memory_space<vmem>>
      %dma_start3A_390 = tpu.memref_squeeze %dma_start3A_389 : memref<1x1x80xi32, #tpu.memory_space<vmem>> -> memref<80xi32, #tpu.memory_space<vmem>>
      %dma_start3A_391 = arith.constant 0 : i32
      %dma_start3A_392 = arith.constant 0 : i32
      %dma_start3A_393 = tpu.memref_slice %arg2[%dma_start3A_391, %dma_start3A_392] : memref<10000x128xf32, #tpu.memory_space<hbm>> -> memref<10000x128xf32, #tpu.memory_space<hbm>>
      tpu.enqueue_indirect_dma source(%dma_start3A_393 : memref<10000x128xf32, #tpu.memory_space<hbm>>) target(%dma_start3A_387 : memref<80x128xf32, #tpu.memory_space<vmem>>) offsets(%dma_start3A_390 : memref<80xi32, #tpu.memory_space<vmem>>) semaphore(%arg7 : memref<!tpu.dma_semaphore, #tpu.memory_space<semaphore_mem>>) {add = true}
      %dma_start3A_394 = arith.constant 0 : i32
      %dma_start3A_395 = arith.constant 28 : i32
      %dma_start3A_396 = arith.constant 0 : i32
      %dma_start3A_397 = arith.constant 0 : i32
      %dma_start3A_398 = tpu.memref_slice %arg6[%dma_start3A_396, %dma_start3A_397] : memref<320x128xf32, #tpu.memory_space<vmem>> -> memref<80x128xf32, #tpu.memory_space<vmem>>
      %dma_start3A_399 = arith.constant 0 : i32
      %dma_start3A_400 = tpu.memref_slice %arg5[%dma_start3A_394, %dma_start3A_395, %dma_start3A_399] : memref<4x32x80xi32, #tpu.memory_space<vmem>> -> memref<1x1x80xi32, #tpu.memory_space<vmem>>
      %dma_start3A_401 = tpu.memref_squeeze %dma_start3A_400 : memref<1x1x80xi32, #tpu.memory_space<vmem>> -> memref<80xi32, #tpu.memory_space<vmem>>
      %dma_start3A_402 = arith.constant 0 : i32
      %dma_start3A_403 = arith.constant 0 : i32
      %dma_start3A_404 = tpu.memref_slice %arg2[%dma_start3A_402, %dma_start3A_403] : memref<10000x128xf32, #tpu.memory_space<hbm>> -> memref<10000x128xf32, #tpu.memory_space<hbm>>
      tpu.enqueue_indirect_dma source(%dma_start3A_404 : memref<10000x128xf32, #tpu.memory_space<hbm>>) target(%dma_start3A_398 : memref<80x128xf32, #tpu.memory_space<vmem>>) offsets(%dma_start3A_401 : memref<80xi32, #tpu.memory_space<vmem>>) semaphore(%arg7 : memref<!tpu.dma_semaphore, #tpu.memory_space<semaphore_mem>>) {add = true}
      %dma_start3A_405 = arith.constant 0 : i32
      %dma_start3A_406 = arith.constant 29 : i32
      %dma_start3A_407 = arith.constant 0 : i32
      %dma_start3A_408 = arith.constant 0 : i32
      %dma_start3A_409 = tpu.memref_slice %arg6[%dma_start3A_407, %dma_start3A_408] : memref<320x128xf32, #tpu.memory_space<vmem>> -> memref<80x128xf32, #tpu.memory_space<vmem>>
      %dma_start3A_410 = arith.constant 0 : i32
      %dma_start3A_411 = tpu.memref_slice %arg5[%dma_start3A_405, %dma_start3A_406, %dma_start3A_410] : memref<4x32x80xi32, #tpu.memory_space<vmem>> -> memref<1x1x80xi32, #tpu.memory_space<vmem>>
      %dma_start3A_412 = tpu.memref_squeeze %dma_start3A_411 : memref<1x1x80xi32, #tpu.memory_space<vmem>> -> memref<80xi32, #tpu.memory_space<vmem>>
      %dma_start3A_413 = arith.constant 0 : i32
      %dma_start3A_414 = arith.constant 0 : i32
      %dma_start3A_415 = tpu.memref_slice %arg2[%dma_start3A_413, %dma_start3A_414] : memref<10000x128xf32, #tpu.memory_space<hbm>> -> memref<10000x128xf32, #tpu.memory_space<hbm>>
      tpu.enqueue_indirect_dma source(%dma_start3A_415 : memref<10000x128xf32, #tpu.memory_space<hbm>>) target(%dma_start3A_409 : memref<80x128xf32, #tpu.memory_space<vmem>>) offsets(%dma_start3A_412 : memref<80xi32, #tpu.memory_space<vmem>>) semaphore(%arg7 : memref<!tpu.dma_semaphore, #tpu.memory_space<semaphore_mem>>) {add = true}
      %dma_start3A_416 = arith.constant 0 : i32
      %dma_start3A_417 = arith.constant 30 : i32
      %dma_start3A_418 = arith.constant 0 : i32
      %dma_start3A_419 = arith.constant 0 : i32
      %dma_start3A_420 = tpu.memref_slice %arg6[%dma_start3A_418, %dma_start3A_419] : memref<320x128xf32, #tpu.memory_space<vmem>> -> memref<80x128xf32, #tpu.memory_space<vmem>>
      %dma_start3A_421 = arith.constant 0 : i32
      %dma_start3A_422 = tpu.memref_slice %arg5[%dma_start3A_416, %dma_start3A_417, %dma_start3A_421] : memref<4x32x80xi32, #tpu.memory_space<vmem>> -> memref<1x1x80xi32, #tpu.memory_space<vmem>>
      %dma_start3A_423 = tpu.memref_squeeze %dma_start3A_422 : memref<1x1x80xi32, #tpu.memory_space<vmem>> -> memref<80xi32, #tpu.memory_space<vmem>>
      %dma_start3A_424 = arith.constant 0 : i32
      %dma_start3A_425 = arith.constant 0 : i32
      %dma_start3A_426 = tpu.memref_slice %arg2[%dma_start3A_424, %dma_start3A_425] : memref<10000x128xf32, #tpu.memory_space<hbm>> -> memref<10000x128xf32, #tpu.memory_space<hbm>>
      tpu.enqueue_indirect_dma source(%dma_start3A_426 : memref<10000x128xf32, #tpu.memory_space<hbm>>) target(%dma_start3A_420 : memref<80x128xf32, #tpu.memory_space<vmem>>) offsets(%dma_start3A_423 : memref<80xi32, #tpu.memory_space<vmem>>) semaphore(%arg7 : memref<!tpu.dma_semaphore, #tpu.memory_space<semaphore_mem>>) {add = true}
      %dma_start3A_427 = arith.constant 0 : i32
      %dma_start3A_428 = arith.constant 31 : i32
      %dma_start3A_429 = arith.constant 0 : i32
      %dma_start3A_430 = arith.constant 0 : i32
      %dma_start3A_431 = tpu.memref_slice %arg6[%dma_start3A_429, %dma_start3A_430] : memref<320x128xf32, #tpu.memory_space<vmem>> -> memref<80x128xf32, #tpu.memory_space<vmem>>
      %dma_start3A_432 = arith.constant 0 : i32
      %dma_start3A_433 = tpu.memref_slice %arg5[%dma_start3A_427, %dma_start3A_428, %dma_start3A_432] : memref<4x32x80xi32, #tpu.memory_space<vmem>> -> memref<1x1x80xi32, #tpu.memory_space<vmem>>
      %dma_start3A_434 = tpu.memref_squeeze %dma_start3A_433 : memref<1x1x80xi32, #tpu.memory_space<vmem>> -> memref<80xi32, #tpu.memory_space<vmem>>
      %dma_start3A_435 = arith.constant 0 : i32
      %dma_start3A_436 = arith.constant 0 : i32
      %dma_start3A_437 = tpu.memref_slice %arg2[%dma_start3A_435, %dma_start3A_436] : memref<10000x128xf32, #tpu.memory_space<hbm>> -> memref<10000x128xf32, #tpu.memory_space<hbm>>
      tpu.enqueue_indirect_dma source(%dma_start3A_437 : memref<10000x128xf32, #tpu.memory_space<hbm>>) target(%dma_start3A_431 : memref<80x128xf32, #tpu.memory_space<vmem>>) offsets(%dma_start3A_434 : memref<80xi32, #tpu.memory_space<vmem>>) semaphore(%arg7 : memref<!tpu.dma_semaphore, #tpu.memory_space<semaphore_mem>>) {add = true}
    } else {
    }
    %gt3A_32 = arith.constant 1 : i32
    %gt3A_33 = arith.cmpi sgt, %select_n3A, %gt3A_32 : i32
    %convert_element_type3A_34 = arith.extui %gt3A_33 : i1 to i32
    %cond3A_35 = arith.constant 0 : i32
    %cond3A_36 = arith.cmpi ne, %convert_element_type3A_34, %cond3A_35 : i32
    scf.if %cond3A_36 {
      %scan3A_87 = arith.constant 0 : i32
      %scan3A_88 = arith.constant 80 : i32
      %scan3A_89 = arith.constant 80 : i32
      %scan3A_90 = arith.addi %scan3A_88, %scan3A_89 : i32
      %scan3A_91 = arith.constant 1 : i32
      scf.for %scan3A_444 = %scan3A_88 to %scan3A_90 step %scan3A_91  : i32 {
        %swap3A = arith.index_cast %scan3A_444 : i32 to index
        %swap3A_445 = arith.constant 0 : index
        %swap3A_446 = tpu.vector_load %arg6[%swap3A, %swap3A_445] {strides = array<i32>} : memref<320x128xf32, #tpu.memory_space<vmem>>, vector<1x16xf32>,
        %swap3A_447 = vector.shape_cast %swap3A_446 : vector<1x16xf32> to vector<16xf32>
        %swap3A_448 = vector.shape_cast %broadcast_in_dim3A_14 : vector<16xf32> to vector<1x16xf32>
        tpu.vector_store %arg6[%swap3A, %swap3A_445], %swap3A_448 {strides = array<i32>} : memref<320x128xf32, #tpu.memory_space<vmem>>, vector<1x16xf32>,
        %swap3A_449 = arith.index_cast %scan3A_444 : i32 to index
        %swap3A_450 = arith.constant 16 : index
        %swap3A_451 = tpu.vector_load %arg6[%swap3A_449, %swap3A_450] {strides = array<i32>} : memref<320x128xf32, #tpu.memory_space<vmem>>, vector<1x16xf32>,
        %swap3A_452 = vector.shape_cast %swap3A_451 : vector<1x16xf32> to vector<16xf32>
        %swap3A_453 = vector.shape_cast %broadcast_in_dim3A_14 : vector<16xf32> to vector<1x16xf32>
        tpu.vector_store %arg6[%swap3A_449, %swap3A_450], %swap3A_453 {strides = array<i32>} : memref<320x128xf32, #tpu.memory_space<vmem>>, vector<1x16xf32>,
        %swap3A_454 = arith.index_cast %scan3A_444 : i32 to index
        %swap3A_455 = arith.constant 32 : index
        %swap3A_456 = tpu.vector_load %arg6[%swap3A_454, %swap3A_455] {strides = array<i32>} : memref<320x128xf32, #tpu.memory_space<vmem>>, vector<1x16xf32>,
        %swap3A_457 = vector.shape_cast %swap3A_456 : vector<1x16xf32> to vector<16xf32>
        %swap3A_458 = vector.shape_cast %broadcast_in_dim3A_14 : vector<16xf32> to vector<1x16xf32>
        tpu.vector_store %arg6[%swap3A_454, %swap3A_455], %swap3A_458 {strides = array<i32>} : memref<320x128xf32, #tpu.memory_space<vmem>>, vector<1x16xf32>,
        %swap3A_459 = arith.index_cast %scan3A_444 : i32 to index
        %swap3A_460 = arith.constant 48 : index
        %swap3A_461 = tpu.vector_load %arg6[%swap3A_459, %swap3A_460] {strides = array<i32>} : memref<320x128xf32, #tpu.memory_space<vmem>>, vector<1x16xf32>,
        %swap3A_462 = vector.shape_cast %swap3A_461 : vector<1x16xf32> to vector<16xf32>
        %swap3A_463 = vector.shape_cast %broadcast_in_dim3A_14 : vector<16xf32> to vector<1x16xf32>
        tpu.vector_store %arg6[%swap3A_459, %swap3A_460], %swap3A_463 {strides = array<i32>} : memref<320x128xf32, #tpu.memory_space<vmem>>, vector<1x16xf32>,
        %swap3A_464 = arith.index_cast %scan3A_444 : i32 to index
        %swap3A_465 = arith.constant 64 : index
        %swap3A_466 = tpu.vector_load %arg6[%swap3A_464, %swap3A_465] {strides = array<i32>} : memref<320x128xf32, #tpu.memory_space<vmem>>, vector<1x16xf32>,
        %swap3A_467 = vector.shape_cast %swap3A_466 : vector<1x16xf32> to vector<16xf32>
        %swap3A_468 = vector.shape_cast %broadcast_in_dim3A_14 : vector<16xf32> to vector<1x16xf32>
        tpu.vector_store %arg6[%swap3A_464, %swap3A_465], %swap3A_468 {strides = array<i32>} : memref<320x128xf32, #tpu.memory_space<vmem>>, vector<1x16xf32>,
        %swap3A_469 = arith.index_cast %scan3A_444 : i32 to index
        %swap3A_470 = arith.constant 80 : index
        %swap3A_471 = tpu.vector_load %arg6[%swap3A_469, %swap3A_470] {strides = array<i32>} : memref<320x128xf32, #tpu.memory_space<vmem>>, vector<1x16xf32>,
        %swap3A_472 = vector.shape_cast %swap3A_471 : vector<1x16xf32> to vector<16xf32>
        %swap3A_473 = vector.shape_cast %broadcast_in_dim3A_14 : vector<16xf32> to vector<1x16xf32>
        tpu.vector_store %arg6[%swap3A_469, %swap3A_470], %swap3A_473 {strides = array<i32>} : memref<320x128xf32, #tpu.memory_space<vmem>>, vector<1x16xf32>,
        %swap3A_474 = arith.index_cast %scan3A_444 : i32 to index
        %swap3A_475 = arith.constant 96 : index
        %swap3A_476 = tpu.vector_load %arg6[%swap3A_474, %swap3A_475] {strides = array<i32>} : memref<320x128xf32, #tpu.memory_space<vmem>>, vector<1x16xf32>,
        %swap3A_477 = vector.shape_cast %swap3A_476 : vector<1x16xf32> to vector<16xf32>
        %swap3A_478 = vector.shape_cast %broadcast_in_dim3A_14 : vector<16xf32> to vector<1x16xf32>
        tpu.vector_store %arg6[%swap3A_474, %swap3A_475], %swap3A_478 {strides = array<i32>} : memref<320x128xf32, #tpu.memory_space<vmem>>, vector<1x16xf32>,
        %swap3A_479 = arith.index_cast %scan3A_444 : i32 to index
        %swap3A_480 = arith.constant 112 : index
        %swap3A_481 = tpu.vector_load %arg6[%swap3A_479, %swap3A_480] {strides = array<i32>} : memref<320x128xf32, #tpu.memory_space<vmem>>, vector<1x16xf32>,
        %swap3A_482 = vector.shape_cast %swap3A_481 : vector<1x16xf32> to vector<16xf32>
        %swap3A_483 = vector.shape_cast %broadcast_in_dim3A_14 : vector<16xf32> to vector<1x16xf32>
        tpu.vector_store %arg6[%swap3A_479, %swap3A_480], %swap3A_483 {strides = array<i32>} : memref<320x128xf32, #tpu.memory_space<vmem>>, vector<1x16xf32>,
      }
      %scan3A_92 = arith.constant 80 : i32
      %dma_start3A = arith.constant 1 : i32
      %dma_start3A_93 = arith.constant 0 : i32
      %dma_start3A_94 = arith.constant 80 : i32
      %dma_start3A_95 = arith.constant 0 : i32
      %dma_start3A_96 = tpu.memref_slice %arg6[%dma_start3A_94, %dma_start3A_95] : memref<320x128xf32, #tpu.memory_space<vmem>> -> memref<80x128xf32, #tpu.memory_space<vmem>>
      %dma_start3A_97 = arith.constant 0 : i32
      %dma_start3A_98 = tpu.memref_slice %arg5[%dma_start3A, %dma_start3A_93, %dma_start3A_97] : memref<4x32x80xi32, #tpu.memory_space<vmem>> -> memref<1x1x80xi32, #tpu.memory_space<vmem>>
      %dma_start3A_99 = tpu.memref_squeeze %dma_start3A_98 : memref<1x1x80xi32, #tpu.memory_space<vmem>> -> memref<80xi32, #tpu.memory_space<vmem>>
      %dma_start3A_100 = arith.constant 0 : i32
      %dma_start3A_101 = arith.constant 0 : i32
      %dma_start3A_102 = tpu.memref_slice %arg2[%dma_start3A_100, %dma_start3A_101] : memref<10000x128xf32, #tpu.memory_space<hbm>> -> memref<10000x128xf32, #tpu.memory_space<hbm>>
      tpu.enqueue_indirect_dma source(%dma_start3A_102 : memref<10000x128xf32, #tpu.memory_space<hbm>>) target(%dma_start3A_96 : memref<80x128xf32, #tpu.memory_space<vmem>>) offsets(%dma_start3A_99 : memref<80xi32, #tpu.memory_space<vmem>>) semaphore(%arg8 : memref<!tpu.dma_semaphore, #tpu.memory_space<semaphore_mem>>) {add = true}
      %dma_start3A_103 = arith.constant 1 : i32
      %dma_start3A_104 = arith.constant 1 : i32
      %dma_start3A_105 = arith.constant 80 : i32
      %dma_start3A_106 = arith.constant 0 : i32
      %dma_start3A_107 = tpu.memref_slice %arg6[%dma_start3A_105, %dma_start3A_106] : memref<320x128xf32, #tpu.memory_space<vmem>> -> memref<80x128xf32, #tpu.memory_space<vmem>>
      %dma_start3A_108 = arith.constant 0 : i32
      %dma_start3A_109 = tpu.memref_slice %arg5[%dma_start3A_103, %dma_start3A_104, %dma_start3A_108] : memref<4x32x80xi32, #tpu.memory_space<vmem>> -> memref<1x1x80xi32, #tpu.memory_space<vmem>>
      %dma_start3A_110 = tpu.memref_squeeze %dma_start3A_109 : memref<1x1x80xi32, #tpu.memory_space<vmem>> -> memref<80xi32, #tpu.memory_space<vmem>>
      %dma_start3A_111 = arith.constant 0 : i32
      %dma_start3A_112 = arith.constant 0 : i32
      %dma_start3A_113 = tpu.memref_slice %arg2[%dma_start3A_111, %dma_start3A_112] : memref<10000x128xf32, #tpu.memory_space<hbm>> -> memref<10000x128xf32, #tpu.memory_space<hbm>>
      tpu.enqueue_indirect_dma source(%dma_start3A_113 : memref<10000x128xf32, #tpu.memory_space<hbm>>) target(%dma_start3A_107 : memref<80x128xf32, #tpu.memory_space<vmem>>) offsets(%dma_start3A_110 : memref<80xi32, #tpu.memory_space<vmem>>) semaphore(%arg8 : memref<!tpu.dma_semaphore, #tpu.memory_space<semaphore_mem>>) {add = true}
      %dma_start3A_114 = arith.constant 1 : i32
      %dma_start3A_115 = arith.constant 2 : i32
      %dma_start3A_116 = arith.constant 80 : i32
      %dma_start3A_117 = arith.constant 0 : i32
      %dma_start3A_118 = tpu.memref_slice %arg6[%dma_start3A_116, %dma_start3A_117] : memref<320x128xf32, #tpu.memory_space<vmem>> -> memref<80x128xf32, #tpu.memory_space<vmem>>
      %dma_start3A_119 = arith.constant 0 : i32
      %dma_start3A_120 = tpu.memref_slice %arg5[%dma_start3A_114, %dma_start3A_115, %dma_start3A_119] : memref<4x32x80xi32, #tpu.memory_space<vmem>> -> memref<1x1x80xi32, #tpu.memory_space<vmem>>
      %dma_start3A_121 = tpu.memref_squeeze %dma_start3A_120 : memref<1x1x80xi32, #tpu.memory_space<vmem>> -> memref<80xi32, #tpu.memory_space<vmem>>
      %dma_start3A_122 = arith.constant 0 : i32
      %dma_start3A_123 = arith.constant 0 : i32
      %dma_start3A_124 = tpu.memref_slice %arg2[%dma_start3A_122, %dma_start3A_123] : memref<10000x128xf32, #tpu.memory_space<hbm>> -> memref<10000x128xf32, #tpu.memory_space<hbm>>
      tpu.enqueue_indirect_dma source(%dma_start3A_124 : memref<10000x128xf32, #tpu.memory_space<hbm>>) target(%dma_start3A_118 : memref<80x128xf32, #tpu.memory_space<vmem>>) offsets(%dma_start3A_121 : memref<80xi32, #tpu.memory_space<vmem>>) semaphore(%arg8 : memref<!tpu.dma_semaphore, #tpu.memory_space<semaphore_mem>>) {add = true}
      %dma_start3A_125 = arith.constant 1 : i32
      %dma_start3A_126 = arith.constant 3 : i32
      %dma_start3A_127 = arith.constant 80 : i32
      %dma_start3A_128 = arith.constant 0 : i32
      %dma_start3A_129 = tpu.memref_slice %arg6[%dma_start3A_127, %dma_start3A_128] : memref<320x128xf32, #tpu.memory_space<vmem>> -> memref<80x128xf32, #tpu.memory_space<vmem>>
      %dma_start3A_130 = arith.constant 0 : i32
      %dma_start3A_131 = tpu.memref_slice %arg5[%dma_start3A_125, %dma_start3A_126, %dma_start3A_130] : memref<4x32x80xi32, #tpu.memory_space<vmem>> -> memref<1x1x80xi32, #tpu.memory_space<vmem>>
      %dma_start3A_132 = tpu.memref_squeeze %dma_start3A_131 : memref<1x1x80xi32, #tpu.memory_space<vmem>> -> memref<80xi32, #tpu.memory_space<vmem>>
      %dma_start3A_133 = arith.constant 0 : i32
      %dma_start3A_134 = arith.constant 0 : i32
      %dma_start3A_135 = tpu.memref_slice %arg2[%dma_start3A_133, %dma_start3A_134] : memref<10000x128xf32, #tpu.memory_space<hbm>> -> memref<10000x128xf32, #tpu.memory_space<hbm>>
      tpu.enqueue_indirect_dma source(%dma_start3A_135 : memref<10000x128xf32, #tpu.memory_space<hbm>>) target(%dma_start3A_129 : memref<80x128xf32, #tpu.memory_space<vmem>>) offsets(%dma_start3A_132 : memref<80xi32, #tpu.memory_space<vmem>>) semaphore(%arg8 : memref<!tpu.dma_semaphore, #tpu.memory_space<semaphore_mem>>) {add = true}
      %dma_start3A_136 = arith.constant 1 : i32
      %dma_start3A_137 = arith.constant 4 : i32
      %dma_start3A_138 = arith.constant 80 : i32
      %dma_start3A_139 = arith.constant 0 : i32
      %dma_start3A_140 = tpu.memref_slice %arg6[%dma_start3A_138, %dma_start3A_139] : memref<320x128xf32, #tpu.memory_space<vmem>> -> memref<80x128xf32, #tpu.memory_space<vmem>>
      %dma_start3A_141 = arith.constant 0 : i32
      %dma_start3A_142 = tpu.memref_slice %arg5[%dma_start3A_136, %dma_start3A_137, %dma_start3A_141] : memref<4x32x80xi32, #tpu.memory_space<vmem>> -> memref<1x1x80xi32, #tpu.memory_space<vmem>>
      %dma_start3A_143 = tpu.memref_squeeze %dma_start3A_142 : memref<1x1x80xi32, #tpu.memory_space<vmem>> -> memref<80xi32, #tpu.memory_space<vmem>>
      %dma_start3A_144 = arith.constant 0 : i32
      %dma_start3A_145 = arith.constant 0 : i32
      %dma_start3A_146 = tpu.memref_slice %arg2[%dma_start3A_144, %dma_start3A_145] : memref<10000x128xf32, #tpu.memory_space<hbm>> -> memref<10000x128xf32, #tpu.memory_space<hbm>>
      tpu.enqueue_indirect_dma source(%dma_start3A_146 : memref<10000x128xf32, #tpu.memory_space<hbm>>) target(%dma_start3A_140 : memref<80x128xf32, #tpu.memory_space<vmem>>) offsets(%dma_start3A_143 : memref<80xi32, #tpu.memory_space<vmem>>) semaphore(%arg8 : memref<!tpu.dma_semaphore, #tpu.memory_space<semaphore_mem>>) {add = true}
      %dma_start3A_147 = arith.constant 1 : i32
      %dma_start3A_148 = arith.constant 5 : i32
      %dma_start3A_149 = arith.constant 80 : i32
      %dma_start3A_150 = arith.constant 0 : i32
      %dma_start3A_151 = tpu.memref_slice %arg6[%dma_start3A_149, %dma_start3A_150] : memref<320x128xf32, #tpu.memory_space<vmem>> -> memref<80x128xf32, #tpu.memory_space<vmem>>
      %dma_start3A_152 = arith.constant 0 : i32
      %dma_start3A_153 = tpu.memref_slice %arg5[%dma_start3A_147, %dma_start3A_148, %dma_start3A_152] : memref<4x32x80xi32, #tpu.memory_space<vmem>> -> memref<1x1x80xi32, #tpu.memory_space<vmem>>
      %dma_start3A_154 = tpu.memref_squeeze %dma_start3A_153 : memref<1x1x80xi32, #tpu.memory_space<vmem>> -> memref<80xi32, #tpu.memory_space<vmem>>
      %dma_start3A_155 = arith.constant 0 : i32
      %dma_start3A_156 = arith.constant 0 : i32
      %dma_start3A_157 = tpu.memref_slice %arg2[%dma_start3A_155, %dma_start3A_156] : memref<10000x128xf32, #tpu.memory_space<hbm>> -> memref<10000x128xf32, #tpu.memory_space<hbm>>
      tpu.enqueue_indirect_dma source(%dma_start3A_157 : memref<10000x128xf32, #tpu.memory_space<hbm>>) target(%dma_start3A_151 : memref<80x128xf32, #tpu.memory_space<vmem>>) offsets(%dma_start3A_154 : memref<80xi32, #tpu.memory_space<vmem>>) semaphore(%arg8 : memref<!tpu.dma_semaphore, #tpu.memory_space<semaphore_mem>>) {add = true}
      %dma_start3A_158 = arith.constant 1 : i32
      %dma_start3A_159 = arith.constant 6 : i32
      %dma_start3A_160 = arith.constant 80 : i32
      %dma_start3A_161 = arith.constant 0 : i32
      %dma_start3A_162 = tpu.memref_slice %arg6[%dma_start3A_160, %dma_start3A_161] : memref<320x128xf32, #tpu.memory_space<vmem>> -> memref<80x128xf32, #tpu.memory_space<vmem>>
      %dma_start3A_163 = arith.constant 0 : i32
      %dma_start3A_164 = tpu.memref_slice %arg5[%dma_start3A_158, %dma_start3A_159, %dma_start3A_163] : memref<4x32x80xi32, #tpu.memory_space<vmem>> -> memref<1x1x80xi32, #tpu.memory_space<vmem>>
      %dma_start3A_165 = tpu.memref_squeeze %dma_start3A_164 : memref<1x1x80xi32, #tpu.memory_space<vmem>> -> memref<80xi32, #tpu.memory_space<vmem>>
      %dma_start3A_166 = arith.constant 0 : i32
      %dma_start3A_167 = arith.constant 0 : i32
      %dma_start3A_168 = tpu.memref_slice %arg2[%dma_start3A_166, %dma_start3A_167] : memref<10000x128xf32, #tpu.memory_space<hbm>> -> memref<10000x128xf32, #tpu.memory_space<hbm>>
      tpu.enqueue_indirect_dma source(%dma_start3A_168 : memref<10000x128xf32, #tpu.memory_space<hbm>>) target(%dma_start3A_162 : memref<80x128xf32, #tpu.memory_space<vmem>>) offsets(%dma_start3A_165 : memref<80xi32, #tpu.memory_space<vmem>>) semaphore(%arg8 : memref<!tpu.dma_semaphore, #tpu.memory_space<semaphore_mem>>) {add = true}
      %dma_start3A_169 = arith.constant 1 : i32
      %dma_start3A_170 = arith.constant 7 : i32
      %dma_start3A_171 = arith.constant 80 : i32
      %dma_start3A_172 = arith.constant 0 : i32
      %dma_start3A_173 = tpu.memref_slice %arg6[%dma_start3A_171, %dma_start3A_172] : memref<320x128xf32, #tpu.memory_space<vmem>> -> memref<80x128xf32, #tpu.memory_space<vmem>>
      %dma_start3A_174 = arith.constant 0 : i32
      %dma_start3A_175 = tpu.memref_slice %arg5[%dma_start3A_169, %dma_start3A_170, %dma_start3A_174] : memref<4x32x80xi32, #tpu.memory_space<vmem>> -> memref<1x1x80xi32, #tpu.memory_space<vmem>>
      %dma_start3A_176 = tpu.memref_squeeze %dma_start3A_175 : memref<1x1x80xi32, #tpu.memory_space<vmem>> -> memref<80xi32, #tpu.memory_space<vmem>>
      %dma_start3A_177 = arith.constant 0 : i32
      %dma_start3A_178 = arith.constant 0 : i32
      %dma_start3A_179 = tpu.memref_slice %arg2[%dma_start3A_177, %dma_start3A_178] : memref<10000x128xf32, #tpu.memory_space<hbm>> -> memref<10000x128xf32, #tpu.memory_space<hbm>>
      tpu.enqueue_indirect_dma source(%dma_start3A_179 : memref<10000x128xf32, #tpu.memory_space<hbm>>) target(%dma_start3A_173 : memref<80x128xf32, #tpu.memory_space<vmem>>) offsets(%dma_start3A_176 : memref<80xi32, #tpu.memory_space<vmem>>) semaphore(%arg8 : memref<!tpu.dma_semaphore, #tpu.memory_space<semaphore_mem>>) {add = true}
      %dma_start3A_180 = arith.constant 1 : i32
      %dma_start3A_181 = arith.constant 8 : i32
      %dma_start3A_182 = arith.constant 80 : i32
      %dma_start3A_183 = arith.constant 0 : i32
      %dma_start3A_184 = tpu.memref_slice %arg6[%dma_start3A_182, %dma_start3A_183] : memref<320x128xf32, #tpu.memory_space<vmem>> -> memref<80x128xf32, #tpu.memory_space<vmem>>
      %dma_start3A_185 = arith.constant 0 : i32
      %dma_start3A_186 = tpu.memref_slice %arg5[%dma_start3A_180, %dma_start3A_181, %dma_start3A_185] : memref<4x32x80xi32, #tpu.memory_space<vmem>> -> memref<1x1x80xi32, #tpu.memory_space<vmem>>
      %dma_start3A_187 = tpu.memref_squeeze %dma_start3A_186 : memref<1x1x80xi32, #tpu.memory_space<vmem>> -> memref<80xi32, #tpu.memory_space<vmem>>
      %dma_start3A_188 = arith.constant 0 : i32
      %dma_start3A_189 = arith.constant 0 : i32
      %dma_start3A_190 = tpu.memref_slice %arg2[%dma_start3A_188, %dma_start3A_189] : memref<10000x128xf32, #tpu.memory_space<hbm>> -> memref<10000x128xf32, #tpu.memory_space<hbm>>
      tpu.enqueue_indirect_dma source(%dma_start3A_190 : memref<10000x128xf32, #tpu.memory_space<hbm>>) target(%dma_start3A_184 : memref<80x128xf32, #tpu.memory_space<vmem>>) offsets(%dma_start3A_187 : memref<80xi32, #tpu.memory_space<vmem>>) semaphore(%arg8 : memref<!tpu.dma_semaphore, #tpu.memory_space<semaphore_mem>>) {add = true}
      %dma_start3A_191 = arith.constant 1 : i32
      %dma_start3A_192 = arith.constant 9 : i32
      %dma_start3A_193 = arith.constant 80 : i32
      %dma_start3A_194 = arith.constant 0 : i32
      %dma_start3A_195 = tpu.memref_slice %arg6[%dma_start3A_193, %dma_start3A_194] : memref<320x128xf32, #tpu.memory_space<vmem>> -> memref<80x128xf32, #tpu.memory_space<vmem>>
      %dma_start3A_196 = arith.constant 0 : i32
      %dma_start3A_197 = tpu.memref_slice %arg5[%dma_start3A_191, %dma_start3A_192, %dma_start3A_196] : memref<4x32x80xi32, #tpu.memory_space<vmem>> -> memref<1x1x80xi32, #tpu.memory_space<vmem>>
      %dma_start3A_198 = tpu.memref_squeeze %dma_start3A_197 : memref<1x1x80xi32, #tpu.memory_space<vmem>> -> memref<80xi32, #tpu.memory_space<vmem>>
      %dma_start3A_199 = arith.constant 0 : i32
      %dma_start3A_200 = arith.constant 0 : i32
      %dma_start3A_201 = tpu.memref_slice %arg2[%dma_start3A_199, %dma_start3A_200] : memref<10000x128xf32, #tpu.memory_space<hbm>> -> memref<10000x128xf32, #tpu.memory_space<hbm>>
      tpu.enqueue_indirect_dma source(%dma_start3A_201 : memref<10000x128xf32, #tpu.memory_space<hbm>>) target(%dma_start3A_195 : memref<80x128xf32, #tpu.memory_space<vmem>>) offsets(%dma_start3A_198 : memref<80xi32, #tpu.memory_space<vmem>>) semaphore(%arg8 : memref<!tpu.dma_semaphore, #tpu.memory_space<semaphore_mem>>) {add = true}
      %dma_start3A_202 = arith.constant 1 : i32
      %dma_start3A_203 = arith.constant 10 : i32
      %dma_start3A_204 = arith.constant 80 : i32
      %dma_start3A_205 = arith.constant 0 : i32
      %dma_start3A_206 = tpu.memref_slice %arg6[%dma_start3A_204, %dma_start3A_205] : memref<320x128xf32, #tpu.memory_space<vmem>> -> memref<80x128xf32, #tpu.memory_space<vmem>>
      %dma_start3A_207 = arith.constant 0 : i32
      %dma_start3A_208 = tpu.memref_slice %arg5[%dma_start3A_202, %dma_start3A_203, %dma_start3A_207] : memref<4x32x80xi32, #tpu.memory_space<vmem>> -> memref<1x1x80xi32, #tpu.memory_space<vmem>>
      %dma_start3A_209 = tpu.memref_squeeze %dma_start3A_208 : memref<1x1x80xi32, #tpu.memory_space<vmem>> -> memref<80xi32, #tpu.memory_space<vmem>>
      %dma_start3A_210 = arith.constant 0 : i32
      %dma_start3A_211 = arith.constant 0 : i32
      %dma_start3A_212 = tpu.memref_slice %arg2[%dma_start3A_210, %dma_start3A_211] : memref<10000x128xf32, #tpu.memory_space<hbm>> -> memref<10000x128xf32, #tpu.memory_space<hbm>>
      tpu.enqueue_indirect_dma source(%dma_start3A_212 : memref<10000x128xf32, #tpu.memory_space<hbm>>) target(%dma_start3A_206 : memref<80x128xf32, #tpu.memory_space<vmem>>) offsets(%dma_start3A_209 : memref<80xi32, #tpu.memory_space<vmem>>) semaphore(%arg8 : memref<!tpu.dma_semaphore, #tpu.memory_space<semaphore_mem>>) {add = true}
      %dma_start3A_213 = arith.constant 1 : i32
      %dma_start3A_214 = arith.constant 11 : i32
      %dma_start3A_215 = arith.constant 80 : i32
      %dma_start3A_216 = arith.constant 0 : i32
      %dma_start3A_217 = tpu.memref_slice %arg6[%dma_start3A_215, %dma_start3A_216] : memref<320x128xf32, #tpu.memory_space<vmem>> -> memref<80x128xf32, #tpu.memory_space<vmem>>
      %dma_start3A_218 = arith.constant 0 : i32
      %dma_start3A_219 = tpu.memref_slice %arg5[%dma_start3A_213, %dma_start3A_214, %dma_start3A_218] : memref<4x32x80xi32, #tpu.memory_space<vmem>> -> memref<1x1x80xi32, #tpu.memory_space<vmem>>
      %dma_start3A_220 = tpu.memref_squeeze %dma_start3A_219 : memref<1x1x80xi32, #tpu.memory_space<vmem>> -> memref<80xi32, #tpu.memory_space<vmem>>
      %dma_start3A_221 = arith.constant 0 : i32
      %dma_start3A_222 = arith.constant 0 : i32
      %dma_start3A_223 = tpu.memref_slice %arg2[%dma_start3A_221, %dma_start3A_222] : memref<10000x128xf32, #tpu.memory_space<hbm>> -> memref<10000x128xf32, #tpu.memory_space<hbm>>
      tpu.enqueue_indirect_dma source(%dma_start3A_223 : memref<10000x128xf32, #tpu.memory_space<hbm>>) target(%dma_start3A_217 : memref<80x128xf32, #tpu.memory_space<vmem>>) offsets(%dma_start3A_220 : memref<80xi32, #tpu.memory_space<vmem>>) semaphore(%arg8 : memref<!tpu.dma_semaphore, #tpu.memory_space<semaphore_mem>>) {add = true}
      %dma_start3A_224 = arith.constant 1 : i32
      %dma_start3A_225 = arith.constant 12 : i32
      %dma_start3A_226 = arith.constant 80 : i32
      %dma_start3A_227 = arith.constant 0 : i32
      %dma_start3A_228 = tpu.memref_slice %arg6[%dma_start3A_226, %dma_start3A_227] : memref<320x128xf32, #tpu.memory_space<vmem>> -> memref<80x128xf32, #tpu.memory_space<vmem>>
      %dma_start3A_229 = arith.constant 0 : i32
      %dma_start3A_230 = tpu.memref_slice %arg5[%dma_start3A_224, %dma_start3A_225, %dma_start3A_229] : memref<4x32x80xi32, #tpu.memory_space<vmem>> -> memref<1x1x80xi32, #tpu.memory_space<vmem>>
      %dma_start3A_231 = tpu.memref_squeeze %dma_start3A_230 : memref<1x1x80xi32, #tpu.memory_space<vmem>> -> memref<80xi32, #tpu.memory_space<vmem>>
      %dma_start3A_232 = arith.constant 0 : i32
      %dma_start3A_233 = arith.constant 0 : i32
      %dma_start3A_234 = tpu.memref_slice %arg2[%dma_start3A_232, %dma_start3A_233] : memref<10000x128xf32, #tpu.memory_space<hbm>> -> memref<10000x128xf32, #tpu.memory_space<hbm>>
      tpu.enqueue_indirect_dma source(%dma_start3A_234 : memref<10000x128xf32, #tpu.memory_space<hbm>>) target(%dma_start3A_228 : memref<80x128xf32, #tpu.memory_space<vmem>>) offsets(%dma_start3A_231 : memref<80xi32, #tpu.memory_space<vmem>>) semaphore(%arg8 : memref<!tpu.dma_semaphore, #tpu.memory_space<semaphore_mem>>) {add = true}
      %dma_start3A_235 = arith.constant 1 : i32
      %dma_start3A_236 = arith.constant 13 : i32
      %dma_start3A_237 = arith.constant 80 : i32
      %dma_start3A_238 = arith.constant 0 : i32
      %dma_start3A_239 = tpu.memref_slice %arg6[%dma_start3A_237, %dma_start3A_238] : memref<320x128xf32, #tpu.memory_space<vmem>> -> memref<80x128xf32, #tpu.memory_space<vmem>>
      %dma_start3A_240 = arith.constant 0 : i32
      %dma_start3A_241 = tpu.memref_slice %arg5[%dma_start3A_235, %dma_start3A_236, %dma_start3A_240] : memref<4x32x80xi32, #tpu.memory_space<vmem>> -> memref<1x1x80xi32, #tpu.memory_space<vmem>>
      %dma_start3A_242 = tpu.memref_squeeze %dma_start3A_241 : memref<1x1x80xi32, #tpu.memory_space<vmem>> -> memref<80xi32, #tpu.memory_space<vmem>>
      %dma_start3A_243 = arith.constant 0 : i32
      %dma_start3A_244 = arith.constant 0 : i32
      %dma_start3A_245 = tpu.memref_slice %arg2[%dma_start3A_243, %dma_start3A_244] : memref<10000x128xf32, #tpu.memory_space<hbm>> -> memref<10000x128xf32, #tpu.memory_space<hbm>>
      tpu.enqueue_indirect_dma source(%dma_start3A_245 : memref<10000x128xf32, #tpu.memory_space<hbm>>) target(%dma_start3A_239 : memref<80x128xf32, #tpu.memory_space<vmem>>) offsets(%dma_start3A_242 : memref<80xi32, #tpu.memory_space<vmem>>) semaphore(%arg8 : memref<!tpu.dma_semaphore, #tpu.memory_space<semaphore_mem>>) {add = true}
      %dma_start3A_246 = arith.constant 1 : i32
      %dma_start3A_247 = arith.constant 14 : i32
      %dma_start3A_248 = arith.constant 80 : i32
      %dma_start3A_249 = arith.constant 0 : i32
      %dma_start3A_250 = tpu.memref_slice %arg6[%dma_start3A_248, %dma_start3A_249] : memref<320x128xf32, #tpu.memory_space<vmem>> -> memref<80x128xf32, #tpu.memory_space<vmem>>
      %dma_start3A_251 = arith.constant 0 : i32
      %dma_start3A_252 = tpu.memref_slice %arg5[%dma_start3A_246, %dma_start3A_247, %dma_start3A_251] : memref<4x32x80xi32, #tpu.memory_space<vmem>> -> memref<1x1x80xi32, #tpu.memory_space<vmem>>
      %dma_start3A_253 = tpu.memref_squeeze %dma_start3A_252 : memref<1x1x80xi32, #tpu.memory_space<vmem>> -> memref<80xi32, #tpu.memory_space<vmem>>
      %dma_start3A_254 = arith.constant 0 : i32
      %dma_start3A_255 = arith.constant 0 : i32
      %dma_start3A_256 = tpu.memref_slice %arg2[%dma_start3A_254, %dma_start3A_255] : memref<10000x128xf32, #tpu.memory_space<hbm>> -> memref<10000x128xf32, #tpu.memory_space<hbm>>
      tpu.enqueue_indirect_dma source(%dma_start3A_256 : memref<10000x128xf32, #tpu.memory_space<hbm>>) target(%dma_start3A_250 : memref<80x128xf32, #tpu.memory_space<vmem>>) offsets(%dma_start3A_253 : memref<80xi32, #tpu.memory_space<vmem>>) semaphore(%arg8 : memref<!tpu.dma_semaphore, #tpu.memory_space<semaphore_mem>>) {add = true}
      %dma_start3A_257 = arith.constant 1 : i32
      %dma_start3A_258 = arith.constant 15 : i32
      %dma_start3A_259 = arith.constant 80 : i32
      %dma_start3A_260 = arith.constant 0 : i32
      %dma_start3A_261 = tpu.memref_slice %arg6[%dma_start3A_259, %dma_start3A_260] : memref<320x128xf32, #tpu.memory_space<vmem>> -> memref<80x128xf32, #tpu.memory_space<vmem>>
      %dma_start3A_262 = arith.constant 0 : i32
      %dma_start3A_263 = tpu.memref_slice %arg5[%dma_start3A_257, %dma_start3A_258, %dma_start3A_262] : memref<4x32x80xi32, #tpu.memory_space<vmem>> -> memref<1x1x80xi32, #tpu.memory_space<vmem>>
      %dma_start3A_264 = tpu.memref_squeeze %dma_start3A_263 : memref<1x1x80xi32, #tpu.memory_space<vmem>> -> memref<80xi32, #tpu.memory_space<vmem>>
      %dma_start3A_265 = arith.constant 0 : i32
      %dma_start3A_266 = arith.constant 0 : i32
      %dma_start3A_267 = tpu.memref_slice %arg2[%dma_start3A_265, %dma_start3A_266] : memref<10000x128xf32, #tpu.memory_space<hbm>> -> memref<10000x128xf32, #tpu.memory_space<hbm>>
      tpu.enqueue_indirect_dma source(%dma_start3A_267 : memref<10000x128xf32, #tpu.memory_space<hbm>>) target(%dma_start3A_261 : memref<80x128xf32, #tpu.memory_space<vmem>>) offsets(%dma_start3A_264 : memref<80xi32, #tpu.memory_space<vmem>>) semaphore(%arg8 : memref<!tpu.dma_semaphore, #tpu.memory_space<semaphore_mem>>) {add = true}
      %dma_start3A_268 = arith.constant 1 : i32
      %dma_start3A_269 = arith.constant 16 : i32
      %dma_start3A_270 = arith.constant 80 : i32
      %dma_start3A_271 = arith.constant 0 : i32
      %dma_start3A_272 = tpu.memref_slice %arg6[%dma_start3A_270, %dma_start3A_271] : memref<320x128xf32, #tpu.memory_space<vmem>> -> memref<80x128xf32, #tpu.memory_space<vmem>>
      %dma_start3A_273 = arith.constant 0 : i32
      %dma_start3A_274 = tpu.memref_slice %arg5[%dma_start3A_268, %dma_start3A_269, %dma_start3A_273] : memref<4x32x80xi32, #tpu.memory_space<vmem>> -> memref<1x1x80xi32, #tpu.memory_space<vmem>>
      %dma_start3A_275 = tpu.memref_squeeze %dma_start3A_274 : memref<1x1x80xi32, #tpu.memory_space<vmem>> -> memref<80xi32, #tpu.memory_space<vmem>>
      %dma_start3A_276 = arith.constant 0 : i32
      %dma_start3A_277 = arith.constant 0 : i32
      %dma_start3A_278 = tpu.memref_slice %arg2[%dma_start3A_276, %dma_start3A_277] : memref<10000x128xf32, #tpu.memory_space<hbm>> -> memref<10000x128xf32, #tpu.memory_space<hbm>>
      tpu.enqueue_indirect_dma source(%dma_start3A_278 : memref<10000x128xf32, #tpu.memory_space<hbm>>) target(%dma_start3A_272 : memref<80x128xf32, #tpu.memory_space<vmem>>) offsets(%dma_start3A_275 : memref<80xi32, #tpu.memory_space<vmem>>) semaphore(%arg8 : memref<!tpu.dma_semaphore, #tpu.memory_space<semaphore_mem>>) {add = true}
      %dma_start3A_279 = arith.constant 1 : i32
      %dma_start3A_280 = arith.constant 17 : i32
      %dma_start3A_281 = arith.constant 80 : i32
      %dma_start3A_282 = arith.constant 0 : i32
      %dma_start3A_283 = tpu.memref_slice %arg6[%dma_start3A_281, %dma_start3A_282] : memref<320x128xf32, #tpu.memory_space<vmem>> -> memref<80x128xf32, #tpu.memory_space<vmem>>
      %dma_start3A_284 = arith.constant 0 : i32
      %dma_start3A_285 = tpu.memref_slice %arg5[%dma_start3A_279, %dma_start3A_280, %dma_start3A_284] : memref<4x32x80xi32, #tpu.memory_space<vmem>> -> memref<1x1x80xi32, #tpu.memory_space<vmem>>
      %dma_start3A_286 = tpu.memref_squeeze %dma_start3A_285 : memref<1x1x80xi32, #tpu.memory_space<vmem>> -> memref<80xi32, #tpu.memory_space<vmem>>
      %dma_start3A_287 = arith.constant 0 : i32
      %dma_start3A_288 = arith.constant 0 : i32
      %dma_start3A_289 = tpu.memref_slice %arg2[%dma_start3A_287, %dma_start3A_288] : memref<10000x128xf32, #tpu.memory_space<hbm>> -> memref<10000x128xf32, #tpu.memory_space<hbm>>
      tpu.enqueue_indirect_dma source(%dma_start3A_289 : memref<10000x128xf32, #tpu.memory_space<hbm>>) target(%dma_start3A_283 : memref<80x128xf32, #tpu.memory_space<vmem>>) offsets(%dma_start3A_286 : memref<80xi32, #tpu.memory_space<vmem>>) semaphore(%arg8 : memref<!tpu.dma_semaphore, #tpu.memory_space<semaphore_mem>>) {add = true}
      %dma_start3A_290 = arith.constant 1 : i32
      %dma_start3A_291 = arith.constant 18 : i32
      %dma_start3A_292 = arith.constant 80 : i32
      %dma_start3A_293 = arith.constant 0 : i32
      %dma_start3A_294 = tpu.memref_slice %arg6[%dma_start3A_292, %dma_start3A_293] : memref<320x128xf32, #tpu.memory_space<vmem>> -> memref<80x128xf32, #tpu.memory_space<vmem>>
      %dma_start3A_295 = arith.constant 0 : i32
      %dma_start3A_296 = tpu.memref_slice %arg5[%dma_start3A_290, %dma_start3A_291, %dma_start3A_295] : memref<4x32x80xi32, #tpu.memory_space<vmem>> -> memref<1x1x80xi32, #tpu.memory_space<vmem>>
      %dma_start3A_297 = tpu.memref_squeeze %dma_start3A_296 : memref<1x1x80xi32, #tpu.memory_space<vmem>> -> memref<80xi32, #tpu.memory_space<vmem>>
      %dma_start3A_298 = arith.constant 0 : i32
      %dma_start3A_299 = arith.constant 0 : i32
      %dma_start3A_300 = tpu.memref_slice %arg2[%dma_start3A_298, %dma_start3A_299] : memref<10000x128xf32, #tpu.memory_space<hbm>> -> memref<10000x128xf32, #tpu.memory_space<hbm>>
      tpu.enqueue_indirect_dma source(%dma_start3A_300 : memref<10000x128xf32, #tpu.memory_space<hbm>>) target(%dma_start3A_294 : memref<80x128xf32, #tpu.memory_space<vmem>>) offsets(%dma_start3A_297 : memref<80xi32, #tpu.memory_space<vmem>>) semaphore(%arg8 : memref<!tpu.dma_semaphore, #tpu.memory_space<semaphore_mem>>) {add = true}
      %dma_start3A_301 = arith.constant 1 : i32
      %dma_start3A_302 = arith.constant 19 : i32
      %dma_start3A_303 = arith.constant 80 : i32
      %dma_start3A_304 = arith.constant 0 : i32
      %dma_start3A_305 = tpu.memref_slice %arg6[%dma_start3A_303, %dma_start3A_304] : memref<320x128xf32, #tpu.memory_space<vmem>> -> memref<80x128xf32, #tpu.memory_space<vmem>>
      %dma_start3A_306 = arith.constant 0 : i32
      %dma_start3A_307 = tpu.memref_slice %arg5[%dma_start3A_301, %dma_start3A_302, %dma_start3A_306] : memref<4x32x80xi32, #tpu.memory_space<vmem>> -> memref<1x1x80xi32, #tpu.memory_space<vmem>>
      %dma_start3A_308 = tpu.memref_squeeze %dma_start3A_307 : memref<1x1x80xi32, #tpu.memory_space<vmem>> -> memref<80xi32, #tpu.memory_space<vmem>>
      %dma_start3A_309 = arith.constant 0 : i32
      %dma_start3A_310 = arith.constant 0 : i32
      %dma_start3A_311 = tpu.memref_slice %arg2[%dma_start3A_309, %dma_start3A_310] : memref<10000x128xf32, #tpu.memory_space<hbm>> -> memref<10000x128xf32, #tpu.memory_space<hbm>>
      tpu.enqueue_indirect_dma source(%dma_start3A_311 : memref<10000x128xf32, #tpu.memory_space<hbm>>) target(%dma_start3A_305 : memref<80x128xf32, #tpu.memory_space<vmem>>) offsets(%dma_start3A_308 : memref<80xi32, #tpu.memory_space<vmem>>) semaphore(%arg8 : memref<!tpu.dma_semaphore, #tpu.memory_space<semaphore_mem>>) {add = true}
      %dma_start3A_312 = arith.constant 1 : i32
      %dma_start3A_313 = arith.constant 20 : i32
      %dma_start3A_314 = arith.constant 80 : i32
      %dma_start3A_315 = arith.constant 0 : i32
      %dma_start3A_316 = tpu.memref_slice %arg6[%dma_start3A_314, %dma_start3A_315] : memref<320x128xf32, #tpu.memory_space<vmem>> -> memref<80x128xf32, #tpu.memory_space<vmem>>
      %dma_start3A_317 = arith.constant 0 : i32
      %dma_start3A_318 = tpu.memref_slice %arg5[%dma_start3A_312, %dma_start3A_313, %dma_start3A_317] : memref<4x32x80xi32, #tpu.memory_space<vmem>> -> memref<1x1x80xi32, #tpu.memory_space<vmem>>
      %dma_start3A_319 = tpu.memref_squeeze %dma_start3A_318 : memref<1x1x80xi32, #tpu.memory_space<vmem>> -> memref<80xi32, #tpu.memory_space<vmem>>
      %dma_start3A_320 = arith.constant 0 : i32
      %dma_start3A_321 = arith.constant 0 : i32
      %dma_start3A_322 = tpu.memref_slice %arg2[%dma_start3A_320, %dma_start3A_321] : memref<10000x128xf32, #tpu.memory_space<hbm>> -> memref<10000x128xf32, #tpu.memory_space<hbm>>
      tpu.enqueue_indirect_dma source(%dma_start3A_322 : memref<10000x128xf32, #tpu.memory_space<hbm>>) target(%dma_start3A_316 : memref<80x128xf32, #tpu.memory_space<vmem>>) offsets(%dma_start3A_319 : memref<80xi32, #tpu.memory_space<vmem>>) semaphore(%arg8 : memref<!tpu.dma_semaphore, #tpu.memory_space<semaphore_mem>>) {add = true}
      %dma_start3A_323 = arith.constant 1 : i32
      %dma_start3A_324 = arith.constant 21 : i32
      %dma_start3A_325 = arith.constant 80 : i32
      %dma_start3A_326 = arith.constant 0 : i32
      %dma_start3A_327 = tpu.memref_slice %arg6[%dma_start3A_325, %dma_start3A_326] : memref<320x128xf32, #tpu.memory_space<vmem>> -> memref<80x128xf32, #tpu.memory_space<vmem>>
      %dma_start3A_328 = arith.constant 0 : i32
      %dma_start3A_329 = tpu.memref_slice %arg5[%dma_start3A_323, %dma_start3A_324, %dma_start3A_328] : memref<4x32x80xi32, #tpu.memory_space<vmem>> -> memref<1x1x80xi32, #tpu.memory_space<vmem>>
      %dma_start3A_330 = tpu.memref_squeeze %dma_start3A_329 : memref<1x1x80xi32, #tpu.memory_space<vmem>> -> memref<80xi32, #tpu.memory_space<vmem>>
      %dma_start3A_331 = arith.constant 0 : i32
      %dma_start3A_332 = arith.constant 0 : i32
      %dma_start3A_333 = tpu.memref_slice %arg2[%dma_start3A_331, %dma_start3A_332] : memref<10000x128xf32, #tpu.memory_space<hbm>> -> memref<10000x128xf32, #tpu.memory_space<hbm>>
      tpu.enqueue_indirect_dma source(%dma_start3A_333 : memref<10000x128xf32, #tpu.memory_space<hbm>>) target(%dma_start3A_327 : memref<80x128xf32, #tpu.memory_space<vmem>>) offsets(%dma_start3A_330 : memref<80xi32, #tpu.memory_space<vmem>>) semaphore(%arg8 : memref<!tpu.dma_semaphore, #tpu.memory_space<semaphore_mem>>) {add = true}
      %dma_start3A_334 = arith.constant 1 : i32
      %dma_start3A_335 = arith.constant 22 : i32
      %dma_start3A_336 = arith.constant 80 : i32
      %dma_start3A_337 = arith.constant 0 : i32
      %dma_start3A_338 = tpu.memref_slice %arg6[%dma_start3A_336, %dma_start3A_337] : memref<320x128xf32, #tpu.memory_space<vmem>> -> memref<80x128xf32, #tpu.memory_space<vmem>>
      %dma_start3A_339 = arith.constant 0 : i32
      %dma_start3A_340 = tpu.memref_slice %arg5[%dma_start3A_334, %dma_start3A_335, %dma_start3A_339] : memref<4x32x80xi32, #tpu.memory_space<vmem>> -> memref<1x1x80xi32, #tpu.memory_space<vmem>>
      %dma_start3A_341 = tpu.memref_squeeze %dma_start3A_340 : memref<1x1x80xi32, #tpu.memory_space<vmem>> -> memref<80xi32, #tpu.memory_space<vmem>>
      %dma_start3A_342 = arith.constant 0 : i32
      %dma_start3A_343 = arith.constant 0 : i32
      %dma_start3A_344 = tpu.memref_slice %arg2[%dma_start3A_342, %dma_start3A_343] : memref<10000x128xf32, #tpu.memory_space<hbm>> -> memref<10000x128xf32, #tpu.memory_space<hbm>>
      tpu.enqueue_indirect_dma source(%dma_start3A_344 : memref<10000x128xf32, #tpu.memory_space<hbm>>) target(%dma_start3A_338 : memref<80x128xf32, #tpu.memory_space<vmem>>) offsets(%dma_start3A_341 : memref<80xi32, #tpu.memory_space<vmem>>) semaphore(%arg8 : memref<!tpu.dma_semaphore, #tpu.memory_space<semaphore_mem>>) {add = true}
      %dma_start3A_345 = arith.constant 1 : i32
      %dma_start3A_346 = arith.constant 23 : i32
      %dma_start3A_347 = arith.constant 80 : i32
      %dma_start3A_348 = arith.constant 0 : i32
      %dma_start3A_349 = tpu.memref_slice %arg6[%dma_start3A_347, %dma_start3A_348] : memref<320x128xf32, #tpu.memory_space<vmem>> -> memref<80x128xf32, #tpu.memory_space<vmem>>
      %dma_start3A_350 = arith.constant 0 : i32
      %dma_start3A_351 = tpu.memref_slice %arg5[%dma_start3A_345, %dma_start3A_346, %dma_start3A_350] : memref<4x32x80xi32, #tpu.memory_space<vmem>> -> memref<1x1x80xi32, #tpu.memory_space<vmem>>
      %dma_start3A_352 = tpu.memref_squeeze %dma_start3A_351 : memref<1x1x80xi32, #tpu.memory_space<vmem>> -> memref<80xi32, #tpu.memory_space<vmem>>
      %dma_start3A_353 = arith.constant 0 : i32
      %dma_start3A_354 = arith.constant 0 : i32
      %dma_start3A_355 = tpu.memref_slice %arg2[%dma_start3A_353, %dma_start3A_354] : memref<10000x128xf32, #tpu.memory_space<hbm>> -> memref<10000x128xf32, #tpu.memory_space<hbm>>
      tpu.enqueue_indirect_dma source(%dma_start3A_355 : memref<10000x128xf32, #tpu.memory_space<hbm>>) target(%dma_start3A_349 : memref<80x128xf32, #tpu.memory_space<vmem>>) offsets(%dma_start3A_352 : memref<80xi32, #tpu.memory_space<vmem>>) semaphore(%arg8 : memref<!tpu.dma_semaphore, #tpu.memory_space<semaphore_mem>>) {add = true}
      %dma_start3A_356 = arith.constant 1 : i32
      %dma_start3A_357 = arith.constant 24 : i32
      %dma_start3A_358 = arith.constant 80 : i32
      %dma_start3A_359 = arith.constant 0 : i32
      %dma_start3A_360 = tpu.memref_slice %arg6[%dma_start3A_358, %dma_start3A_359] : memref<320x128xf32, #tpu.memory_space<vmem>> -> memref<80x128xf32, #tpu.memory_space<vmem>>
      %dma_start3A_361 = arith.constant 0 : i32
      %dma_start3A_362 = tpu.memref_slice %arg5[%dma_start3A_356, %dma_start3A_357, %dma_start3A_361] : memref<4x32x80xi32, #tpu.memory_space<vmem>> -> memref<1x1x80xi32, #tpu.memory_space<vmem>>
      %dma_start3A_363 = tpu.memref_squeeze %dma_start3A_362 : memref<1x1x80xi32, #tpu.memory_space<vmem>> -> memref<80xi32, #tpu.memory_space<vmem>>
      %dma_start3A_364 = arith.constant 0 : i32
      %dma_start3A_365 = arith.constant 0 : i32
      %dma_start3A_366 = tpu.memref_slice %arg2[%dma_start3A_364, %dma_start3A_365] : memref<10000x128xf32, #tpu.memory_space<hbm>> -> memref<10000x128xf32, #tpu.memory_space<hbm>>
      tpu.enqueue_indirect_dma source(%dma_start3A_366 : memref<10000x128xf32, #tpu.memory_space<hbm>>) target(%dma_start3A_360 : memref<80x128xf32, #tpu.memory_space<vmem>>) offsets(%dma_start3A_363 : memref<80xi32, #tpu.memory_space<vmem>>) semaphore(%arg8 : memref<!tpu.dma_semaphore, #tpu.memory_space<semaphore_mem>>) {add = true}
      %dma_start3A_367 = arith.constant 1 : i32
      %dma_start3A_368 = arith.constant 25 : i32
      %dma_start3A_369 = arith.constant 80 : i32
      %dma_start3A_370 = arith.constant 0 : i32
      %dma_start3A_371 = tpu.memref_slice %arg6[%dma_start3A_369, %dma_start3A_370] : memref<320x128xf32, #tpu.memory_space<vmem>> -> memref<80x128xf32, #tpu.memory_space<vmem>>
      %dma_start3A_372 = arith.constant 0 : i32
      %dma_start3A_373 = tpu.memref_slice %arg5[%dma_start3A_367, %dma_start3A_368, %dma_start3A_372] : memref<4x32x80xi32, #tpu.memory_space<vmem>> -> memref<1x1x80xi32, #tpu.memory_space<vmem>>
      %dma_start3A_374 = tpu.memref_squeeze %dma_start3A_373 : memref<1x1x80xi32, #tpu.memory_space<vmem>> -> memref<80xi32, #tpu.memory_space<vmem>>
      %dma_start3A_375 = arith.constant 0 : i32
      %dma_start3A_376 = arith.constant 0 : i32
      %dma_start3A_377 = tpu.memref_slice %arg2[%dma_start3A_375, %dma_start3A_376] : memref<10000x128xf32, #tpu.memory_space<hbm>> -> memref<10000x128xf32, #tpu.memory_space<hbm>>
      tpu.enqueue_indirect_dma source(%dma_start3A_377 : memref<10000x128xf32, #tpu.memory_space<hbm>>) target(%dma_start3A_371 : memref<80x128xf32, #tpu.memory_space<vmem>>) offsets(%dma_start3A_374 : memref<80xi32, #tpu.memory_space<vmem>>) semaphore(%arg8 : memref<!tpu.dma_semaphore, #tpu.memory_space<semaphore_mem>>) {add = true}
      %dma_start3A_378 = arith.constant 1 : i32
      %dma_start3A_379 = arith.constant 26 : i32
      %dma_start3A_380 = arith.constant 80 : i32
      %dma_start3A_381 = arith.constant 0 : i32
      %dma_start3A_382 = tpu.memref_slice %arg6[%dma_start3A_380, %dma_start3A_381] : memref<320x128xf32, #tpu.memory_space<vmem>> -> memref<80x128xf32, #tpu.memory_space<vmem>>
      %dma_start3A_383 = arith.constant 0 : i32
      %dma_start3A_384 = tpu.memref_slice %arg5[%dma_start3A_378, %dma_start3A_379, %dma_start3A_383] : memref<4x32x80xi32, #tpu.memory_space<vmem>> -> memref<1x1x80xi32, #tpu.memory_space<vmem>>
      %dma_start3A_385 = tpu.memref_squeeze %dma_start3A_384 : memref<1x1x80xi32, #tpu.memory_space<vmem>> -> memref<80xi32, #tpu.memory_space<vmem>>
      %dma_start3A_386 = arith.constant 0 : i32
      %dma_start3A_387 = arith.constant 0 : i32
      %dma_start3A_388 = tpu.memref_slice %arg2[%dma_start3A_386, %dma_start3A_387] : memref<10000x128xf32, #tpu.memory_space<hbm>> -> memref<10000x128xf32, #tpu.memory_space<hbm>>
      tpu.enqueue_indirect_dma source(%dma_start3A_388 : memref<10000x128xf32, #tpu.memory_space<hbm>>) target(%dma_start3A_382 : memref<80x128xf32, #tpu.memory_space<vmem>>) offsets(%dma_start3A_385 : memref<80xi32, #tpu.memory_space<vmem>>) semaphore(%arg8 : memref<!tpu.dma_semaphore, #tpu.memory_space<semaphore_mem>>) {add = true}
      %dma_start3A_389 = arith.constant 1 : i32
      %dma_start3A_390 = arith.constant 27 : i32
      %dma_start3A_391 = arith.constant 80 : i32
      %dma_start3A_392 = arith.constant 0 : i32
      %dma_start3A_393 = tpu.memref_slice %arg6[%dma_start3A_391, %dma_start3A_392] : memref<320x128xf32, #tpu.memory_space<vmem>> -> memref<80x128xf32, #tpu.memory_space<vmem>>
      %dma_start3A_394 = arith.constant 0 : i32
      %dma_start3A_395 = tpu.memref_slice %arg5[%dma_start3A_389, %dma_start3A_390, %dma_start3A_394] : memref<4x32x80xi32, #tpu.memory_space<vmem>> -> memref<1x1x80xi32, #tpu.memory_space<vmem>>
      %dma_start3A_396 = tpu.memref_squeeze %dma_start3A_395 : memref<1x1x80xi32, #tpu.memory_space<vmem>> -> memref<80xi32, #tpu.memory_space<vmem>>
      %dma_start3A_397 = arith.constant 0 : i32
      %dma_start3A_398 = arith.constant 0 : i32
      %dma_start3A_399 = tpu.memref_slice %arg2[%dma_start3A_397, %dma_start3A_398] : memref<10000x128xf32, #tpu.memory_space<hbm>> -> memref<10000x128xf32, #tpu.memory_space<hbm>>
      tpu.enqueue_indirect_dma source(%dma_start3A_399 : memref<10000x128xf32, #tpu.memory_space<hbm>>) target(%dma_start3A_393 : memref<80x128xf32, #tpu.memory_space<vmem>>) offsets(%dma_start3A_396 : memref<80xi32, #tpu.memory_space<vmem>>) semaphore(%arg8 : memref<!tpu.dma_semaphore, #tpu.memory_space<semaphore_mem>>) {add = true}
      %dma_start3A_400 = arith.constant 1 : i32
      %dma_start3A_401 = arith.constant 28 : i32
      %dma_start3A_402 = arith.constant 80 : i32
      %dma_start3A_403 = arith.constant 0 : i32
      %dma_start3A_404 = tpu.memref_slice %arg6[%dma_start3A_402, %dma_start3A_403] : memref<320x128xf32, #tpu.memory_space<vmem>> -> memref<80x128xf32, #tpu.memory_space<vmem>>
      %dma_start3A_405 = arith.constant 0 : i32
      %dma_start3A_406 = tpu.memref_slice %arg5[%dma_start3A_400, %dma_start3A_401, %dma_start3A_405] : memref<4x32x80xi32, #tpu.memory_space<vmem>> -> memref<1x1x80xi32, #tpu.memory_space<vmem>>
      %dma_start3A_407 = tpu.memref_squeeze %dma_start3A_406 : memref<1x1x80xi32, #tpu.memory_space<vmem>> -> memref<80xi32, #tpu.memory_space<vmem>>
      %dma_start3A_408 = arith.constant 0 : i32
      %dma_start3A_409 = arith.constant 0 : i32
      %dma_start3A_410 = tpu.memref_slice %arg2[%dma_start3A_408, %dma_start3A_409] : memref<10000x128xf32, #tpu.memory_space<hbm>> -> memref<10000x128xf32, #tpu.memory_space<hbm>>
      tpu.enqueue_indirect_dma source(%dma_start3A_410 : memref<10000x128xf32, #tpu.memory_space<hbm>>) target(%dma_start3A_404 : memref<80x128xf32, #tpu.memory_space<vmem>>) offsets(%dma_start3A_407 : memref<80xi32, #tpu.memory_space<vmem>>) semaphore(%arg8 : memref<!tpu.dma_semaphore, #tpu.memory_space<semaphore_mem>>) {add = true}
      %dma_start3A_411 = arith.constant 1 : i32
      %dma_start3A_412 = arith.constant 29 : i32
      %dma_start3A_413 = arith.constant 80 : i32
      %dma_start3A_414 = arith.constant 0 : i32
      %dma_start3A_415 = tpu.memref_slice %arg6[%dma_start3A_413, %dma_start3A_414] : memref<320x128xf32, #tpu.memory_space<vmem>> -> memref<80x128xf32, #tpu.memory_space<vmem>>
      %dma_start3A_416 = arith.constant 0 : i32
      %dma_start3A_417 = tpu.memref_slice %arg5[%dma_start3A_411, %dma_start3A_412, %dma_start3A_416] : memref<4x32x80xi32, #tpu.memory_space<vmem>> -> memref<1x1x80xi32, #tpu.memory_space<vmem>>
      %dma_start3A_418 = tpu.memref_squeeze %dma_start3A_417 : memref<1x1x80xi32, #tpu.memory_space<vmem>> -> memref<80xi32, #tpu.memory_space<vmem>>
      %dma_start3A_419 = arith.constant 0 : i32
      %dma_start3A_420 = arith.constant 0 : i32
      %dma_start3A_421 = tpu.memref_slice %arg2[%dma_start3A_419, %dma_start3A_420] : memref<10000x128xf32, #tpu.memory_space<hbm>> -> memref<10000x128xf32, #tpu.memory_space<hbm>>
      tpu.enqueue_indirect_dma source(%dma_start3A_421 : memref<10000x128xf32, #tpu.memory_space<hbm>>) target(%dma_start3A_415 : memref<80x128xf32, #tpu.memory_space<vmem>>) offsets(%dma_start3A_418 : memref<80xi32, #tpu.memory_space<vmem>>) semaphore(%arg8 : memref<!tpu.dma_semaphore, #tpu.memory_space<semaphore_mem>>) {add = true}
      %dma_start3A_422 = arith.constant 1 : i32
      %dma_start3A_423 = arith.constant 30 : i32
      %dma_start3A_424 = arith.constant 80 : i32
      %dma_start3A_425 = arith.constant 0 : i32
      %dma_start3A_426 = tpu.memref_slice %arg6[%dma_start3A_424, %dma_start3A_425] : memref<320x128xf32, #tpu.memory_space<vmem>> -> memref<80x128xf32, #tpu.memory_space<vmem>>
      %dma_start3A_427 = arith.constant 0 : i32
      %dma_start3A_428 = tpu.memref_slice %arg5[%dma_start3A_422, %dma_start3A_423, %dma_start3A_427] : memref<4x32x80xi32, #tpu.memory_space<vmem>> -> memref<1x1x80xi32, #tpu.memory_space<vmem>>
      %dma_start3A_429 = tpu.memref_squeeze %dma_start3A_428 : memref<1x1x80xi32, #tpu.memory_space<vmem>> -> memref<80xi32, #tpu.memory_space<vmem>>
      %dma_start3A_430 = arith.constant 0 : i32
      %dma_start3A_431 = arith.constant 0 : i32
      %dma_start3A_432 = tpu.memref_slice %arg2[%dma_start3A_430, %dma_start3A_431] : memref<10000x128xf32, #tpu.memory_space<hbm>> -> memref<10000x128xf32, #tpu.memory_space<hbm>>
      tpu.enqueue_indirect_dma source(%dma_start3A_432 : memref<10000x128xf32, #tpu.memory_space<hbm>>) target(%dma_start3A_426 : memref<80x128xf32, #tpu.memory_space<vmem>>) offsets(%dma_start3A_429 : memref<80xi32, #tpu.memory_space<vmem>>) semaphore(%arg8 : memref<!tpu.dma_semaphore, #tpu.memory_space<semaphore_mem>>) {add = true}
      %dma_start3A_433 = arith.constant 1 : i32
      %dma_start3A_434 = arith.constant 31 : i32
      %dma_start3A_435 = arith.constant 80 : i32
      %dma_start3A_436 = arith.constant 0 : i32
      %dma_start3A_437 = tpu.memref_slice %arg6[%dma_start3A_435, %dma_start3A_436] : memref<320x128xf32, #tpu.memory_space<vmem>> -> memref<80x128xf32, #tpu.memory_space<vmem>>
      %dma_start3A_438 = arith.constant 0 : i32
      %dma_start3A_439 = tpu.memref_slice %arg5[%dma_start3A_433, %dma_start3A_434, %dma_start3A_438] : memref<4x32x80xi32, #tpu.memory_space<vmem>> -> memref<1x1x80xi32, #tpu.memory_space<vmem>>
      %dma_start3A_440 = tpu.memref_squeeze %dma_start3A_439 : memref<1x1x80xi32, #tpu.memory_space<vmem>> -> memref<80xi32, #tpu.memory_space<vmem>>
      %dma_start3A_441 = arith.constant 0 : i32
      %dma_start3A_442 = arith.constant 0 : i32
      %dma_start3A_443 = tpu.memref_slice %arg2[%dma_start3A_441, %dma_start3A_442] : memref<10000x128xf32, #tpu.memory_space<hbm>> -> memref<10000x128xf32, #tpu.memory_space<hbm>>
      tpu.enqueue_indirect_dma source(%dma_start3A_443 : memref<10000x128xf32, #tpu.memory_space<hbm>>) target(%dma_start3A_437 : memref<80x128xf32, #tpu.memory_space<vmem>>) offsets(%dma_start3A_440 : memref<80xi32, #tpu.memory_space<vmem>>) semaphore(%arg8 : memref<!tpu.dma_semaphore, #tpu.memory_space<semaphore_mem>>) {add = true}
    } else {
    }
    %gt3A_37 = arith.constant 2 : i32
    %gt3A_38 = arith.cmpi sgt, %select_n3A, %gt3A_37 : i32
    %convert_element_type3A_39 = arith.extui %gt3A_38 : i1 to i32
    %cond3A_40 = arith.constant 0 : i32
    %cond3A_41 = arith.cmpi ne, %convert_element_type3A_39, %cond3A_40 : i32
    scf.if %cond3A_41 {
      %scan3A_87 = arith.constant 0 : i32
      %scan3A_88 = arith.constant 160 : i32
      %scan3A_89 = arith.constant 80 : i32
      %scan3A_90 = arith.addi %scan3A_88, %scan3A_89 : i32
      %scan3A_91 = arith.constant 1 : i32
      scf.for %scan3A_444 = %scan3A_88 to %scan3A_90 step %scan3A_91  : i32 {
        %swap3A = arith.index_cast %scan3A_444 : i32 to index
        %swap3A_445 = arith.constant 0 : index
        %swap3A_446 = tpu.vector_load %arg6[%swap3A, %swap3A_445] {strides = array<i32>} : memref<320x128xf32, #tpu.memory_space<vmem>>, vector<1x16xf32>,
        %swap3A_447 = vector.shape_cast %swap3A_446 : vector<1x16xf32> to vector<16xf32>
        %swap3A_448 = vector.shape_cast %broadcast_in_dim3A_14 : vector<16xf32> to vector<1x16xf32>
        tpu.vector_store %arg6[%swap3A, %swap3A_445], %swap3A_448 {strides = array<i32>} : memref<320x128xf32, #tpu.memory_space<vmem>>, vector<1x16xf32>,
        %swap3A_449 = arith.index_cast %scan3A_444 : i32 to index
        %swap3A_450 = arith.constant 16 : index
        %swap3A_451 = tpu.vector_load %arg6[%swap3A_449, %swap3A_450] {strides = array<i32>} : memref<320x128xf32, #tpu.memory_space<vmem>>, vector<1x16xf32>,
        %swap3A_452 = vector.shape_cast %swap3A_451 : vector<1x16xf32> to vector<16xf32>
        %swap3A_453 = vector.shape_cast %broadcast_in_dim3A_14 : vector<16xf32> to vector<1x16xf32>
        tpu.vector_store %arg6[%swap3A_449, %swap3A_450], %swap3A_453 {strides = array<i32>} : memref<320x128xf32, #tpu.memory_space<vmem>>, vector<1x16xf32>,
        %swap3A_454 = arith.index_cast %scan3A_444 : i32 to index
        %swap3A_455 = arith.constant 32 : index
        %swap3A_456 = tpu.vector_load %arg6[%swap3A_454, %swap3A_455] {strides = array<i32>} : memref<320x128xf32, #tpu.memory_space<vmem>>, vector<1x16xf32>,
        %swap3A_457 = vector.shape_cast %swap3A_456 : vector<1x16xf32> to vector<16xf32>
        %swap3A_458 = vector.shape_cast %broadcast_in_dim3A_14 : vector<16xf32> to vector<1x16xf32>
        tpu.vector_store %arg6[%swap3A_454, %swap3A_455], %swap3A_458 {strides = array<i32>} : memref<320x128xf32, #tpu.memory_space<vmem>>, vector<1x16xf32>,
        %swap3A_459 = arith.index_cast %scan3A_444 : i32 to index
        %swap3A_460 = arith.constant 48 : index
        %swap3A_461 = tpu.vector_load %arg6[%swap3A_459, %swap3A_460] {strides = array<i32>} : memref<320x128xf32, #tpu.memory_space<vmem>>, vector<1x16xf32>,
        %swap3A_462 = vector.shape_cast %swap3A_461 : vector<1x16xf32> to vector<16xf32>
        %swap3A_463 = vector.shape_cast %broadcast_in_dim3A_14 : vector<16xf32> to vector<1x16xf32>
        tpu.vector_store %arg6[%swap3A_459, %swap3A_460], %swap3A_463 {strides = array<i32>} : memref<320x128xf32, #tpu.memory_space<vmem>>, vector<1x16xf32>,
        %swap3A_464 = arith.index_cast %scan3A_444 : i32 to index
        %swap3A_465 = arith.constant 64 : index
        %swap3A_466 = tpu.vector_load %arg6[%swap3A_464, %swap3A_465] {strides = array<i32>} : memref<320x128xf32, #tpu.memory_space<vmem>>, vector<1x16xf32>,
        %swap3A_467 = vector.shape_cast %swap3A_466 : vector<1x16xf32> to vector<16xf32>
        %swap3A_468 = vector.shape_cast %broadcast_in_dim3A_14 : vector<16xf32> to vector<1x16xf32>
        tpu.vector_store %arg6[%swap3A_464, %swap3A_465], %swap3A_468 {strides = array<i32>} : memref<320x128xf32, #tpu.memory_space<vmem>>, vector<1x16xf32>,
        %swap3A_469 = arith.index_cast %scan3A_444 : i32 to index
        %swap3A_470 = arith.constant 80 : index
        %swap3A_471 = tpu.vector_load %arg6[%swap3A_469, %swap3A_470] {strides = array<i32>} : memref<320x128xf32, #tpu.memory_space<vmem>>, vector<1x16xf32>,
        %swap3A_472 = vector.shape_cast %swap3A_471 : vector<1x16xf32> to vector<16xf32>
        %swap3A_473 = vector.shape_cast %broadcast_in_dim3A_14 : vector<16xf32> to vector<1x16xf32>
        tpu.vector_store %arg6[%swap3A_469, %swap3A_470], %swap3A_473 {strides = array<i32>} : memref<320x128xf32, #tpu.memory_space<vmem>>, vector<1x16xf32>,
        %swap3A_474 = arith.index_cast %scan3A_444 : i32 to index
        %swap3A_475 = arith.constant 96 : index
        %swap3A_476 = tpu.vector_load %arg6[%swap3A_474, %swap3A_475] {strides = array<i32>} : memref<320x128xf32, #tpu.memory_space<vmem>>, vector<1x16xf32>,
        %swap3A_477 = vector.shape_cast %swap3A_476 : vector<1x16xf32> to vector<16xf32>
        %swap3A_478 = vector.shape_cast %broadcast_in_dim3A_14 : vector<16xf32> to vector<1x16xf32>
        tpu.vector_store %arg6[%swap3A_474, %swap3A_475], %swap3A_478 {strides = array<i32>} : memref<320x128xf32, #tpu.memory_space<vmem>>, vector<1x16xf32>,
        %swap3A_479 = arith.index_cast %scan3A_444 : i32 to index
        %swap3A_480 = arith.constant 112 : index
        %swap3A_481 = tpu.vector_load %arg6[%swap3A_479, %swap3A_480] {strides = array<i32>} : memref<320x128xf32, #tpu.memory_space<vmem>>, vector<1x16xf32>,
        %swap3A_482 = vector.shape_cast %swap3A_481 : vector<1x16xf32> to vector<16xf32>
        %swap3A_483 = vector.shape_cast %broadcast_in_dim3A_14 : vector<16xf32> to vector<1x16xf32>
        tpu.vector_store %arg6[%swap3A_479, %swap3A_480], %swap3A_483 {strides = array<i32>} : memref<320x128xf32, #tpu.memory_space<vmem>>, vector<1x16xf32>,
      }
      %scan3A_92 = arith.constant 80 : i32
      %dma_start3A = arith.constant 2 : i32
      %dma_start3A_93 = arith.constant 0 : i32
      %dma_start3A_94 = arith.constant 160 : i32
      %dma_start3A_95 = arith.constant 0 : i32
      %dma_start3A_96 = tpu.memref_slice %arg6[%dma_start3A_94, %dma_start3A_95] : memref<320x128xf32, #tpu.memory_space<vmem>> -> memref<80x128xf32, #tpu.memory_space<vmem>>
      %dma_start3A_97 = arith.constant 0 : i32
      %dma_start3A_98 = tpu.memref_slice %arg5[%dma_start3A, %dma_start3A_93, %dma_start3A_97] : memref<4x32x80xi32, #tpu.memory_space<vmem>> -> memref<1x1x80xi32, #tpu.memory_space<vmem>>
      %dma_start3A_99 = tpu.memref_squeeze %dma_start3A_98 : memref<1x1x80xi32, #tpu.memory_space<vmem>> -> memref<80xi32, #tpu.memory_space<vmem>>
      %dma_start3A_100 = arith.constant 0 : i32
      %dma_start3A_101 = arith.constant 0 : i32
      %dma_start3A_102 = tpu.memref_slice %arg2[%dma_start3A_100, %dma_start3A_101] : memref<10000x128xf32, #tpu.memory_space<hbm>> -> memref<10000x128xf32, #tpu.memory_space<hbm>>
      tpu.enqueue_indirect_dma source(%dma_start3A_102 : memref<10000x128xf32, #tpu.memory_space<hbm>>) target(%dma_start3A_96 : memref<80x128xf32, #tpu.memory_space<vmem>>) offsets(%dma_start3A_99 : memref<80xi32, #tpu.memory_space<vmem>>) semaphore(%arg9 : memref<!tpu.dma_semaphore, #tpu.memory_space<semaphore_mem>>) {add = true}
      %dma_start3A_103 = arith.constant 2 : i32
      %dma_start3A_104 = arith.constant 1 : i32
      %dma_start3A_105 = arith.constant 160 : i32
      %dma_start3A_106 = arith.constant 0 : i32
      %dma_start3A_107 = tpu.memref_slice %arg6[%dma_start3A_105, %dma_start3A_106] : memref<320x128xf32, #tpu.memory_space<vmem>> -> memref<80x128xf32, #tpu.memory_space<vmem>>
      %dma_start3A_108 = arith.constant 0 : i32
      %dma_start3A_109 = tpu.memref_slice %arg5[%dma_start3A_103, %dma_start3A_104, %dma_start3A_108] : memref<4x32x80xi32, #tpu.memory_space<vmem>> -> memref<1x1x80xi32, #tpu.memory_space<vmem>>
      %dma_start3A_110 = tpu.memref_squeeze %dma_start3A_109 : memref<1x1x80xi32, #tpu.memory_space<vmem>> -> memref<80xi32, #tpu.memory_space<vmem>>
      %dma_start3A_111 = arith.constant 0 : i32
      %dma_start3A_112 = arith.constant 0 : i32
      %dma_start3A_113 = tpu.memref_slice %arg2[%dma_start3A_111, %dma_start3A_112] : memref<10000x128xf32, #tpu.memory_space<hbm>> -> memref<10000x128xf32, #tpu.memory_space<hbm>>
      tpu.enqueue_indirect_dma source(%dma_start3A_113 : memref<10000x128xf32, #tpu.memory_space<hbm>>) target(%dma_start3A_107 : memref<80x128xf32, #tpu.memory_space<vmem>>) offsets(%dma_start3A_110 : memref<80xi32, #tpu.memory_space<vmem>>) semaphore(%arg9 : memref<!tpu.dma_semaphore, #tpu.memory_space<semaphore_mem>>) {add = true}
      %dma_start3A_114 = arith.constant 2 : i32
      %dma_start3A_115 = arith.constant 2 : i32
      %dma_start3A_116 = arith.constant 160 : i32
      %dma_start3A_117 = arith.constant 0 : i32
      %dma_start3A_118 = tpu.memref_slice %arg6[%dma_start3A_116, %dma_start3A_117] : memref<320x128xf32, #tpu.memory_space<vmem>> -> memref<80x128xf32, #tpu.memory_space<vmem>>
      %dma_start3A_119 = arith.constant 0 : i32
      %dma_start3A_120 = tpu.memref_slice %arg5[%dma_start3A_114, %dma_start3A_115, %dma_start3A_119] : memref<4x32x80xi32, #tpu.memory_space<vmem>> -> memref<1x1x80xi32, #tpu.memory_space<vmem>>
      %dma_start3A_121 = tpu.memref_squeeze %dma_start3A_120 : memref<1x1x80xi32, #tpu.memory_space<vmem>> -> memref<80xi32, #tpu.memory_space<vmem>>
      %dma_start3A_122 = arith.constant 0 : i32
      %dma_start3A_123 = arith.constant 0 : i32
      %dma_start3A_124 = tpu.memref_slice %arg2[%dma_start3A_122, %dma_start3A_123] : memref<10000x128xf32, #tpu.memory_space<hbm>> -> memref<10000x128xf32, #tpu.memory_space<hbm>>
      tpu.enqueue_indirect_dma source(%dma_start3A_124 : memref<10000x128xf32, #tpu.memory_space<hbm>>) target(%dma_start3A_118 : memref<80x128xf32, #tpu.memory_space<vmem>>) offsets(%dma_start3A_121 : memref<80xi32, #tpu.memory_space<vmem>>) semaphore(%arg9 : memref<!tpu.dma_semaphore, #tpu.memory_space<semaphore_mem>>) {add = true}
      %dma_start3A_125 = arith.constant 2 : i32
      %dma_start3A_126 = arith.constant 3 : i32
      %dma_start3A_127 = arith.constant 160 : i32
      %dma_start3A_128 = arith.constant 0 : i32
      %dma_start3A_129 = tpu.memref_slice %arg6[%dma_start3A_127, %dma_start3A_128] : memref<320x128xf32, #tpu.memory_space<vmem>> -> memref<80x128xf32, #tpu.memory_space<vmem>>
      %dma_start3A_130 = arith.constant 0 : i32
      %dma_start3A_131 = tpu.memref_slice %arg5[%dma_start3A_125, %dma_start3A_126, %dma_start3A_130] : memref<4x32x80xi32, #tpu.memory_space<vmem>> -> memref<1x1x80xi32, #tpu.memory_space<vmem>>
      %dma_start3A_132 = tpu.memref_squeeze %dma_start3A_131 : memref<1x1x80xi32, #tpu.memory_space<vmem>> -> memref<80xi32, #tpu.memory_space<vmem>>
      %dma_start3A_133 = arith.constant 0 : i32
      %dma_start3A_134 = arith.constant 0 : i32
      %dma_start3A_135 = tpu.memref_slice %arg2[%dma_start3A_133, %dma_start3A_134] : memref<10000x128xf32, #tpu.memory_space<hbm>> -> memref<10000x128xf32, #tpu.memory_space<hbm>>
      tpu.enqueue_indirect_dma source(%dma_start3A_135 : memref<10000x128xf32, #tpu.memory_space<hbm>>) target(%dma_start3A_129 : memref<80x128xf32, #tpu.memory_space<vmem>>) offsets(%dma_start3A_132 : memref<80xi32, #tpu.memory_space<vmem>>) semaphore(%arg9 : memref<!tpu.dma_semaphore, #tpu.memory_space<semaphore_mem>>) {add = true}
      %dma_start3A_136 = arith.constant 2 : i32
      %dma_start3A_137 = arith.constant 4 : i32
      %dma_start3A_138 = arith.constant 160 : i32
      %dma_start3A_139 = arith.constant 0 : i32
      %dma_start3A_140 = tpu.memref_slice %arg6[%dma_start3A_138, %dma_start3A_139] : memref<320x128xf32, #tpu.memory_space<vmem>> -> memref<80x128xf32, #tpu.memory_space<vmem>>
      %dma_start3A_141 = arith.constant 0 : i32
      %dma_start3A_142 = tpu.memref_slice %arg5[%dma_start3A_136, %dma_start3A_137, %dma_start3A_141] : memref<4x32x80xi32, #tpu.memory_space<vmem>> -> memref<1x1x80xi32, #tpu.memory_space<vmem>>
      %dma_start3A_143 = tpu.memref_squeeze %dma_start3A_142 : memref<1x1x80xi32, #tpu.memory_space<vmem>> -> memref<80xi32, #tpu.memory_space<vmem>>
      %dma_start3A_144 = arith.constant 0 : i32
      %dma_start3A_145 = arith.constant 0 : i32
      %dma_start3A_146 = tpu.memref_slice %arg2[%dma_start3A_144, %dma_start3A_145] : memref<10000x128xf32, #tpu.memory_space<hbm>> -> memref<10000x128xf32, #tpu.memory_space<hbm>>
      tpu.enqueue_indirect_dma source(%dma_start3A_146 : memref<10000x128xf32, #tpu.memory_space<hbm>>) target(%dma_start3A_140 : memref<80x128xf32, #tpu.memory_space<vmem>>) offsets(%dma_start3A_143 : memref<80xi32, #tpu.memory_space<vmem>>) semaphore(%arg9 : memref<!tpu.dma_semaphore, #tpu.memory_space<semaphore_mem>>) {add = true}
      %dma_start3A_147 = arith.constant 2 : i32
      %dma_start3A_148 = arith.constant 5 : i32
      %dma_start3A_149 = arith.constant 160 : i32
      %dma_start3A_150 = arith.constant 0 : i32
      %dma_start3A_151 = tpu.memref_slice %arg6[%dma_start3A_149, %dma_start3A_150] : memref<320x128xf32, #tpu.memory_space<vmem>> -> memref<80x128xf32, #tpu.memory_space<vmem>>
      %dma_start3A_152 = arith.constant 0 : i32
      %dma_start3A_153 = tpu.memref_slice %arg5[%dma_start3A_147, %dma_start3A_148, %dma_start3A_152] : memref<4x32x80xi32, #tpu.memory_space<vmem>> -> memref<1x1x80xi32, #tpu.memory_space<vmem>>
      %dma_start3A_154 = tpu.memref_squeeze %dma_start3A_153 : memref<1x1x80xi32, #tpu.memory_space<vmem>> -> memref<80xi32, #tpu.memory_space<vmem>>
      %dma_start3A_155 = arith.constant 0 : i32
      %dma_start3A_156 = arith.constant 0 : i32
      %dma_start3A_157 = tpu.memref_slice %arg2[%dma_start3A_155, %dma_start3A_156] : memref<10000x128xf32, #tpu.memory_space<hbm>> -> memref<10000x128xf32, #tpu.memory_space<hbm>>
      tpu.enqueue_indirect_dma source(%dma_start3A_157 : memref<10000x128xf32, #tpu.memory_space<hbm>>) target(%dma_start3A_151 : memref<80x128xf32, #tpu.memory_space<vmem>>) offsets(%dma_start3A_154 : memref<80xi32, #tpu.memory_space<vmem>>) semaphore(%arg9 : memref<!tpu.dma_semaphore, #tpu.memory_space<semaphore_mem>>) {add = true}
      %dma_start3A_158 = arith.constant 2 : i32
      %dma_start3A_159 = arith.constant 6 : i32
      %dma_start3A_160 = arith.constant 160 : i32
      %dma_start3A_161 = arith.constant 0 : i32
      %dma_start3A_162 = tpu.memref_slice %arg6[%dma_start3A_160, %dma_start3A_161] : memref<320x128xf32, #tpu.memory_space<vmem>> -> memref<80x128xf32, #tpu.memory_space<vmem>>
      %dma_start3A_163 = arith.constant 0 : i32
      %dma_start3A_164 = tpu.memref_slice %arg5[%dma_start3A_158, %dma_start3A_159, %dma_start3A_163] : memref<4x32x80xi32, #tpu.memory_space<vmem>> -> memref<1x1x80xi32, #tpu.memory_space<vmem>>
      %dma_start3A_165 = tpu.memref_squeeze %dma_start3A_164 : memref<1x1x80xi32, #tpu.memory_space<vmem>> -> memref<80xi32, #tpu.memory_space<vmem>>
      %dma_start3A_166 = arith.constant 0 : i32
      %dma_start3A_167 = arith.constant 0 : i32
      %dma_start3A_168 = tpu.memref_slice %arg2[%dma_start3A_166, %dma_start3A_167] : memref<10000x128xf32, #tpu.memory_space<hbm>> -> memref<10000x128xf32, #tpu.memory_space<hbm>>
      tpu.enqueue_indirect_dma source(%dma_start3A_168 : memref<10000x128xf32, #tpu.memory_space<hbm>>) target(%dma_start3A_162 : memref<80x128xf32, #tpu.memory_space<vmem>>) offsets(%dma_start3A_165 : memref<80xi32, #tpu.memory_space<vmem>>) semaphore(%arg9 : memref<!tpu.dma_semaphore, #tpu.memory_space<semaphore_mem>>) {add = true}
      %dma_start3A_169 = arith.constant 2 : i32
      %dma_start3A_170 = arith.constant 7 : i32
      %dma_start3A_171 = arith.constant 160 : i32
      %dma_start3A_172 = arith.constant 0 : i32
      %dma_start3A_173 = tpu.memref_slice %arg6[%dma_start3A_171, %dma_start3A_172] : memref<320x128xf32, #tpu.memory_space<vmem>> -> memref<80x128xf32, #tpu.memory_space<vmem>>
      %dma_start3A_174 = arith.constant 0 : i32
      %dma_start3A_175 = tpu.memref_slice %arg5[%dma_start3A_169, %dma_start3A_170, %dma_start3A_174] : memref<4x32x80xi32, #tpu.memory_space<vmem>> -> memref<1x1x80xi32, #tpu.memory_space<vmem>>
      %dma_start3A_176 = tpu.memref_squeeze %dma_start3A_175 : memref<1x1x80xi32, #tpu.memory_space<vmem>> -> memref<80xi32, #tpu.memory_space<vmem>>
      %dma_start3A_177 = arith.constant 0 : i32
      %dma_start3A_178 = arith.constant 0 : i32
      %dma_start3A_179 = tpu.memref_slice %arg2[%dma_start3A_177, %dma_start3A_178] : memref<10000x128xf32, #tpu.memory_space<hbm>> -> memref<10000x128xf32, #tpu.memory_space<hbm>>
      tpu.enqueue_indirect_dma source(%dma_start3A_179 : memref<10000x128xf32, #tpu.memory_space<hbm>>) target(%dma_start3A_173 : memref<80x128xf32, #tpu.memory_space<vmem>>) offsets(%dma_start3A_176 : memref<80xi32, #tpu.memory_space<vmem>>) semaphore(%arg9 : memref<!tpu.dma_semaphore, #tpu.memory_space<semaphore_mem>>) {add = true}
      %dma_start3A_180 = arith.constant 2 : i32
      %dma_start3A_181 = arith.constant 8 : i32
      %dma_start3A_182 = arith.constant 160 : i32
      %dma_start3A_183 = arith.constant 0 : i32
      %dma_start3A_184 = tpu.memref_slice %arg6[%dma_start3A_182, %dma_start3A_183] : memref<320x128xf32, #tpu.memory_space<vmem>> -> memref<80x128xf32, #tpu.memory_space<vmem>>
      %dma_start3A_185 = arith.constant 0 : i32
      %dma_start3A_186 = tpu.memref_slice %arg5[%dma_start3A_180, %dma_start3A_181, %dma_start3A_185] : memref<4x32x80xi32, #tpu.memory_space<vmem>> -> memref<1x1x80xi32, #tpu.memory_space<vmem>>
      %dma_start3A_187 = tpu.memref_squeeze %dma_start3A_186 : memref<1x1x80xi32, #tpu.memory_space<vmem>> -> memref<80xi32, #tpu.memory_space<vmem>>
      %dma_start3A_188 = arith.constant 0 : i32
      %dma_start3A_189 = arith.constant 0 : i32
      %dma_start3A_190 = tpu.memref_slice %arg2[%dma_start3A_188, %dma_start3A_189] : memref<10000x128xf32, #tpu.memory_space<hbm>> -> memref<10000x128xf32, #tpu.memory_space<hbm>>
      tpu.enqueue_indirect_dma source(%dma_start3A_190 : memref<10000x128xf32, #tpu.memory_space<hbm>>) target(%dma_start3A_184 : memref<80x128xf32, #tpu.memory_space<vmem>>) offsets(%dma_start3A_187 : memref<80xi32, #tpu.memory_space<vmem>>) semaphore(%arg9 : memref<!tpu.dma_semaphore, #tpu.memory_space<semaphore_mem>>) {add = true}
      %dma_start3A_191 = arith.constant 2 : i32
      %dma_start3A_192 = arith.constant 9 : i32
      %dma_start3A_193 = arith.constant 160 : i32
      %dma_start3A_194 = arith.constant 0 : i32
      %dma_start3A_195 = tpu.memref_slice %arg6[%dma_start3A_193, %dma_start3A_194] : memref<320x128xf32, #tpu.memory_space<vmem>> -> memref<80x128xf32, #tpu.memory_space<vmem>>
      %dma_start3A_196 = arith.constant 0 : i32
      %dma_start3A_197 = tpu.memref_slice %arg5[%dma_start3A_191, %dma_start3A_192, %dma_start3A_196] : memref<4x32x80xi32, #tpu.memory_space<vmem>> -> memref<1x1x80xi32, #tpu.memory_space<vmem>>
      %dma_start3A_198 = tpu.memref_squeeze %dma_start3A_197 : memref<1x1x80xi32, #tpu.memory_space<vmem>> -> memref<80xi32, #tpu.memory_space<vmem>>
      %dma_start3A_199 = arith.constant 0 : i32
      %dma_start3A_200 = arith.constant 0 : i32
      %dma_start3A_201 = tpu.memref_slice %arg2[%dma_start3A_199, %dma_start3A_200] : memref<10000x128xf32, #tpu.memory_space<hbm>> -> memref<10000x128xf32, #tpu.memory_space<hbm>>
      tpu.enqueue_indirect_dma source(%dma_start3A_201 : memref<10000x128xf32, #tpu.memory_space<hbm>>) target(%dma_start3A_195 : memref<80x128xf32, #tpu.memory_space<vmem>>) offsets(%dma_start3A_198 : memref<80xi32, #tpu.memory_space<vmem>>) semaphore(%arg9 : memref<!tpu.dma_semaphore, #tpu.memory_space<semaphore_mem>>) {add = true}
      %dma_start3A_202 = arith.constant 2 : i32
      %dma_start3A_203 = arith.constant 10 : i32
      %dma_start3A_204 = arith.constant 160 : i32
      %dma_start3A_205 = arith.constant 0 : i32
      %dma_start3A_206 = tpu.memref_slice %arg6[%dma_start3A_204, %dma_start3A_205] : memref<320x128xf32, #tpu.memory_space<vmem>> -> memref<80x128xf32, #tpu.memory_space<vmem>>
      %dma_start3A_207 = arith.constant 0 : i32
      %dma_start3A_208 = tpu.memref_slice %arg5[%dma_start3A_202, %dma_start3A_203, %dma_start3A_207] : memref<4x32x80xi32, #tpu.memory_space<vmem>> -> memref<1x1x80xi32, #tpu.memory_space<vmem>>
      %dma_start3A_209 = tpu.memref_squeeze %dma_start3A_208 : memref<1x1x80xi32, #tpu.memory_space<vmem>> -> memref<80xi32, #tpu.memory_space<vmem>>
      %dma_start3A_210 = arith.constant 0 : i32
      %dma_start3A_211 = arith.constant 0 : i32
      %dma_start3A_212 = tpu.memref_slice %arg2[%dma_start3A_210, %dma_start3A_211] : memref<10000x128xf32, #tpu.memory_space<hbm>> -> memref<10000x128xf32, #tpu.memory_space<hbm>>
      tpu.enqueue_indirect_dma source(%dma_start3A_212 : memref<10000x128xf32, #tpu.memory_space<hbm>>) target(%dma_start3A_206 : memref<80x128xf32, #tpu.memory_space<vmem>>) offsets(%dma_start3A_209 : memref<80xi32, #tpu.memory_space<vmem>>) semaphore(%arg9 : memref<!tpu.dma_semaphore, #tpu.memory_space<semaphore_mem>>) {add = true}
      %dma_start3A_213 = arith.constant 2 : i32
      %dma_start3A_214 = arith.constant 11 : i32
      %dma_start3A_215 = arith.constant 160 : i32
      %dma_start3A_216 = arith.constant 0 : i32
      %dma_start3A_217 = tpu.memref_slice %arg6[%dma_start3A_215, %dma_start3A_216] : memref<320x128xf32, #tpu.memory_space<vmem>> -> memref<80x128xf32, #tpu.memory_space<vmem>>
      %dma_start3A_218 = arith.constant 0 : i32
      %dma_start3A_219 = tpu.memref_slice %arg5[%dma_start3A_213, %dma_start3A_214, %dma_start3A_218] : memref<4x32x80xi32, #tpu.memory_space<vmem>> -> memref<1x1x80xi32, #tpu.memory_space<vmem>>
      %dma_start3A_220 = tpu.memref_squeeze %dma_start3A_219 : memref<1x1x80xi32, #tpu.memory_space<vmem>> -> memref<80xi32, #tpu.memory_space<vmem>>
      %dma_start3A_221 = arith.constant 0 : i32
      %dma_start3A_222 = arith.constant 0 : i32
      %dma_start3A_223 = tpu.memref_slice %arg2[%dma_start3A_221, %dma_start3A_222] : memref<10000x128xf32, #tpu.memory_space<hbm>> -> memref<10000x128xf32, #tpu.memory_space<hbm>>
      tpu.enqueue_indirect_dma source(%dma_start3A_223 : memref<10000x128xf32, #tpu.memory_space<hbm>>) target(%dma_start3A_217 : memref<80x128xf32, #tpu.memory_space<vmem>>) offsets(%dma_start3A_220 : memref<80xi32, #tpu.memory_space<vmem>>) semaphore(%arg9 : memref<!tpu.dma_semaphore, #tpu.memory_space<semaphore_mem>>) {add = true}
      %dma_start3A_224 = arith.constant 2 : i32
      %dma_start3A_225 = arith.constant 12 : i32
      %dma_start3A_226 = arith.constant 160 : i32
      %dma_start3A_227 = arith.constant 0 : i32
      %dma_start3A_228 = tpu.memref_slice %arg6[%dma_start3A_226, %dma_start3A_227] : memref<320x128xf32, #tpu.memory_space<vmem>> -> memref<80x128xf32, #tpu.memory_space<vmem>>
      %dma_start3A_229 = arith.constant 0 : i32
      %dma_start3A_230 = tpu.memref_slice %arg5[%dma_start3A_224, %dma_start3A_225, %dma_start3A_229] : memref<4x32x80xi32, #tpu.memory_space<vmem>> -> memref<1x1x80xi32, #tpu.memory_space<vmem>>
      %dma_start3A_231 = tpu.memref_squeeze %dma_start3A_230 : memref<1x1x80xi32, #tpu.memory_space<vmem>> -> memref<80xi32, #tpu.memory_space<vmem>>
      %dma_start3A_232 = arith.constant 0 : i32
      %dma_start3A_233 = arith.constant 0 : i32
      %dma_start3A_234 = tpu.memref_slice %arg2[%dma_start3A_232, %dma_start3A_233] : memref<10000x128xf32, #tpu.memory_space<hbm>> -> memref<10000x128xf32, #tpu.memory_space<hbm>>
      tpu.enqueue_indirect_dma source(%dma_start3A_234 : memref<10000x128xf32, #tpu.memory_space<hbm>>) target(%dma_start3A_228 : memref<80x128xf32, #tpu.memory_space<vmem>>) offsets(%dma_start3A_231 : memref<80xi32, #tpu.memory_space<vmem>>) semaphore(%arg9 : memref<!tpu.dma_semaphore, #tpu.memory_space<semaphore_mem>>) {add = true}
      %dma_start3A_235 = arith.constant 2 : i32
      %dma_start3A_236 = arith.constant 13 : i32
      %dma_start3A_237 = arith.constant 160 : i32
      %dma_start3A_238 = arith.constant 0 : i32
      %dma_start3A_239 = tpu.memref_slice %arg6[%dma_start3A_237, %dma_start3A_238] : memref<320x128xf32, #tpu.memory_space<vmem>> -> memref<80x128xf32, #tpu.memory_space<vmem>>
      %dma_start3A_240 = arith.constant 0 : i32
      %dma_start3A_241 = tpu.memref_slice %arg5[%dma_start3A_235, %dma_start3A_236, %dma_start3A_240] : memref<4x32x80xi32, #tpu.memory_space<vmem>> -> memref<1x1x80xi32, #tpu.memory_space<vmem>>
      %dma_start3A_242 = tpu.memref_squeeze %dma_start3A_241 : memref<1x1x80xi32, #tpu.memory_space<vmem>> -> memref<80xi32, #tpu.memory_space<vmem>>
      %dma_start3A_243 = arith.constant 0 : i32
      %dma_start3A_244 = arith.constant 0 : i32
      %dma_start3A_245 = tpu.memref_slice %arg2[%dma_start3A_243, %dma_start3A_244] : memref<10000x128xf32, #tpu.memory_space<hbm>> -> memref<10000x128xf32, #tpu.memory_space<hbm>>
      tpu.enqueue_indirect_dma source(%dma_start3A_245 : memref<10000x128xf32, #tpu.memory_space<hbm>>) target(%dma_start3A_239 : memref<80x128xf32, #tpu.memory_space<vmem>>) offsets(%dma_start3A_242 : memref<80xi32, #tpu.memory_space<vmem>>) semaphore(%arg9 : memref<!tpu.dma_semaphore, #tpu.memory_space<semaphore_mem>>) {add = true}
      %dma_start3A_246 = arith.constant 2 : i32
      %dma_start3A_247 = arith.constant 14 : i32
      %dma_start3A_248 = arith.constant 160 : i32
      %dma_start3A_249 = arith.constant 0 : i32
      %dma_start3A_250 = tpu.memref_slice %arg6[%dma_start3A_248, %dma_start3A_249] : memref<320x128xf32, #tpu.memory_space<vmem>> -> memref<80x128xf32, #tpu.memory_space<vmem>>
      %dma_start3A_251 = arith.constant 0 : i32
      %dma_start3A_252 = tpu.memref_slice %arg5[%dma_start3A_246, %dma_start3A_247, %dma_start3A_251] : memref<4x32x80xi32, #tpu.memory_space<vmem>> -> memref<1x1x80xi32, #tpu.memory_space<vmem>>
      %dma_start3A_253 = tpu.memref_squeeze %dma_start3A_252 : memref<1x1x80xi32, #tpu.memory_space<vmem>> -> memref<80xi32, #tpu.memory_space<vmem>>
      %dma_start3A_254 = arith.constant 0 : i32
      %dma_start3A_255 = arith.constant 0 : i32
      %dma_start3A_256 = tpu.memref_slice %arg2[%dma_start3A_254, %dma_start3A_255] : memref<10000x128xf32, #tpu.memory_space<hbm>> -> memref<10000x128xf32, #tpu.memory_space<hbm>>
      tpu.enqueue_indirect_dma source(%dma_start3A_256 : memref<10000x128xf32, #tpu.memory_space<hbm>>) target(%dma_start3A_250 : memref<80x128xf32, #tpu.memory_space<vmem>>) offsets(%dma_start3A_253 : memref<80xi32, #tpu.memory_space<vmem>>) semaphore(%arg9 : memref<!tpu.dma_semaphore, #tpu.memory_space<semaphore_mem>>) {add = true}
      %dma_start3A_257 = arith.constant 2 : i32
      %dma_start3A_258 = arith.constant 15 : i32
      %dma_start3A_259 = arith.constant 160 : i32
      %dma_start3A_260 = arith.constant 0 : i32
      %dma_start3A_261 = tpu.memref_slice %arg6[%dma_start3A_259, %dma_start3A_260] : memref<320x128xf32, #tpu.memory_space<vmem>> -> memref<80x128xf32, #tpu.memory_space<vmem>>
      %dma_start3A_262 = arith.constant 0 : i32
      %dma_start3A_263 = tpu.memref_slice %arg5[%dma_start3A_257, %dma_start3A_258, %dma_start3A_262] : memref<4x32x80xi32, #tpu.memory_space<vmem>> -> memref<1x1x80xi32, #tpu.memory_space<vmem>>
      %dma_start3A_264 = tpu.memref_squeeze %dma_start3A_263 : memref<1x1x80xi32, #tpu.memory_space<vmem>> -> memref<80xi32, #tpu.memory_space<vmem>>
      %dma_start3A_265 = arith.constant 0 : i32
      %dma_start3A_266 = arith.constant 0 : i32
      %dma_start3A_267 = tpu.memref_slice %arg2[%dma_start3A_265, %dma_start3A_266] : memref<10000x128xf32, #tpu.memory_space<hbm>> -> memref<10000x128xf32, #tpu.memory_space<hbm>>
      tpu.enqueue_indirect_dma source(%dma_start3A_267 : memref<10000x128xf32, #tpu.memory_space<hbm>>) target(%dma_start3A_261 : memref<80x128xf32, #tpu.memory_space<vmem>>) offsets(%dma_start3A_264 : memref<80xi32, #tpu.memory_space<vmem>>) semaphore(%arg9 : memref<!tpu.dma_semaphore, #tpu.memory_space<semaphore_mem>>) {add = true}
      %dma_start3A_268 = arith.constant 2 : i32
      %dma_start3A_269 = arith.constant 16 : i32
      %dma_start3A_270 = arith.constant 160 : i32
      %dma_start3A_271 = arith.constant 0 : i32
      %dma_start3A_272 = tpu.memref_slice %arg6[%dma_start3A_270, %dma_start3A_271] : memref<320x128xf32, #tpu.memory_space<vmem>> -> memref<80x128xf32, #tpu.memory_space<vmem>>
      %dma_start3A_273 = arith.constant 0 : i32
      %dma_start3A_274 = tpu.memref_slice %arg5[%dma_start3A_268, %dma_start3A_269, %dma_start3A_273] : memref<4x32x80xi32, #tpu.memory_space<vmem>> -> memref<1x1x80xi32, #tpu.memory_space<vmem>>
      %dma_start3A_275 = tpu.memref_squeeze %dma_start3A_274 : memref<1x1x80xi32, #tpu.memory_space<vmem>> -> memref<80xi32, #tpu.memory_space<vmem>>
      %dma_start3A_276 = arith.constant 0 : i32
      %dma_start3A_277 = arith.constant 0 : i32
      %dma_start3A_278 = tpu.memref_slice %arg2[%dma_start3A_276, %dma_start3A_277] : memref<10000x128xf32, #tpu.memory_space<hbm>> -> memref<10000x128xf32, #tpu.memory_space<hbm>>
      tpu.enqueue_indirect_dma source(%dma_start3A_278 : memref<10000x128xf32, #tpu.memory_space<hbm>>) target(%dma_start3A_272 : memref<80x128xf32, #tpu.memory_space<vmem>>) offsets(%dma_start3A_275 : memref<80xi32, #tpu.memory_space<vmem>>) semaphore(%arg9 : memref<!tpu.dma_semaphore, #tpu.memory_space<semaphore_mem>>) {add = true}
      %dma_start3A_279 = arith.constant 2 : i32
      %dma_start3A_280 = arith.constant 17 : i32
      %dma_start3A_281 = arith.constant 160 : i32
      %dma_start3A_282 = arith.constant 0 : i32
      %dma_start3A_283 = tpu.memref_slice %arg6[%dma_start3A_281, %dma_start3A_282] : memref<320x128xf32, #tpu.memory_space<vmem>> -> memref<80x128xf32, #tpu.memory_space<vmem>>
      %dma_start3A_284 = arith.constant 0 : i32
      %dma_start3A_285 = tpu.memref_slice %arg5[%dma_start3A_279, %dma_start3A_280, %dma_start3A_284] : memref<4x32x80xi32, #tpu.memory_space<vmem>> -> memref<1x1x80xi32, #tpu.memory_space<vmem>>
      %dma_start3A_286 = tpu.memref_squeeze %dma_start3A_285 : memref<1x1x80xi32, #tpu.memory_space<vmem>> -> memref<80xi32, #tpu.memory_space<vmem>>
      %dma_start3A_287 = arith.constant 0 : i32
      %dma_start3A_288 = arith.constant 0 : i32
      %dma_start3A_289 = tpu.memref_slice %arg2[%dma_start3A_287, %dma_start3A_288] : memref<10000x128xf32, #tpu.memory_space<hbm>> -> memref<10000x128xf32, #tpu.memory_space<hbm>>
      tpu.enqueue_indirect_dma source(%dma_start3A_289 : memref<10000x128xf32, #tpu.memory_space<hbm>>) target(%dma_start3A_283 : memref<80x128xf32, #tpu.memory_space<vmem>>) offsets(%dma_start3A_286 : memref<80xi32, #tpu.memory_space<vmem>>) semaphore(%arg9 : memref<!tpu.dma_semaphore, #tpu.memory_space<semaphore_mem>>) {add = true}
      %dma_start3A_290 = arith.constant 2 : i32
      %dma_start3A_291 = arith.constant 18 : i32
      %dma_start3A_292 = arith.constant 160 : i32
      %dma_start3A_293 = arith.constant 0 : i32
      %dma_start3A_294 = tpu.memref_slice %arg6[%dma_start3A_292, %dma_start3A_293] : memref<320x128xf32, #tpu.memory_space<vmem>> -> memref<80x128xf32, #tpu.memory_space<vmem>>
      %dma_start3A_295 = arith.constant 0 : i32
      %dma_start3A_296 = tpu.memref_slice %arg5[%dma_start3A_290, %dma_start3A_291, %dma_start3A_295] : memref<4x32x80xi32, #tpu.memory_space<vmem>> -> memref<1x1x80xi32, #tpu.memory_space<vmem>>
      %dma_start3A_297 = tpu.memref_squeeze %dma_start3A_296 : memref<1x1x80xi32, #tpu.memory_space<vmem>> -> memref<80xi32, #tpu.memory_space<vmem>>
      %dma_start3A_298 = arith.constant 0 : i32
      %dma_start3A_299 = arith.constant 0 : i32
      %dma_start3A_300 = tpu.memref_slice %arg2[%dma_start3A_298, %dma_start3A_299] : memref<10000x128xf32, #tpu.memory_space<hbm>> -> memref<10000x128xf32, #tpu.memory_space<hbm>>
      tpu.enqueue_indirect_dma source(%dma_start3A_300 : memref<10000x128xf32, #tpu.memory_space<hbm>>) target(%dma_start3A_294 : memref<80x128xf32, #tpu.memory_space<vmem>>) offsets(%dma_start3A_297 : memref<80xi32, #tpu.memory_space<vmem>>) semaphore(%arg9 : memref<!tpu.dma_semaphore, #tpu.memory_space<semaphore_mem>>) {add = true}
      %dma_start3A_301 = arith.constant 2 : i32
      %dma_start3A_302 = arith.constant 19 : i32
      %dma_start3A_303 = arith.constant 160 : i32
      %dma_start3A_304 = arith.constant 0 : i32
      %dma_start3A_305 = tpu.memref_slice %arg6[%dma_start3A_303, %dma_start3A_304] : memref<320x128xf32, #tpu.memory_space<vmem>> -> memref<80x128xf32, #tpu.memory_space<vmem>>
      %dma_start3A_306 = arith.constant 0 : i32
      %dma_start3A_307 = tpu.memref_slice %arg5[%dma_start3A_301, %dma_start3A_302, %dma_start3A_306] : memref<4x32x80xi32, #tpu.memory_space<vmem>> -> memref<1x1x80xi32, #tpu.memory_space<vmem>>
      %dma_start3A_308 = tpu.memref_squeeze %dma_start3A_307 : memref<1x1x80xi32, #tpu.memory_space<vmem>> -> memref<80xi32, #tpu.memory_space<vmem>>
      %dma_start3A_309 = arith.constant 0 : i32
      %dma_start3A_310 = arith.constant 0 : i32
      %dma_start3A_311 = tpu.memref_slice %arg2[%dma_start3A_309, %dma_start3A_310] : memref<10000x128xf32, #tpu.memory_space<hbm>> -> memref<10000x128xf32, #tpu.memory_space<hbm>>
      tpu.enqueue_indirect_dma source(%dma_start3A_311 : memref<10000x128xf32, #tpu.memory_space<hbm>>) target(%dma_start3A_305 : memref<80x128xf32, #tpu.memory_space<vmem>>) offsets(%dma_start3A_308 : memref<80xi32, #tpu.memory_space<vmem>>) semaphore(%arg9 : memref<!tpu.dma_semaphore, #tpu.memory_space<semaphore_mem>>) {add = true}
      %dma_start3A_312 = arith.constant 2 : i32
      %dma_start3A_313 = arith.constant 20 : i32
      %dma_start3A_314 = arith.constant 160 : i32
      %dma_start3A_315 = arith.constant 0 : i32
      %dma_start3A_316 = tpu.memref_slice %arg6[%dma_start3A_314, %dma_start3A_315] : memref<320x128xf32, #tpu.memory_space<vmem>> -> memref<80x128xf32, #tpu.memory_space<vmem>>
      %dma_start3A_317 = arith.constant 0 : i32
      %dma_start3A_318 = tpu.memref_slice %arg5[%dma_start3A_312, %dma_start3A_313, %dma_start3A_317] : memref<4x32x80xi32, #tpu.memory_space<vmem>> -> memref<1x1x80xi32, #tpu.memory_space<vmem>>
      %dma_start3A_319 = tpu.memref_squeeze %dma_start3A_318 : memref<1x1x80xi32, #tpu.memory_space<vmem>> -> memref<80xi32, #tpu.memory_space<vmem>>
      %dma_start3A_320 = arith.constant 0 : i32
      %dma_start3A_321 = arith.constant 0 : i32
      %dma_start3A_322 = tpu.memref_slice %arg2[%dma_start3A_320, %dma_start3A_321] : memref<10000x128xf32, #tpu.memory_space<hbm>> -> memref<10000x128xf32, #tpu.memory_space<hbm>>
      tpu.enqueue_indirect_dma source(%dma_start3A_322 : memref<10000x128xf32, #tpu.memory_space<hbm>>) target(%dma_start3A_316 : memref<80x128xf32, #tpu.memory_space<vmem>>) offsets(%dma_start3A_319 : memref<80xi32, #tpu.memory_space<vmem>>) semaphore(%arg9 : memref<!tpu.dma_semaphore, #tpu.memory_space<semaphore_mem>>) {add = true}
      %dma_start3A_323 = arith.constant 2 : i32
      %dma_start3A_324 = arith.constant 21 : i32
      %dma_start3A_325 = arith.constant 160 : i32
      %dma_start3A_326 = arith.constant 0 : i32
      %dma_start3A_327 = tpu.memref_slice %arg6[%dma_start3A_325, %dma_start3A_326] : memref<320x128xf32, #tpu.memory_space<vmem>> -> memref<80x128xf32, #tpu.memory_space<vmem>>
      %dma_start3A_328 = arith.constant 0 : i32
      %dma_start3A_329 = tpu.memref_slice %arg5[%dma_start3A_323, %dma_start3A_324, %dma_start3A_328] : memref<4x32x80xi32, #tpu.memory_space<vmem>> -> memref<1x1x80xi32, #tpu.memory_space<vmem>>
      %dma_start3A_330 = tpu.memref_squeeze %dma_start3A_329 : memref<1x1x80xi32, #tpu.memory_space<vmem>> -> memref<80xi32, #tpu.memory_space<vmem>>
      %dma_start3A_331 = arith.constant 0 : i32
      %dma_start3A_332 = arith.constant 0 : i32
      %dma_start3A_333 = tpu.memref_slice %arg2[%dma_start3A_331, %dma_start3A_332] : memref<10000x128xf32, #tpu.memory_space<hbm>> -> memref<10000x128xf32, #tpu.memory_space<hbm>>
      tpu.enqueue_indirect_dma source(%dma_start3A_333 : memref<10000x128xf32, #tpu.memory_space<hbm>>) target(%dma_start3A_327 : memref<80x128xf32, #tpu.memory_space<vmem>>) offsets(%dma_start3A_330 : memref<80xi32, #tpu.memory_space<vmem>>) semaphore(%arg9 : memref<!tpu.dma_semaphore, #tpu.memory_space<semaphore_mem>>) {add = true}
      %dma_start3A_334 = arith.constant 2 : i32
      %dma_start3A_335 = arith.constant 22 : i32
      %dma_start3A_336 = arith.constant 160 : i32
      %dma_start3A_337 = arith.constant 0 : i32
      %dma_start3A_338 = tpu.memref_slice %arg6[%dma_start3A_336, %dma_start3A_337] : memref<320x128xf32, #tpu.memory_space<vmem>> -> memref<80x128xf32, #tpu.memory_space<vmem>>
      %dma_start3A_339 = arith.constant 0 : i32
      %dma_start3A_340 = tpu.memref_slice %arg5[%dma_start3A_334, %dma_start3A_335, %dma_start3A_339] : memref<4x32x80xi32, #tpu.memory_space<vmem>> -> memref<1x1x80xi32, #tpu.memory_space<vmem>>
      %dma_start3A_341 = tpu.memref_squeeze %dma_start3A_340 : memref<1x1x80xi32, #tpu.memory_space<vmem>> -> memref<80xi32, #tpu.memory_space<vmem>>
      %dma_start3A_342 = arith.constant 0 : i32
      %dma_start3A_343 = arith.constant 0 : i32
      %dma_start3A_344 = tpu.memref_slice %arg2[%dma_start3A_342, %dma_start3A_343] : memref<10000x128xf32, #tpu.memory_space<hbm>> -> memref<10000x128xf32, #tpu.memory_space<hbm>>
      tpu.enqueue_indirect_dma source(%dma_start3A_344 : memref<10000x128xf32, #tpu.memory_space<hbm>>) target(%dma_start3A_338 : memref<80x128xf32, #tpu.memory_space<vmem>>) offsets(%dma_start3A_341 : memref<80xi32, #tpu.memory_space<vmem>>) semaphore(%arg9 : memref<!tpu.dma_semaphore, #tpu.memory_space<semaphore_mem>>) {add = true}
      %dma_start3A_345 = arith.constant 2 : i32
      %dma_start3A_346 = arith.constant 23 : i32
      %dma_start3A_347 = arith.constant 160 : i32
      %dma_start3A_348 = arith.constant 0 : i32
      %dma_start3A_349 = tpu.memref_slice %arg6[%dma_start3A_347, %dma_start3A_348] : memref<320x128xf32, #tpu.memory_space<vmem>> -> memref<80x128xf32, #tpu.memory_space<vmem>>
      %dma_start3A_350 = arith.constant 0 : i32
      %dma_start3A_351 = tpu.memref_slice %arg5[%dma_start3A_345, %dma_start3A_346, %dma_start3A_350] : memref<4x32x80xi32, #tpu.memory_space<vmem>> -> memref<1x1x80xi32, #tpu.memory_space<vmem>>
      %dma_start3A_352 = tpu.memref_squeeze %dma_start3A_351 : memref<1x1x80xi32, #tpu.memory_space<vmem>> -> memref<80xi32, #tpu.memory_space<vmem>>
      %dma_start3A_353 = arith.constant 0 : i32
      %dma_start3A_354 = arith.constant 0 : i32
      %dma_start3A_355 = tpu.memref_slice %arg2[%dma_start3A_353, %dma_start3A_354] : memref<10000x128xf32, #tpu.memory_space<hbm>> -> memref<10000x128xf32, #tpu.memory_space<hbm>>
      tpu.enqueue_indirect_dma source(%dma_start3A_355 : memref<10000x128xf32, #tpu.memory_space<hbm>>) target(%dma_start3A_349 : memref<80x128xf32, #tpu.memory_space<vmem>>) offsets(%dma_start3A_352 : memref<80xi32, #tpu.memory_space<vmem>>) semaphore(%arg9 : memref<!tpu.dma_semaphore, #tpu.memory_space<semaphore_mem>>) {add = true}
      %dma_start3A_356 = arith.constant 2 : i32
      %dma_start3A_357 = arith.constant 24 : i32
      %dma_start3A_358 = arith.constant 160 : i32
      %dma_start3A_359 = arith.constant 0 : i32
      %dma_start3A_360 = tpu.memref_slice %arg6[%dma_start3A_358, %dma_start3A_359] : memref<320x128xf32, #tpu.memory_space<vmem>> -> memref<80x128xf32, #tpu.memory_space<vmem>>
      %dma_start3A_361 = arith.constant 0 : i32
      %dma_start3A_362 = tpu.memref_slice %arg5[%dma_start3A_356, %dma_start3A_357, %dma_start3A_361] : memref<4x32x80xi32, #tpu.memory_space<vmem>> -> memref<1x1x80xi32, #tpu.memory_space<vmem>>
      %dma_start3A_363 = tpu.memref_squeeze %dma_start3A_362 : memref<1x1x80xi32, #tpu.memory_space<vmem>> -> memref<80xi32, #tpu.memory_space<vmem>>
      %dma_start3A_364 = arith.constant 0 : i32
      %dma_start3A_365 = arith.constant 0 : i32
      %dma_start3A_366 = tpu.memref_slice %arg2[%dma_start3A_364, %dma_start3A_365] : memref<10000x128xf32, #tpu.memory_space<hbm>> -> memref<10000x128xf32, #tpu.memory_space<hbm>>
      tpu.enqueue_indirect_dma source(%dma_start3A_366 : memref<10000x128xf32, #tpu.memory_space<hbm>>) target(%dma_start3A_360 : memref<80x128xf32, #tpu.memory_space<vmem>>) offsets(%dma_start3A_363 : memref<80xi32, #tpu.memory_space<vmem>>) semaphore(%arg9 : memref<!tpu.dma_semaphore, #tpu.memory_space<semaphore_mem>>) {add = true}
      %dma_start3A_367 = arith.constant 2 : i32
      %dma_start3A_368 = arith.constant 25 : i32
      %dma_start3A_369 = arith.constant 160 : i32
      %dma_start3A_370 = arith.constant 0 : i32
      %dma_start3A_371 = tpu.memref_slice %arg6[%dma_start3A_369, %dma_start3A_370] : memref<320x128xf32, #tpu.memory_space<vmem>> -> memref<80x128xf32, #tpu.memory_space<vmem>>
      %dma_start3A_372 = arith.constant 0 : i32
      %dma_start3A_373 = tpu.memref_slice %arg5[%dma_start3A_367, %dma_start3A_368, %dma_start3A_372] : memref<4x32x80xi32, #tpu.memory_space<vmem>> -> memref<1x1x80xi32, #tpu.memory_space<vmem>>
      %dma_start3A_374 = tpu.memref_squeeze %dma_start3A_373 : memref<1x1x80xi32, #tpu.memory_space<vmem>> -> memref<80xi32, #tpu.memory_space<vmem>>
      %dma_start3A_375 = arith.constant 0 : i32
      %dma_start3A_376 = arith.constant 0 : i32
      %dma_start3A_377 = tpu.memref_slice %arg2[%dma_start3A_375, %dma_start3A_376] : memref<10000x128xf32, #tpu.memory_space<hbm>> -> memref<10000x128xf32, #tpu.memory_space<hbm>>
      tpu.enqueue_indirect_dma source(%dma_start3A_377 : memref<10000x128xf32, #tpu.memory_space<hbm>>) target(%dma_start3A_371 : memref<80x128xf32, #tpu.memory_space<vmem>>) offsets(%dma_start3A_374 : memref<80xi32, #tpu.memory_space<vmem>>) semaphore(%arg9 : memref<!tpu.dma_semaphore, #tpu.memory_space<semaphore_mem>>) {add = true}
      %dma_start3A_378 = arith.constant 2 : i32
      %dma_start3A_379 = arith.constant 26 : i32
      %dma_start3A_380 = arith.constant 160 : i32
      %dma_start3A_381 = arith.constant 0 : i32
      %dma_start3A_382 = tpu.memref_slice %arg6[%dma_start3A_380, %dma_start3A_381] : memref<320x128xf32, #tpu.memory_space<vmem>> -> memref<80x128xf32, #tpu.memory_space<vmem>>
      %dma_start3A_383 = arith.constant 0 : i32
      %dma_start3A_384 = tpu.memref_slice %arg5[%dma_start3A_378, %dma_start3A_379, %dma_start3A_383] : memref<4x32x80xi32, #tpu.memory_space<vmem>> -> memref<1x1x80xi32, #tpu.memory_space<vmem>>
      %dma_start3A_385 = tpu.memref_squeeze %dma_start3A_384 : memref<1x1x80xi32, #tpu.memory_space<vmem>> -> memref<80xi32, #tpu.memory_space<vmem>>
      %dma_start3A_386 = arith.constant 0 : i32
      %dma_start3A_387 = arith.constant 0 : i32
      %dma_start3A_388 = tpu.memref_slice %arg2[%dma_start3A_386, %dma_start3A_387] : memref<10000x128xf32, #tpu.memory_space<hbm>> -> memref<10000x128xf32, #tpu.memory_space<hbm>>
      tpu.enqueue_indirect_dma source(%dma_start3A_388 : memref<10000x128xf32, #tpu.memory_space<hbm>>) target(%dma_start3A_382 : memref<80x128xf32, #tpu.memory_space<vmem>>) offsets(%dma_start3A_385 : memref<80xi32, #tpu.memory_space<vmem>>) semaphore(%arg9 : memref<!tpu.dma_semaphore, #tpu.memory_space<semaphore_mem>>) {add = true}
      %dma_start3A_389 = arith.constant 2 : i32
      %dma_start3A_390 = arith.constant 27 : i32
      %dma_start3A_391 = arith.constant 160 : i32
      %dma_start3A_392 = arith.constant 0 : i32
      %dma_start3A_393 = tpu.memref_slice %arg6[%dma_start3A_391, %dma_start3A_392] : memref<320x128xf32, #tpu.memory_space<vmem>> -> memref<80x128xf32, #tpu.memory_space<vmem>>
      %dma_start3A_394 = arith.constant 0 : i32
      %dma_start3A_395 = tpu.memref_slice %arg5[%dma_start3A_389, %dma_start3A_390, %dma_start3A_394] : memref<4x32x80xi32, #tpu.memory_space<vmem>> -> memref<1x1x80xi32, #tpu.memory_space<vmem>>
      %dma_start3A_396 = tpu.memref_squeeze %dma_start3A_395 : memref<1x1x80xi32, #tpu.memory_space<vmem>> -> memref<80xi32, #tpu.memory_space<vmem>>
      %dma_start3A_397 = arith.constant 0 : i32
      %dma_start3A_398 = arith.constant 0 : i32
      %dma_start3A_399 = tpu.memref_slice %arg2[%dma_start3A_397, %dma_start3A_398] : memref<10000x128xf32, #tpu.memory_space<hbm>> -> memref<10000x128xf32, #tpu.memory_space<hbm>>
      tpu.enqueue_indirect_dma source(%dma_start3A_399 : memref<10000x128xf32, #tpu.memory_space<hbm>>) target(%dma_start3A_393 : memref<80x128xf32, #tpu.memory_space<vmem>>) offsets(%dma_start3A_396 : memref<80xi32, #tpu.memory_space<vmem>>) semaphore(%arg9 : memref<!tpu.dma_semaphore, #tpu.memory_space<semaphore_mem>>) {add = true}
      %dma_start3A_400 = arith.constant 2 : i32
      %dma_start3A_401 = arith.constant 28 : i32
      %dma_start3A_402 = arith.constant 160 : i32
      %dma_start3A_403 = arith.constant 0 : i32
      %dma_start3A_404 = tpu.memref_slice %arg6[%dma_start3A_402, %dma_start3A_403] : memref<320x128xf32, #tpu.memory_space<vmem>> -> memref<80x128xf32, #tpu.memory_space<vmem>>
      %dma_start3A_405 = arith.constant 0 : i32
      %dma_start3A_406 = tpu.memref_slice %arg5[%dma_start3A_400, %dma_start3A_401, %dma_start3A_405] : memref<4x32x80xi32, #tpu.memory_space<vmem>> -> memref<1x1x80xi32, #tpu.memory_space<vmem>>
      %dma_start3A_407 = tpu.memref_squeeze %dma_start3A_406 : memref<1x1x80xi32, #tpu.memory_space<vmem>> -> memref<80xi32, #tpu.memory_space<vmem>>
      %dma_start3A_408 = arith.constant 0 : i32
      %dma_start3A_409 = arith.constant 0 : i32
      %dma_start3A_410 = tpu.memref_slice %arg2[%dma_start3A_408, %dma_start3A_409] : memref<10000x128xf32, #tpu.memory_space<hbm>> -> memref<10000x128xf32, #tpu.memory_space<hbm>>
      tpu.enqueue_indirect_dma source(%dma_start3A_410 : memref<10000x128xf32, #tpu.memory_space<hbm>>) target(%dma_start3A_404 : memref<80x128xf32, #tpu.memory_space<vmem>>) offsets(%dma_start3A_407 : memref<80xi32, #tpu.memory_space<vmem>>) semaphore(%arg9 : memref<!tpu.dma_semaphore, #tpu.memory_space<semaphore_mem>>) {add = true}
      %dma_start3A_411 = arith.constant 2 : i32
      %dma_start3A_412 = arith.constant 29 : i32
      %dma_start3A_413 = arith.constant 160 : i32
      %dma_start3A_414 = arith.constant 0 : i32
      %dma_start3A_415 = tpu.memref_slice %arg6[%dma_start3A_413, %dma_start3A_414] : memref<320x128xf32, #tpu.memory_space<vmem>> -> memref<80x128xf32, #tpu.memory_space<vmem>>
      %dma_start3A_416 = arith.constant 0 : i32
      %dma_start3A_417 = tpu.memref_slice %arg5[%dma_start3A_411, %dma_start3A_412, %dma_start3A_416] : memref<4x32x80xi32, #tpu.memory_space<vmem>> -> memref<1x1x80xi32, #tpu.memory_space<vmem>>
      %dma_start3A_418 = tpu.memref_squeeze %dma_start3A_417 : memref<1x1x80xi32, #tpu.memory_space<vmem>> -> memref<80xi32, #tpu.memory_space<vmem>>
      %dma_start3A_419 = arith.constant 0 : i32
      %dma_start3A_420 = arith.constant 0 : i32
      %dma_start3A_421 = tpu.memref_slice %arg2[%dma_start3A_419, %dma_start3A_420] : memref<10000x128xf32, #tpu.memory_space<hbm>> -> memref<10000x128xf32, #tpu.memory_space<hbm>>
      tpu.enqueue_indirect_dma source(%dma_start3A_421 : memref<10000x128xf32, #tpu.memory_space<hbm>>) target(%dma_start3A_415 : memref<80x128xf32, #tpu.memory_space<vmem>>) offsets(%dma_start3A_418 : memref<80xi32, #tpu.memory_space<vmem>>) semaphore(%arg9 : memref<!tpu.dma_semaphore, #tpu.memory_space<semaphore_mem>>) {add = true}
      %dma_start3A_422 = arith.constant 2 : i32
      %dma_start3A_423 = arith.constant 30 : i32
      %dma_start3A_424 = arith.constant 160 : i32
      %dma_start3A_425 = arith.constant 0 : i32
      %dma_start3A_426 = tpu.memref_slice %arg6[%dma_start3A_424, %dma_start3A_425] : memref<320x128xf32, #tpu.memory_space<vmem>> -> memref<80x128xf32, #tpu.memory_space<vmem>>
      %dma_start3A_427 = arith.constant 0 : i32
      %dma_start3A_428 = tpu.memref_slice %arg5[%dma_start3A_422, %dma_start3A_423, %dma_start3A_427] : memref<4x32x80xi32, #tpu.memory_space<vmem>> -> memref<1x1x80xi32, #tpu.memory_space<vmem>>
      %dma_start3A_429 = tpu.memref_squeeze %dma_start3A_428 : memref<1x1x80xi32, #tpu.memory_space<vmem>> -> memref<80xi32, #tpu.memory_space<vmem>>
      %dma_start3A_430 = arith.constant 0 : i32
      %dma_start3A_431 = arith.constant 0 : i32
      %dma_start3A_432 = tpu.memref_slice %arg2[%dma_start3A_430, %dma_start3A_431] : memref<10000x128xf32, #tpu.memory_space<hbm>> -> memref<10000x128xf32, #tpu.memory_space<hbm>>
      tpu.enqueue_indirect_dma source(%dma_start3A_432 : memref<10000x128xf32, #tpu.memory_space<hbm>>) target(%dma_start3A_426 : memref<80x128xf32, #tpu.memory_space<vmem>>) offsets(%dma_start3A_429 : memref<80xi32, #tpu.memory_space<vmem>>) semaphore(%arg9 : memref<!tpu.dma_semaphore, #tpu.memory_space<semaphore_mem>>) {add = true}
      %dma_start3A_433 = arith.constant 2 : i32
      %dma_start3A_434 = arith.constant 31 : i32
      %dma_start3A_435 = arith.constant 160 : i32
      %dma_start3A_436 = arith.constant 0 : i32
      %dma_start3A_437 = tpu.memref_slice %arg6[%dma_start3A_435, %dma_start3A_436] : memref<320x128xf32, #tpu.memory_space<vmem>> -> memref<80x128xf32, #tpu.memory_space<vmem>>
      %dma_start3A_438 = arith.constant 0 : i32
      %dma_start3A_439 = tpu.memref_slice %arg5[%dma_start3A_433, %dma_start3A_434, %dma_start3A_438] : memref<4x32x80xi32, #tpu.memory_space<vmem>> -> memref<1x1x80xi32, #tpu.memory_space<vmem>>
      %dma_start3A_440 = tpu.memref_squeeze %dma_start3A_439 : memref<1x1x80xi32, #tpu.memory_space<vmem>> -> memref<80xi32, #tpu.memory_space<vmem>>
      %dma_start3A_441 = arith.constant 0 : i32
      %dma_start3A_442 = arith.constant 0 : i32
      %dma_start3A_443 = tpu.memref_slice %arg2[%dma_start3A_441, %dma_start3A_442] : memref<10000x128xf32, #tpu.memory_space<hbm>> -> memref<10000x128xf32, #tpu.memory_space<hbm>>
      tpu.enqueue_indirect_dma source(%dma_start3A_443 : memref<10000x128xf32, #tpu.memory_space<hbm>>) target(%dma_start3A_437 : memref<80x128xf32, #tpu.memory_space<vmem>>) offsets(%dma_start3A_440 : memref<80xi32, #tpu.memory_space<vmem>>) semaphore(%arg9 : memref<!tpu.dma_semaphore, #tpu.memory_space<semaphore_mem>>) {add = true}
    } else {
    }
    %gt3A_42 = arith.constant 3 : i32
    %gt3A_43 = arith.cmpi sgt, %select_n3A, %gt3A_42 : i32
    %convert_element_type3A_44 = arith.extui %gt3A_43 : i1 to i32
    %cond3A_45 = arith.constant 0 : i32
    %cond3A_46 = arith.cmpi ne, %convert_element_type3A_44, %cond3A_45 : i32
    scf.if %cond3A_46 {
      %scan3A_87 = arith.constant 0 : i32
      %scan3A_88 = arith.constant 240 : i32
      %scan3A_89 = arith.constant 80 : i32
      %scan3A_90 = arith.addi %scan3A_88, %scan3A_89 : i32
      %scan3A_91 = arith.constant 1 : i32
      scf.for %scan3A_444 = %scan3A_88 to %scan3A_90 step %scan3A_91  : i32 {
        %swap3A = arith.index_cast %scan3A_444 : i32 to index
        %swap3A_445 = arith.constant 0 : index
        %swap3A_446 = tpu.vector_load %arg6[%swap3A, %swap3A_445] {strides = array<i32>} : memref<320x128xf32, #tpu.memory_space<vmem>>, vector<1x16xf32>,
        %swap3A_447 = vector.shape_cast %swap3A_446 : vector<1x16xf32> to vector<16xf32>
        %swap3A_448 = vector.shape_cast %broadcast_in_dim3A_14 : vector<16xf32> to vector<1x16xf32>
        tpu.vector_store %arg6[%swap3A, %swap3A_445], %swap3A_448 {strides = array<i32>} : memref<320x128xf32, #tpu.memory_space<vmem>>, vector<1x16xf32>,
        %swap3A_449 = arith.index_cast %scan3A_444 : i32 to index
        %swap3A_450 = arith.constant 16 : index
        %swap3A_451 = tpu.vector_load %arg6[%swap3A_449, %swap3A_450] {strides = array<i32>} : memref<320x128xf32, #tpu.memory_space<vmem>>, vector<1x16xf32>,
        %swap3A_452 = vector.shape_cast %swap3A_451 : vector<1x16xf32> to vector<16xf32>
        %swap3A_453 = vector.shape_cast %broadcast_in_dim3A_14 : vector<16xf32> to vector<1x16xf32>
        tpu.vector_store %arg6[%swap3A_449, %swap3A_450], %swap3A_453 {strides = array<i32>} : memref<320x128xf32, #tpu.memory_space<vmem>>, vector<1x16xf32>,
        %swap3A_454 = arith.index_cast %scan3A_444 : i32 to index
        %swap3A_455 = arith.constant 32 : index
        %swap3A_456 = tpu.vector_load %arg6[%swap3A_454, %swap3A_455] {strides = array<i32>} : memref<320x128xf32, #tpu.memory_space<vmem>>, vector<1x16xf32>,
        %swap3A_457 = vector.shape_cast %swap3A_456 : vector<1x16xf32> to vector<16xf32>
        %swap3A_458 = vector.shape_cast %broadcast_in_dim3A_14 : vector<16xf32> to vector<1x16xf32>
        tpu.vector_store %arg6[%swap3A_454, %swap3A_455], %swap3A_458 {strides = array<i32>} : memref<320x128xf32, #tpu.memory_space<vmem>>, vector<1x16xf32>,
        %swap3A_459 = arith.index_cast %scan3A_444 : i32 to index
        %swap3A_460 = arith.constant 48 : index
        %swap3A_461 = tpu.vector_load %arg6[%swap3A_459, %swap3A_460] {strides = array<i32>} : memref<320x128xf32, #tpu.memory_space<vmem>>, vector<1x16xf32>,
        %swap3A_462 = vector.shape_cast %swap3A_461 : vector<1x16xf32> to vector<16xf32>
        %swap3A_463 = vector.shape_cast %broadcast_in_dim3A_14 : vector<16xf32> to vector<1x16xf32>
        tpu.vector_store %arg6[%swap3A_459, %swap3A_460], %swap3A_463 {strides = array<i32>} : memref<320x128xf32, #tpu.memory_space<vmem>>, vector<1x16xf32>,
        %swap3A_464 = arith.index_cast %scan3A_444 : i32 to index
        %swap3A_465 = arith.constant 64 : index
        %swap3A_466 = tpu.vector_load %arg6[%swap3A_464, %swap3A_465] {strides = array<i32>} : memref<320x128xf32, #tpu.memory_space<vmem>>, vector<1x16xf32>,
        %swap3A_467 = vector.shape_cast %swap3A_466 : vector<1x16xf32> to vector<16xf32>
        %swap3A_468 = vector.shape_cast %broadcast_in_dim3A_14 : vector<16xf32> to vector<1x16xf32>
        tpu.vector_store %arg6[%swap3A_464, %swap3A_465], %swap3A_468 {strides = array<i32>} : memref<320x128xf32, #tpu.memory_space<vmem>>, vector<1x16xf32>,
        %swap3A_469 = arith.index_cast %scan3A_444 : i32 to index
        %swap3A_470 = arith.constant 80 : index
        %swap3A_471 = tpu.vector_load %arg6[%swap3A_469, %swap3A_470] {strides = array<i32>} : memref<320x128xf32, #tpu.memory_space<vmem>>, vector<1x16xf32>,
        %swap3A_472 = vector.shape_cast %swap3A_471 : vector<1x16xf32> to vector<16xf32>
        %swap3A_473 = vector.shape_cast %broadcast_in_dim3A_14 : vector<16xf32> to vector<1x16xf32>
        tpu.vector_store %arg6[%swap3A_469, %swap3A_470], %swap3A_473 {strides = array<i32>} : memref<320x128xf32, #tpu.memory_space<vmem>>, vector<1x16xf32>,
        %swap3A_474 = arith.index_cast %scan3A_444 : i32 to index
        %swap3A_475 = arith.constant 96 : index
        %swap3A_476 = tpu.vector_load %arg6[%swap3A_474, %swap3A_475] {strides = array<i32>} : memref<320x128xf32, #tpu.memory_space<vmem>>, vector<1x16xf32>,
        %swap3A_477 = vector.shape_cast %swap3A_476 : vector<1x16xf32> to vector<16xf32>
        %swap3A_478 = vector.shape_cast %broadcast_in_dim3A_14 : vector<16xf32> to vector<1x16xf32>
        tpu.vector_store %arg6[%swap3A_474, %swap3A_475], %swap3A_478 {strides = array<i32>} : memref<320x128xf32, #tpu.memory_space<vmem>>, vector<1x16xf32>,
        %swap3A_479 = arith.index_cast %scan3A_444 : i32 to index
        %swap3A_480 = arith.constant 112 : index
        %swap3A_481 = tpu.vector_load %arg6[%swap3A_479, %swap3A_480] {strides = array<i32>} : memref<320x128xf32, #tpu.memory_space<vmem>>, vector<1x16xf32>,
        %swap3A_482 = vector.shape_cast %swap3A_481 : vector<1x16xf32> to vector<16xf32>
        %swap3A_483 = vector.shape_cast %broadcast_in_dim3A_14 : vector<16xf32> to vector<1x16xf32>
        tpu.vector_store %arg6[%swap3A_479, %swap3A_480], %swap3A_483 {strides = array<i32>} : memref<320x128xf32, #tpu.memory_space<vmem>>, vector<1x16xf32>,
      }
      %scan3A_92 = arith.constant 80 : i32
      %dma_start3A = arith.constant 3 : i32
      %dma_start3A_93 = arith.constant 0 : i32
      %dma_start3A_94 = arith.constant 240 : i32
      %dma_start3A_95 = arith.constant 0 : i32
      %dma_start3A_96 = tpu.memref_slice %arg6[%dma_start3A_94, %dma_start3A_95] : memref<320x128xf32, #tpu.memory_space<vmem>> -> memref<80x128xf32, #tpu.memory_space<vmem>>
      %dma_start3A_97 = arith.constant 0 : i32
      %dma_start3A_98 = tpu.memref_slice %arg5[%dma_start3A, %dma_start3A_93, %dma_start3A_97] : memref<4x32x80xi32, #tpu.memory_space<vmem>> -> memref<1x1x80xi32, #tpu.memory_space<vmem>>
      %dma_start3A_99 = tpu.memref_squeeze %dma_start3A_98 : memref<1x1x80xi32, #tpu.memory_space<vmem>> -> memref<80xi32, #tpu.memory_space<vmem>>
      %dma_start3A_100 = arith.constant 0 : i32
      %dma_start3A_101 = arith.constant 0 : i32
      %dma_start3A_102 = tpu.memref_slice %arg2[%dma_start3A_100, %dma_start3A_101] : memref<10000x128xf32, #tpu.memory_space<hbm>> -> memref<10000x128xf32, #tpu.memory_space<hbm>>
      tpu.enqueue_indirect_dma source(%dma_start3A_102 : memref<10000x128xf32, #tpu.memory_space<hbm>>) target(%dma_start3A_96 : memref<80x128xf32, #tpu.memory_space<vmem>>) offsets(%dma_start3A_99 : memref<80xi32, #tpu.memory_space<vmem>>) semaphore(%arg10 : memref<!tpu.dma_semaphore, #tpu.memory_space<semaphore_mem>>) {add = true}
      %dma_start3A_103 = arith.constant 3 : i32
      %dma_start3A_104 = arith.constant 1 : i32
      %dma_start3A_105 = arith.constant 240 : i32
      %dma_start3A_106 = arith.constant 0 : i32
      %dma_start3A_107 = tpu.memref_slice %arg6[%dma_start3A_105, %dma_start3A_106] : memref<320x128xf32, #tpu.memory_space<vmem>> -> memref<80x128xf32, #tpu.memory_space<vmem>>
      %dma_start3A_108 = arith.constant 0 : i32
      %dma_start3A_109 = tpu.memref_slice %arg5[%dma_start3A_103, %dma_start3A_104, %dma_start3A_108] : memref<4x32x80xi32, #tpu.memory_space<vmem>> -> memref<1x1x80xi32, #tpu.memory_space<vmem>>
      %dma_start3A_110 = tpu.memref_squeeze %dma_start3A_109 : memref<1x1x80xi32, #tpu.memory_space<vmem>> -> memref<80xi32, #tpu.memory_space<vmem>>
      %dma_start3A_111 = arith.constant 0 : i32
      %dma_start3A_112 = arith.constant 0 : i32
      %dma_start3A_113 = tpu.memref_slice %arg2[%dma_start3A_111, %dma_start3A_112] : memref<10000x128xf32, #tpu.memory_space<hbm>> -> memref<10000x128xf32, #tpu.memory_space<hbm>>
      tpu.enqueue_indirect_dma source(%dma_start3A_113 : memref<10000x128xf32, #tpu.memory_space<hbm>>) target(%dma_start3A_107 : memref<80x128xf32, #tpu.memory_space<vmem>>) offsets(%dma_start3A_110 : memref<80xi32, #tpu.memory_space<vmem>>) semaphore(%arg10 : memref<!tpu.dma_semaphore, #tpu.memory_space<semaphore_mem>>) {add = true}
      %dma_start3A_114 = arith.constant 3 : i32
      %dma_start3A_115 = arith.constant 2 : i32
      %dma_start3A_116 = arith.constant 240 : i32
      %dma_start3A_117 = arith.constant 0 : i32
      %dma_start3A_118 = tpu.memref_slice %arg6[%dma_start3A_116, %dma_start3A_117] : memref<320x128xf32, #tpu.memory_space<vmem>> -> memref<80x128xf32, #tpu.memory_space<vmem>>
      %dma_start3A_119 = arith.constant 0 : i32
      %dma_start3A_120 = tpu.memref_slice %arg5[%dma_start3A_114, %dma_start3A_115, %dma_start3A_119] : memref<4x32x80xi32, #tpu.memory_space<vmem>> -> memref<1x1x80xi32, #tpu.memory_space<vmem>>
      %dma_start3A_121 = tpu.memref_squeeze %dma_start3A_120 : memref<1x1x80xi32, #tpu.memory_space<vmem>> -> memref<80xi32, #tpu.memory_space<vmem>>
      %dma_start3A_122 = arith.constant 0 : i32
      %dma_start3A_123 = arith.constant 0 : i32
      %dma_start3A_124 = tpu.memref_slice %arg2[%dma_start3A_122, %dma_start3A_123] : memref<10000x128xf32, #tpu.memory_space<hbm>> -> memref<10000x128xf32, #tpu.memory_space<hbm>>
      tpu.enqueue_indirect_dma source(%dma_start3A_124 : memref<10000x128xf32, #tpu.memory_space<hbm>>) target(%dma_start3A_118 : memref<80x128xf32, #tpu.memory_space<vmem>>) offsets(%dma_start3A_121 : memref<80xi32, #tpu.memory_space<vmem>>) semaphore(%arg10 : memref<!tpu.dma_semaphore, #tpu.memory_space<semaphore_mem>>) {add = true}
      %dma_start3A_125 = arith.constant 3 : i32
      %dma_start3A_126 = arith.constant 3 : i32
      %dma_start3A_127 = arith.constant 240 : i32
      %dma_start3A_128 = arith.constant 0 : i32
      %dma_start3A_129 = tpu.memref_slice %arg6[%dma_start3A_127, %dma_start3A_128] : memref<320x128xf32, #tpu.memory_space<vmem>> -> memref<80x128xf32, #tpu.memory_space<vmem>>
      %dma_start3A_130 = arith.constant 0 : i32
      %dma_start3A_131 = tpu.memref_slice %arg5[%dma_start3A_125, %dma_start3A_126, %dma_start3A_130] : memref<4x32x80xi32, #tpu.memory_space<vmem>> -> memref<1x1x80xi32, #tpu.memory_space<vmem>>
      %dma_start3A_132 = tpu.memref_squeeze %dma_start3A_131 : memref<1x1x80xi32, #tpu.memory_space<vmem>> -> memref<80xi32, #tpu.memory_space<vmem>>
      %dma_start3A_133 = arith.constant 0 : i32
      %dma_start3A_134 = arith.constant 0 : i32
      %dma_start3A_135 = tpu.memref_slice %arg2[%dma_start3A_133, %dma_start3A_134] : memref<10000x128xf32, #tpu.memory_space<hbm>> -> memref<10000x128xf32, #tpu.memory_space<hbm>>
      tpu.enqueue_indirect_dma source(%dma_start3A_135 : memref<10000x128xf32, #tpu.memory_space<hbm>>) target(%dma_start3A_129 : memref<80x128xf32, #tpu.memory_space<vmem>>) offsets(%dma_start3A_132 : memref<80xi32, #tpu.memory_space<vmem>>) semaphore(%arg10 : memref<!tpu.dma_semaphore, #tpu.memory_space<semaphore_mem>>) {add = true}
      %dma_start3A_136 = arith.constant 3 : i32
      %dma_start3A_137 = arith.constant 4 : i32
      %dma_start3A_138 = arith.constant 240 : i32
      %dma_start3A_139 = arith.constant 0 : i32
      %dma_start3A_140 = tpu.memref_slice %arg6[%dma_start3A_138, %dma_start3A_139] : memref<320x128xf32, #tpu.memory_space<vmem>> -> memref<80x128xf32, #tpu.memory_space<vmem>>
      %dma_start3A_141 = arith.constant 0 : i32
      %dma_start3A_142 = tpu.memref_slice %arg5[%dma_start3A_136, %dma_start3A_137, %dma_start3A_141] : memref<4x32x80xi32, #tpu.memory_space<vmem>> -> memref<1x1x80xi32, #tpu.memory_space<vmem>>
      %dma_start3A_143 = tpu.memref_squeeze %dma_start3A_142 : memref<1x1x80xi32, #tpu.memory_space<vmem>> -> memref<80xi32, #tpu.memory_space<vmem>>
      %dma_start3A_144 = arith.constant 0 : i32
      %dma_start3A_145 = arith.constant 0 : i32
      %dma_start3A_146 = tpu.memref_slice %arg2[%dma_start3A_144, %dma_start3A_145] : memref<10000x128xf32, #tpu.memory_space<hbm>> -> memref<10000x128xf32, #tpu.memory_space<hbm>>
      tpu.enqueue_indirect_dma source(%dma_start3A_146 : memref<10000x128xf32, #tpu.memory_space<hbm>>) target(%dma_start3A_140 : memref<80x128xf32, #tpu.memory_space<vmem>>) offsets(%dma_start3A_143 : memref<80xi32, #tpu.memory_space<vmem>>) semaphore(%arg10 : memref<!tpu.dma_semaphore, #tpu.memory_space<semaphore_mem>>) {add = true}
      %dma_start3A_147 = arith.constant 3 : i32
      %dma_start3A_148 = arith.constant 5 : i32
      %dma_start3A_149 = arith.constant 240 : i32
      %dma_start3A_150 = arith.constant 0 : i32
      %dma_start3A_151 = tpu.memref_slice %arg6[%dma_start3A_149, %dma_start3A_150] : memref<320x128xf32, #tpu.memory_space<vmem>> -> memref<80x128xf32, #tpu.memory_space<vmem>>
      %dma_start3A_152 = arith.constant 0 : i32
      %dma_start3A_153 = tpu.memref_slice %arg5[%dma_start3A_147, %dma_start3A_148, %dma_start3A_152] : memref<4x32x80xi32, #tpu.memory_space<vmem>> -> memref<1x1x80xi32, #tpu.memory_space<vmem>>
      %dma_start3A_154 = tpu.memref_squeeze %dma_start3A_153 : memref<1x1x80xi32, #tpu.memory_space<vmem>> -> memref<80xi32, #tpu.memory_space<vmem>>
      %dma_start3A_155 = arith.constant 0 : i32
      %dma_start3A_156 = arith.constant 0 : i32
      %dma_start3A_157 = tpu.memref_slice %arg2[%dma_start3A_155, %dma_start3A_156] : memref<10000x128xf32, #tpu.memory_space<hbm>> -> memref<10000x128xf32, #tpu.memory_space<hbm>>
      tpu.enqueue_indirect_dma source(%dma_start3A_157 : memref<10000x128xf32, #tpu.memory_space<hbm>>) target(%dma_start3A_151 : memref<80x128xf32, #tpu.memory_space<vmem>>) offsets(%dma_start3A_154 : memref<80xi32, #tpu.memory_space<vmem>>) semaphore(%arg10 : memref<!tpu.dma_semaphore, #tpu.memory_space<semaphore_mem>>) {add = true}
      %dma_start3A_158 = arith.constant 3 : i32
      %dma_start3A_159 = arith.constant 6 : i32
      %dma_start3A_160 = arith.constant 240 : i32
      %dma_start3A_161 = arith.constant 0 : i32
      %dma_start3A_162 = tpu.memref_slice %arg6[%dma_start3A_160, %dma_start3A_161] : memref<320x128xf32, #tpu.memory_space<vmem>> -> memref<80x128xf32, #tpu.memory_space<vmem>>
      %dma_start3A_163 = arith.constant 0 : i32
      %dma_start3A_164 = tpu.memref_slice %arg5[%dma_start3A_158, %dma_start3A_159, %dma_start3A_163] : memref<4x32x80xi32, #tpu.memory_space<vmem>> -> memref<1x1x80xi32, #tpu.memory_space<vmem>>
      %dma_start3A_165 = tpu.memref_squeeze %dma_start3A_164 : memref<1x1x80xi32, #tpu.memory_space<vmem>> -> memref<80xi32, #tpu.memory_space<vmem>>
      %dma_start3A_166 = arith.constant 0 : i32
      %dma_start3A_167 = arith.constant 0 : i32
      %dma_start3A_168 = tpu.memref_slice %arg2[%dma_start3A_166, %dma_start3A_167] : memref<10000x128xf32, #tpu.memory_space<hbm>> -> memref<10000x128xf32, #tpu.memory_space<hbm>>
      tpu.enqueue_indirect_dma source(%dma_start3A_168 : memref<10000x128xf32, #tpu.memory_space<hbm>>) target(%dma_start3A_162 : memref<80x128xf32, #tpu.memory_space<vmem>>) offsets(%dma_start3A_165 : memref<80xi32, #tpu.memory_space<vmem>>) semaphore(%arg10 : memref<!tpu.dma_semaphore, #tpu.memory_space<semaphore_mem>>) {add = true}
      %dma_start3A_169 = arith.constant 3 : i32
      %dma_start3A_170 = arith.constant 7 : i32
      %dma_start3A_171 = arith.constant 240 : i32
      %dma_start3A_172 = arith.constant 0 : i32
      %dma_start3A_173 = tpu.memref_slice %arg6[%dma_start3A_171, %dma_start3A_172] : memref<320x128xf32, #tpu.memory_space<vmem>> -> memref<80x128xf32, #tpu.memory_space<vmem>>
      %dma_start3A_174 = arith.constant 0 : i32
      %dma_start3A_175 = tpu.memref_slice %arg5[%dma_start3A_169, %dma_start3A_170, %dma_start3A_174] : memref<4x32x80xi32, #tpu.memory_space<vmem>> -> memref<1x1x80xi32, #tpu.memory_space<vmem>>
      %dma_start3A_176 = tpu.memref_squeeze %dma_start3A_175 : memref<1x1x80xi32, #tpu.memory_space<vmem>> -> memref<80xi32, #tpu.memory_space<vmem>>
      %dma_start3A_177 = arith.constant 0 : i32
      %dma_start3A_178 = arith.constant 0 : i32
      %dma_start3A_179 = tpu.memref_slice %arg2[%dma_start3A_177, %dma_start3A_178] : memref<10000x128xf32, #tpu.memory_space<hbm>> -> memref<10000x128xf32, #tpu.memory_space<hbm>>
      tpu.enqueue_indirect_dma source(%dma_start3A_179 : memref<10000x128xf32, #tpu.memory_space<hbm>>) target(%dma_start3A_173 : memref<80x128xf32, #tpu.memory_space<vmem>>) offsets(%dma_start3A_176 : memref<80xi32, #tpu.memory_space<vmem>>) semaphore(%arg10 : memref<!tpu.dma_semaphore, #tpu.memory_space<semaphore_mem>>) {add = true}
      %dma_start3A_180 = arith.constant 3 : i32
      %dma_start3A_181 = arith.constant 8 : i32
      %dma_start3A_182 = arith.constant 240 : i32
      %dma_start3A_183 = arith.constant 0 : i32
      %dma_start3A_184 = tpu.memref_slice %arg6[%dma_start3A_182, %dma_start3A_183] : memref<320x128xf32, #tpu.memory_space<vmem>> -> memref<80x128xf32, #tpu.memory_space<vmem>>
      %dma_start3A_185 = arith.constant 0 : i32
      %dma_start3A_186 = tpu.memref_slice %arg5[%dma_start3A_180, %dma_start3A_181, %dma_start3A_185] : memref<4x32x80xi32, #tpu.memory_space<vmem>> -> memref<1x1x80xi32, #tpu.memory_space<vmem>>
      %dma_start3A_187 = tpu.memref_squeeze %dma_start3A_186 : memref<1x1x80xi32, #tpu.memory_space<vmem>> -> memref<80xi32, #tpu.memory_space<vmem>>
      %dma_start3A_188 = arith.constant 0 : i32
      %dma_start3A_189 = arith.constant 0 : i32
      %dma_start3A_190 = tpu.memref_slice %arg2[%dma_start3A_188, %dma_start3A_189] : memref<10000x128xf32, #tpu.memory_space<hbm>> -> memref<10000x128xf32, #tpu.memory_space<hbm>>
      tpu.enqueue_indirect_dma source(%dma_start3A_190 : memref<10000x128xf32, #tpu.memory_space<hbm>>) target(%dma_start3A_184 : memref<80x128xf32, #tpu.memory_space<vmem>>) offsets(%dma_start3A_187 : memref<80xi32, #tpu.memory_space<vmem>>) semaphore(%arg10 : memref<!tpu.dma_semaphore, #tpu.memory_space<semaphore_mem>>) {add = true}
      %dma_start3A_191 = arith.constant 3 : i32
      %dma_start3A_192 = arith.constant 9 : i32
      %dma_start3A_193 = arith.constant 240 : i32
      %dma_start3A_194 = arith.constant 0 : i32
      %dma_start3A_195 = tpu.memref_slice %arg6[%dma_start3A_193, %dma_start3A_194] : memref<320x128xf32, #tpu.memory_space<vmem>> -> memref<80x128xf32, #tpu.memory_space<vmem>>
      %dma_start3A_196 = arith.constant 0 : i32
      %dma_start3A_197 = tpu.memref_slice %arg5[%dma_start3A_191, %dma_start3A_192, %dma_start3A_196] : memref<4x32x80xi32, #tpu.memory_space<vmem>> -> memref<1x1x80xi32, #tpu.memory_space<vmem>>
      %dma_start3A_198 = tpu.memref_squeeze %dma_start3A_197 : memref<1x1x80xi32, #tpu.memory_space<vmem>> -> memref<80xi32, #tpu.memory_space<vmem>>
      %dma_start3A_199 = arith.constant 0 : i32
      %dma_start3A_200 = arith.constant 0 : i32
      %dma_start3A_201 = tpu.memref_slice %arg2[%dma_start3A_199, %dma_start3A_200] : memref<10000x128xf32, #tpu.memory_space<hbm>> -> memref<10000x128xf32, #tpu.memory_space<hbm>>
      tpu.enqueue_indirect_dma source(%dma_start3A_201 : memref<10000x128xf32, #tpu.memory_space<hbm>>) target(%dma_start3A_195 : memref<80x128xf32, #tpu.memory_space<vmem>>) offsets(%dma_start3A_198 : memref<80xi32, #tpu.memory_space<vmem>>) semaphore(%arg10 : memref<!tpu.dma_semaphore, #tpu.memory_space<semaphore_mem>>) {add = true}
      %dma_start3A_202 = arith.constant 3 : i32
      %dma_start3A_203 = arith.constant 10 : i32
      %dma_start3A_204 = arith.constant 240 : i32
      %dma_start3A_205 = arith.constant 0 : i32
      %dma_start3A_206 = tpu.memref_slice %arg6[%dma_start3A_204, %dma_start3A_205] : memref<320x128xf32, #tpu.memory_space<vmem>> -> memref<80x128xf32, #tpu.memory_space<vmem>>
      %dma_start3A_207 = arith.constant 0 : i32
      %dma_start3A_208 = tpu.memref_slice %arg5[%dma_start3A_202, %dma_start3A_203, %dma_start3A_207] : memref<4x32x80xi32, #tpu.memory_space<vmem>> -> memref<1x1x80xi32, #tpu.memory_space<vmem>>
      %dma_start3A_209 = tpu.memref_squeeze %dma_start3A_208 : memref<1x1x80xi32, #tpu.memory_space<vmem>> -> memref<80xi32, #tpu.memory_space<vmem>>
      %dma_start3A_210 = arith.constant 0 : i32
      %dma_start3A_211 = arith.constant 0 : i32
      %dma_start3A_212 = tpu.memref_slice %arg2[%dma_start3A_210, %dma_start3A_211] : memref<10000x128xf32, #tpu.memory_space<hbm>> -> memref<10000x128xf32, #tpu.memory_space<hbm>>
      tpu.enqueue_indirect_dma source(%dma_start3A_212 : memref<10000x128xf32, #tpu.memory_space<hbm>>) target(%dma_start3A_206 : memref<80x128xf32, #tpu.memory_space<vmem>>) offsets(%dma_start3A_209 : memref<80xi32, #tpu.memory_space<vmem>>) semaphore(%arg10 : memref<!tpu.dma_semaphore, #tpu.memory_space<semaphore_mem>>) {add = true}
      %dma_start3A_213 = arith.constant 3 : i32
      %dma_start3A_214 = arith.constant 11 : i32
      %dma_start3A_215 = arith.constant 240 : i32
      %dma_start3A_216 = arith.constant 0 : i32
      %dma_start3A_217 = tpu.memref_slice %arg6[%dma_start3A_215, %dma_start3A_216] : memref<320x128xf32, #tpu.memory_space<vmem>> -> memref<80x128xf32, #tpu.memory_space<vmem>>
      %dma_start3A_218 = arith.constant 0 : i32
      %dma_start3A_219 = tpu.memref_slice %arg5[%dma_start3A_213, %dma_start3A_214, %dma_start3A_218] : memref<4x32x80xi32, #tpu.memory_space<vmem>> -> memref<1x1x80xi32, #tpu.memory_space<vmem>>
      %dma_start3A_220 = tpu.memref_squeeze %dma_start3A_219 : memref<1x1x80xi32, #tpu.memory_space<vmem>> -> memref<80xi32, #tpu.memory_space<vmem>>
      %dma_start3A_221 = arith.constant 0 : i32
      %dma_start3A_222 = arith.constant 0 : i32
      %dma_start3A_223 = tpu.memref_slice %arg2[%dma_start3A_221, %dma_start3A_222] : memref<10000x128xf32, #tpu.memory_space<hbm>> -> memref<10000x128xf32, #tpu.memory_space<hbm>>
      tpu.enqueue_indirect_dma source(%dma_start3A_223 : memref<10000x128xf32, #tpu.memory_space<hbm>>) target(%dma_start3A_217 : memref<80x128xf32, #tpu.memory_space<vmem>>) offsets(%dma_start3A_220 : memref<80xi32, #tpu.memory_space<vmem>>) semaphore(%arg10 : memref<!tpu.dma_semaphore, #tpu.memory_space<semaphore_mem>>) {add = true}
      %dma_start3A_224 = arith.constant 3 : i32
      %dma_start3A_225 = arith.constant 12 : i32
      %dma_start3A_226 = arith.constant 240 : i32
      %dma_start3A_227 = arith.constant 0 : i32
      %dma_start3A_228 = tpu.memref_slice %arg6[%dma_start3A_226, %dma_start3A_227] : memref<320x128xf32, #tpu.memory_space<vmem>> -> memref<80x128xf32, #tpu.memory_space<vmem>>
      %dma_start3A_229 = arith.constant 0 : i32
      %dma_start3A_230 = tpu.memref_slice %arg5[%dma_start3A_224, %dma_start3A_225, %dma_start3A_229] : memref<4x32x80xi32, #tpu.memory_space<vmem>> -> memref<1x1x80xi32, #tpu.memory_space<vmem>>
      %dma_start3A_231 = tpu.memref_squeeze %dma_start3A_230 : memref<1x1x80xi32, #tpu.memory_space<vmem>> -> memref<80xi32, #tpu.memory_space<vmem>>
      %dma_start3A_232 = arith.constant 0 : i32
      %dma_start3A_233 = arith.constant 0 : i32
      %dma_start3A_234 = tpu.memref_slice %arg2[%dma_start3A_232, %dma_start3A_233] : memref<10000x128xf32, #tpu.memory_space<hbm>> -> memref<10000x128xf32, #tpu.memory_space<hbm>>
      tpu.enqueue_indirect_dma source(%dma_start3A_234 : memref<10000x128xf32, #tpu.memory_space<hbm>>) target(%dma_start3A_228 : memref<80x128xf32, #tpu.memory_space<vmem>>) offsets(%dma_start3A_231 : memref<80xi32, #tpu.memory_space<vmem>>) semaphore(%arg10 : memref<!tpu.dma_semaphore, #tpu.memory_space<semaphore_mem>>) {add = true}
      %dma_start3A_235 = arith.constant 3 : i32
      %dma_start3A_236 = arith.constant 13 : i32
      %dma_start3A_237 = arith.constant 240 : i32
      %dma_start3A_238 = arith.constant 0 : i32
      %dma_start3A_239 = tpu.memref_slice %arg6[%dma_start3A_237, %dma_start3A_238] : memref<320x128xf32, #tpu.memory_space<vmem>> -> memref<80x128xf32, #tpu.memory_space<vmem>>
      %dma_start3A_240 = arith.constant 0 : i32
      %dma_start3A_241 = tpu.memref_slice %arg5[%dma_start3A_235, %dma_start3A_236, %dma_start3A_240] : memref<4x32x80xi32, #tpu.memory_space<vmem>> -> memref<1x1x80xi32, #tpu.memory_space<vmem>>
      %dma_start3A_242 = tpu.memref_squeeze %dma_start3A_241 : memref<1x1x80xi32, #tpu.memory_space<vmem>> -> memref<80xi32, #tpu.memory_space<vmem>>
      %dma_start3A_243 = arith.constant 0 : i32
      %dma_start3A_244 = arith.constant 0 : i32
      %dma_start3A_245 = tpu.memref_slice %arg2[%dma_start3A_243, %dma_start3A_244] : memref<10000x128xf32, #tpu.memory_space<hbm>> -> memref<10000x128xf32, #tpu.memory_space<hbm>>
      tpu.enqueue_indirect_dma source(%dma_start3A_245 : memref<10000x128xf32, #tpu.memory_space<hbm>>) target(%dma_start3A_239 : memref<80x128xf32, #tpu.memory_space<vmem>>) offsets(%dma_start3A_242 : memref<80xi32, #tpu.memory_space<vmem>>) semaphore(%arg10 : memref<!tpu.dma_semaphore, #tpu.memory_space<semaphore_mem>>) {add = true}
      %dma_start3A_246 = arith.constant 3 : i32
      %dma_start3A_247 = arith.constant 14 : i32
      %dma_start3A_248 = arith.constant 240 : i32
      %dma_start3A_249 = arith.constant 0 : i32
      %dma_start3A_250 = tpu.memref_slice %arg6[%dma_start3A_248, %dma_start3A_249] : memref<320x128xf32, #tpu.memory_space<vmem>> -> memref<80x128xf32, #tpu.memory_space<vmem>>
      %dma_start3A_251 = arith.constant 0 : i32
      %dma_start3A_252 = tpu.memref_slice %arg5[%dma_start3A_246, %dma_start3A_247, %dma_start3A_251] : memref<4x32x80xi32, #tpu.memory_space<vmem>> -> memref<1x1x80xi32, #tpu.memory_space<vmem>>
      %dma_start3A_253 = tpu.memref_squeeze %dma_start3A_252 : memref<1x1x80xi32, #tpu.memory_space<vmem>> -> memref<80xi32, #tpu.memory_space<vmem>>
      %dma_start3A_254 = arith.constant 0 : i32
      %dma_start3A_255 = arith.constant 0 : i32
      %dma_start3A_256 = tpu.memref_slice %arg2[%dma_start3A_254, %dma_start3A_255] : memref<10000x128xf32, #tpu.memory_space<hbm>> -> memref<10000x128xf32, #tpu.memory_space<hbm>>
      tpu.enqueue_indirect_dma source(%dma_start3A_256 : memref<10000x128xf32, #tpu.memory_space<hbm>>) target(%dma_start3A_250 : memref<80x128xf32, #tpu.memory_space<vmem>>) offsets(%dma_start3A_253 : memref<80xi32, #tpu.memory_space<vmem>>) semaphore(%arg10 : memref<!tpu.dma_semaphore, #tpu.memory_space<semaphore_mem>>) {add = true}
      %dma_start3A_257 = arith.constant 3 : i32
      %dma_start3A_258 = arith.constant 15 : i32
      %dma_start3A_259 = arith.constant 240 : i32
      %dma_start3A_260 = arith.constant 0 : i32
      %dma_start3A_261 = tpu.memref_slice %arg6[%dma_start3A_259, %dma_start3A_260] : memref<320x128xf32, #tpu.memory_space<vmem>> -> memref<80x128xf32, #tpu.memory_space<vmem>>
      %dma_start3A_262 = arith.constant 0 : i32
      %dma_start3A_263 = tpu.memref_slice %arg5[%dma_start3A_257, %dma_start3A_258, %dma_start3A_262] : memref<4x32x80xi32, #tpu.memory_space<vmem>> -> memref<1x1x80xi32, #tpu.memory_space<vmem>>
      %dma_start3A_264 = tpu.memref_squeeze %dma_start3A_263 : memref<1x1x80xi32, #tpu.memory_space<vmem>> -> memref<80xi32, #tpu.memory_space<vmem>>
      %dma_start3A_265 = arith.constant 0 : i32
      %dma_start3A_266 = arith.constant 0 : i32
      %dma_start3A_267 = tpu.memref_slice %arg2[%dma_start3A_265, %dma_start3A_266] : memref<10000x128xf32, #tpu.memory_space<hbm>> -> memref<10000x128xf32, #tpu.memory_space<hbm>>
      tpu.enqueue_indirect_dma source(%dma_start3A_267 : memref<10000x128xf32, #tpu.memory_space<hbm>>) target(%dma_start3A_261 : memref<80x128xf32, #tpu.memory_space<vmem>>) offsets(%dma_start3A_264 : memref<80xi32, #tpu.memory_space<vmem>>) semaphore(%arg10 : memref<!tpu.dma_semaphore, #tpu.memory_space<semaphore_mem>>) {add = true}
      %dma_start3A_268 = arith.constant 3 : i32
      %dma_start3A_269 = arith.constant 16 : i32
      %dma_start3A_270 = arith.constant 240 : i32
      %dma_start3A_271 = arith.constant 0 : i32
      %dma_start3A_272 = tpu.memref_slice %arg6[%dma_start3A_270, %dma_start3A_271] : memref<320x128xf32, #tpu.memory_space<vmem>> -> memref<80x128xf32, #tpu.memory_space<vmem>>
      %dma_start3A_273 = arith.constant 0 : i32
      %dma_start3A_274 = tpu.memref_slice %arg5[%dma_start3A_268, %dma_start3A_269, %dma_start3A_273] : memref<4x32x80xi32, #tpu.memory_space<vmem>> -> memref<1x1x80xi32, #tpu.memory_space<vmem>>
      %dma_start3A_275 = tpu.memref_squeeze %dma_start3A_274 : memref<1x1x80xi32, #tpu.memory_space<vmem>> -> memref<80xi32, #tpu.memory_space<vmem>>
      %dma_start3A_276 = arith.constant 0 : i32
      %dma_start3A_277 = arith.constant 0 : i32
      %dma_start3A_278 = tpu.memref_slice %arg2[%dma_start3A_276, %dma_start3A_277] : memref<10000x128xf32, #tpu.memory_space<hbm>> -> memref<10000x128xf32, #tpu.memory_space<hbm>>
      tpu.enqueue_indirect_dma source(%dma_start3A_278 : memref<10000x128xf32, #tpu.memory_space<hbm>>) target(%dma_start3A_272 : memref<80x128xf32, #tpu.memory_space<vmem>>) offsets(%dma_start3A_275 : memref<80xi32, #tpu.memory_space<vmem>>) semaphore(%arg10 : memref<!tpu.dma_semaphore, #tpu.memory_space<semaphore_mem>>) {add = true}
      %dma_start3A_279 = arith.constant 3 : i32
      %dma_start3A_280 = arith.constant 17 : i32
      %dma_start3A_281 = arith.constant 240 : i32
      %dma_start3A_282 = arith.constant 0 : i32
      %dma_start3A_283 = tpu.memref_slice %arg6[%dma_start3A_281, %dma_start3A_282] : memref<320x128xf32, #tpu.memory_space<vmem>> -> memref<80x128xf32, #tpu.memory_space<vmem>>
      %dma_start3A_284 = arith.constant 0 : i32
      %dma_start3A_285 = tpu.memref_slice %arg5[%dma_start3A_279, %dma_start3A_280, %dma_start3A_284] : memref<4x32x80xi32, #tpu.memory_space<vmem>> -> memref<1x1x80xi32, #tpu.memory_space<vmem>>
      %dma_start3A_286 = tpu.memref_squeeze %dma_start3A_285 : memref<1x1x80xi32, #tpu.memory_space<vmem>> -> memref<80xi32, #tpu.memory_space<vmem>>
      %dma_start3A_287 = arith.constant 0 : i32
      %dma_start3A_288 = arith.constant 0 : i32
      %dma_start3A_289 = tpu.memref_slice %arg2[%dma_start3A_287, %dma_start3A_288] : memref<10000x128xf32, #tpu.memory_space<hbm>> -> memref<10000x128xf32, #tpu.memory_space<hbm>>
      tpu.enqueue_indirect_dma source(%dma_start3A_289 : memref<10000x128xf32, #tpu.memory_space<hbm>>) target(%dma_start3A_283 : memref<80x128xf32, #tpu.memory_space<vmem>>) offsets(%dma_start3A_286 : memref<80xi32, #tpu.memory_space<vmem>>) semaphore(%arg10 : memref<!tpu.dma_semaphore, #tpu.memory_space<semaphore_mem>>) {add = true}
      %dma_start3A_290 = arith.constant 3 : i32
      %dma_start3A_291 = arith.constant 18 : i32
      %dma_start3A_292 = arith.constant 240 : i32
      %dma_start3A_293 = arith.constant 0 : i32
      %dma_start3A_294 = tpu.memref_slice %arg6[%dma_start3A_292, %dma_start3A_293] : memref<320x128xf32, #tpu.memory_space<vmem>> -> memref<80x128xf32, #tpu.memory_space<vmem>>
      %dma_start3A_295 = arith.constant 0 : i32
      %dma_start3A_296 = tpu.memref_slice %arg5[%dma_start3A_290, %dma_start3A_291, %dma_start3A_295] : memref<4x32x80xi32, #tpu.memory_space<vmem>> -> memref<1x1x80xi32, #tpu.memory_space<vmem>>
      %dma_start3A_297 = tpu.memref_squeeze %dma_start3A_296 : memref<1x1x80xi32, #tpu.memory_space<vmem>> -> memref<80xi32, #tpu.memory_space<vmem>>
      %dma_start3A_298 = arith.constant 0 : i32
      %dma_start3A_299 = arith.constant 0 : i32
      %dma_start3A_300 = tpu.memref_slice %arg2[%dma_start3A_298, %dma_start3A_299] : memref<10000x128xf32, #tpu.memory_space<hbm>> -> memref<10000x128xf32, #tpu.memory_space<hbm>>
      tpu.enqueue_indirect_dma source(%dma_start3A_300 : memref<10000x128xf32, #tpu.memory_space<hbm>>) target(%dma_start3A_294 : memref<80x128xf32, #tpu.memory_space<vmem>>) offsets(%dma_start3A_297 : memref<80xi32, #tpu.memory_space<vmem>>) semaphore(%arg10 : memref<!tpu.dma_semaphore, #tpu.memory_space<semaphore_mem>>) {add = true}
      %dma_start3A_301 = arith.constant 3 : i32
      %dma_start3A_302 = arith.constant 19 : i32
      %dma_start3A_303 = arith.constant 240 : i32
      %dma_start3A_304 = arith.constant 0 : i32
      %dma_start3A_305 = tpu.memref_slice %arg6[%dma_start3A_303, %dma_start3A_304] : memref<320x128xf32, #tpu.memory_space<vmem>> -> memref<80x128xf32, #tpu.memory_space<vmem>>
      %dma_start3A_306 = arith.constant 0 : i32
      %dma_start3A_307 = tpu.memref_slice %arg5[%dma_start3A_301, %dma_start3A_302, %dma_start3A_306] : memref<4x32x80xi32, #tpu.memory_space<vmem>> -> memref<1x1x80xi32, #tpu.memory_space<vmem>>
      %dma_start3A_308 = tpu.memref_squeeze %dma_start3A_307 : memref<1x1x80xi32, #tpu.memory_space<vmem>> -> memref<80xi32, #tpu.memory_space<vmem>>
      %dma_start3A_309 = arith.constant 0 : i32
      %dma_start3A_310 = arith.constant 0 : i32
      %dma_start3A_311 = tpu.memref_slice %arg2[%dma_start3A_309, %dma_start3A_310] : memref<10000x128xf32, #tpu.memory_space<hbm>> -> memref<10000x128xf32, #tpu.memory_space<hbm>>
      tpu.enqueue_indirect_dma source(%dma_start3A_311 : memref<10000x128xf32, #tpu.memory_space<hbm>>) target(%dma_start3A_305 : memref<80x128xf32, #tpu.memory_space<vmem>>) offsets(%dma_start3A_308 : memref<80xi32, #tpu.memory_space<vmem>>) semaphore(%arg10 : memref<!tpu.dma_semaphore, #tpu.memory_space<semaphore_mem>>) {add = true}
      %dma_start3A_312 = arith.constant 3 : i32
      %dma_start3A_313 = arith.constant 20 : i32
      %dma_start3A_314 = arith.constant 240 : i32
      %dma_start3A_315 = arith.constant 0 : i32
      %dma_start3A_316 = tpu.memref_slice %arg6[%dma_start3A_314, %dma_start3A_315] : memref<320x128xf32, #tpu.memory_space<vmem>> -> memref<80x128xf32, #tpu.memory_space<vmem>>
      %dma_start3A_317 = arith.constant 0 : i32
      %dma_start3A_318 = tpu.memref_slice %arg5[%dma_start3A_312, %dma_start3A_313, %dma_start3A_317] : memref<4x32x80xi32, #tpu.memory_space<vmem>> -> memref<1x1x80xi32, #tpu.memory_space<vmem>>
      %dma_start3A_319 = tpu.memref_squeeze %dma_start3A_318 : memref<1x1x80xi32, #tpu.memory_space<vmem>> -> memref<80xi32, #tpu.memory_space<vmem>>
      %dma_start3A_320 = arith.constant 0 : i32
      %dma_start3A_321 = arith.constant 0 : i32
      %dma_start3A_322 = tpu.memref_slice %arg2[%dma_start3A_320, %dma_start3A_321] : memref<10000x128xf32, #tpu.memory_space<hbm>> -> memref<10000x128xf32, #tpu.memory_space<hbm>>
      tpu.enqueue_indirect_dma source(%dma_start3A_322 : memref<10000x128xf32, #tpu.memory_space<hbm>>) target(%dma_start3A_316 : memref<80x128xf32, #tpu.memory_space<vmem>>) offsets(%dma_start3A_319 : memref<80xi32, #tpu.memory_space<vmem>>) semaphore(%arg10 : memref<!tpu.dma_semaphore, #tpu.memory_space<semaphore_mem>>) {add = true}
      %dma_start3A_323 = arith.constant 3 : i32
      %dma_start3A_324 = arith.constant 21 : i32
      %dma_start3A_325 = arith.constant 240 : i32
      %dma_start3A_326 = arith.constant 0 : i32
      %dma_start3A_327 = tpu.memref_slice %arg6[%dma_start3A_325, %dma_start3A_326] : memref<320x128xf32, #tpu.memory_space<vmem>> -> memref<80x128xf32, #tpu.memory_space<vmem>>
      %dma_start3A_328 = arith.constant 0 : i32
      %dma_start3A_329 = tpu.memref_slice %arg5[%dma_start3A_323, %dma_start3A_324, %dma_start3A_328] : memref<4x32x80xi32, #tpu.memory_space<vmem>> -> memref<1x1x80xi32, #tpu.memory_space<vmem>>
      %dma_start3A_330 = tpu.memref_squeeze %dma_start3A_329 : memref<1x1x80xi32, #tpu.memory_space<vmem>> -> memref<80xi32, #tpu.memory_space<vmem>>
      %dma_start3A_331 = arith.constant 0 : i32
      %dma_start3A_332 = arith.constant 0 : i32
      %dma_start3A_333 = tpu.memref_slice %arg2[%dma_start3A_331, %dma_start3A_332] : memref<10000x128xf32, #tpu.memory_space<hbm>> -> memref<10000x128xf32, #tpu.memory_space<hbm>>
      tpu.enqueue_indirect_dma source(%dma_start3A_333 : memref<10000x128xf32, #tpu.memory_space<hbm>>) target(%dma_start3A_327 : memref<80x128xf32, #tpu.memory_space<vmem>>) offsets(%dma_start3A_330 : memref<80xi32, #tpu.memory_space<vmem>>) semaphore(%arg10 : memref<!tpu.dma_semaphore, #tpu.memory_space<semaphore_mem>>) {add = true}
      %dma_start3A_334 = arith.constant 3 : i32
      %dma_start3A_335 = arith.constant 22 : i32
      %dma_start3A_336 = arith.constant 240 : i32
      %dma_start3A_337 = arith.constant 0 : i32
      %dma_start3A_338 = tpu.memref_slice %arg6[%dma_start3A_336, %dma_start3A_337] : memref<320x128xf32, #tpu.memory_space<vmem>> -> memref<80x128xf32, #tpu.memory_space<vmem>>
      %dma_start3A_339 = arith.constant 0 : i32
      %dma_start3A_340 = tpu.memref_slice %arg5[%dma_start3A_334, %dma_start3A_335, %dma_start3A_339] : memref<4x32x80xi32, #tpu.memory_space<vmem>> -> memref<1x1x80xi32, #tpu.memory_space<vmem>>
      %dma_start3A_341 = tpu.memref_squeeze %dma_start3A_340 : memref<1x1x80xi32, #tpu.memory_space<vmem>> -> memref<80xi32, #tpu.memory_space<vmem>>
      %dma_start3A_342 = arith.constant 0 : i32
      %dma_start3A_343 = arith.constant 0 : i32
      %dma_start3A_344 = tpu.memref_slice %arg2[%dma_start3A_342, %dma_start3A_343] : memref<10000x128xf32, #tpu.memory_space<hbm>> -> memref<10000x128xf32, #tpu.memory_space<hbm>>
      tpu.enqueue_indirect_dma source(%dma_start3A_344 : memref<10000x128xf32, #tpu.memory_space<hbm>>) target(%dma_start3A_338 : memref<80x128xf32, #tpu.memory_space<vmem>>) offsets(%dma_start3A_341 : memref<80xi32, #tpu.memory_space<vmem>>) semaphore(%arg10 : memref<!tpu.dma_semaphore, #tpu.memory_space<semaphore_mem>>) {add = true}
      %dma_start3A_345 = arith.constant 3 : i32
      %dma_start3A_346 = arith.constant 23 : i32
      %dma_start3A_347 = arith.constant 240 : i32
      %dma_start3A_348 = arith.constant 0 : i32
      %dma_start3A_349 = tpu.memref_slice %arg6[%dma_start3A_347, %dma_start3A_348] : memref<320x128xf32, #tpu.memory_space<vmem>> -> memref<80x128xf32, #tpu.memory_space<vmem>>
      %dma_start3A_350 = arith.constant 0 : i32
      %dma_start3A_351 = tpu.memref_slice %arg5[%dma_start3A_345, %dma_start3A_346, %dma_start3A_350] : memref<4x32x80xi32, #tpu.memory_space<vmem>> -> memref<1x1x80xi32, #tpu.memory_space<vmem>>
      %dma_start3A_352 = tpu.memref_squeeze %dma_start3A_351 : memref<1x1x80xi32, #tpu.memory_space<vmem>> -> memref<80xi32, #tpu.memory_space<vmem>>
      %dma_start3A_353 = arith.constant 0 : i32
      %dma_start3A_354 = arith.constant 0 : i32
      %dma_start3A_355 = tpu.memref_slice %arg2[%dma_start3A_353, %dma_start3A_354] : memref<10000x128xf32, #tpu.memory_space<hbm>> -> memref<10000x128xf32, #tpu.memory_space<hbm>>
      tpu.enqueue_indirect_dma source(%dma_start3A_355 : memref<10000x128xf32, #tpu.memory_space<hbm>>) target(%dma_start3A_349 : memref<80x128xf32, #tpu.memory_space<vmem>>) offsets(%dma_start3A_352 : memref<80xi32, #tpu.memory_space<vmem>>) semaphore(%arg10 : memref<!tpu.dma_semaphore, #tpu.memory_space<semaphore_mem>>) {add = true}
      %dma_start3A_356 = arith.constant 3 : i32
      %dma_start3A_357 = arith.constant 24 : i32
      %dma_start3A_358 = arith.constant 240 : i32
      %dma_start3A_359 = arith.constant 0 : i32
      %dma_start3A_360 = tpu.memref_slice %arg6[%dma_start3A_358, %dma_start3A_359] : memref<320x128xf32, #tpu.memory_space<vmem>> -> memref<80x128xf32, #tpu.memory_space<vmem>>
      %dma_start3A_361 = arith.constant 0 : i32
      %dma_start3A_362 = tpu.memref_slice %arg5[%dma_start3A_356, %dma_start3A_357, %dma_start3A_361] : memref<4x32x80xi32, #tpu.memory_space<vmem>> -> memref<1x1x80xi32, #tpu.memory_space<vmem>>
      %dma_start3A_363 = tpu.memref_squeeze %dma_start3A_362 : memref<1x1x80xi32, #tpu.memory_space<vmem>> -> memref<80xi32, #tpu.memory_space<vmem>>
      %dma_start3A_364 = arith.constant 0 : i32
      %dma_start3A_365 = arith.constant 0 : i32
      %dma_start3A_366 = tpu.memref_slice %arg2[%dma_start3A_364, %dma_start3A_365] : memref<10000x128xf32, #tpu.memory_space<hbm>> -> memref<10000x128xf32, #tpu.memory_space<hbm>>
      tpu.enqueue_indirect_dma source(%dma_start3A_366 : memref<10000x128xf32, #tpu.memory_space<hbm>>) target(%dma_start3A_360 : memref<80x128xf32, #tpu.memory_space<vmem>>) offsets(%dma_start3A_363 : memref<80xi32, #tpu.memory_space<vmem>>) semaphore(%arg10 : memref<!tpu.dma_semaphore, #tpu.memory_space<semaphore_mem>>) {add = true}
      %dma_start3A_367 = arith.constant 3 : i32
      %dma_start3A_368 = arith.constant 25 : i32
      %dma_start3A_369 = arith.constant 240 : i32
      %dma_start3A_370 = arith.constant 0 : i32
      %dma_start3A_371 = tpu.memref_slice %arg6[%dma_start3A_369, %dma_start3A_370] : memref<320x128xf32, #tpu.memory_space<vmem>> -> memref<80x128xf32, #tpu.memory_space<vmem>>
      %dma_start3A_372 = arith.constant 0 : i32
      %dma_start3A_373 = tpu.memref_slice %arg5[%dma_start3A_367, %dma_start3A_368, %dma_start3A_372] : memref<4x32x80xi32, #tpu.memory_space<vmem>> -> memref<1x1x80xi32, #tpu.memory_space<vmem>>
      %dma_start3A_374 = tpu.memref_squeeze %dma_start3A_373 : memref<1x1x80xi32, #tpu.memory_space<vmem>> -> memref<80xi32, #tpu.memory_space<vmem>>
      %dma_start3A_375 = arith.constant 0 : i32
      %dma_start3A_376 = arith.constant 0 : i32
      %dma_start3A_377 = tpu.memref_slice %arg2[%dma_start3A_375, %dma_start3A_376] : memref<10000x128xf32, #tpu.memory_space<hbm>> -> memref<10000x128xf32, #tpu.memory_space<hbm>>
      tpu.enqueue_indirect_dma source(%dma_start3A_377 : memref<10000x128xf32, #tpu.memory_space<hbm>>) target(%dma_start3A_371 : memref<80x128xf32, #tpu.memory_space<vmem>>) offsets(%dma_start3A_374 : memref<80xi32, #tpu.memory_space<vmem>>) semaphore(%arg10 : memref<!tpu.dma_semaphore, #tpu.memory_space<semaphore_mem>>) {add = true}
      %dma_start3A_378 = arith.constant 3 : i32
      %dma_start3A_379 = arith.constant 26 : i32
      %dma_start3A_380 = arith.constant 240 : i32
      %dma_start3A_381 = arith.constant 0 : i32
      %dma_start3A_382 = tpu.memref_slice %arg6[%dma_start3A_380, %dma_start3A_381] : memref<320x128xf32, #tpu.memory_space<vmem>> -> memref<80x128xf32, #tpu.memory_space<vmem>>
      %dma_start3A_383 = arith.constant 0 : i32
      %dma_start3A_384 = tpu.memref_slice %arg5[%dma_start3A_378, %dma_start3A_379, %dma_start3A_383] : memref<4x32x80xi32, #tpu.memory_space<vmem>> -> memref<1x1x80xi32, #tpu.memory_space<vmem>>
      %dma_start3A_385 = tpu.memref_squeeze %dma_start3A_384 : memref<1x1x80xi32, #tpu.memory_space<vmem>> -> memref<80xi32, #tpu.memory_space<vmem>>
      %dma_start3A_386 = arith.constant 0 : i32
      %dma_start3A_387 = arith.constant 0 : i32
      %dma_start3A_388 = tpu.memref_slice %arg2[%dma_start3A_386, %dma_start3A_387] : memref<10000x128xf32, #tpu.memory_space<hbm>> -> memref<10000x128xf32, #tpu.memory_space<hbm>>
      tpu.enqueue_indirect_dma source(%dma_start3A_388 : memref<10000x128xf32, #tpu.memory_space<hbm>>) target(%dma_start3A_382 : memref<80x128xf32, #tpu.memory_space<vmem>>) offsets(%dma_start3A_385 : memref<80xi32, #tpu.memory_space<vmem>>) semaphore(%arg10 : memref<!tpu.dma_semaphore, #tpu.memory_space<semaphore_mem>>) {add = true}
      %dma_start3A_389 = arith.constant 3 : i32
      %dma_start3A_390 = arith.constant 27 : i32
      %dma_start3A_391 = arith.constant 240 : i32
      %dma_start3A_392 = arith.constant 0 : i32
      %dma_start3A_393 = tpu.memref_slice %arg6[%dma_start3A_391, %dma_start3A_392] : memref<320x128xf32, #tpu.memory_space<vmem>> -> memref<80x128xf32, #tpu.memory_space<vmem>>
      %dma_start3A_394 = arith.constant 0 : i32
      %dma_start3A_395 = tpu.memref_slice %arg5[%dma_start3A_389, %dma_start3A_390, %dma_start3A_394] : memref<4x32x80xi32, #tpu.memory_space<vmem>> -> memref<1x1x80xi32, #tpu.memory_space<vmem>>
      %dma_start3A_396 = tpu.memref_squeeze %dma_start3A_395 : memref<1x1x80xi32, #tpu.memory_space<vmem>> -> memref<80xi32, #tpu.memory_space<vmem>>
      %dma_start3A_397 = arith.constant 0 : i32
      %dma_start3A_398 = arith.constant 0 : i32
      %dma_start3A_399 = tpu.memref_slice %arg2[%dma_start3A_397, %dma_start3A_398] : memref<10000x128xf32, #tpu.memory_space<hbm>> -> memref<10000x128xf32, #tpu.memory_space<hbm>>
      tpu.enqueue_indirect_dma source(%dma_start3A_399 : memref<10000x128xf32, #tpu.memory_space<hbm>>) target(%dma_start3A_393 : memref<80x128xf32, #tpu.memory_space<vmem>>) offsets(%dma_start3A_396 : memref<80xi32, #tpu.memory_space<vmem>>) semaphore(%arg10 : memref<!tpu.dma_semaphore, #tpu.memory_space<semaphore_mem>>) {add = true}
      %dma_start3A_400 = arith.constant 3 : i32
      %dma_start3A_401 = arith.constant 28 : i32
      %dma_start3A_402 = arith.constant 240 : i32
      %dma_start3A_403 = arith.constant 0 : i32
      %dma_start3A_404 = tpu.memref_slice %arg6[%dma_start3A_402, %dma_start3A_403] : memref<320x128xf32, #tpu.memory_space<vmem>> -> memref<80x128xf32, #tpu.memory_space<vmem>>
      %dma_start3A_405 = arith.constant 0 : i32
      %dma_start3A_406 = tpu.memref_slice %arg5[%dma_start3A_400, %dma_start3A_401, %dma_start3A_405] : memref<4x32x80xi32, #tpu.memory_space<vmem>> -> memref<1x1x80xi32, #tpu.memory_space<vmem>>
      %dma_start3A_407 = tpu.memref_squeeze %dma_start3A_406 : memref<1x1x80xi32, #tpu.memory_space<vmem>> -> memref<80xi32, #tpu.memory_space<vmem>>
      %dma_start3A_408 = arith.constant 0 : i32
      %dma_start3A_409 = arith.constant 0 : i32
      %dma_start3A_410 = tpu.memref_slice %arg2[%dma_start3A_408, %dma_start3A_409] : memref<10000x128xf32, #tpu.memory_space<hbm>> -> memref<10000x128xf32, #tpu.memory_space<hbm>>
      tpu.enqueue_indirect_dma source(%dma_start3A_410 : memref<10000x128xf32, #tpu.memory_space<hbm>>) target(%dma_start3A_404 : memref<80x128xf32, #tpu.memory_space<vmem>>) offsets(%dma_start3A_407 : memref<80xi32, #tpu.memory_space<vmem>>) semaphore(%arg10 : memref<!tpu.dma_semaphore, #tpu.memory_space<semaphore_mem>>) {add = true}
      %dma_start3A_411 = arith.constant 3 : i32
      %dma_start3A_412 = arith.constant 29 : i32
      %dma_start3A_413 = arith.constant 240 : i32
      %dma_start3A_414 = arith.constant 0 : i32
      %dma_start3A_415 = tpu.memref_slice %arg6[%dma_start3A_413, %dma_start3A_414] : memref<320x128xf32, #tpu.memory_space<vmem>> -> memref<80x128xf32, #tpu.memory_space<vmem>>
      %dma_start3A_416 = arith.constant 0 : i32
      %dma_start3A_417 = tpu.memref_slice %arg5[%dma_start3A_411, %dma_start3A_412, %dma_start3A_416] : memref<4x32x80xi32, #tpu.memory_space<vmem>> -> memref<1x1x80xi32, #tpu.memory_space<vmem>>
      %dma_start3A_418 = tpu.memref_squeeze %dma_start3A_417 : memref<1x1x80xi32, #tpu.memory_space<vmem>> -> memref<80xi32, #tpu.memory_space<vmem>>
      %dma_start3A_419 = arith.constant 0 : i32
      %dma_start3A_420 = arith.constant 0 : i32
      %dma_start3A_421 = tpu.memref_slice %arg2[%dma_start3A_419, %dma_start3A_420] : memref<10000x128xf32, #tpu.memory_space<hbm>> -> memref<10000x128xf32, #tpu.memory_space<hbm>>
      tpu.enqueue_indirect_dma source(%dma_start3A_421 : memref<10000x128xf32, #tpu.memory_space<hbm>>) target(%dma_start3A_415 : memref<80x128xf32, #tpu.memory_space<vmem>>) offsets(%dma_start3A_418 : memref<80xi32, #tpu.memory_space<vmem>>) semaphore(%arg10 : memref<!tpu.dma_semaphore, #tpu.memory_space<semaphore_mem>>) {add = true}
      %dma_start3A_422 = arith.constant 3 : i32
      %dma_start3A_423 = arith.constant 30 : i32
      %dma_start3A_424 = arith.constant 240 : i32
      %dma_start3A_425 = arith.constant 0 : i32
      %dma_start3A_426 = tpu.memref_slice %arg6[%dma_start3A_424, %dma_start3A_425] : memref<320x128xf32, #tpu.memory_space<vmem>> -> memref<80x128xf32, #tpu.memory_space<vmem>>
      %dma_start3A_427 = arith.constant 0 : i32
      %dma_start3A_428 = tpu.memref_slice %arg5[%dma_start3A_422, %dma_start3A_423, %dma_start3A_427] : memref<4x32x80xi32, #tpu.memory_space<vmem>> -> memref<1x1x80xi32, #tpu.memory_space<vmem>>
      %dma_start3A_429 = tpu.memref_squeeze %dma_start3A_428 : memref<1x1x80xi32, #tpu.memory_space<vmem>> -> memref<80xi32, #tpu.memory_space<vmem>>
      %dma_start3A_430 = arith.constant 0 : i32
      %dma_start3A_431 = arith.constant 0 : i32
      %dma_start3A_432 = tpu.memref_slice %arg2[%dma_start3A_430, %dma_start3A_431] : memref<10000x128xf32, #tpu.memory_space<hbm>> -> memref<10000x128xf32, #tpu.memory_space<hbm>>
      tpu.enqueue_indirect_dma source(%dma_start3A_432 : memref<10000x128xf32, #tpu.memory_space<hbm>>) target(%dma_start3A_426 : memref<80x128xf32, #tpu.memory_space<vmem>>) offsets(%dma_start3A_429 : memref<80xi32, #tpu.memory_space<vmem>>) semaphore(%arg10 : memref<!tpu.dma_semaphore, #tpu.memory_space<semaphore_mem>>) {add = true}
      %dma_start3A_433 = arith.constant 3 : i32
      %dma_start3A_434 = arith.constant 31 : i32
      %dma_start3A_435 = arith.constant 240 : i32
      %dma_start3A_436 = arith.constant 0 : i32
      %dma_start3A_437 = tpu.memref_slice %arg6[%dma_start3A_435, %dma_start3A_436] : memref<320x128xf32, #tpu.memory_space<vmem>> -> memref<80x128xf32, #tpu.memory_space<vmem>>
      %dma_start3A_438 = arith.constant 0 : i32
      %dma_start3A_439 = tpu.memref_slice %arg5[%dma_start3A_433, %dma_start3A_434, %dma_start3A_438] : memref<4x32x80xi32, #tpu.memory_space<vmem>> -> memref<1x1x80xi32, #tpu.memory_space<vmem>>
      %dma_start3A_440 = tpu.memref_squeeze %dma_start3A_439 : memref<1x1x80xi32, #tpu.memory_space<vmem>> -> memref<80xi32, #tpu.memory_space<vmem>>
      %dma_start3A_441 = arith.constant 0 : i32
      %dma_start3A_442 = arith.constant 0 : i32
      %dma_start3A_443 = tpu.memref_slice %arg2[%dma_start3A_441, %dma_start3A_442] : memref<10000x128xf32, #tpu.memory_space<hbm>> -> memref<10000x128xf32, #tpu.memory_space<hbm>>
      tpu.enqueue_indirect_dma source(%dma_start3A_443 : memref<10000x128xf32, #tpu.memory_space<hbm>>) target(%dma_start3A_437 : memref<80x128xf32, #tpu.memory_space<vmem>>) offsets(%dma_start3A_440 : memref<80xi32, #tpu.memory_space<vmem>>) semaphore(%arg10 : memref<!tpu.dma_semaphore, #tpu.memory_space<semaphore_mem>>) {add = true}
    } else {
    }
    %gt3A_47 = arith.constant 0 : i32
    %gt3A_48 = arith.cmpi sgt, %select_n3A, %gt3A_47 : i32
    %convert_element_type3A_49 = arith.extui %gt3A_48 : i1 to i32
    %cond3A_50 = arith.constant 0 : i32
    %cond3A_51 = arith.cmpi ne, %convert_element_type3A_49, %cond3A_50 : i32
    scf.if %cond3A_51 {
      %dma_wait3A = arith.constant 0 : i32
      %dma_wait3A_87 = arith.constant 0 : i32
      %dma_wait3A_88 = arith.constant 0 : i32
      %dma_wait3A_89 = arith.constant 0 : i32
      %dma_wait3A_90 = tpu.memref_slice %arg6[%dma_wait3A_88, %dma_wait3A_89] : memref<320x128xf32, #tpu.memory_space<vmem>> -> memref<80x128xf32, #tpu.memory_space<vmem>>
      %dma_wait3A_91 = arith.constant 0 : i32
      %dma_wait3A_92 = tpu.memref_slice %arg5[%dma_wait3A, %dma_wait3A_87, %dma_wait3A_91] : memref<4x32x80xi32, #tpu.memory_space<vmem>> -> memref<1x1x80xi32, #tpu.memory_space<vmem>>
      %dma_wait3A_93 = tpu.memref_squeeze %dma_wait3A_92 : memref<1x1x80xi32, #tpu.memory_space<vmem>> -> memref<80xi32, #tpu.memory_space<vmem>>
      %dma_wait3A_94 = arith.constant 0 : i32
      %dma_wait3A_95 = arith.constant 0 : i32
      %dma_wait3A_96 = tpu.memref_slice %arg2[%dma_wait3A_94, %dma_wait3A_95] : memref<10000x128xf32, #tpu.memory_space<hbm>> -> memref<10000x128xf32, #tpu.memory_space<hbm>>
      tpu.wait_indirect_dma semaphore(%arg7 : memref<!tpu.dma_semaphore, #tpu.memory_space<semaphore_mem>>) src(%dma_wait3A_96 : memref<10000x128xf32, #tpu.memory_space<hbm>>) dst(%dma_wait3A_90 : memref<80x128xf32, #tpu.memory_space<vmem>>)
      %dma_wait3A_97 = arith.constant 0 : i32
      %dma_wait3A_98 = arith.constant 1 : i32
      %dma_wait3A_99 = arith.constant 0 : i32
      %dma_wait3A_100 = arith.constant 0 : i32
      %dma_wait3A_101 = tpu.memref_slice %arg6[%dma_wait3A_99, %dma_wait3A_100] : memref<320x128xf32, #tpu.memory_space<vmem>> -> memref<80x128xf32, #tpu.memory_space<vmem>>
      %dma_wait3A_102 = arith.constant 0 : i32
      %dma_wait3A_103 = tpu.memref_slice %arg5[%dma_wait3A_97, %dma_wait3A_98, %dma_wait3A_102] : memref<4x32x80xi32, #tpu.memory_space<vmem>> -> memref<1x1x80xi32, #tpu.memory_space<vmem>>
      %dma_wait3A_104 = tpu.memref_squeeze %dma_wait3A_103 : memref<1x1x80xi32, #tpu.memory_space<vmem>> -> memref<80xi32, #tpu.memory_space<vmem>>
      %dma_wait3A_105 = arith.constant 0 : i32
      %dma_wait3A_106 = arith.constant 0 : i32
      %dma_wait3A_107 = tpu.memref_slice %arg2[%dma_wait3A_105, %dma_wait3A_106] : memref<10000x128xf32, #tpu.memory_space<hbm>> -> memref<10000x128xf32, #tpu.memory_space<hbm>>
      tpu.wait_indirect_dma semaphore(%arg7 : memref<!tpu.dma_semaphore, #tpu.memory_space<semaphore_mem>>) src(%dma_wait3A_107 : memref<10000x128xf32, #tpu.memory_space<hbm>>) dst(%dma_wait3A_101 : memref<80x128xf32, #tpu.memory_space<vmem>>)
      %dma_wait3A_108 = arith.constant 0 : i32
      %dma_wait3A_109 = arith.constant 2 : i32
      %dma_wait3A_110 = arith.constant 0 : i32
      %dma_wait3A_111 = arith.constant 0 : i32
      %dma_wait3A_112 = tpu.memref_slice %arg6[%dma_wait3A_110, %dma_wait3A_111] : memref<320x128xf32, #tpu.memory_space<vmem>> -> memref<80x128xf32, #tpu.memory_space<vmem>>
      %dma_wait3A_113 = arith.constant 0 : i32
      %dma_wait3A_114 = tpu.memref_slice %arg5[%dma_wait3A_108, %dma_wait3A_109, %dma_wait3A_113] : memref<4x32x80xi32, #tpu.memory_space<vmem>> -> memref<1x1x80xi32, #tpu.memory_space<vmem>>
      %dma_wait3A_115 = tpu.memref_squeeze %dma_wait3A_114 : memref<1x1x80xi32, #tpu.memory_space<vmem>> -> memref<80xi32, #tpu.memory_space<vmem>>
      %dma_wait3A_116 = arith.constant 0 : i32
      %dma_wait3A_117 = arith.constant 0 : i32
      %dma_wait3A_118 = tpu.memref_slice %arg2[%dma_wait3A_116, %dma_wait3A_117] : memref<10000x128xf32, #tpu.memory_space<hbm>> -> memref<10000x128xf32, #tpu.memory_space<hbm>>
      tpu.wait_indirect_dma semaphore(%arg7 : memref<!tpu.dma_semaphore, #tpu.memory_space<semaphore_mem>>) src(%dma_wait3A_118 : memref<10000x128xf32, #tpu.memory_space<hbm>>) dst(%dma_wait3A_112 : memref<80x128xf32, #tpu.memory_space<vmem>>)
      %dma_wait3A_119 = arith.constant 0 : i32
      %dma_wait3A_120 = arith.constant 3 : i32
      %dma_wait3A_121 = arith.constant 0 : i32
      %dma_wait3A_122 = arith.constant 0 : i32
      %dma_wait3A_123 = tpu.memref_slice %arg6[%dma_wait3A_121, %dma_wait3A_122] : memref<320x128xf32, #tpu.memory_space<vmem>> -> memref<80x128xf32, #tpu.memory_space<vmem>>
      %dma_wait3A_124 = arith.constant 0 : i32
      %dma_wait3A_125 = tpu.memref_slice %arg5[%dma_wait3A_119, %dma_wait3A_120, %dma_wait3A_124] : memref<4x32x80xi32, #tpu.memory_space<vmem>> -> memref<1x1x80xi32, #tpu.memory_space<vmem>>
      %dma_wait3A_126 = tpu.memref_squeeze %dma_wait3A_125 : memref<1x1x80xi32, #tpu.memory_space<vmem>> -> memref<80xi32, #tpu.memory_space<vmem>>
      %dma_wait3A_127 = arith.constant 0 : i32
      %dma_wait3A_128 = arith.constant 0 : i32
      %dma_wait3A_129 = tpu.memref_slice %arg2[%dma_wait3A_127, %dma_wait3A_128] : memref<10000x128xf32, #tpu.memory_space<hbm>> -> memref<10000x128xf32, #tpu.memory_space<hbm>>
      tpu.wait_indirect_dma semaphore(%arg7 : memref<!tpu.dma_semaphore, #tpu.memory_space<semaphore_mem>>) src(%dma_wait3A_129 : memref<10000x128xf32, #tpu.memory_space<hbm>>) dst(%dma_wait3A_123 : memref<80x128xf32, #tpu.memory_space<vmem>>)
      %dma_wait3A_130 = arith.constant 0 : i32
      %dma_wait3A_131 = arith.constant 4 : i32
      %dma_wait3A_132 = arith.constant 0 : i32
      %dma_wait3A_133 = arith.constant 0 : i32
      %dma_wait3A_134 = tpu.memref_slice %arg6[%dma_wait3A_132, %dma_wait3A_133] : memref<320x128xf32, #tpu.memory_space<vmem>> -> memref<80x128xf32, #tpu.memory_space<vmem>>
      %dma_wait3A_135 = arith.constant 0 : i32
      %dma_wait3A_136 = tpu.memref_slice %arg5[%dma_wait3A_130, %dma_wait3A_131, %dma_wait3A_135] : memref<4x32x80xi32, #tpu.memory_space<vmem>> -> memref<1x1x80xi32, #tpu.memory_space<vmem>>
      %dma_wait3A_137 = tpu.memref_squeeze %dma_wait3A_136 : memref<1x1x80xi32, #tpu.memory_space<vmem>> -> memref<80xi32, #tpu.memory_space<vmem>>
      %dma_wait3A_138 = arith.constant 0 : i32
      %dma_wait3A_139 = arith.constant 0 : i32
      %dma_wait3A_140 = tpu.memref_slice %arg2[%dma_wait3A_138, %dma_wait3A_139] : memref<10000x128xf32, #tpu.memory_space<hbm>> -> memref<10000x128xf32, #tpu.memory_space<hbm>>
      tpu.wait_indirect_dma semaphore(%arg7 : memref<!tpu.dma_semaphore, #tpu.memory_space<semaphore_mem>>) src(%dma_wait3A_140 : memref<10000x128xf32, #tpu.memory_space<hbm>>) dst(%dma_wait3A_134 : memref<80x128xf32, #tpu.memory_space<vmem>>)
      %dma_wait3A_141 = arith.constant 0 : i32
      %dma_wait3A_142 = arith.constant 5 : i32
      %dma_wait3A_143 = arith.constant 0 : i32
      %dma_wait3A_144 = arith.constant 0 : i32
      %dma_wait3A_145 = tpu.memref_slice %arg6[%dma_wait3A_143, %dma_wait3A_144] : memref<320x128xf32, #tpu.memory_space<vmem>> -> memref<80x128xf32, #tpu.memory_space<vmem>>
      %dma_wait3A_146 = arith.constant 0 : i32
      %dma_wait3A_147 = tpu.memref_slice %arg5[%dma_wait3A_141, %dma_wait3A_142, %dma_wait3A_146] : memref<4x32x80xi32, #tpu.memory_space<vmem>> -> memref<1x1x80xi32, #tpu.memory_space<vmem>>
      %dma_wait3A_148 = tpu.memref_squeeze %dma_wait3A_147 : memref<1x1x80xi32, #tpu.memory_space<vmem>> -> memref<80xi32, #tpu.memory_space<vmem>>
      %dma_wait3A_149 = arith.constant 0 : i32
      %dma_wait3A_150 = arith.constant 0 : i32
      %dma_wait3A_151 = tpu.memref_slice %arg2[%dma_wait3A_149, %dma_wait3A_150] : memref<10000x128xf32, #tpu.memory_space<hbm>> -> memref<10000x128xf32, #tpu.memory_space<hbm>>
      tpu.wait_indirect_dma semaphore(%arg7 : memref<!tpu.dma_semaphore, #tpu.memory_space<semaphore_mem>>) src(%dma_wait3A_151 : memref<10000x128xf32, #tpu.memory_space<hbm>>) dst(%dma_wait3A_145 : memref<80x128xf32, #tpu.memory_space<vmem>>)
      %dma_wait3A_152 = arith.constant 0 : i32
      %dma_wait3A_153 = arith.constant 6 : i32
      %dma_wait3A_154 = arith.constant 0 : i32
      %dma_wait3A_155 = arith.constant 0 : i32
      %dma_wait3A_156 = tpu.memref_slice %arg6[%dma_wait3A_154, %dma_wait3A_155] : memref<320x128xf32, #tpu.memory_space<vmem>> -> memref<80x128xf32, #tpu.memory_space<vmem>>
      %dma_wait3A_157 = arith.constant 0 : i32
      %dma_wait3A_158 = tpu.memref_slice %arg5[%dma_wait3A_152, %dma_wait3A_153, %dma_wait3A_157] : memref<4x32x80xi32, #tpu.memory_space<vmem>> -> memref<1x1x80xi32, #tpu.memory_space<vmem>>
      %dma_wait3A_159 = tpu.memref_squeeze %dma_wait3A_158 : memref<1x1x80xi32, #tpu.memory_space<vmem>> -> memref<80xi32, #tpu.memory_space<vmem>>
      %dma_wait3A_160 = arith.constant 0 : i32
      %dma_wait3A_161 = arith.constant 0 : i32
      %dma_wait3A_162 = tpu.memref_slice %arg2[%dma_wait3A_160, %dma_wait3A_161] : memref<10000x128xf32, #tpu.memory_space<hbm>> -> memref<10000x128xf32, #tpu.memory_space<hbm>>
      tpu.wait_indirect_dma semaphore(%arg7 : memref<!tpu.dma_semaphore, #tpu.memory_space<semaphore_mem>>) src(%dma_wait3A_162 : memref<10000x128xf32, #tpu.memory_space<hbm>>) dst(%dma_wait3A_156 : memref<80x128xf32, #tpu.memory_space<vmem>>)
      %dma_wait3A_163 = arith.constant 0 : i32
      %dma_wait3A_164 = arith.constant 7 : i32
      %dma_wait3A_165 = arith.constant 0 : i32
      %dma_wait3A_166 = arith.constant 0 : i32
      %dma_wait3A_167 = tpu.memref_slice %arg6[%dma_wait3A_165, %dma_wait3A_166] : memref<320x128xf32, #tpu.memory_space<vmem>> -> memref<80x128xf32, #tpu.memory_space<vmem>>
      %dma_wait3A_168 = arith.constant 0 : i32
      %dma_wait3A_169 = tpu.memref_slice %arg5[%dma_wait3A_163, %dma_wait3A_164, %dma_wait3A_168] : memref<4x32x80xi32, #tpu.memory_space<vmem>> -> memref<1x1x80xi32, #tpu.memory_space<vmem>>
      %dma_wait3A_170 = tpu.memref_squeeze %dma_wait3A_169 : memref<1x1x80xi32, #tpu.memory_space<vmem>> -> memref<80xi32, #tpu.memory_space<vmem>>
      %dma_wait3A_171 = arith.constant 0 : i32
      %dma_wait3A_172 = arith.constant 0 : i32
      %dma_wait3A_173 = tpu.memref_slice %arg2[%dma_wait3A_171, %dma_wait3A_172] : memref<10000x128xf32, #tpu.memory_space<hbm>> -> memref<10000x128xf32, #tpu.memory_space<hbm>>
      tpu.wait_indirect_dma semaphore(%arg7 : memref<!tpu.dma_semaphore, #tpu.memory_space<semaphore_mem>>) src(%dma_wait3A_173 : memref<10000x128xf32, #tpu.memory_space<hbm>>) dst(%dma_wait3A_167 : memref<80x128xf32, #tpu.memory_space<vmem>>)
      %dma_wait3A_174 = arith.constant 0 : i32
      %dma_wait3A_175 = arith.constant 8 : i32
      %dma_wait3A_176 = arith.constant 0 : i32
      %dma_wait3A_177 = arith.constant 0 : i32
      %dma_wait3A_178 = tpu.memref_slice %arg6[%dma_wait3A_176, %dma_wait3A_177] : memref<320x128xf32, #tpu.memory_space<vmem>> -> memref<80x128xf32, #tpu.memory_space<vmem>>
      %dma_wait3A_179 = arith.constant 0 : i32
      %dma_wait3A_180 = tpu.memref_slice %arg5[%dma_wait3A_174, %dma_wait3A_175, %dma_wait3A_179] : memref<4x32x80xi32, #tpu.memory_space<vmem>> -> memref<1x1x80xi32, #tpu.memory_space<vmem>>
      %dma_wait3A_181 = tpu.memref_squeeze %dma_wait3A_180 : memref<1x1x80xi32, #tpu.memory_space<vmem>> -> memref<80xi32, #tpu.memory_space<vmem>>
      %dma_wait3A_182 = arith.constant 0 : i32
      %dma_wait3A_183 = arith.constant 0 : i32
      %dma_wait3A_184 = tpu.memref_slice %arg2[%dma_wait3A_182, %dma_wait3A_183] : memref<10000x128xf32, #tpu.memory_space<hbm>> -> memref<10000x128xf32, #tpu.memory_space<hbm>>
      tpu.wait_indirect_dma semaphore(%arg7 : memref<!tpu.dma_semaphore, #tpu.memory_space<semaphore_mem>>) src(%dma_wait3A_184 : memref<10000x128xf32, #tpu.memory_space<hbm>>) dst(%dma_wait3A_178 : memref<80x128xf32, #tpu.memory_space<vmem>>)
      %dma_wait3A_185 = arith.constant 0 : i32
      %dma_wait3A_186 = arith.constant 9 : i32
      %dma_wait3A_187 = arith.constant 0 : i32
      %dma_wait3A_188 = arith.constant 0 : i32
      %dma_wait3A_189 = tpu.memref_slice %arg6[%dma_wait3A_187, %dma_wait3A_188] : memref<320x128xf32, #tpu.memory_space<vmem>> -> memref<80x128xf32, #tpu.memory_space<vmem>>
      %dma_wait3A_190 = arith.constant 0 : i32
      %dma_wait3A_191 = tpu.memref_slice %arg5[%dma_wait3A_185, %dma_wait3A_186, %dma_wait3A_190] : memref<4x32x80xi32, #tpu.memory_space<vmem>> -> memref<1x1x80xi32, #tpu.memory_space<vmem>>
      %dma_wait3A_192 = tpu.memref_squeeze %dma_wait3A_191 : memref<1x1x80xi32, #tpu.memory_space<vmem>> -> memref<80xi32, #tpu.memory_space<vmem>>
      %dma_wait3A_193 = arith.constant 0 : i32
      %dma_wait3A_194 = arith.constant 0 : i32
      %dma_wait3A_195 = tpu.memref_slice %arg2[%dma_wait3A_193, %dma_wait3A_194] : memref<10000x128xf32, #tpu.memory_space<hbm>> -> memref<10000x128xf32, #tpu.memory_space<hbm>>
      tpu.wait_indirect_dma semaphore(%arg7 : memref<!tpu.dma_semaphore, #tpu.memory_space<semaphore_mem>>) src(%dma_wait3A_195 : memref<10000x128xf32, #tpu.memory_space<hbm>>) dst(%dma_wait3A_189 : memref<80x128xf32, #tpu.memory_space<vmem>>)
      %dma_wait3A_196 = arith.constant 0 : i32
      %dma_wait3A_197 = arith.constant 10 : i32
      %dma_wait3A_198 = arith.constant 0 : i32
      %dma_wait3A_199 = arith.constant 0 : i32
      %dma_wait3A_200 = tpu.memref_slice %arg6[%dma_wait3A_198, %dma_wait3A_199] : memref<320x128xf32, #tpu.memory_space<vmem>> -> memref<80x128xf32, #tpu.memory_space<vmem>>
      %dma_wait3A_201 = arith.constant 0 : i32
      %dma_wait3A_202 = tpu.memref_slice %arg5[%dma_wait3A_196, %dma_wait3A_197, %dma_wait3A_201] : memref<4x32x80xi32, #tpu.memory_space<vmem>> -> memref<1x1x80xi32, #tpu.memory_space<vmem>>
      %dma_wait3A_203 = tpu.memref_squeeze %dma_wait3A_202 : memref<1x1x80xi32, #tpu.memory_space<vmem>> -> memref<80xi32, #tpu.memory_space<vmem>>
      %dma_wait3A_204 = arith.constant 0 : i32
      %dma_wait3A_205 = arith.constant 0 : i32
      %dma_wait3A_206 = tpu.memref_slice %arg2[%dma_wait3A_204, %dma_wait3A_205] : memref<10000x128xf32, #tpu.memory_space<hbm>> -> memref<10000x128xf32, #tpu.memory_space<hbm>>
      tpu.wait_indirect_dma semaphore(%arg7 : memref<!tpu.dma_semaphore, #tpu.memory_space<semaphore_mem>>) src(%dma_wait3A_206 : memref<10000x128xf32, #tpu.memory_space<hbm>>) dst(%dma_wait3A_200 : memref<80x128xf32, #tpu.memory_space<vmem>>)
      %dma_wait3A_207 = arith.constant 0 : i32
      %dma_wait3A_208 = arith.constant 11 : i32
      %dma_wait3A_209 = arith.constant 0 : i32
      %dma_wait3A_210 = arith.constant 0 : i32
      %dma_wait3A_211 = tpu.memref_slice %arg6[%dma_wait3A_209, %dma_wait3A_210] : memref<320x128xf32, #tpu.memory_space<vmem>> -> memref<80x128xf32, #tpu.memory_space<vmem>>
      %dma_wait3A_212 = arith.constant 0 : i32
      %dma_wait3A_213 = tpu.memref_slice %arg5[%dma_wait3A_207, %dma_wait3A_208, %dma_wait3A_212] : memref<4x32x80xi32, #tpu.memory_space<vmem>> -> memref<1x1x80xi32, #tpu.memory_space<vmem>>
      %dma_wait3A_214 = tpu.memref_squeeze %dma_wait3A_213 : memref<1x1x80xi32, #tpu.memory_space<vmem>> -> memref<80xi32, #tpu.memory_space<vmem>>
      %dma_wait3A_215 = arith.constant 0 : i32
      %dma_wait3A_216 = arith.constant 0 : i32
      %dma_wait3A_217 = tpu.memref_slice %arg2[%dma_wait3A_215, %dma_wait3A_216] : memref<10000x128xf32, #tpu.memory_space<hbm>> -> memref<10000x128xf32, #tpu.memory_space<hbm>>
      tpu.wait_indirect_dma semaphore(%arg7 : memref<!tpu.dma_semaphore, #tpu.memory_space<semaphore_mem>>) src(%dma_wait3A_217 : memref<10000x128xf32, #tpu.memory_space<hbm>>) dst(%dma_wait3A_211 : memref<80x128xf32, #tpu.memory_space<vmem>>)
      %dma_wait3A_218 = arith.constant 0 : i32
      %dma_wait3A_219 = arith.constant 12 : i32
      %dma_wait3A_220 = arith.constant 0 : i32
      %dma_wait3A_221 = arith.constant 0 : i32
      %dma_wait3A_222 = tpu.memref_slice %arg6[%dma_wait3A_220, %dma_wait3A_221] : memref<320x128xf32, #tpu.memory_space<vmem>> -> memref<80x128xf32, #tpu.memory_space<vmem>>
      %dma_wait3A_223 = arith.constant 0 : i32
      %dma_wait3A_224 = tpu.memref_slice %arg5[%dma_wait3A_218, %dma_wait3A_219, %dma_wait3A_223] : memref<4x32x80xi32, #tpu.memory_space<vmem>> -> memref<1x1x80xi32, #tpu.memory_space<vmem>>
      %dma_wait3A_225 = tpu.memref_squeeze %dma_wait3A_224 : memref<1x1x80xi32, #tpu.memory_space<vmem>> -> memref<80xi32, #tpu.memory_space<vmem>>
      %dma_wait3A_226 = arith.constant 0 : i32
      %dma_wait3A_227 = arith.constant 0 : i32
      %dma_wait3A_228 = tpu.memref_slice %arg2[%dma_wait3A_226, %dma_wait3A_227] : memref<10000x128xf32, #tpu.memory_space<hbm>> -> memref<10000x128xf32, #tpu.memory_space<hbm>>
      tpu.wait_indirect_dma semaphore(%arg7 : memref<!tpu.dma_semaphore, #tpu.memory_space<semaphore_mem>>) src(%dma_wait3A_228 : memref<10000x128xf32, #tpu.memory_space<hbm>>) dst(%dma_wait3A_222 : memref<80x128xf32, #tpu.memory_space<vmem>>)
      %dma_wait3A_229 = arith.constant 0 : i32
      %dma_wait3A_230 = arith.constant 13 : i32
      %dma_wait3A_231 = arith.constant 0 : i32
      %dma_wait3A_232 = arith.constant 0 : i32
      %dma_wait3A_233 = tpu.memref_slice %arg6[%dma_wait3A_231, %dma_wait3A_232] : memref<320x128xf32, #tpu.memory_space<vmem>> -> memref<80x128xf32, #tpu.memory_space<vmem>>
      %dma_wait3A_234 = arith.constant 0 : i32
      %dma_wait3A_235 = tpu.memref_slice %arg5[%dma_wait3A_229, %dma_wait3A_230, %dma_wait3A_234] : memref<4x32x80xi32, #tpu.memory_space<vmem>> -> memref<1x1x80xi32, #tpu.memory_space<vmem>>
      %dma_wait3A_236 = tpu.memref_squeeze %dma_wait3A_235 : memref<1x1x80xi32, #tpu.memory_space<vmem>> -> memref<80xi32, #tpu.memory_space<vmem>>
      %dma_wait3A_237 = arith.constant 0 : i32
      %dma_wait3A_238 = arith.constant 0 : i32
      %dma_wait3A_239 = tpu.memref_slice %arg2[%dma_wait3A_237, %dma_wait3A_238] : memref<10000x128xf32, #tpu.memory_space<hbm>> -> memref<10000x128xf32, #tpu.memory_space<hbm>>
      tpu.wait_indirect_dma semaphore(%arg7 : memref<!tpu.dma_semaphore, #tpu.memory_space<semaphore_mem>>) src(%dma_wait3A_239 : memref<10000x128xf32, #tpu.memory_space<hbm>>) dst(%dma_wait3A_233 : memref<80x128xf32, #tpu.memory_space<vmem>>)
      %dma_wait3A_240 = arith.constant 0 : i32
      %dma_wait3A_241 = arith.constant 14 : i32
      %dma_wait3A_242 = arith.constant 0 : i32
      %dma_wait3A_243 = arith.constant 0 : i32
      %dma_wait3A_244 = tpu.memref_slice %arg6[%dma_wait3A_242, %dma_wait3A_243] : memref<320x128xf32, #tpu.memory_space<vmem>> -> memref<80x128xf32, #tpu.memory_space<vmem>>
      %dma_wait3A_245 = arith.constant 0 : i32
      %dma_wait3A_246 = tpu.memref_slice %arg5[%dma_wait3A_240, %dma_wait3A_241, %dma_wait3A_245] : memref<4x32x80xi32, #tpu.memory_space<vmem>> -> memref<1x1x80xi32, #tpu.memory_space<vmem>>
      %dma_wait3A_247 = tpu.memref_squeeze %dma_wait3A_246 : memref<1x1x80xi32, #tpu.memory_space<vmem>> -> memref<80xi32, #tpu.memory_space<vmem>>
      %dma_wait3A_248 = arith.constant 0 : i32
      %dma_wait3A_249 = arith.constant 0 : i32
      %dma_wait3A_250 = tpu.memref_slice %arg2[%dma_wait3A_248, %dma_wait3A_249] : memref<10000x128xf32, #tpu.memory_space<hbm>> -> memref<10000x128xf32, #tpu.memory_space<hbm>>
      tpu.wait_indirect_dma semaphore(%arg7 : memref<!tpu.dma_semaphore, #tpu.memory_space<semaphore_mem>>) src(%dma_wait3A_250 : memref<10000x128xf32, #tpu.memory_space<hbm>>) dst(%dma_wait3A_244 : memref<80x128xf32, #tpu.memory_space<vmem>>)
      %dma_wait3A_251 = arith.constant 0 : i32
      %dma_wait3A_252 = arith.constant 15 : i32
      %dma_wait3A_253 = arith.constant 0 : i32
      %dma_wait3A_254 = arith.constant 0 : i32
      %dma_wait3A_255 = tpu.memref_slice %arg6[%dma_wait3A_253, %dma_wait3A_254] : memref<320x128xf32, #tpu.memory_space<vmem>> -> memref<80x128xf32, #tpu.memory_space<vmem>>
      %dma_wait3A_256 = arith.constant 0 : i32
      %dma_wait3A_257 = tpu.memref_slice %arg5[%dma_wait3A_251, %dma_wait3A_252, %dma_wait3A_256] : memref<4x32x80xi32, #tpu.memory_space<vmem>> -> memref<1x1x80xi32, #tpu.memory_space<vmem>>
      %dma_wait3A_258 = tpu.memref_squeeze %dma_wait3A_257 : memref<1x1x80xi32, #tpu.memory_space<vmem>> -> memref<80xi32, #tpu.memory_space<vmem>>
      %dma_wait3A_259 = arith.constant 0 : i32
      %dma_wait3A_260 = arith.constant 0 : i32
      %dma_wait3A_261 = tpu.memref_slice %arg2[%dma_wait3A_259, %dma_wait3A_260] : memref<10000x128xf32, #tpu.memory_space<hbm>> -> memref<10000x128xf32, #tpu.memory_space<hbm>>
      tpu.wait_indirect_dma semaphore(%arg7 : memref<!tpu.dma_semaphore, #tpu.memory_space<semaphore_mem>>) src(%dma_wait3A_261 : memref<10000x128xf32, #tpu.memory_space<hbm>>) dst(%dma_wait3A_255 : memref<80x128xf32, #tpu.memory_space<vmem>>)
      %dma_wait3A_262 = arith.constant 0 : i32
      %dma_wait3A_263 = arith.constant 16 : i32
      %dma_wait3A_264 = arith.constant 0 : i32
      %dma_wait3A_265 = arith.constant 0 : i32
      %dma_wait3A_266 = tpu.memref_slice %arg6[%dma_wait3A_264, %dma_wait3A_265] : memref<320x128xf32, #tpu.memory_space<vmem>> -> memref<80x128xf32, #tpu.memory_space<vmem>>
      %dma_wait3A_267 = arith.constant 0 : i32
      %dma_wait3A_268 = tpu.memref_slice %arg5[%dma_wait3A_262, %dma_wait3A_263, %dma_wait3A_267] : memref<4x32x80xi32, #tpu.memory_space<vmem>> -> memref<1x1x80xi32, #tpu.memory_space<vmem>>
      %dma_wait3A_269 = tpu.memref_squeeze %dma_wait3A_268 : memref<1x1x80xi32, #tpu.memory_space<vmem>> -> memref<80xi32, #tpu.memory_space<vmem>>
      %dma_wait3A_270 = arith.constant 0 : i32
      %dma_wait3A_271 = arith.constant 0 : i32
      %dma_wait3A_272 = tpu.memref_slice %arg2[%dma_wait3A_270, %dma_wait3A_271] : memref<10000x128xf32, #tpu.memory_space<hbm>> -> memref<10000x128xf32, #tpu.memory_space<hbm>>
      tpu.wait_indirect_dma semaphore(%arg7 : memref<!tpu.dma_semaphore, #tpu.memory_space<semaphore_mem>>) src(%dma_wait3A_272 : memref<10000x128xf32, #tpu.memory_space<hbm>>) dst(%dma_wait3A_266 : memref<80x128xf32, #tpu.memory_space<vmem>>)
      %dma_wait3A_273 = arith.constant 0 : i32
      %dma_wait3A_274 = arith.constant 17 : i32
      %dma_wait3A_275 = arith.constant 0 : i32
      %dma_wait3A_276 = arith.constant 0 : i32
      %dma_wait3A_277 = tpu.memref_slice %arg6[%dma_wait3A_275, %dma_wait3A_276] : memref<320x128xf32, #tpu.memory_space<vmem>> -> memref<80x128xf32, #tpu.memory_space<vmem>>
      %dma_wait3A_278 = arith.constant 0 : i32
      %dma_wait3A_279 = tpu.memref_slice %arg5[%dma_wait3A_273, %dma_wait3A_274, %dma_wait3A_278] : memref<4x32x80xi32, #tpu.memory_space<vmem>> -> memref<1x1x80xi32, #tpu.memory_space<vmem>>
      %dma_wait3A_280 = tpu.memref_squeeze %dma_wait3A_279 : memref<1x1x80xi32, #tpu.memory_space<vmem>> -> memref<80xi32, #tpu.memory_space<vmem>>
      %dma_wait3A_281 = arith.constant 0 : i32
      %dma_wait3A_282 = arith.constant 0 : i32
      %dma_wait3A_283 = tpu.memref_slice %arg2[%dma_wait3A_281, %dma_wait3A_282] : memref<10000x128xf32, #tpu.memory_space<hbm>> -> memref<10000x128xf32, #tpu.memory_space<hbm>>
      tpu.wait_indirect_dma semaphore(%arg7 : memref<!tpu.dma_semaphore, #tpu.memory_space<semaphore_mem>>) src(%dma_wait3A_283 : memref<10000x128xf32, #tpu.memory_space<hbm>>) dst(%dma_wait3A_277 : memref<80x128xf32, #tpu.memory_space<vmem>>)
      %dma_wait3A_284 = arith.constant 0 : i32
      %dma_wait3A_285 = arith.constant 18 : i32
      %dma_wait3A_286 = arith.constant 0 : i32
      %dma_wait3A_287 = arith.constant 0 : i32
      %dma_wait3A_288 = tpu.memref_slice %arg6[%dma_wait3A_286, %dma_wait3A_287] : memref<320x128xf32, #tpu.memory_space<vmem>> -> memref<80x128xf32, #tpu.memory_space<vmem>>
      %dma_wait3A_289 = arith.constant 0 : i32
      %dma_wait3A_290 = tpu.memref_slice %arg5[%dma_wait3A_284, %dma_wait3A_285, %dma_wait3A_289] : memref<4x32x80xi32, #tpu.memory_space<vmem>> -> memref<1x1x80xi32, #tpu.memory_space<vmem>>
      %dma_wait3A_291 = tpu.memref_squeeze %dma_wait3A_290 : memref<1x1x80xi32, #tpu.memory_space<vmem>> -> memref<80xi32, #tpu.memory_space<vmem>>
      %dma_wait3A_292 = arith.constant 0 : i32
      %dma_wait3A_293 = arith.constant 0 : i32
      %dma_wait3A_294 = tpu.memref_slice %arg2[%dma_wait3A_292, %dma_wait3A_293] : memref<10000x128xf32, #tpu.memory_space<hbm>> -> memref<10000x128xf32, #tpu.memory_space<hbm>>
      tpu.wait_indirect_dma semaphore(%arg7 : memref<!tpu.dma_semaphore, #tpu.memory_space<semaphore_mem>>) src(%dma_wait3A_294 : memref<10000x128xf32, #tpu.memory_space<hbm>>) dst(%dma_wait3A_288 : memref<80x128xf32, #tpu.memory_space<vmem>>)
      %dma_wait3A_295 = arith.constant 0 : i32
      %dma_wait3A_296 = arith.constant 19 : i32
      %dma_wait3A_297 = arith.constant 0 : i32
      %dma_wait3A_298 = arith.constant 0 : i32
      %dma_wait3A_299 = tpu.memref_slice %arg6[%dma_wait3A_297, %dma_wait3A_298] : memref<320x128xf32, #tpu.memory_space<vmem>> -> memref<80x128xf32, #tpu.memory_space<vmem>>
      %dma_wait3A_300 = arith.constant 0 : i32
      %dma_wait3A_301 = tpu.memref_slice %arg5[%dma_wait3A_295, %dma_wait3A_296, %dma_wait3A_300] : memref<4x32x80xi32, #tpu.memory_space<vmem>> -> memref<1x1x80xi32, #tpu.memory_space<vmem>>
      %dma_wait3A_302 = tpu.memref_squeeze %dma_wait3A_301 : memref<1x1x80xi32, #tpu.memory_space<vmem>> -> memref<80xi32, #tpu.memory_space<vmem>>
      %dma_wait3A_303 = arith.constant 0 : i32
      %dma_wait3A_304 = arith.constant 0 : i32
      %dma_wait3A_305 = tpu.memref_slice %arg2[%dma_wait3A_303, %dma_wait3A_304] : memref<10000x128xf32, #tpu.memory_space<hbm>> -> memref<10000x128xf32, #tpu.memory_space<hbm>>
      tpu.wait_indirect_dma semaphore(%arg7 : memref<!tpu.dma_semaphore, #tpu.memory_space<semaphore_mem>>) src(%dma_wait3A_305 : memref<10000x128xf32, #tpu.memory_space<hbm>>) dst(%dma_wait3A_299 : memref<80x128xf32, #tpu.memory_space<vmem>>)
      %dma_wait3A_306 = arith.constant 0 : i32
      %dma_wait3A_307 = arith.constant 20 : i32
      %dma_wait3A_308 = arith.constant 0 : i32
      %dma_wait3A_309 = arith.constant 0 : i32
      %dma_wait3A_310 = tpu.memref_slice %arg6[%dma_wait3A_308, %dma_wait3A_309] : memref<320x128xf32, #tpu.memory_space<vmem>> -> memref<80x128xf32, #tpu.memory_space<vmem>>
      %dma_wait3A_311 = arith.constant 0 : i32
      %dma_wait3A_312 = tpu.memref_slice %arg5[%dma_wait3A_306, %dma_wait3A_307, %dma_wait3A_311] : memref<4x32x80xi32, #tpu.memory_space<vmem>> -> memref<1x1x80xi32, #tpu.memory_space<vmem>>
      %dma_wait3A_313 = tpu.memref_squeeze %dma_wait3A_312 : memref<1x1x80xi32, #tpu.memory_space<vmem>> -> memref<80xi32, #tpu.memory_space<vmem>>
      %dma_wait3A_314 = arith.constant 0 : i32
      %dma_wait3A_315 = arith.constant 0 : i32
      %dma_wait3A_316 = tpu.memref_slice %arg2[%dma_wait3A_314, %dma_wait3A_315] : memref<10000x128xf32, #tpu.memory_space<hbm>> -> memref<10000x128xf32, #tpu.memory_space<hbm>>
      tpu.wait_indirect_dma semaphore(%arg7 : memref<!tpu.dma_semaphore, #tpu.memory_space<semaphore_mem>>) src(%dma_wait3A_316 : memref<10000x128xf32, #tpu.memory_space<hbm>>) dst(%dma_wait3A_310 : memref<80x128xf32, #tpu.memory_space<vmem>>)
      %dma_wait3A_317 = arith.constant 0 : i32
      %dma_wait3A_318 = arith.constant 21 : i32
      %dma_wait3A_319 = arith.constant 0 : i32
      %dma_wait3A_320 = arith.constant 0 : i32
      %dma_wait3A_321 = tpu.memref_slice %arg6[%dma_wait3A_319, %dma_wait3A_320] : memref<320x128xf32, #tpu.memory_space<vmem>> -> memref<80x128xf32, #tpu.memory_space<vmem>>
      %dma_wait3A_322 = arith.constant 0 : i32
      %dma_wait3A_323 = tpu.memref_slice %arg5[%dma_wait3A_317, %dma_wait3A_318, %dma_wait3A_322] : memref<4x32x80xi32, #tpu.memory_space<vmem>> -> memref<1x1x80xi32, #tpu.memory_space<vmem>>
      %dma_wait3A_324 = tpu.memref_squeeze %dma_wait3A_323 : memref<1x1x80xi32, #tpu.memory_space<vmem>> -> memref<80xi32, #tpu.memory_space<vmem>>
      %dma_wait3A_325 = arith.constant 0 : i32
      %dma_wait3A_326 = arith.constant 0 : i32
      %dma_wait3A_327 = tpu.memref_slice %arg2[%dma_wait3A_325, %dma_wait3A_326] : memref<10000x128xf32, #tpu.memory_space<hbm>> -> memref<10000x128xf32, #tpu.memory_space<hbm>>
      tpu.wait_indirect_dma semaphore(%arg7 : memref<!tpu.dma_semaphore, #tpu.memory_space<semaphore_mem>>) src(%dma_wait3A_327 : memref<10000x128xf32, #tpu.memory_space<hbm>>) dst(%dma_wait3A_321 : memref<80x128xf32, #tpu.memory_space<vmem>>)
      %dma_wait3A_328 = arith.constant 0 : i32
      %dma_wait3A_329 = arith.constant 22 : i32
      %dma_wait3A_330 = arith.constant 0 : i32
      %dma_wait3A_331 = arith.constant 0 : i32
      %dma_wait3A_332 = tpu.memref_slice %arg6[%dma_wait3A_330, %dma_wait3A_331] : memref<320x128xf32, #tpu.memory_space<vmem>> -> memref<80x128xf32, #tpu.memory_space<vmem>>
      %dma_wait3A_333 = arith.constant 0 : i32
      %dma_wait3A_334 = tpu.memref_slice %arg5[%dma_wait3A_328, %dma_wait3A_329, %dma_wait3A_333] : memref<4x32x80xi32, #tpu.memory_space<vmem>> -> memref<1x1x80xi32, #tpu.memory_space<vmem>>
      %dma_wait3A_335 = tpu.memref_squeeze %dma_wait3A_334 : memref<1x1x80xi32, #tpu.memory_space<vmem>> -> memref<80xi32, #tpu.memory_space<vmem>>
      %dma_wait3A_336 = arith.constant 0 : i32
      %dma_wait3A_337 = arith.constant 0 : i32
      %dma_wait3A_338 = tpu.memref_slice %arg2[%dma_wait3A_336, %dma_wait3A_337] : memref<10000x128xf32, #tpu.memory_space<hbm>> -> memref<10000x128xf32, #tpu.memory_space<hbm>>
      tpu.wait_indirect_dma semaphore(%arg7 : memref<!tpu.dma_semaphore, #tpu.memory_space<semaphore_mem>>) src(%dma_wait3A_338 : memref<10000x128xf32, #tpu.memory_space<hbm>>) dst(%dma_wait3A_332 : memref<80x128xf32, #tpu.memory_space<vmem>>)
      %dma_wait3A_339 = arith.constant 0 : i32
      %dma_wait3A_340 = arith.constant 23 : i32
      %dma_wait3A_341 = arith.constant 0 : i32
      %dma_wait3A_342 = arith.constant 0 : i32
      %dma_wait3A_343 = tpu.memref_slice %arg6[%dma_wait3A_341, %dma_wait3A_342] : memref<320x128xf32, #tpu.memory_space<vmem>> -> memref<80x128xf32, #tpu.memory_space<vmem>>
      %dma_wait3A_344 = arith.constant 0 : i32
      %dma_wait3A_345 = tpu.memref_slice %arg5[%dma_wait3A_339, %dma_wait3A_340, %dma_wait3A_344] : memref<4x32x80xi32, #tpu.memory_space<vmem>> -> memref<1x1x80xi32, #tpu.memory_space<vmem>>
      %dma_wait3A_346 = tpu.memref_squeeze %dma_wait3A_345 : memref<1x1x80xi32, #tpu.memory_space<vmem>> -> memref<80xi32, #tpu.memory_space<vmem>>
      %dma_wait3A_347 = arith.constant 0 : i32
      %dma_wait3A_348 = arith.constant 0 : i32
      %dma_wait3A_349 = tpu.memref_slice %arg2[%dma_wait3A_347, %dma_wait3A_348] : memref<10000x128xf32, #tpu.memory_space<hbm>> -> memref<10000x128xf32, #tpu.memory_space<hbm>>
      tpu.wait_indirect_dma semaphore(%arg7 : memref<!tpu.dma_semaphore, #tpu.memory_space<semaphore_mem>>) src(%dma_wait3A_349 : memref<10000x128xf32, #tpu.memory_space<hbm>>) dst(%dma_wait3A_343 : memref<80x128xf32, #tpu.memory_space<vmem>>)
      %dma_wait3A_350 = arith.constant 0 : i32
      %dma_wait3A_351 = arith.constant 24 : i32
      %dma_wait3A_352 = arith.constant 0 : i32
      %dma_wait3A_353 = arith.constant 0 : i32
      %dma_wait3A_354 = tpu.memref_slice %arg6[%dma_wait3A_352, %dma_wait3A_353] : memref<320x128xf32, #tpu.memory_space<vmem>> -> memref<80x128xf32, #tpu.memory_space<vmem>>
      %dma_wait3A_355 = arith.constant 0 : i32
      %dma_wait3A_356 = tpu.memref_slice %arg5[%dma_wait3A_350, %dma_wait3A_351, %dma_wait3A_355] : memref<4x32x80xi32, #tpu.memory_space<vmem>> -> memref<1x1x80xi32, #tpu.memory_space<vmem>>
      %dma_wait3A_357 = tpu.memref_squeeze %dma_wait3A_356 : memref<1x1x80xi32, #tpu.memory_space<vmem>> -> memref<80xi32, #tpu.memory_space<vmem>>
      %dma_wait3A_358 = arith.constant 0 : i32
      %dma_wait3A_359 = arith.constant 0 : i32
      %dma_wait3A_360 = tpu.memref_slice %arg2[%dma_wait3A_358, %dma_wait3A_359] : memref<10000x128xf32, #tpu.memory_space<hbm>> -> memref<10000x128xf32, #tpu.memory_space<hbm>>
      tpu.wait_indirect_dma semaphore(%arg7 : memref<!tpu.dma_semaphore, #tpu.memory_space<semaphore_mem>>) src(%dma_wait3A_360 : memref<10000x128xf32, #tpu.memory_space<hbm>>) dst(%dma_wait3A_354 : memref<80x128xf32, #tpu.memory_space<vmem>>)
      %dma_wait3A_361 = arith.constant 0 : i32
      %dma_wait3A_362 = arith.constant 25 : i32
      %dma_wait3A_363 = arith.constant 0 : i32
      %dma_wait3A_364 = arith.constant 0 : i32
      %dma_wait3A_365 = tpu.memref_slice %arg6[%dma_wait3A_363, %dma_wait3A_364] : memref<320x128xf32, #tpu.memory_space<vmem>> -> memref<80x128xf32, #tpu.memory_space<vmem>>
      %dma_wait3A_366 = arith.constant 0 : i32
      %dma_wait3A_367 = tpu.memref_slice %arg5[%dma_wait3A_361, %dma_wait3A_362, %dma_wait3A_366] : memref<4x32x80xi32, #tpu.memory_space<vmem>> -> memref<1x1x80xi32, #tpu.memory_space<vmem>>
      %dma_wait3A_368 = tpu.memref_squeeze %dma_wait3A_367 : memref<1x1x80xi32, #tpu.memory_space<vmem>> -> memref<80xi32, #tpu.memory_space<vmem>>
      %dma_wait3A_369 = arith.constant 0 : i32
      %dma_wait3A_370 = arith.constant 0 : i32
      %dma_wait3A_371 = tpu.memref_slice %arg2[%dma_wait3A_369, %dma_wait3A_370] : memref<10000x128xf32, #tpu.memory_space<hbm>> -> memref<10000x128xf32, #tpu.memory_space<hbm>>
      tpu.wait_indirect_dma semaphore(%arg7 : memref<!tpu.dma_semaphore, #tpu.memory_space<semaphore_mem>>) src(%dma_wait3A_371 : memref<10000x128xf32, #tpu.memory_space<hbm>>) dst(%dma_wait3A_365 : memref<80x128xf32, #tpu.memory_space<vmem>>)
      %dma_wait3A_372 = arith.constant 0 : i32
      %dma_wait3A_373 = arith.constant 26 : i32
      %dma_wait3A_374 = arith.constant 0 : i32
      %dma_wait3A_375 = arith.constant 0 : i32
      %dma_wait3A_376 = tpu.memref_slice %arg6[%dma_wait3A_374, %dma_wait3A_375] : memref<320x128xf32, #tpu.memory_space<vmem>> -> memref<80x128xf32, #tpu.memory_space<vmem>>
      %dma_wait3A_377 = arith.constant 0 : i32
      %dma_wait3A_378 = tpu.memref_slice %arg5[%dma_wait3A_372, %dma_wait3A_373, %dma_wait3A_377] : memref<4x32x80xi32, #tpu.memory_space<vmem>> -> memref<1x1x80xi32, #tpu.memory_space<vmem>>
      %dma_wait3A_379 = tpu.memref_squeeze %dma_wait3A_378 : memref<1x1x80xi32, #tpu.memory_space<vmem>> -> memref<80xi32, #tpu.memory_space<vmem>>
      %dma_wait3A_380 = arith.constant 0 : i32
      %dma_wait3A_381 = arith.constant 0 : i32
      %dma_wait3A_382 = tpu.memref_slice %arg2[%dma_wait3A_380, %dma_wait3A_381] : memref<10000x128xf32, #tpu.memory_space<hbm>> -> memref<10000x128xf32, #tpu.memory_space<hbm>>
      tpu.wait_indirect_dma semaphore(%arg7 : memref<!tpu.dma_semaphore, #tpu.memory_space<semaphore_mem>>) src(%dma_wait3A_382 : memref<10000x128xf32, #tpu.memory_space<hbm>>) dst(%dma_wait3A_376 : memref<80x128xf32, #tpu.memory_space<vmem>>)
      %dma_wait3A_383 = arith.constant 0 : i32
      %dma_wait3A_384 = arith.constant 27 : i32
      %dma_wait3A_385 = arith.constant 0 : i32
      %dma_wait3A_386 = arith.constant 0 : i32
      %dma_wait3A_387 = tpu.memref_slice %arg6[%dma_wait3A_385, %dma_wait3A_386] : memref<320x128xf32, #tpu.memory_space<vmem>> -> memref<80x128xf32, #tpu.memory_space<vmem>>
      %dma_wait3A_388 = arith.constant 0 : i32
      %dma_wait3A_389 = tpu.memref_slice %arg5[%dma_wait3A_383, %dma_wait3A_384, %dma_wait3A_388] : memref<4x32x80xi32, #tpu.memory_space<vmem>> -> memref<1x1x80xi32, #tpu.memory_space<vmem>>
      %dma_wait3A_390 = tpu.memref_squeeze %dma_wait3A_389 : memref<1x1x80xi32, #tpu.memory_space<vmem>> -> memref<80xi32, #tpu.memory_space<vmem>>
      %dma_wait3A_391 = arith.constant 0 : i32
      %dma_wait3A_392 = arith.constant 0 : i32
      %dma_wait3A_393 = tpu.memref_slice %arg2[%dma_wait3A_391, %dma_wait3A_392] : memref<10000x128xf32, #tpu.memory_space<hbm>> -> memref<10000x128xf32, #tpu.memory_space<hbm>>
      tpu.wait_indirect_dma semaphore(%arg7 : memref<!tpu.dma_semaphore, #tpu.memory_space<semaphore_mem>>) src(%dma_wait3A_393 : memref<10000x128xf32, #tpu.memory_space<hbm>>) dst(%dma_wait3A_387 : memref<80x128xf32, #tpu.memory_space<vmem>>)
      %dma_wait3A_394 = arith.constant 0 : i32
      %dma_wait3A_395 = arith.constant 28 : i32
      %dma_wait3A_396 = arith.constant 0 : i32
      %dma_wait3A_397 = arith.constant 0 : i32
      %dma_wait3A_398 = tpu.memref_slice %arg6[%dma_wait3A_396, %dma_wait3A_397] : memref<320x128xf32, #tpu.memory_space<vmem>> -> memref<80x128xf32, #tpu.memory_space<vmem>>
      %dma_wait3A_399 = arith.constant 0 : i32
      %dma_wait3A_400 = tpu.memref_slice %arg5[%dma_wait3A_394, %dma_wait3A_395, %dma_wait3A_399] : memref<4x32x80xi32, #tpu.memory_space<vmem>> -> memref<1x1x80xi32, #tpu.memory_space<vmem>>
      %dma_wait3A_401 = tpu.memref_squeeze %dma_wait3A_400 : memref<1x1x80xi32, #tpu.memory_space<vmem>> -> memref<80xi32, #tpu.memory_space<vmem>>
      %dma_wait3A_402 = arith.constant 0 : i32
      %dma_wait3A_403 = arith.constant 0 : i32
      %dma_wait3A_404 = tpu.memref_slice %arg2[%dma_wait3A_402, %dma_wait3A_403] : memref<10000x128xf32, #tpu.memory_space<hbm>> -> memref<10000x128xf32, #tpu.memory_space<hbm>>
      tpu.wait_indirect_dma semaphore(%arg7 : memref<!tpu.dma_semaphore, #tpu.memory_space<semaphore_mem>>) src(%dma_wait3A_404 : memref<10000x128xf32, #tpu.memory_space<hbm>>) dst(%dma_wait3A_398 : memref<80x128xf32, #tpu.memory_space<vmem>>)
      %dma_wait3A_405 = arith.constant 0 : i32
      %dma_wait3A_406 = arith.constant 29 : i32
      %dma_wait3A_407 = arith.constant 0 : i32
      %dma_wait3A_408 = arith.constant 0 : i32
      %dma_wait3A_409 = tpu.memref_slice %arg6[%dma_wait3A_407, %dma_wait3A_408] : memref<320x128xf32, #tpu.memory_space<vmem>> -> memref<80x128xf32, #tpu.memory_space<vmem>>
      %dma_wait3A_410 = arith.constant 0 : i32
      %dma_wait3A_411 = tpu.memref_slice %arg5[%dma_wait3A_405, %dma_wait3A_406, %dma_wait3A_410] : memref<4x32x80xi32, #tpu.memory_space<vmem>> -> memref<1x1x80xi32, #tpu.memory_space<vmem>>
      %dma_wait3A_412 = tpu.memref_squeeze %dma_wait3A_411 : memref<1x1x80xi32, #tpu.memory_space<vmem>> -> memref<80xi32, #tpu.memory_space<vmem>>
      %dma_wait3A_413 = arith.constant 0 : i32
      %dma_wait3A_414 = arith.constant 0 : i32
      %dma_wait3A_415 = tpu.memref_slice %arg2[%dma_wait3A_413, %dma_wait3A_414] : memref<10000x128xf32, #tpu.memory_space<hbm>> -> memref<10000x128xf32, #tpu.memory_space<hbm>>
      tpu.wait_indirect_dma semaphore(%arg7 : memref<!tpu.dma_semaphore, #tpu.memory_space<semaphore_mem>>) src(%dma_wait3A_415 : memref<10000x128xf32, #tpu.memory_space<hbm>>) dst(%dma_wait3A_409 : memref<80x128xf32, #tpu.memory_space<vmem>>)
      %dma_wait3A_416 = arith.constant 0 : i32
      %dma_wait3A_417 = arith.constant 30 : i32
      %dma_wait3A_418 = arith.constant 0 : i32
      %dma_wait3A_419 = arith.constant 0 : i32
      %dma_wait3A_420 = tpu.memref_slice %arg6[%dma_wait3A_418, %dma_wait3A_419] : memref<320x128xf32, #tpu.memory_space<vmem>> -> memref<80x128xf32, #tpu.memory_space<vmem>>
      %dma_wait3A_421 = arith.constant 0 : i32
      %dma_wait3A_422 = tpu.memref_slice %arg5[%dma_wait3A_416, %dma_wait3A_417, %dma_wait3A_421] : memref<4x32x80xi32, #tpu.memory_space<vmem>> -> memref<1x1x80xi32, #tpu.memory_space<vmem>>
      %dma_wait3A_423 = tpu.memref_squeeze %dma_wait3A_422 : memref<1x1x80xi32, #tpu.memory_space<vmem>> -> memref<80xi32, #tpu.memory_space<vmem>>
      %dma_wait3A_424 = arith.constant 0 : i32
      %dma_wait3A_425 = arith.constant 0 : i32
      %dma_wait3A_426 = tpu.memref_slice %arg2[%dma_wait3A_424, %dma_wait3A_425] : memref<10000x128xf32, #tpu.memory_space<hbm>> -> memref<10000x128xf32, #tpu.memory_space<hbm>>
      tpu.wait_indirect_dma semaphore(%arg7 : memref<!tpu.dma_semaphore, #tpu.memory_space<semaphore_mem>>) src(%dma_wait3A_426 : memref<10000x128xf32, #tpu.memory_space<hbm>>) dst(%dma_wait3A_420 : memref<80x128xf32, #tpu.memory_space<vmem>>)
      %dma_wait3A_427 = arith.constant 0 : i32
      %dma_wait3A_428 = arith.constant 31 : i32
      %dma_wait3A_429 = arith.constant 0 : i32
      %dma_wait3A_430 = arith.constant 0 : i32
      %dma_wait3A_431 = tpu.memref_slice %arg6[%dma_wait3A_429, %dma_wait3A_430] : memref<320x128xf32, #tpu.memory_space<vmem>> -> memref<80x128xf32, #tpu.memory_space<vmem>>
      %dma_wait3A_432 = arith.constant 0 : i32
      %dma_wait3A_433 = tpu.memref_slice %arg5[%dma_wait3A_427, %dma_wait3A_428, %dma_wait3A_432] : memref<4x32x80xi32, #tpu.memory_space<vmem>> -> memref<1x1x80xi32, #tpu.memory_space<vmem>>
      %dma_wait3A_434 = tpu.memref_squeeze %dma_wait3A_433 : memref<1x1x80xi32, #tpu.memory_space<vmem>> -> memref<80xi32, #tpu.memory_space<vmem>>
      %dma_wait3A_435 = arith.constant 0 : i32
      %dma_wait3A_436 = arith.constant 0 : i32
      %dma_wait3A_437 = tpu.memref_slice %arg2[%dma_wait3A_435, %dma_wait3A_436] : memref<10000x128xf32, #tpu.memory_space<hbm>> -> memref<10000x128xf32, #tpu.memory_space<hbm>>
      tpu.wait_indirect_dma semaphore(%arg7 : memref<!tpu.dma_semaphore, #tpu.memory_space<semaphore_mem>>) src(%dma_wait3A_437 : memref<10000x128xf32, #tpu.memory_space<hbm>>) dst(%dma_wait3A_431 : memref<80x128xf32, #tpu.memory_space<vmem>>)
      %add3A_438 = arith.constant 0 : i32
      %add3A_439 = arith.addi %mul3A_8, %add3A_438 : i32
      %dma_start3A = arith.constant 0 : i32
      %dma_start3A_440 = arith.constant 0 : i32
      %dma_start3A_441 = tpu.memref_slice %arg6[%dma_start3A, %dma_start3A_440] : memref<320x128xf32, #tpu.memory_space<vmem>> -> memref<80x128xf32, #tpu.memory_space<vmem>>
      %dma_start3A_442 = arith.constant 0 : i32
      %dma_start3A_443 = tpu.memref_slice %arg4[%add3A_439, %dma_start3A_442] : memref<10000x128xf32, #tpu.memory_space<hbm>> -> memref<80x128xf32, #tpu.memory_space<hbm>>
      %dma_start3A_444 = arith.constant 0 : i32
      %dma_start3A_445 = tpu.memref_slice %arg4[%add3A_439, %dma_start3A_444] : memref<10000x128xf32, #tpu.memory_space<hbm>> -> memref<80x128xf32, #tpu.memory_space<hbm>>
      %dma_start3A_446 = arith.constant 0 : i32
      %dma_start3A_447 = arith.constant 0 : i32
      %dma_start3A_448 = tpu.memref_slice %arg6[%dma_start3A_446, %dma_start3A_447] : memref<320x128xf32, #tpu.memory_space<vmem>> -> memref<80x128xf32, #tpu.memory_space<vmem>>
      tpu.enqueue_dma source(%dma_start3A_448 : memref<80x128xf32, #tpu.memory_space<vmem>>) target(%dma_start3A_445 : memref<80x128xf32, #tpu.memory_space<hbm>>) target_semaphore(%arg12 : memref<!tpu.dma_semaphore, #tpu.memory_space<semaphore_mem>>)
    } else {
    }
    %gt3A_52 = arith.constant 1 : i32
    %gt3A_53 = arith.cmpi sgt, %select_n3A, %gt3A_52 : i32
    %convert_element_type3A_54 = arith.extui %gt3A_53 : i1 to i32
    %cond3A_55 = arith.constant 0 : i32
    %cond3A_56 = arith.cmpi ne, %convert_element_type3A_54, %cond3A_55 : i32
    scf.if %cond3A_56 {
      %dma_wait3A = arith.constant 1 : i32
      %dma_wait3A_87 = arith.constant 0 : i32
      %dma_wait3A_88 = arith.constant 80 : i32
      %dma_wait3A_89 = arith.constant 0 : i32
      %dma_wait3A_90 = tpu.memref_slice %arg6[%dma_wait3A_88, %dma_wait3A_89] : memref<320x128xf32, #tpu.memory_space<vmem>> -> memref<80x128xf32, #tpu.memory_space<vmem>>
      %dma_wait3A_91 = arith.constant 0 : i32
      %dma_wait3A_92 = tpu.memref_slice %arg5[%dma_wait3A, %dma_wait3A_87, %dma_wait3A_91] : memref<4x32x80xi32, #tpu.memory_space<vmem>> -> memref<1x1x80xi32, #tpu.memory_space<vmem>>
      %dma_wait3A_93 = tpu.memref_squeeze %dma_wait3A_92 : memref<1x1x80xi32, #tpu.memory_space<vmem>> -> memref<80xi32, #tpu.memory_space<vmem>>
      %dma_wait3A_94 = arith.constant 0 : i32
      %dma_wait3A_95 = arith.constant 0 : i32
      %dma_wait3A_96 = tpu.memref_slice %arg2[%dma_wait3A_94, %dma_wait3A_95] : memref<10000x128xf32, #tpu.memory_space<hbm>> -> memref<10000x128xf32, #tpu.memory_space<hbm>>
      tpu.wait_indirect_dma semaphore(%arg8 : memref<!tpu.dma_semaphore, #tpu.memory_space<semaphore_mem>>) src(%dma_wait3A_96 : memref<10000x128xf32, #tpu.memory_space<hbm>>) dst(%dma_wait3A_90 : memref<80x128xf32, #tpu.memory_space<vmem>>)
      %dma_wait3A_97 = arith.constant 1 : i32
      %dma_wait3A_98 = arith.constant 1 : i32
      %dma_wait3A_99 = arith.constant 80 : i32
      %dma_wait3A_100 = arith.constant 0 : i32
      %dma_wait3A_101 = tpu.memref_slice %arg6[%dma_wait3A_99, %dma_wait3A_100] : memref<320x128xf32, #tpu.memory_space<vmem>> -> memref<80x128xf32, #tpu.memory_space<vmem>>
      %dma_wait3A_102 = arith.constant 0 : i32
      %dma_wait3A_103 = tpu.memref_slice %arg5[%dma_wait3A_97, %dma_wait3A_98, %dma_wait3A_102] : memref<4x32x80xi32, #tpu.memory_space<vmem>> -> memref<1x1x80xi32, #tpu.memory_space<vmem>>
      %dma_wait3A_104 = tpu.memref_squeeze %dma_wait3A_103 : memref<1x1x80xi32, #tpu.memory_space<vmem>> -> memref<80xi32, #tpu.memory_space<vmem>>
      %dma_wait3A_105 = arith.constant 0 : i32
      %dma_wait3A_106 = arith.constant 0 : i32
      %dma_wait3A_107 = tpu.memref_slice %arg2[%dma_wait3A_105, %dma_wait3A_106] : memref<10000x128xf32, #tpu.memory_space<hbm>> -> memref<10000x128xf32, #tpu.memory_space<hbm>>
      tpu.wait_indirect_dma semaphore(%arg8 : memref<!tpu.dma_semaphore, #tpu.memory_space<semaphore_mem>>) src(%dma_wait3A_107 : memref<10000x128xf32, #tpu.memory_space<hbm>>) dst(%dma_wait3A_101 : memref<80x128xf32, #tpu.memory_space<vmem>>)
      %dma_wait3A_108 = arith.constant 1 : i32
      %dma_wait3A_109 = arith.constant 2 : i32
      %dma_wait3A_110 = arith.constant 80 : i32
      %dma_wait3A_111 = arith.constant 0 : i32
      %dma_wait3A_112 = tpu.memref_slice %arg6[%dma_wait3A_110, %dma_wait3A_111] : memref<320x128xf32, #tpu.memory_space<vmem>> -> memref<80x128xf32, #tpu.memory_space<vmem>>
      %dma_wait3A_113 = arith.constant 0 : i32
      %dma_wait3A_114 = tpu.memref_slice %arg5[%dma_wait3A_108, %dma_wait3A_109, %dma_wait3A_113] : memref<4x32x80xi32, #tpu.memory_space<vmem>> -> memref<1x1x80xi32, #tpu.memory_space<vmem>>
      %dma_wait3A_115 = tpu.memref_squeeze %dma_wait3A_114 : memref<1x1x80xi32, #tpu.memory_space<vmem>> -> memref<80xi32, #tpu.memory_space<vmem>>
      %dma_wait3A_116 = arith.constant 0 : i32
      %dma_wait3A_117 = arith.constant 0 : i32
      %dma_wait3A_118 = tpu.memref_slice %arg2[%dma_wait3A_116, %dma_wait3A_117] : memref<10000x128xf32, #tpu.memory_space<hbm>> -> memref<10000x128xf32, #tpu.memory_space<hbm>>
      tpu.wait_indirect_dma semaphore(%arg8 : memref<!tpu.dma_semaphore, #tpu.memory_space<semaphore_mem>>) src(%dma_wait3A_118 : memref<10000x128xf32, #tpu.memory_space<hbm>>) dst(%dma_wait3A_112 : memref<80x128xf32, #tpu.memory_space<vmem>>)
      %dma_wait3A_119 = arith.constant 1 : i32
      %dma_wait3A_120 = arith.constant 3 : i32
      %dma_wait3A_121 = arith.constant 80 : i32
      %dma_wait3A_122 = arith.constant 0 : i32
      %dma_wait3A_123 = tpu.memref_slice %arg6[%dma_wait3A_121, %dma_wait3A_122] : memref<320x128xf32, #tpu.memory_space<vmem>> -> memref<80x128xf32, #tpu.memory_space<vmem>>
      %dma_wait3A_124 = arith.constant 0 : i32
      %dma_wait3A_125 = tpu.memref_slice %arg5[%dma_wait3A_119, %dma_wait3A_120, %dma_wait3A_124] : memref<4x32x80xi32, #tpu.memory_space<vmem>> -> memref<1x1x80xi32, #tpu.memory_space<vmem>>
      %dma_wait3A_126 = tpu.memref_squeeze %dma_wait3A_125 : memref<1x1x80xi32, #tpu.memory_space<vmem>> -> memref<80xi32, #tpu.memory_space<vmem>>
      %dma_wait3A_127 = arith.constant 0 : i32
      %dma_wait3A_128 = arith.constant 0 : i32
      %dma_wait3A_129 = tpu.memref_slice %arg2[%dma_wait3A_127, %dma_wait3A_128] : memref<10000x128xf32, #tpu.memory_space<hbm>> -> memref<10000x128xf32, #tpu.memory_space<hbm>>
      tpu.wait_indirect_dma semaphore(%arg8 : memref<!tpu.dma_semaphore, #tpu.memory_space<semaphore_mem>>) src(%dma_wait3A_129 : memref<10000x128xf32, #tpu.memory_space<hbm>>) dst(%dma_wait3A_123 : memref<80x128xf32, #tpu.memory_space<vmem>>)
      %dma_wait3A_130 = arith.constant 1 : i32
      %dma_wait3A_131 = arith.constant 4 : i32
      %dma_wait3A_132 = arith.constant 80 : i32
      %dma_wait3A_133 = arith.constant 0 : i32
      %dma_wait3A_134 = tpu.memref_slice %arg6[%dma_wait3A_132, %dma_wait3A_133] : memref<320x128xf32, #tpu.memory_space<vmem>> -> memref<80x128xf32, #tpu.memory_space<vmem>>
      %dma_wait3A_135 = arith.constant 0 : i32
      %dma_wait3A_136 = tpu.memref_slice %arg5[%dma_wait3A_130, %dma_wait3A_131, %dma_wait3A_135] : memref<4x32x80xi32, #tpu.memory_space<vmem>> -> memref<1x1x80xi32, #tpu.memory_space<vmem>>
      %dma_wait3A_137 = tpu.memref_squeeze %dma_wait3A_136 : memref<1x1x80xi32, #tpu.memory_space<vmem>> -> memref<80xi32, #tpu.memory_space<vmem>>
      %dma_wait3A_138 = arith.constant 0 : i32
      %dma_wait3A_139 = arith.constant 0 : i32
      %dma_wait3A_140 = tpu.memref_slice %arg2[%dma_wait3A_138, %dma_wait3A_139] : memref<10000x128xf32, #tpu.memory_space<hbm>> -> memref<10000x128xf32, #tpu.memory_space<hbm>>
      tpu.wait_indirect_dma semaphore(%arg8 : memref<!tpu.dma_semaphore, #tpu.memory_space<semaphore_mem>>) src(%dma_wait3A_140 : memref<10000x128xf32, #tpu.memory_space<hbm>>) dst(%dma_wait3A_134 : memref<80x128xf32, #tpu.memory_space<vmem>>)
      %dma_wait3A_141 = arith.constant 1 : i32
      %dma_wait3A_142 = arith.constant 5 : i32
      %dma_wait3A_143 = arith.constant 80 : i32
      %dma_wait3A_144 = arith.constant 0 : i32
      %dma_wait3A_145 = tpu.memref_slice %arg6[%dma_wait3A_143, %dma_wait3A_144] : memref<320x128xf32, #tpu.memory_space<vmem>> -> memref<80x128xf32, #tpu.memory_space<vmem>>
      %dma_wait3A_146 = arith.constant 0 : i32
      %dma_wait3A_147 = tpu.memref_slice %arg5[%dma_wait3A_141, %dma_wait3A_142, %dma_wait3A_146] : memref<4x32x80xi32, #tpu.memory_space<vmem>> -> memref<1x1x80xi32, #tpu.memory_space<vmem>>
      %dma_wait3A_148 = tpu.memref_squeeze %dma_wait3A_147 : memref<1x1x80xi32, #tpu.memory_space<vmem>> -> memref<80xi32, #tpu.memory_space<vmem>>
      %dma_wait3A_149 = arith.constant 0 : i32
      %dma_wait3A_150 = arith.constant 0 : i32
      %dma_wait3A_151 = tpu.memref_slice %arg2[%dma_wait3A_149, %dma_wait3A_150] : memref<10000x128xf32, #tpu.memory_space<hbm>> -> memref<10000x128xf32, #tpu.memory_space<hbm>>
      tpu.wait_indirect_dma semaphore(%arg8 : memref<!tpu.dma_semaphore, #tpu.memory_space<semaphore_mem>>) src(%dma_wait3A_151 : memref<10000x128xf32, #tpu.memory_space<hbm>>) dst(%dma_wait3A_145 : memref<80x128xf32, #tpu.memory_space<vmem>>)
      %dma_wait3A_152 = arith.constant 1 : i32
      %dma_wait3A_153 = arith.constant 6 : i32
      %dma_wait3A_154 = arith.constant 80 : i32
      %dma_wait3A_155 = arith.constant 0 : i32
      %dma_wait3A_156 = tpu.memref_slice %arg6[%dma_wait3A_154, %dma_wait3A_155] : memref<320x128xf32, #tpu.memory_space<vmem>> -> memref<80x128xf32, #tpu.memory_space<vmem>>
      %dma_wait3A_157 = arith.constant 0 : i32
      %dma_wait3A_158 = tpu.memref_slice %arg5[%dma_wait3A_152, %dma_wait3A_153, %dma_wait3A_157] : memref<4x32x80xi32, #tpu.memory_space<vmem>> -> memref<1x1x80xi32, #tpu.memory_space<vmem>>
      %dma_wait3A_159 = tpu.memref_squeeze %dma_wait3A_158 : memref<1x1x80xi32, #tpu.memory_space<vmem>> -> memref<80xi32, #tpu.memory_space<vmem>>
      %dma_wait3A_160 = arith.constant 0 : i32
      %dma_wait3A_161 = arith.constant 0 : i32
      %dma_wait3A_162 = tpu.memref_slice %arg2[%dma_wait3A_160, %dma_wait3A_161] : memref<10000x128xf32, #tpu.memory_space<hbm>> -> memref<10000x128xf32, #tpu.memory_space<hbm>>
      tpu.wait_indirect_dma semaphore(%arg8 : memref<!tpu.dma_semaphore, #tpu.memory_space<semaphore_mem>>) src(%dma_wait3A_162 : memref<10000x128xf32, #tpu.memory_space<hbm>>) dst(%dma_wait3A_156 : memref<80x128xf32, #tpu.memory_space<vmem>>)
      %dma_wait3A_163 = arith.constant 1 : i32
      %dma_wait3A_164 = arith.constant 7 : i32
      %dma_wait3A_165 = arith.constant 80 : i32
      %dma_wait3A_166 = arith.constant 0 : i32
      %dma_wait3A_167 = tpu.memref_slice %arg6[%dma_wait3A_165, %dma_wait3A_166] : memref<320x128xf32, #tpu.memory_space<vmem>> -> memref<80x128xf32, #tpu.memory_space<vmem>>
      %dma_wait3A_168 = arith.constant 0 : i32
      %dma_wait3A_169 = tpu.memref_slice %arg5[%dma_wait3A_163, %dma_wait3A_164, %dma_wait3A_168] : memref<4x32x80xi32, #tpu.memory_space<vmem>> -> memref<1x1x80xi32, #tpu.memory_space<vmem>>
      %dma_wait3A_170 = tpu.memref_squeeze %dma_wait3A_169 : memref<1x1x80xi32, #tpu.memory_space<vmem>> -> memref<80xi32, #tpu.memory_space<vmem>>
      %dma_wait3A_171 = arith.constant 0 : i32
      %dma_wait3A_172 = arith.constant 0 : i32
      %dma_wait3A_173 = tpu.memref_slice %arg2[%dma_wait3A_171, %dma_wait3A_172] : memref<10000x128xf32, #tpu.memory_space<hbm>> -> memref<10000x128xf32, #tpu.memory_space<hbm>>
      tpu.wait_indirect_dma semaphore(%arg8 : memref<!tpu.dma_semaphore, #tpu.memory_space<semaphore_mem>>) src(%dma_wait3A_173 : memref<10000x128xf32, #tpu.memory_space<hbm>>) dst(%dma_wait3A_167 : memref<80x128xf32, #tpu.memory_space<vmem>>)
      %dma_wait3A_174 = arith.constant 1 : i32
      %dma_wait3A_175 = arith.constant 8 : i32
      %dma_wait3A_176 = arith.constant 80 : i32
      %dma_wait3A_177 = arith.constant 0 : i32
      %dma_wait3A_178 = tpu.memref_slice %arg6[%dma_wait3A_176, %dma_wait3A_177] : memref<320x128xf32, #tpu.memory_space<vmem>> -> memref<80x128xf32, #tpu.memory_space<vmem>>
      %dma_wait3A_179 = arith.constant 0 : i32
      %dma_wait3A_180 = tpu.memref_slice %arg5[%dma_wait3A_174, %dma_wait3A_175, %dma_wait3A_179] : memref<4x32x80xi32, #tpu.memory_space<vmem>> -> memref<1x1x80xi32, #tpu.memory_space<vmem>>
      %dma_wait3A_181 = tpu.memref_squeeze %dma_wait3A_180 : memref<1x1x80xi32, #tpu.memory_space<vmem>> -> memref<80xi32, #tpu.memory_space<vmem>>
      %dma_wait3A_182 = arith.constant 0 : i32
      %dma_wait3A_183 = arith.constant 0 : i32
      %dma_wait3A_184 = tpu.memref_slice %arg2[%dma_wait3A_182, %dma_wait3A_183] : memref<10000x128xf32, #tpu.memory_space<hbm>> -> memref<10000x128xf32, #tpu.memory_space<hbm>>
      tpu.wait_indirect_dma semaphore(%arg8 : memref<!tpu.dma_semaphore, #tpu.memory_space<semaphore_mem>>) src(%dma_wait3A_184 : memref<10000x128xf32, #tpu.memory_space<hbm>>) dst(%dma_wait3A_178 : memref<80x128xf32, #tpu.memory_space<vmem>>)
      %dma_wait3A_185 = arith.constant 1 : i32
      %dma_wait3A_186 = arith.constant 9 : i32
      %dma_wait3A_187 = arith.constant 80 : i32
      %dma_wait3A_188 = arith.constant 0 : i32
      %dma_wait3A_189 = tpu.memref_slice %arg6[%dma_wait3A_187, %dma_wait3A_188] : memref<320x128xf32, #tpu.memory_space<vmem>> -> memref<80x128xf32, #tpu.memory_space<vmem>>
      %dma_wait3A_190 = arith.constant 0 : i32
      %dma_wait3A_191 = tpu.memref_slice %arg5[%dma_wait3A_185, %dma_wait3A_186, %dma_wait3A_190] : memref<4x32x80xi32, #tpu.memory_space<vmem>> -> memref<1x1x80xi32, #tpu.memory_space<vmem>>
      %dma_wait3A_192 = tpu.memref_squeeze %dma_wait3A_191 : memref<1x1x80xi32, #tpu.memory_space<vmem>> -> memref<80xi32, #tpu.memory_space<vmem>>
      %dma_wait3A_193 = arith.constant 0 : i32
      %dma_wait3A_194 = arith.constant 0 : i32
      %dma_wait3A_195 = tpu.memref_slice %arg2[%dma_wait3A_193, %dma_wait3A_194] : memref<10000x128xf32, #tpu.memory_space<hbm>> -> memref<10000x128xf32, #tpu.memory_space<hbm>>
      tpu.wait_indirect_dma semaphore(%arg8 : memref<!tpu.dma_semaphore, #tpu.memory_space<semaphore_mem>>) src(%dma_wait3A_195 : memref<10000x128xf32, #tpu.memory_space<hbm>>) dst(%dma_wait3A_189 : memref<80x128xf32, #tpu.memory_space<vmem>>)
      %dma_wait3A_196 = arith.constant 1 : i32
      %dma_wait3A_197 = arith.constant 10 : i32
      %dma_wait3A_198 = arith.constant 80 : i32
      %dma_wait3A_199 = arith.constant 0 : i32
      %dma_wait3A_200 = tpu.memref_slice %arg6[%dma_wait3A_198, %dma_wait3A_199] : memref<320x128xf32, #tpu.memory_space<vmem>> -> memref<80x128xf32, #tpu.memory_space<vmem>>
      %dma_wait3A_201 = arith.constant 0 : i32
      %dma_wait3A_202 = tpu.memref_slice %arg5[%dma_wait3A_196, %dma_wait3A_197, %dma_wait3A_201] : memref<4x32x80xi32, #tpu.memory_space<vmem>> -> memref<1x1x80xi32, #tpu.memory_space<vmem>>
      %dma_wait3A_203 = tpu.memref_squeeze %dma_wait3A_202 : memref<1x1x80xi32, #tpu.memory_space<vmem>> -> memref<80xi32, #tpu.memory_space<vmem>>
      %dma_wait3A_204 = arith.constant 0 : i32
      %dma_wait3A_205 = arith.constant 0 : i32
      %dma_wait3A_206 = tpu.memref_slice %arg2[%dma_wait3A_204, %dma_wait3A_205] : memref<10000x128xf32, #tpu.memory_space<hbm>> -> memref<10000x128xf32, #tpu.memory_space<hbm>>
      tpu.wait_indirect_dma semaphore(%arg8 : memref<!tpu.dma_semaphore, #tpu.memory_space<semaphore_mem>>) src(%dma_wait3A_206 : memref<10000x128xf32, #tpu.memory_space<hbm>>) dst(%dma_wait3A_200 : memref<80x128xf32, #tpu.memory_space<vmem>>)
      %dma_wait3A_207 = arith.constant 1 : i32
      %dma_wait3A_208 = arith.constant 11 : i32
      %dma_wait3A_209 = arith.constant 80 : i32
      %dma_wait3A_210 = arith.constant 0 : i32
      %dma_wait3A_211 = tpu.memref_slice %arg6[%dma_wait3A_209, %dma_wait3A_210] : memref<320x128xf32, #tpu.memory_space<vmem>> -> memref<80x128xf32, #tpu.memory_space<vmem>>
      %dma_wait3A_212 = arith.constant 0 : i32
      %dma_wait3A_213 = tpu.memref_slice %arg5[%dma_wait3A_207, %dma_wait3A_208, %dma_wait3A_212] : memref<4x32x80xi32, #tpu.memory_space<vmem>> -> memref<1x1x80xi32, #tpu.memory_space<vmem>>
      %dma_wait3A_214 = tpu.memref_squeeze %dma_wait3A_213 : memref<1x1x80xi32, #tpu.memory_space<vmem>> -> memref<80xi32, #tpu.memory_space<vmem>>
      %dma_wait3A_215 = arith.constant 0 : i32
      %dma_wait3A_216 = arith.constant 0 : i32
      %dma_wait3A_217 = tpu.memref_slice %arg2[%dma_wait3A_215, %dma_wait3A_216] : memref<10000x128xf32, #tpu.memory_space<hbm>> -> memref<10000x128xf32, #tpu.memory_space<hbm>>
      tpu.wait_indirect_dma semaphore(%arg8 : memref<!tpu.dma_semaphore, #tpu.memory_space<semaphore_mem>>) src(%dma_wait3A_217 : memref<10000x128xf32, #tpu.memory_space<hbm>>) dst(%dma_wait3A_211 : memref<80x128xf32, #tpu.memory_space<vmem>>)
      %dma_wait3A_218 = arith.constant 1 : i32
      %dma_wait3A_219 = arith.constant 12 : i32
      %dma_wait3A_220 = arith.constant 80 : i32
      %dma_wait3A_221 = arith.constant 0 : i32
      %dma_wait3A_222 = tpu.memref_slice %arg6[%dma_wait3A_220, %dma_wait3A_221] : memref<320x128xf32, #tpu.memory_space<vmem>> -> memref<80x128xf32, #tpu.memory_space<vmem>>
      %dma_wait3A_223 = arith.constant 0 : i32
      %dma_wait3A_224 = tpu.memref_slice %arg5[%dma_wait3A_218, %dma_wait3A_219, %dma_wait3A_223] : memref<4x32x80xi32, #tpu.memory_space<vmem>> -> memref<1x1x80xi32, #tpu.memory_space<vmem>>
      %dma_wait3A_225 = tpu.memref_squeeze %dma_wait3A_224 : memref<1x1x80xi32, #tpu.memory_space<vmem>> -> memref<80xi32, #tpu.memory_space<vmem>>
      %dma_wait3A_226 = arith.constant 0 : i32
      %dma_wait3A_227 = arith.constant 0 : i32
      %dma_wait3A_228 = tpu.memref_slice %arg2[%dma_wait3A_226, %dma_wait3A_227] : memref<10000x128xf32, #tpu.memory_space<hbm>> -> memref<10000x128xf32, #tpu.memory_space<hbm>>
      tpu.wait_indirect_dma semaphore(%arg8 : memref<!tpu.dma_semaphore, #tpu.memory_space<semaphore_mem>>) src(%dma_wait3A_228 : memref<10000x128xf32, #tpu.memory_space<hbm>>) dst(%dma_wait3A_222 : memref<80x128xf32, #tpu.memory_space<vmem>>)
      %dma_wait3A_229 = arith.constant 1 : i32
      %dma_wait3A_230 = arith.constant 13 : i32
      %dma_wait3A_231 = arith.constant 80 : i32
      %dma_wait3A_232 = arith.constant 0 : i32
      %dma_wait3A_233 = tpu.memref_slice %arg6[%dma_wait3A_231, %dma_wait3A_232] : memref<320x128xf32, #tpu.memory_space<vmem>> -> memref<80x128xf32, #tpu.memory_space<vmem>>
      %dma_wait3A_234 = arith.constant 0 : i32
      %dma_wait3A_235 = tpu.memref_slice %arg5[%dma_wait3A_229, %dma_wait3A_230, %dma_wait3A_234] : memref<4x32x80xi32, #tpu.memory_space<vmem>> -> memref<1x1x80xi32, #tpu.memory_space<vmem>>
      %dma_wait3A_236 = tpu.memref_squeeze %dma_wait3A_235 : memref<1x1x80xi32, #tpu.memory_space<vmem>> -> memref<80xi32, #tpu.memory_space<vmem>>
      %dma_wait3A_237 = arith.constant 0 : i32
      %dma_wait3A_238 = arith.constant 0 : i32
      %dma_wait3A_239 = tpu.memref_slice %arg2[%dma_wait3A_237, %dma_wait3A_238] : memref<10000x128xf32, #tpu.memory_space<hbm>> -> memref<10000x128xf32, #tpu.memory_space<hbm>>
      tpu.wait_indirect_dma semaphore(%arg8 : memref<!tpu.dma_semaphore, #tpu.memory_space<semaphore_mem>>) src(%dma_wait3A_239 : memref<10000x128xf32, #tpu.memory_space<hbm>>) dst(%dma_wait3A_233 : memref<80x128xf32, #tpu.memory_space<vmem>>)
      %dma_wait3A_240 = arith.constant 1 : i32
      %dma_wait3A_241 = arith.constant 14 : i32
      %dma_wait3A_242 = arith.constant 80 : i32
      %dma_wait3A_243 = arith.constant 0 : i32
      %dma_wait3A_244 = tpu.memref_slice %arg6[%dma_wait3A_242, %dma_wait3A_243] : memref<320x128xf32, #tpu.memory_space<vmem>> -> memref<80x128xf32, #tpu.memory_space<vmem>>
      %dma_wait3A_245 = arith.constant 0 : i32
      %dma_wait3A_246 = tpu.memref_slice %arg5[%dma_wait3A_240, %dma_wait3A_241, %dma_wait3A_245] : memref<4x32x80xi32, #tpu.memory_space<vmem>> -> memref<1x1x80xi32, #tpu.memory_space<vmem>>
      %dma_wait3A_247 = tpu.memref_squeeze %dma_wait3A_246 : memref<1x1x80xi32, #tpu.memory_space<vmem>> -> memref<80xi32, #tpu.memory_space<vmem>>
      %dma_wait3A_248 = arith.constant 0 : i32
      %dma_wait3A_249 = arith.constant 0 : i32
      %dma_wait3A_250 = tpu.memref_slice %arg2[%dma_wait3A_248, %dma_wait3A_249] : memref<10000x128xf32, #tpu.memory_space<hbm>> -> memref<10000x128xf32, #tpu.memory_space<hbm>>
      tpu.wait_indirect_dma semaphore(%arg8 : memref<!tpu.dma_semaphore, #tpu.memory_space<semaphore_mem>>) src(%dma_wait3A_250 : memref<10000x128xf32, #tpu.memory_space<hbm>>) dst(%dma_wait3A_244 : memref<80x128xf32, #tpu.memory_space<vmem>>)
      %dma_wait3A_251 = arith.constant 1 : i32
      %dma_wait3A_252 = arith.constant 15 : i32
      %dma_wait3A_253 = arith.constant 80 : i32
      %dma_wait3A_254 = arith.constant 0 : i32
      %dma_wait3A_255 = tpu.memref_slice %arg6[%dma_wait3A_253, %dma_wait3A_254] : memref<320x128xf32, #tpu.memory_space<vmem>> -> memref<80x128xf32, #tpu.memory_space<vmem>>
      %dma_wait3A_256 = arith.constant 0 : i32
      %dma_wait3A_257 = tpu.memref_slice %arg5[%dma_wait3A_251, %dma_wait3A_252, %dma_wait3A_256] : memref<4x32x80xi32, #tpu.memory_space<vmem>> -> memref<1x1x80xi32, #tpu.memory_space<vmem>>
      %dma_wait3A_258 = tpu.memref_squeeze %dma_wait3A_257 : memref<1x1x80xi32, #tpu.memory_space<vmem>> -> memref<80xi32, #tpu.memory_space<vmem>>
      %dma_wait3A_259 = arith.constant 0 : i32
      %dma_wait3A_260 = arith.constant 0 : i32
      %dma_wait3A_261 = tpu.memref_slice %arg2[%dma_wait3A_259, %dma_wait3A_260] : memref<10000x128xf32, #tpu.memory_space<hbm>> -> memref<10000x128xf32, #tpu.memory_space<hbm>>
      tpu.wait_indirect_dma semaphore(%arg8 : memref<!tpu.dma_semaphore, #tpu.memory_space<semaphore_mem>>) src(%dma_wait3A_261 : memref<10000x128xf32, #tpu.memory_space<hbm>>) dst(%dma_wait3A_255 : memref<80x128xf32, #tpu.memory_space<vmem>>)
      %dma_wait3A_262 = arith.constant 1 : i32
      %dma_wait3A_263 = arith.constant 16 : i32
      %dma_wait3A_264 = arith.constant 80 : i32
      %dma_wait3A_265 = arith.constant 0 : i32
      %dma_wait3A_266 = tpu.memref_slice %arg6[%dma_wait3A_264, %dma_wait3A_265] : memref<320x128xf32, #tpu.memory_space<vmem>> -> memref<80x128xf32, #tpu.memory_space<vmem>>
      %dma_wait3A_267 = arith.constant 0 : i32
      %dma_wait3A_268 = tpu.memref_slice %arg5[%dma_wait3A_262, %dma_wait3A_263, %dma_wait3A_267] : memref<4x32x80xi32, #tpu.memory_space<vmem>> -> memref<1x1x80xi32, #tpu.memory_space<vmem>>
      %dma_wait3A_269 = tpu.memref_squeeze %dma_wait3A_268 : memref<1x1x80xi32, #tpu.memory_space<vmem>> -> memref<80xi32, #tpu.memory_space<vmem>>
      %dma_wait3A_270 = arith.constant 0 : i32
      %dma_wait3A_271 = arith.constant 0 : i32
      %dma_wait3A_272 = tpu.memref_slice %arg2[%dma_wait3A_270, %dma_wait3A_271] : memref<10000x128xf32, #tpu.memory_space<hbm>> -> memref<10000x128xf32, #tpu.memory_space<hbm>>
      tpu.wait_indirect_dma semaphore(%arg8 : memref<!tpu.dma_semaphore, #tpu.memory_space<semaphore_mem>>) src(%dma_wait3A_272 : memref<10000x128xf32, #tpu.memory_space<hbm>>) dst(%dma_wait3A_266 : memref<80x128xf32, #tpu.memory_space<vmem>>)
      %dma_wait3A_273 = arith.constant 1 : i32
      %dma_wait3A_274 = arith.constant 17 : i32
      %dma_wait3A_275 = arith.constant 80 : i32
      %dma_wait3A_276 = arith.constant 0 : i32
      %dma_wait3A_277 = tpu.memref_slice %arg6[%dma_wait3A_275, %dma_wait3A_276] : memref<320x128xf32, #tpu.memory_space<vmem>> -> memref<80x128xf32, #tpu.memory_space<vmem>>
      %dma_wait3A_278 = arith.constant 0 : i32
      %dma_wait3A_279 = tpu.memref_slice %arg5[%dma_wait3A_273, %dma_wait3A_274, %dma_wait3A_278] : memref<4x32x80xi32, #tpu.memory_space<vmem>> -> memref<1x1x80xi32, #tpu.memory_space<vmem>>
      %dma_wait3A_280 = tpu.memref_squeeze %dma_wait3A_279 : memref<1x1x80xi32, #tpu.memory_space<vmem>> -> memref<80xi32, #tpu.memory_space<vmem>>
      %dma_wait3A_281 = arith.constant 0 : i32
      %dma_wait3A_282 = arith.constant 0 : i32
      %dma_wait3A_283 = tpu.memref_slice %arg2[%dma_wait3A_281, %dma_wait3A_282] : memref<10000x128xf32, #tpu.memory_space<hbm>> -> memref<10000x128xf32, #tpu.memory_space<hbm>>
      tpu.wait_indirect_dma semaphore(%arg8 : memref<!tpu.dma_semaphore, #tpu.memory_space<semaphore_mem>>) src(%dma_wait3A_283 : memref<10000x128xf32, #tpu.memory_space<hbm>>) dst(%dma_wait3A_277 : memref<80x128xf32, #tpu.memory_space<vmem>>)
      %dma_wait3A_284 = arith.constant 1 : i32
      %dma_wait3A_285 = arith.constant 18 : i32
      %dma_wait3A_286 = arith.constant 80 : i32
      %dma_wait3A_287 = arith.constant 0 : i32
      %dma_wait3A_288 = tpu.memref_slice %arg6[%dma_wait3A_286, %dma_wait3A_287] : memref<320x128xf32, #tpu.memory_space<vmem>> -> memref<80x128xf32, #tpu.memory_space<vmem>>
      %dma_wait3A_289 = arith.constant 0 : i32
      %dma_wait3A_290 = tpu.memref_slice %arg5[%dma_wait3A_284, %dma_wait3A_285, %dma_wait3A_289] : memref<4x32x80xi32, #tpu.memory_space<vmem>> -> memref<1x1x80xi32, #tpu.memory_space<vmem>>
      %dma_wait3A_291 = tpu.memref_squeeze %dma_wait3A_290 : memref<1x1x80xi32, #tpu.memory_space<vmem>> -> memref<80xi32, #tpu.memory_space<vmem>>
      %dma_wait3A_292 = arith.constant 0 : i32
      %dma_wait3A_293 = arith.constant 0 : i32
      %dma_wait3A_294 = tpu.memref_slice %arg2[%dma_wait3A_292, %dma_wait3A_293] : memref<10000x128xf32, #tpu.memory_space<hbm>> -> memref<10000x128xf32, #tpu.memory_space<hbm>>
      tpu.wait_indirect_dma semaphore(%arg8 : memref<!tpu.dma_semaphore, #tpu.memory_space<semaphore_mem>>) src(%dma_wait3A_294 : memref<10000x128xf32, #tpu.memory_space<hbm>>) dst(%dma_wait3A_288 : memref<80x128xf32, #tpu.memory_space<vmem>>)
      %dma_wait3A_295 = arith.constant 1 : i32
      %dma_wait3A_296 = arith.constant 19 : i32
      %dma_wait3A_297 = arith.constant 80 : i32
      %dma_wait3A_298 = arith.constant 0 : i32
      %dma_wait3A_299 = tpu.memref_slice %arg6[%dma_wait3A_297, %dma_wait3A_298] : memref<320x128xf32, #tpu.memory_space<vmem>> -> memref<80x128xf32, #tpu.memory_space<vmem>>
      %dma_wait3A_300 = arith.constant 0 : i32
      %dma_wait3A_301 = tpu.memref_slice %arg5[%dma_wait3A_295, %dma_wait3A_296, %dma_wait3A_300] : memref<4x32x80xi32, #tpu.memory_space<vmem>> -> memref<1x1x80xi32, #tpu.memory_space<vmem>>
      %dma_wait3A_302 = tpu.memref_squeeze %dma_wait3A_301 : memref<1x1x80xi32, #tpu.memory_space<vmem>> -> memref<80xi32, #tpu.memory_space<vmem>>
      %dma_wait3A_303 = arith.constant 0 : i32
      %dma_wait3A_304 = arith.constant 0 : i32
      %dma_wait3A_305 = tpu.memref_slice %arg2[%dma_wait3A_303, %dma_wait3A_304] : memref<10000x128xf32, #tpu.memory_space<hbm>> -> memref<10000x128xf32, #tpu.memory_space<hbm>>
      tpu.wait_indirect_dma semaphore(%arg8 : memref<!tpu.dma_semaphore, #tpu.memory_space<semaphore_mem>>) src(%dma_wait3A_305 : memref<10000x128xf32, #tpu.memory_space<hbm>>) dst(%dma_wait3A_299 : memref<80x128xf32, #tpu.memory_space<vmem>>)
      %dma_wait3A_306 = arith.constant 1 : i32
      %dma_wait3A_307 = arith.constant 20 : i32
      %dma_wait3A_308 = arith.constant 80 : i32
      %dma_wait3A_309 = arith.constant 0 : i32
      %dma_wait3A_310 = tpu.memref_slice %arg6[%dma_wait3A_308, %dma_wait3A_309] : memref<320x128xf32, #tpu.memory_space<vmem>> -> memref<80x128xf32, #tpu.memory_space<vmem>>
      %dma_wait3A_311 = arith.constant 0 : i32
      %dma_wait3A_312 = tpu.memref_slice %arg5[%dma_wait3A_306, %dma_wait3A_307, %dma_wait3A_311] : memref<4x32x80xi32, #tpu.memory_space<vmem>> -> memref<1x1x80xi32, #tpu.memory_space<vmem>>
      %dma_wait3A_313 = tpu.memref_squeeze %dma_wait3A_312 : memref<1x1x80xi32, #tpu.memory_space<vmem>> -> memref<80xi32, #tpu.memory_space<vmem>>
      %dma_wait3A_314 = arith.constant 0 : i32
      %dma_wait3A_315 = arith.constant 0 : i32
      %dma_wait3A_316 = tpu.memref_slice %arg2[%dma_wait3A_314, %dma_wait3A_315] : memref<10000x128xf32, #tpu.memory_space<hbm>> -> memref<10000x128xf32, #tpu.memory_space<hbm>>
      tpu.wait_indirect_dma semaphore(%arg8 : memref<!tpu.dma_semaphore, #tpu.memory_space<semaphore_mem>>) src(%dma_wait3A_316 : memref<10000x128xf32, #tpu.memory_space<hbm>>) dst(%dma_wait3A_310 : memref<80x128xf32, #tpu.memory_space<vmem>>)
      %dma_wait3A_317 = arith.constant 1 : i32
      %dma_wait3A_318 = arith.constant 21 : i32
      %dma_wait3A_319 = arith.constant 80 : i32
      %dma_wait3A_320 = arith.constant 0 : i32
      %dma_wait3A_321 = tpu.memref_slice %arg6[%dma_wait3A_319, %dma_wait3A_320] : memref<320x128xf32, #tpu.memory_space<vmem>> -> memref<80x128xf32, #tpu.memory_space<vmem>>
      %dma_wait3A_322 = arith.constant 0 : i32
      %dma_wait3A_323 = tpu.memref_slice %arg5[%dma_wait3A_317, %dma_wait3A_318, %dma_wait3A_322] : memref<4x32x80xi32, #tpu.memory_space<vmem>> -> memref<1x1x80xi32, #tpu.memory_space<vmem>>
      %dma_wait3A_324 = tpu.memref_squeeze %dma_wait3A_323 : memref<1x1x80xi32, #tpu.memory_space<vmem>> -> memref<80xi32, #tpu.memory_space<vmem>>
      %dma_wait3A_325 = arith.constant 0 : i32
      %dma_wait3A_326 = arith.constant 0 : i32
      %dma_wait3A_327 = tpu.memref_slice %arg2[%dma_wait3A_325, %dma_wait3A_326] : memref<10000x128xf32, #tpu.memory_space<hbm>> -> memref<10000x128xf32, #tpu.memory_space<hbm>>
      tpu.wait_indirect_dma semaphore(%arg8 : memref<!tpu.dma_semaphore, #tpu.memory_space<semaphore_mem>>) src(%dma_wait3A_327 : memref<10000x128xf32, #tpu.memory_space<hbm>>) dst(%dma_wait3A_321 : memref<80x128xf32, #tpu.memory_space<vmem>>)
      %dma_wait3A_328 = arith.constant 1 : i32
      %dma_wait3A_329 = arith.constant 22 : i32
      %dma_wait3A_330 = arith.constant 80 : i32
      %dma_wait3A_331 = arith.constant 0 : i32
      %dma_wait3A_332 = tpu.memref_slice %arg6[%dma_wait3A_330, %dma_wait3A_331] : memref<320x128xf32, #tpu.memory_space<vmem>> -> memref<80x128xf32, #tpu.memory_space<vmem>>
      %dma_wait3A_333 = arith.constant 0 : i32
      %dma_wait3A_334 = tpu.memref_slice %arg5[%dma_wait3A_328, %dma_wait3A_329, %dma_wait3A_333] : memref<4x32x80xi32, #tpu.memory_space<vmem>> -> memref<1x1x80xi32, #tpu.memory_space<vmem>>
      %dma_wait3A_335 = tpu.memref_squeeze %dma_wait3A_334 : memref<1x1x80xi32, #tpu.memory_space<vmem>> -> memref<80xi32, #tpu.memory_space<vmem>>
      %dma_wait3A_336 = arith.constant 0 : i32
      %dma_wait3A_337 = arith.constant 0 : i32
      %dma_wait3A_338 = tpu.memref_slice %arg2[%dma_wait3A_336, %dma_wait3A_337] : memref<10000x128xf32, #tpu.memory_space<hbm>> -> memref<10000x128xf32, #tpu.memory_space<hbm>>
      tpu.wait_indirect_dma semaphore(%arg8 : memref<!tpu.dma_semaphore, #tpu.memory_space<semaphore_mem>>) src(%dma_wait3A_338 : memref<10000x128xf32, #tpu.memory_space<hbm>>) dst(%dma_wait3A_332 : memref<80x128xf32, #tpu.memory_space<vmem>>)
      %dma_wait3A_339 = arith.constant 1 : i32
      %dma_wait3A_340 = arith.constant 23 : i32
      %dma_wait3A_341 = arith.constant 80 : i32
      %dma_wait3A_342 = arith.constant 0 : i32
      %dma_wait3A_343 = tpu.memref_slice %arg6[%dma_wait3A_341, %dma_wait3A_342] : memref<320x128xf32, #tpu.memory_space<vmem>> -> memref<80x128xf32, #tpu.memory_space<vmem>>
      %dma_wait3A_344 = arith.constant 0 : i32
      %dma_wait3A_345 = tpu.memref_slice %arg5[%dma_wait3A_339, %dma_wait3A_340, %dma_wait3A_344] : memref<4x32x80xi32, #tpu.memory_space<vmem>> -> memref<1x1x80xi32, #tpu.memory_space<vmem>>
      %dma_wait3A_346 = tpu.memref_squeeze %dma_wait3A_345 : memref<1x1x80xi32, #tpu.memory_space<vmem>> -> memref<80xi32, #tpu.memory_space<vmem>>
      %dma_wait3A_347 = arith.constant 0 : i32
      %dma_wait3A_348 = arith.constant 0 : i32
      %dma_wait3A_349 = tpu.memref_slice %arg2[%dma_wait3A_347, %dma_wait3A_348] : memref<10000x128xf32, #tpu.memory_space<hbm>> -> memref<10000x128xf32, #tpu.memory_space<hbm>>
      tpu.wait_indirect_dma semaphore(%arg8 : memref<!tpu.dma_semaphore, #tpu.memory_space<semaphore_mem>>) src(%dma_wait3A_349 : memref<10000x128xf32, #tpu.memory_space<hbm>>) dst(%dma_wait3A_343 : memref<80x128xf32, #tpu.memory_space<vmem>>)
      %dma_wait3A_350 = arith.constant 1 : i32
      %dma_wait3A_351 = arith.constant 24 : i32
      %dma_wait3A_352 = arith.constant 80 : i32
      %dma_wait3A_353 = arith.constant 0 : i32
      %dma_wait3A_354 = tpu.memref_slice %arg6[%dma_wait3A_352, %dma_wait3A_353] : memref<320x128xf32, #tpu.memory_space<vmem>> -> memref<80x128xf32, #tpu.memory_space<vmem>>
      %dma_wait3A_355 = arith.constant 0 : i32
      %dma_wait3A_356 = tpu.memref_slice %arg5[%dma_wait3A_350, %dma_wait3A_351, %dma_wait3A_355] : memref<4x32x80xi32, #tpu.memory_space<vmem>> -> memref<1x1x80xi32, #tpu.memory_space<vmem>>
      %dma_wait3A_357 = tpu.memref_squeeze %dma_wait3A_356 : memref<1x1x80xi32, #tpu.memory_space<vmem>> -> memref<80xi32, #tpu.memory_space<vmem>>
      %dma_wait3A_358 = arith.constant 0 : i32
      %dma_wait3A_359 = arith.constant 0 : i32
      %dma_wait3A_360 = tpu.memref_slice %arg2[%dma_wait3A_358, %dma_wait3A_359] : memref<10000x128xf32, #tpu.memory_space<hbm>> -> memref<10000x128xf32, #tpu.memory_space<hbm>>
      tpu.wait_indirect_dma semaphore(%arg8 : memref<!tpu.dma_semaphore, #tpu.memory_space<semaphore_mem>>) src(%dma_wait3A_360 : memref<10000x128xf32, #tpu.memory_space<hbm>>) dst(%dma_wait3A_354 : memref<80x128xf32, #tpu.memory_space<vmem>>)
      %dma_wait3A_361 = arith.constant 1 : i32
      %dma_wait3A_362 = arith.constant 25 : i32
      %dma_wait3A_363 = arith.constant 80 : i32
      %dma_wait3A_364 = arith.constant 0 : i32
      %dma_wait3A_365 = tpu.memref_slice %arg6[%dma_wait3A_363, %dma_wait3A_364] : memref<320x128xf32, #tpu.memory_space<vmem>> -> memref<80x128xf32, #tpu.memory_space<vmem>>
      %dma_wait3A_366 = arith.constant 0 : i32
      %dma_wait3A_367 = tpu.memref_slice %arg5[%dma_wait3A_361, %dma_wait3A_362, %dma_wait3A_366] : memref<4x32x80xi32, #tpu.memory_space<vmem>> -> memref<1x1x80xi32, #tpu.memory_space<vmem>>
      %dma_wait3A_368 = tpu.memref_squeeze %dma_wait3A_367 : memref<1x1x80xi32, #tpu.memory_space<vmem>> -> memref<80xi32, #tpu.memory_space<vmem>>
      %dma_wait3A_369 = arith.constant 0 : i32
      %dma_wait3A_370 = arith.constant 0 : i32
      %dma_wait3A_371 = tpu.memref_slice %arg2[%dma_wait3A_369, %dma_wait3A_370] : memref<10000x128xf32, #tpu.memory_space<hbm>> -> memref<10000x128xf32, #tpu.memory_space<hbm>>
      tpu.wait_indirect_dma semaphore(%arg8 : memref<!tpu.dma_semaphore, #tpu.memory_space<semaphore_mem>>) src(%dma_wait3A_371 : memref<10000x128xf32, #tpu.memory_space<hbm>>) dst(%dma_wait3A_365 : memref<80x128xf32, #tpu.memory_space<vmem>>)
      %dma_wait3A_372 = arith.constant 1 : i32
      %dma_wait3A_373 = arith.constant 26 : i32
      %dma_wait3A_374 = arith.constant 80 : i32
      %dma_wait3A_375 = arith.constant 0 : i32
      %dma_wait3A_376 = tpu.memref_slice %arg6[%dma_wait3A_374, %dma_wait3A_375] : memref<320x128xf32, #tpu.memory_space<vmem>> -> memref<80x128xf32, #tpu.memory_space<vmem>>
      %dma_wait3A_377 = arith.constant 0 : i32
      %dma_wait3A_378 = tpu.memref_slice %arg5[%dma_wait3A_372, %dma_wait3A_373, %dma_wait3A_377] : memref<4x32x80xi32, #tpu.memory_space<vmem>> -> memref<1x1x80xi32, #tpu.memory_space<vmem>>
      %dma_wait3A_379 = tpu.memref_squeeze %dma_wait3A_378 : memref<1x1x80xi32, #tpu.memory_space<vmem>> -> memref<80xi32, #tpu.memory_space<vmem>>
      %dma_wait3A_380 = arith.constant 0 : i32
      %dma_wait3A_381 = arith.constant 0 : i32
      %dma_wait3A_382 = tpu.memref_slice %arg2[%dma_wait3A_380, %dma_wait3A_381] : memref<10000x128xf32, #tpu.memory_space<hbm>> -> memref<10000x128xf32, #tpu.memory_space<hbm>>
      tpu.wait_indirect_dma semaphore(%arg8 : memref<!tpu.dma_semaphore, #tpu.memory_space<semaphore_mem>>) src(%dma_wait3A_382 : memref<10000x128xf32, #tpu.memory_space<hbm>>) dst(%dma_wait3A_376 : memref<80x128xf32, #tpu.memory_space<vmem>>)
      %dma_wait3A_383 = arith.constant 1 : i32
      %dma_wait3A_384 = arith.constant 27 : i32
      %dma_wait3A_385 = arith.constant 80 : i32
      %dma_wait3A_386 = arith.constant 0 : i32
      %dma_wait3A_387 = tpu.memref_slice %arg6[%dma_wait3A_385, %dma_wait3A_386] : memref<320x128xf32, #tpu.memory_space<vmem>> -> memref<80x128xf32, #tpu.memory_space<vmem>>
      %dma_wait3A_388 = arith.constant 0 : i32
      %dma_wait3A_389 = tpu.memref_slice %arg5[%dma_wait3A_383, %dma_wait3A_384, %dma_wait3A_388] : memref<4x32x80xi32, #tpu.memory_space<vmem>> -> memref<1x1x80xi32, #tpu.memory_space<vmem>>
      %dma_wait3A_390 = tpu.memref_squeeze %dma_wait3A_389 : memref<1x1x80xi32, #tpu.memory_space<vmem>> -> memref<80xi32, #tpu.memory_space<vmem>>
      %dma_wait3A_391 = arith.constant 0 : i32
      %dma_wait3A_392 = arith.constant 0 : i32
      %dma_wait3A_393 = tpu.memref_slice %arg2[%dma_wait3A_391, %dma_wait3A_392] : memref<10000x128xf32, #tpu.memory_space<hbm>> -> memref<10000x128xf32, #tpu.memory_space<hbm>>
      tpu.wait_indirect_dma semaphore(%arg8 : memref<!tpu.dma_semaphore, #tpu.memory_space<semaphore_mem>>) src(%dma_wait3A_393 : memref<10000x128xf32, #tpu.memory_space<hbm>>) dst(%dma_wait3A_387 : memref<80x128xf32, #tpu.memory_space<vmem>>)
      %dma_wait3A_394 = arith.constant 1 : i32
      %dma_wait3A_395 = arith.constant 28 : i32
      %dma_wait3A_396 = arith.constant 80 : i32
      %dma_wait3A_397 = arith.constant 0 : i32
      %dma_wait3A_398 = tpu.memref_slice %arg6[%dma_wait3A_396, %dma_wait3A_397] : memref<320x128xf32, #tpu.memory_space<vmem>> -> memref<80x128xf32, #tpu.memory_space<vmem>>
      %dma_wait3A_399 = arith.constant 0 : i32
      %dma_wait3A_400 = tpu.memref_slice %arg5[%dma_wait3A_394, %dma_wait3A_395, %dma_wait3A_399] : memref<4x32x80xi32, #tpu.memory_space<vmem>> -> memref<1x1x80xi32, #tpu.memory_space<vmem>>
      %dma_wait3A_401 = tpu.memref_squeeze %dma_wait3A_400 : memref<1x1x80xi32, #tpu.memory_space<vmem>> -> memref<80xi32, #tpu.memory_space<vmem>>
      %dma_wait3A_402 = arith.constant 0 : i32
      %dma_wait3A_403 = arith.constant 0 : i32
      %dma_wait3A_404 = tpu.memref_slice %arg2[%dma_wait3A_402, %dma_wait3A_403] : memref<10000x128xf32, #tpu.memory_space<hbm>> -> memref<10000x128xf32, #tpu.memory_space<hbm>>
      tpu.wait_indirect_dma semaphore(%arg8 : memref<!tpu.dma_semaphore, #tpu.memory_space<semaphore_mem>>) src(%dma_wait3A_404 : memref<10000x128xf32, #tpu.memory_space<hbm>>) dst(%dma_wait3A_398 : memref<80x128xf32, #tpu.memory_space<vmem>>)
      %dma_wait3A_405 = arith.constant 1 : i32
      %dma_wait3A_406 = arith.constant 29 : i32
      %dma_wait3A_407 = arith.constant 80 : i32
      %dma_wait3A_408 = arith.constant 0 : i32
      %dma_wait3A_409 = tpu.memref_slice %arg6[%dma_wait3A_407, %dma_wait3A_408] : memref<320x128xf32, #tpu.memory_space<vmem>> -> memref<80x128xf32, #tpu.memory_space<vmem>>
      %dma_wait3A_410 = arith.constant 0 : i32
      %dma_wait3A_411 = tpu.memref_slice %arg5[%dma_wait3A_405, %dma_wait3A_406, %dma_wait3A_410] : memref<4x32x80xi32, #tpu.memory_space<vmem>> -> memref<1x1x80xi32, #tpu.memory_space<vmem>>
      %dma_wait3A_412 = tpu.memref_squeeze %dma_wait3A_411 : memref<1x1x80xi32, #tpu.memory_space<vmem>> -> memref<80xi32, #tpu.memory_space<vmem>>
      %dma_wait3A_413 = arith.constant 0 : i32
      %dma_wait3A_414 = arith.constant 0 : i32
      %dma_wait3A_415 = tpu.memref_slice %arg2[%dma_wait3A_413, %dma_wait3A_414] : memref<10000x128xf32, #tpu.memory_space<hbm>> -> memref<10000x128xf32, #tpu.memory_space<hbm>>
      tpu.wait_indirect_dma semaphore(%arg8 : memref<!tpu.dma_semaphore, #tpu.memory_space<semaphore_mem>>) src(%dma_wait3A_415 : memref<10000x128xf32, #tpu.memory_space<hbm>>) dst(%dma_wait3A_409 : memref<80x128xf32, #tpu.memory_space<vmem>>)
      %dma_wait3A_416 = arith.constant 1 : i32
      %dma_wait3A_417 = arith.constant 30 : i32
      %dma_wait3A_418 = arith.constant 80 : i32
      %dma_wait3A_419 = arith.constant 0 : i32
      %dma_wait3A_420 = tpu.memref_slice %arg6[%dma_wait3A_418, %dma_wait3A_419] : memref<320x128xf32, #tpu.memory_space<vmem>> -> memref<80x128xf32, #tpu.memory_space<vmem>>
      %dma_wait3A_421 = arith.constant 0 : i32
      %dma_wait3A_422 = tpu.memref_slice %arg5[%dma_wait3A_416, %dma_wait3A_417, %dma_wait3A_421] : memref<4x32x80xi32, #tpu.memory_space<vmem>> -> memref<1x1x80xi32, #tpu.memory_space<vmem>>
      %dma_wait3A_423 = tpu.memref_squeeze %dma_wait3A_422 : memref<1x1x80xi32, #tpu.memory_space<vmem>> -> memref<80xi32, #tpu.memory_space<vmem>>
      %dma_wait3A_424 = arith.constant 0 : i32
      %dma_wait3A_425 = arith.constant 0 : i32
      %dma_wait3A_426 = tpu.memref_slice %arg2[%dma_wait3A_424, %dma_wait3A_425] : memref<10000x128xf32, #tpu.memory_space<hbm>> -> memref<10000x128xf32, #tpu.memory_space<hbm>>
      tpu.wait_indirect_dma semaphore(%arg8 : memref<!tpu.dma_semaphore, #tpu.memory_space<semaphore_mem>>) src(%dma_wait3A_426 : memref<10000x128xf32, #tpu.memory_space<hbm>>) dst(%dma_wait3A_420 : memref<80x128xf32, #tpu.memory_space<vmem>>)
      %dma_wait3A_427 = arith.constant 1 : i32
      %dma_wait3A_428 = arith.constant 31 : i32
      %dma_wait3A_429 = arith.constant 80 : i32
      %dma_wait3A_430 = arith.constant 0 : i32
      %dma_wait3A_431 = tpu.memref_slice %arg6[%dma_wait3A_429, %dma_wait3A_430] : memref<320x128xf32, #tpu.memory_space<vmem>> -> memref<80x128xf32, #tpu.memory_space<vmem>>
      %dma_wait3A_432 = arith.constant 0 : i32
      %dma_wait3A_433 = tpu.memref_slice %arg5[%dma_wait3A_427, %dma_wait3A_428, %dma_wait3A_432] : memref<4x32x80xi32, #tpu.memory_space<vmem>> -> memref<1x1x80xi32, #tpu.memory_space<vmem>>
      %dma_wait3A_434 = tpu.memref_squeeze %dma_wait3A_433 : memref<1x1x80xi32, #tpu.memory_space<vmem>> -> memref<80xi32, #tpu.memory_space<vmem>>
      %dma_wait3A_435 = arith.constant 0 : i32
      %dma_wait3A_436 = arith.constant 0 : i32
      %dma_wait3A_437 = tpu.memref_slice %arg2[%dma_wait3A_435, %dma_wait3A_436] : memref<10000x128xf32, #tpu.memory_space<hbm>> -> memref<10000x128xf32, #tpu.memory_space<hbm>>
      tpu.wait_indirect_dma semaphore(%arg8 : memref<!tpu.dma_semaphore, #tpu.memory_space<semaphore_mem>>) src(%dma_wait3A_437 : memref<10000x128xf32, #tpu.memory_space<hbm>>) dst(%dma_wait3A_431 : memref<80x128xf32, #tpu.memory_space<vmem>>)
      %add3A_438 = arith.constant 80 : i32
      %add3A_439 = arith.addi %mul3A_8, %add3A_438 : i32
      %dma_start3A = arith.constant 80 : i32
      %dma_start3A_440 = arith.constant 0 : i32
      %dma_start3A_441 = tpu.memref_slice %arg6[%dma_start3A, %dma_start3A_440] : memref<320x128xf32, #tpu.memory_space<vmem>> -> memref<80x128xf32, #tpu.memory_space<vmem>>
      %dma_start3A_442 = arith.constant 0 : i32
      %dma_start3A_443 = tpu.memref_slice %arg4[%add3A_439, %dma_start3A_442] : memref<10000x128xf32, #tpu.memory_space<hbm>> -> memref<80x128xf32, #tpu.memory_space<hbm>>
      %dma_start3A_444 = arith.constant 0 : i32
      %dma_start3A_445 = tpu.memref_slice %arg4[%add3A_439, %dma_start3A_444] : memref<10000x128xf32, #tpu.memory_space<hbm>> -> memref<80x128xf32, #tpu.memory_space<hbm>>
      %dma_start3A_446 = arith.constant 80 : i32
      %dma_start3A_447 = arith.constant 0 : i32
      %dma_start3A_448 = tpu.memref_slice %arg6[%dma_start3A_446, %dma_start3A_447] : memref<320x128xf32, #tpu.memory_space<vmem>> -> memref<80x128xf32, #tpu.memory_space<vmem>>
      tpu.enqueue_dma source(%dma_start3A_448 : memref<80x128xf32, #tpu.memory_space<vmem>>) target(%dma_start3A_445 : memref<80x128xf32, #tpu.memory_space<hbm>>) target_semaphore(%arg12 : memref<!tpu.dma_semaphore, #tpu.memory_space<semaphore_mem>>)
    } else {
    }
    %gt3A_57 = arith.constant 2 : i32
    %gt3A_58 = arith.cmpi sgt, %select_n3A, %gt3A_57 : i32
    %convert_element_type3A_59 = arith.extui %gt3A_58 : i1 to i32
    %cond3A_60 = arith.constant 0 : i32
    %cond3A_61 = arith.cmpi ne, %convert_element_type3A_59, %cond3A_60 : i32
    scf.if %cond3A_61 {
      %dma_wait3A = arith.constant 2 : i32
      %dma_wait3A_87 = arith.constant 0 : i32
      %dma_wait3A_88 = arith.constant 160 : i32
      %dma_wait3A_89 = arith.constant 0 : i32
      %dma_wait3A_90 = tpu.memref_slice %arg6[%dma_wait3A_88, %dma_wait3A_89] : memref<320x128xf32, #tpu.memory_space<vmem>> -> memref<80x128xf32, #tpu.memory_space<vmem>>
      %dma_wait3A_91 = arith.constant 0 : i32
      %dma_wait3A_92 = tpu.memref_slice %arg5[%dma_wait3A, %dma_wait3A_87, %dma_wait3A_91] : memref<4x32x80xi32, #tpu.memory_space<vmem>> -> memref<1x1x80xi32, #tpu.memory_space<vmem>>
      %dma_wait3A_93 = tpu.memref_squeeze %dma_wait3A_92 : memref<1x1x80xi32, #tpu.memory_space<vmem>> -> memref<80xi32, #tpu.memory_space<vmem>>
      %dma_wait3A_94 = arith.constant 0 : i32
      %dma_wait3A_95 = arith.constant 0 : i32
      %dma_wait3A_96 = tpu.memref_slice %arg2[%dma_wait3A_94, %dma_wait3A_95] : memref<10000x128xf32, #tpu.memory_space<hbm>> -> memref<10000x128xf32, #tpu.memory_space<hbm>>
      tpu.wait_indirect_dma semaphore(%arg9 : memref<!tpu.dma_semaphore, #tpu.memory_space<semaphore_mem>>) src(%dma_wait3A_96 : memref<10000x128xf32, #tpu.memory_space<hbm>>) dst(%dma_wait3A_90 : memref<80x128xf32, #tpu.memory_space<vmem>>)
      %dma_wait3A_97 = arith.constant 2 : i32
      %dma_wait3A_98 = arith.constant 1 : i32
      %dma_wait3A_99 = arith.constant 160 : i32
      %dma_wait3A_100 = arith.constant 0 : i32
      %dma_wait3A_101 = tpu.memref_slice %arg6[%dma_wait3A_99, %dma_wait3A_100] : memref<320x128xf32, #tpu.memory_space<vmem>> -> memref<80x128xf32, #tpu.memory_space<vmem>>
      %dma_wait3A_102 = arith.constant 0 : i32
      %dma_wait3A_103 = tpu.memref_slice %arg5[%dma_wait3A_97, %dma_wait3A_98, %dma_wait3A_102] : memref<4x32x80xi32, #tpu.memory_space<vmem>> -> memref<1x1x80xi32, #tpu.memory_space<vmem>>
      %dma_wait3A_104 = tpu.memref_squeeze %dma_wait3A_103 : memref<1x1x80xi32, #tpu.memory_space<vmem>> -> memref<80xi32, #tpu.memory_space<vmem>>
      %dma_wait3A_105 = arith.constant 0 : i32
      %dma_wait3A_106 = arith.constant 0 : i32
      %dma_wait3A_107 = tpu.memref_slice %arg2[%dma_wait3A_105, %dma_wait3A_106] : memref<10000x128xf32, #tpu.memory_space<hbm>> -> memref<10000x128xf32, #tpu.memory_space<hbm>>
      tpu.wait_indirect_dma semaphore(%arg9 : memref<!tpu.dma_semaphore, #tpu.memory_space<semaphore_mem>>) src(%dma_wait3A_107 : memref<10000x128xf32, #tpu.memory_space<hbm>>) dst(%dma_wait3A_101 : memref<80x128xf32, #tpu.memory_space<vmem>>)
      %dma_wait3A_108 = arith.constant 2 : i32
      %dma_wait3A_109 = arith.constant 2 : i32
      %dma_wait3A_110 = arith.constant 160 : i32
      %dma_wait3A_111 = arith.constant 0 : i32
      %dma_wait3A_112 = tpu.memref_slice %arg6[%dma_wait3A_110, %dma_wait3A_111] : memref<320x128xf32, #tpu.memory_space<vmem>> -> memref<80x128xf32, #tpu.memory_space<vmem>>
      %dma_wait3A_113 = arith.constant 0 : i32
      %dma_wait3A_114 = tpu.memref_slice %arg5[%dma_wait3A_108, %dma_wait3A_109, %dma_wait3A_113] : memref<4x32x80xi32, #tpu.memory_space<vmem>> -> memref<1x1x80xi32, #tpu.memory_space<vmem>>
      %dma_wait3A_115 = tpu.memref_squeeze %dma_wait3A_114 : memref<1x1x80xi32, #tpu.memory_space<vmem>> -> memref<80xi32, #tpu.memory_space<vmem>>
      %dma_wait3A_116 = arith.constant 0 : i32
      %dma_wait3A_117 = arith.constant 0 : i32
      %dma_wait3A_118 = tpu.memref_slice %arg2[%dma_wait3A_116, %dma_wait3A_117] : memref<10000x128xf32, #tpu.memory_space<hbm>> -> memref<10000x128xf32, #tpu.memory_space<hbm>>
      tpu.wait_indirect_dma semaphore(%arg9 : memref<!tpu.dma_semaphore, #tpu.memory_space<semaphore_mem>>) src(%dma_wait3A_118 : memref<10000x128xf32, #tpu.memory_space<hbm>>) dst(%dma_wait3A_112 : memref<80x128xf32, #tpu.memory_space<vmem>>)
      %dma_wait3A_119 = arith.constant 2 : i32
      %dma_wait3A_120 = arith.constant 3 : i32
      %dma_wait3A_121 = arith.constant 160 : i32
      %dma_wait3A_122 = arith.constant 0 : i32
      %dma_wait3A_123 = tpu.memref_slice %arg6[%dma_wait3A_121, %dma_wait3A_122] : memref<320x128xf32, #tpu.memory_space<vmem>> -> memref<80x128xf32, #tpu.memory_space<vmem>>
      %dma_wait3A_124 = arith.constant 0 : i32
      %dma_wait3A_125 = tpu.memref_slice %arg5[%dma_wait3A_119, %dma_wait3A_120, %dma_wait3A_124] : memref<4x32x80xi32, #tpu.memory_space<vmem>> -> memref<1x1x80xi32, #tpu.memory_space<vmem>>
      %dma_wait3A_126 = tpu.memref_squeeze %dma_wait3A_125 : memref<1x1x80xi32, #tpu.memory_space<vmem>> -> memref<80xi32, #tpu.memory_space<vmem>>
      %dma_wait3A_127 = arith.constant 0 : i32
      %dma_wait3A_128 = arith.constant 0 : i32
      %dma_wait3A_129 = tpu.memref_slice %arg2[%dma_wait3A_127, %dma_wait3A_128] : memref<10000x128xf32, #tpu.memory_space<hbm>> -> memref<10000x128xf32, #tpu.memory_space<hbm>>
      tpu.wait_indirect_dma semaphore(%arg9 : memref<!tpu.dma_semaphore, #tpu.memory_space<semaphore_mem>>) src(%dma_wait3A_129 : memref<10000x128xf32, #tpu.memory_space<hbm>>) dst(%dma_wait3A_123 : memref<80x128xf32, #tpu.memory_space<vmem>>)
      %dma_wait3A_130 = arith.constant 2 : i32
      %dma_wait3A_131 = arith.constant 4 : i32
      %dma_wait3A_132 = arith.constant 160 : i32
      %dma_wait3A_133 = arith.constant 0 : i32
      %dma_wait3A_134 = tpu.memref_slice %arg6[%dma_wait3A_132, %dma_wait3A_133] : memref<320x128xf32, #tpu.memory_space<vmem>> -> memref<80x128xf32, #tpu.memory_space<vmem>>
      %dma_wait3A_135 = arith.constant 0 : i32
      %dma_wait3A_136 = tpu.memref_slice %arg5[%dma_wait3A_130, %dma_wait3A_131, %dma_wait3A_135] : memref<4x32x80xi32, #tpu.memory_space<vmem>> -> memref<1x1x80xi32, #tpu.memory_space<vmem>>
      %dma_wait3A_137 = tpu.memref_squeeze %dma_wait3A_136 : memref<1x1x80xi32, #tpu.memory_space<vmem>> -> memref<80xi32, #tpu.memory_space<vmem>>
      %dma_wait3A_138 = arith.constant 0 : i32
      %dma_wait3A_139 = arith.constant 0 : i32
      %dma_wait3A_140 = tpu.memref_slice %arg2[%dma_wait3A_138, %dma_wait3A_139] : memref<10000x128xf32, #tpu.memory_space<hbm>> -> memref<10000x128xf32, #tpu.memory_space<hbm>>
      tpu.wait_indirect_dma semaphore(%arg9 : memref<!tpu.dma_semaphore, #tpu.memory_space<semaphore_mem>>) src(%dma_wait3A_140 : memref<10000x128xf32, #tpu.memory_space<hbm>>) dst(%dma_wait3A_134 : memref<80x128xf32, #tpu.memory_space<vmem>>)
      %dma_wait3A_141 = arith.constant 2 : i32
      %dma_wait3A_142 = arith.constant 5 : i32
      %dma_wait3A_143 = arith.constant 160 : i32
      %dma_wait3A_144 = arith.constant 0 : i32
      %dma_wait3A_145 = tpu.memref_slice %arg6[%dma_wait3A_143, %dma_wait3A_144] : memref<320x128xf32, #tpu.memory_space<vmem>> -> memref<80x128xf32, #tpu.memory_space<vmem>>
      %dma_wait3A_146 = arith.constant 0 : i32
      %dma_wait3A_147 = tpu.memref_slice %arg5[%dma_wait3A_141, %dma_wait3A_142, %dma_wait3A_146] : memref<4x32x80xi32, #tpu.memory_space<vmem>> -> memref<1x1x80xi32, #tpu.memory_space<vmem>>
      %dma_wait3A_148 = tpu.memref_squeeze %dma_wait3A_147 : memref<1x1x80xi32, #tpu.memory_space<vmem>> -> memref<80xi32, #tpu.memory_space<vmem>>
      %dma_wait3A_149 = arith.constant 0 : i32
      %dma_wait3A_150 = arith.constant 0 : i32
      %dma_wait3A_151 = tpu.memref_slice %arg2[%dma_wait3A_149, %dma_wait3A_150] : memref<10000x128xf32, #tpu.memory_space<hbm>> -> memref<10000x128xf32, #tpu.memory_space<hbm>>
      tpu.wait_indirect_dma semaphore(%arg9 : memref<!tpu.dma_semaphore, #tpu.memory_space<semaphore_mem>>) src(%dma_wait3A_151 : memref<10000x128xf32, #tpu.memory_space<hbm>>) dst(%dma_wait3A_145 : memref<80x128xf32, #tpu.memory_space<vmem>>)
      %dma_wait3A_152 = arith.constant 2 : i32
      %dma_wait3A_153 = arith.constant 6 : i32
      %dma_wait3A_154 = arith.constant 160 : i32
      %dma_wait3A_155 = arith.constant 0 : i32
      %dma_wait3A_156 = tpu.memref_slice %arg6[%dma_wait3A_154, %dma_wait3A_155] : memref<320x128xf32, #tpu.memory_space<vmem>> -> memref<80x128xf32, #tpu.memory_space<vmem>>
      %dma_wait3A_157 = arith.constant 0 : i32
      %dma_wait3A_158 = tpu.memref_slice %arg5[%dma_wait3A_152, %dma_wait3A_153, %dma_wait3A_157] : memref<4x32x80xi32, #tpu.memory_space<vmem>> -> memref<1x1x80xi32, #tpu.memory_space<vmem>>
      %dma_wait3A_159 = tpu.memref_squeeze %dma_wait3A_158 : memref<1x1x80xi32, #tpu.memory_space<vmem>> -> memref<80xi32, #tpu.memory_space<vmem>>
      %dma_wait3A_160 = arith.constant 0 : i32
      %dma_wait3A_161 = arith.constant 0 : i32
      %dma_wait3A_162 = tpu.memref_slice %arg2[%dma_wait3A_160, %dma_wait3A_161] : memref<10000x128xf32, #tpu.memory_space<hbm>> -> memref<10000x128xf32, #tpu.memory_space<hbm>>
      tpu.wait_indirect_dma semaphore(%arg9 : memref<!tpu.dma_semaphore, #tpu.memory_space<semaphore_mem>>) src(%dma_wait3A_162 : memref<10000x128xf32, #tpu.memory_space<hbm>>) dst(%dma_wait3A_156 : memref<80x128xf32, #tpu.memory_space<vmem>>)
      %dma_wait3A_163 = arith.constant 2 : i32
      %dma_wait3A_164 = arith.constant 7 : i32
      %dma_wait3A_165 = arith.constant 160 : i32
      %dma_wait3A_166 = arith.constant 0 : i32
      %dma_wait3A_167 = tpu.memref_slice %arg6[%dma_wait3A_165, %dma_wait3A_166] : memref<320x128xf32, #tpu.memory_space<vmem>> -> memref<80x128xf32, #tpu.memory_space<vmem>>
      %dma_wait3A_168 = arith.constant 0 : i32
      %dma_wait3A_169 = tpu.memref_slice %arg5[%dma_wait3A_163, %dma_wait3A_164, %dma_wait3A_168] : memref<4x32x80xi32, #tpu.memory_space<vmem>> -> memref<1x1x80xi32, #tpu.memory_space<vmem>>
      %dma_wait3A_170 = tpu.memref_squeeze %dma_wait3A_169 : memref<1x1x80xi32, #tpu.memory_space<vmem>> -> memref<80xi32, #tpu.memory_space<vmem>>
      %dma_wait3A_171 = arith.constant 0 : i32
      %dma_wait3A_172 = arith.constant 0 : i32
      %dma_wait3A_173 = tpu.memref_slice %arg2[%dma_wait3A_171, %dma_wait3A_172] : memref<10000x128xf32, #tpu.memory_space<hbm>> -> memref<10000x128xf32, #tpu.memory_space<hbm>>
      tpu.wait_indirect_dma semaphore(%arg9 : memref<!tpu.dma_semaphore, #tpu.memory_space<semaphore_mem>>) src(%dma_wait3A_173 : memref<10000x128xf32, #tpu.memory_space<hbm>>) dst(%dma_wait3A_167 : memref<80x128xf32, #tpu.memory_space<vmem>>)
      %dma_wait3A_174 = arith.constant 2 : i32
      %dma_wait3A_175 = arith.constant 8 : i32
      %dma_wait3A_176 = arith.constant 160 : i32
      %dma_wait3A_177 = arith.constant 0 : i32
      %dma_wait3A_178 = tpu.memref_slice %arg6[%dma_wait3A_176, %dma_wait3A_177] : memref<320x128xf32, #tpu.memory_space<vmem>> -> memref<80x128xf32, #tpu.memory_space<vmem>>
      %dma_wait3A_179 = arith.constant 0 : i32
      %dma_wait3A_180 = tpu.memref_slice %arg5[%dma_wait3A_174, %dma_wait3A_175, %dma_wait3A_179] : memref<4x32x80xi32, #tpu.memory_space<vmem>> -> memref<1x1x80xi32, #tpu.memory_space<vmem>>
      %dma_wait3A_181 = tpu.memref_squeeze %dma_wait3A_180 : memref<1x1x80xi32, #tpu.memory_space<vmem>> -> memref<80xi32, #tpu.memory_space<vmem>>
      %dma_wait3A_182 = arith.constant 0 : i32
      %dma_wait3A_183 = arith.constant 0 : i32
      %dma_wait3A_184 = tpu.memref_slice %arg2[%dma_wait3A_182, %dma_wait3A_183] : memref<10000x128xf32, #tpu.memory_space<hbm>> -> memref<10000x128xf32, #tpu.memory_space<hbm>>
      tpu.wait_indirect_dma semaphore(%arg9 : memref<!tpu.dma_semaphore, #tpu.memory_space<semaphore_mem>>) src(%dma_wait3A_184 : memref<10000x128xf32, #tpu.memory_space<hbm>>) dst(%dma_wait3A_178 : memref<80x128xf32, #tpu.memory_space<vmem>>)
      %dma_wait3A_185 = arith.constant 2 : i32
      %dma_wait3A_186 = arith.constant 9 : i32
      %dma_wait3A_187 = arith.constant 160 : i32
      %dma_wait3A_188 = arith.constant 0 : i32
      %dma_wait3A_189 = tpu.memref_slice %arg6[%dma_wait3A_187, %dma_wait3A_188] : memref<320x128xf32, #tpu.memory_space<vmem>> -> memref<80x128xf32, #tpu.memory_space<vmem>>
      %dma_wait3A_190 = arith.constant 0 : i32
      %dma_wait3A_191 = tpu.memref_slice %arg5[%dma_wait3A_185, %dma_wait3A_186, %dma_wait3A_190] : memref<4x32x80xi32, #tpu.memory_space<vmem>> -> memref<1x1x80xi32, #tpu.memory_space<vmem>>
      %dma_wait3A_192 = tpu.memref_squeeze %dma_wait3A_191 : memref<1x1x80xi32, #tpu.memory_space<vmem>> -> memref<80xi32, #tpu.memory_space<vmem>>
      %dma_wait3A_193 = arith.constant 0 : i32
      %dma_wait3A_194 = arith.constant 0 : i32
      %dma_wait3A_195 = tpu.memref_slice %arg2[%dma_wait3A_193, %dma_wait3A_194] : memref<10000x128xf32, #tpu.memory_space<hbm>> -> memref<10000x128xf32, #tpu.memory_space<hbm>>
      tpu.wait_indirect_dma semaphore(%arg9 : memref<!tpu.dma_semaphore, #tpu.memory_space<semaphore_mem>>) src(%dma_wait3A_195 : memref<10000x128xf32, #tpu.memory_space<hbm>>) dst(%dma_wait3A_189 : memref<80x128xf32, #tpu.memory_space<vmem>>)
      %dma_wait3A_196 = arith.constant 2 : i32
      %dma_wait3A_197 = arith.constant 10 : i32
      %dma_wait3A_198 = arith.constant 160 : i32
      %dma_wait3A_199 = arith.constant 0 : i32
      %dma_wait3A_200 = tpu.memref_slice %arg6[%dma_wait3A_198, %dma_wait3A_199] : memref<320x128xf32, #tpu.memory_space<vmem>> -> memref<80x128xf32, #tpu.memory_space<vmem>>
      %dma_wait3A_201 = arith.constant 0 : i32
      %dma_wait3A_202 = tpu.memref_slice %arg5[%dma_wait3A_196, %dma_wait3A_197, %dma_wait3A_201] : memref<4x32x80xi32, #tpu.memory_space<vmem>> -> memref<1x1x80xi32, #tpu.memory_space<vmem>>
      %dma_wait3A_203 = tpu.memref_squeeze %dma_wait3A_202 : memref<1x1x80xi32, #tpu.memory_space<vmem>> -> memref<80xi32, #tpu.memory_space<vmem>>
      %dma_wait3A_204 = arith.constant 0 : i32
      %dma_wait3A_205 = arith.constant 0 : i32
      %dma_wait3A_206 = tpu.memref_slice %arg2[%dma_wait3A_204, %dma_wait3A_205] : memref<10000x128xf32, #tpu.memory_space<hbm>> -> memref<10000x128xf32, #tpu.memory_space<hbm>>
      tpu.wait_indirect_dma semaphore(%arg9 : memref<!tpu.dma_semaphore, #tpu.memory_space<semaphore_mem>>) src(%dma_wait3A_206 : memref<10000x128xf32, #tpu.memory_space<hbm>>) dst(%dma_wait3A_200 : memref<80x128xf32, #tpu.memory_space<vmem>>)
      %dma_wait3A_207 = arith.constant 2 : i32
      %dma_wait3A_208 = arith.constant 11 : i32
      %dma_wait3A_209 = arith.constant 160 : i32
      %dma_wait3A_210 = arith.constant 0 : i32
      %dma_wait3A_211 = tpu.memref_slice %arg6[%dma_wait3A_209, %dma_wait3A_210] : memref<320x128xf32, #tpu.memory_space<vmem>> -> memref<80x128xf32, #tpu.memory_space<vmem>>
      %dma_wait3A_212 = arith.constant 0 : i32
      %dma_wait3A_213 = tpu.memref_slice %arg5[%dma_wait3A_207, %dma_wait3A_208, %dma_wait3A_212] : memref<4x32x80xi32, #tpu.memory_space<vmem>> -> memref<1x1x80xi32, #tpu.memory_space<vmem>>
      %dma_wait3A_214 = tpu.memref_squeeze %dma_wait3A_213 : memref<1x1x80xi32, #tpu.memory_space<vmem>> -> memref<80xi32, #tpu.memory_space<vmem>>
      %dma_wait3A_215 = arith.constant 0 : i32
      %dma_wait3A_216 = arith.constant 0 : i32
      %dma_wait3A_217 = tpu.memref_slice %arg2[%dma_wait3A_215, %dma_wait3A_216] : memref<10000x128xf32, #tpu.memory_space<hbm>> -> memref<10000x128xf32, #tpu.memory_space<hbm>>
      tpu.wait_indirect_dma semaphore(%arg9 : memref<!tpu.dma_semaphore, #tpu.memory_space<semaphore_mem>>) src(%dma_wait3A_217 : memref<10000x128xf32, #tpu.memory_space<hbm>>) dst(%dma_wait3A_211 : memref<80x128xf32, #tpu.memory_space<vmem>>)
      %dma_wait3A_218 = arith.constant 2 : i32
      %dma_wait3A_219 = arith.constant 12 : i32
      %dma_wait3A_220 = arith.constant 160 : i32
      %dma_wait3A_221 = arith.constant 0 : i32
      %dma_wait3A_222 = tpu.memref_slice %arg6[%dma_wait3A_220, %dma_wait3A_221] : memref<320x128xf32, #tpu.memory_space<vmem>> -> memref<80x128xf32, #tpu.memory_space<vmem>>
      %dma_wait3A_223 = arith.constant 0 : i32
      %dma_wait3A_224 = tpu.memref_slice %arg5[%dma_wait3A_218, %dma_wait3A_219, %dma_wait3A_223] : memref<4x32x80xi32, #tpu.memory_space<vmem>> -> memref<1x1x80xi32, #tpu.memory_space<vmem>>
      %dma_wait3A_225 = tpu.memref_squeeze %dma_wait3A_224 : memref<1x1x80xi32, #tpu.memory_space<vmem>> -> memref<80xi32, #tpu.memory_space<vmem>>
      %dma_wait3A_226 = arith.constant 0 : i32
      %dma_wait3A_227 = arith.constant 0 : i32
      %dma_wait3A_228 = tpu.memref_slice %arg2[%dma_wait3A_226, %dma_wait3A_227] : memref<10000x128xf32, #tpu.memory_space<hbm>> -> memref<10000x128xf32, #tpu.memory_space<hbm>>
      tpu.wait_indirect_dma semaphore(%arg9 : memref<!tpu.dma_semaphore, #tpu.memory_space<semaphore_mem>>) src(%dma_wait3A_228 : memref<10000x128xf32, #tpu.memory_space<hbm>>) dst(%dma_wait3A_222 : memref<80x128xf32, #tpu.memory_space<vmem>>)
      %dma_wait3A_229 = arith.constant 2 : i32
      %dma_wait3A_230 = arith.constant 13 : i32
      %dma_wait3A_231 = arith.constant 160 : i32
      %dma_wait3A_232 = arith.constant 0 : i32
      %dma_wait3A_233 = tpu.memref_slice %arg6[%dma_wait3A_231, %dma_wait3A_232] : memref<320x128xf32, #tpu.memory_space<vmem>> -> memref<80x128xf32, #tpu.memory_space<vmem>>
      %dma_wait3A_234 = arith.constant 0 : i32
      %dma_wait3A_235 = tpu.memref_slice %arg5[%dma_wait3A_229, %dma_wait3A_230, %dma_wait3A_234] : memref<4x32x80xi32, #tpu.memory_space<vmem>> -> memref<1x1x80xi32, #tpu.memory_space<vmem>>
      %dma_wait3A_236 = tpu.memref_squeeze %dma_wait3A_235 : memref<1x1x80xi32, #tpu.memory_space<vmem>> -> memref<80xi32, #tpu.memory_space<vmem>>
      %dma_wait3A_237 = arith.constant 0 : i32
      %dma_wait3A_238 = arith.constant 0 : i32
      %dma_wait3A_239 = tpu.memref_slice %arg2[%dma_wait3A_237, %dma_wait3A_238] : memref<10000x128xf32, #tpu.memory_space<hbm>> -> memref<10000x128xf32, #tpu.memory_space<hbm>>
      tpu.wait_indirect_dma semaphore(%arg9 : memref<!tpu.dma_semaphore, #tpu.memory_space<semaphore_mem>>) src(%dma_wait3A_239 : memref<10000x128xf32, #tpu.memory_space<hbm>>) dst(%dma_wait3A_233 : memref<80x128xf32, #tpu.memory_space<vmem>>)
      %dma_wait3A_240 = arith.constant 2 : i32
      %dma_wait3A_241 = arith.constant 14 : i32
      %dma_wait3A_242 = arith.constant 160 : i32
      %dma_wait3A_243 = arith.constant 0 : i32
      %dma_wait3A_244 = tpu.memref_slice %arg6[%dma_wait3A_242, %dma_wait3A_243] : memref<320x128xf32, #tpu.memory_space<vmem>> -> memref<80x128xf32, #tpu.memory_space<vmem>>
      %dma_wait3A_245 = arith.constant 0 : i32
      %dma_wait3A_246 = tpu.memref_slice %arg5[%dma_wait3A_240, %dma_wait3A_241, %dma_wait3A_245] : memref<4x32x80xi32, #tpu.memory_space<vmem>> -> memref<1x1x80xi32, #tpu.memory_space<vmem>>
      %dma_wait3A_247 = tpu.memref_squeeze %dma_wait3A_246 : memref<1x1x80xi32, #tpu.memory_space<vmem>> -> memref<80xi32, #tpu.memory_space<vmem>>
      %dma_wait3A_248 = arith.constant 0 : i32
      %dma_wait3A_249 = arith.constant 0 : i32
      %dma_wait3A_250 = tpu.memref_slice %arg2[%dma_wait3A_248, %dma_wait3A_249] : memref<10000x128xf32, #tpu.memory_space<hbm>> -> memref<10000x128xf32, #tpu.memory_space<hbm>>
      tpu.wait_indirect_dma semaphore(%arg9 : memref<!tpu.dma_semaphore, #tpu.memory_space<semaphore_mem>>) src(%dma_wait3A_250 : memref<10000x128xf32, #tpu.memory_space<hbm>>) dst(%dma_wait3A_244 : memref<80x128xf32, #tpu.memory_space<vmem>>)
      %dma_wait3A_251 = arith.constant 2 : i32
      %dma_wait3A_252 = arith.constant 15 : i32
      %dma_wait3A_253 = arith.constant 160 : i32
      %dma_wait3A_254 = arith.constant 0 : i32
      %dma_wait3A_255 = tpu.memref_slice %arg6[%dma_wait3A_253, %dma_wait3A_254] : memref<320x128xf32, #tpu.memory_space<vmem>> -> memref<80x128xf32, #tpu.memory_space<vmem>>
      %dma_wait3A_256 = arith.constant 0 : i32
      %dma_wait3A_257 = tpu.memref_slice %arg5[%dma_wait3A_251, %dma_wait3A_252, %dma_wait3A_256] : memref<4x32x80xi32, #tpu.memory_space<vmem>> -> memref<1x1x80xi32, #tpu.memory_space<vmem>>
      %dma_wait3A_258 = tpu.memref_squeeze %dma_wait3A_257 : memref<1x1x80xi32, #tpu.memory_space<vmem>> -> memref<80xi32, #tpu.memory_space<vmem>>
      %dma_wait3A_259 = arith.constant 0 : i32
      %dma_wait3A_260 = arith.constant 0 : i32
      %dma_wait3A_261 = tpu.memref_slice %arg2[%dma_wait3A_259, %dma_wait3A_260] : memref<10000x128xf32, #tpu.memory_space<hbm>> -> memref<10000x128xf32, #tpu.memory_space<hbm>>
      tpu.wait_indirect_dma semaphore(%arg9 : memref<!tpu.dma_semaphore, #tpu.memory_space<semaphore_mem>>) src(%dma_wait3A_261 : memref<10000x128xf32, #tpu.memory_space<hbm>>) dst(%dma_wait3A_255 : memref<80x128xf32, #tpu.memory_space<vmem>>)
      %dma_wait3A_262 = arith.constant 2 : i32
      %dma_wait3A_263 = arith.constant 16 : i32
      %dma_wait3A_264 = arith.constant 160 : i32
      %dma_wait3A_265 = arith.constant 0 : i32
      %dma_wait3A_266 = tpu.memref_slice %arg6[%dma_wait3A_264, %dma_wait3A_265] : memref<320x128xf32, #tpu.memory_space<vmem>> -> memref<80x128xf32, #tpu.memory_space<vmem>>
      %dma_wait3A_267 = arith.constant 0 : i32
      %dma_wait3A_268 = tpu.memref_slice %arg5[%dma_wait3A_262, %dma_wait3A_263, %dma_wait3A_267] : memref<4x32x80xi32, #tpu.memory_space<vmem>> -> memref<1x1x80xi32, #tpu.memory_space<vmem>>
      %dma_wait3A_269 = tpu.memref_squeeze %dma_wait3A_268 : memref<1x1x80xi32, #tpu.memory_space<vmem>> -> memref<80xi32, #tpu.memory_space<vmem>>
      %dma_wait3A_270 = arith.constant 0 : i32
      %dma_wait3A_271 = arith.constant 0 : i32
      %dma_wait3A_272 = tpu.memref_slice %arg2[%dma_wait3A_270, %dma_wait3A_271] : memref<10000x128xf32, #tpu.memory_space<hbm>> -> memref<10000x128xf32, #tpu.memory_space<hbm>>
      tpu.wait_indirect_dma semaphore(%arg9 : memref<!tpu.dma_semaphore, #tpu.memory_space<semaphore_mem>>) src(%dma_wait3A_272 : memref<10000x128xf32, #tpu.memory_space<hbm>>) dst(%dma_wait3A_266 : memref<80x128xf32, #tpu.memory_space<vmem>>)
      %dma_wait3A_273 = arith.constant 2 : i32
      %dma_wait3A_274 = arith.constant 17 : i32
      %dma_wait3A_275 = arith.constant 160 : i32
      %dma_wait3A_276 = arith.constant 0 : i32
      %dma_wait3A_277 = tpu.memref_slice %arg6[%dma_wait3A_275, %dma_wait3A_276] : memref<320x128xf32, #tpu.memory_space<vmem>> -> memref<80x128xf32, #tpu.memory_space<vmem>>
      %dma_wait3A_278 = arith.constant 0 : i32
      %dma_wait3A_279 = tpu.memref_slice %arg5[%dma_wait3A_273, %dma_wait3A_274, %dma_wait3A_278] : memref<4x32x80xi32, #tpu.memory_space<vmem>> -> memref<1x1x80xi32, #tpu.memory_space<vmem>>
      %dma_wait3A_280 = tpu.memref_squeeze %dma_wait3A_279 : memref<1x1x80xi32, #tpu.memory_space<vmem>> -> memref<80xi32, #tpu.memory_space<vmem>>
      %dma_wait3A_281 = arith.constant 0 : i32
      %dma_wait3A_282 = arith.constant 0 : i32
      %dma_wait3A_283 = tpu.memref_slice %arg2[%dma_wait3A_281, %dma_wait3A_282] : memref<10000x128xf32, #tpu.memory_space<hbm>> -> memref<10000x128xf32, #tpu.memory_space<hbm>>
      tpu.wait_indirect_dma semaphore(%arg9 : memref<!tpu.dma_semaphore, #tpu.memory_space<semaphore_mem>>) src(%dma_wait3A_283 : memref<10000x128xf32, #tpu.memory_space<hbm>>) dst(%dma_wait3A_277 : memref<80x128xf32, #tpu.memory_space<vmem>>)
      %dma_wait3A_284 = arith.constant 2 : i32
      %dma_wait3A_285 = arith.constant 18 : i32
      %dma_wait3A_286 = arith.constant 160 : i32
      %dma_wait3A_287 = arith.constant 0 : i32
      %dma_wait3A_288 = tpu.memref_slice %arg6[%dma_wait3A_286, %dma_wait3A_287] : memref<320x128xf32, #tpu.memory_space<vmem>> -> memref<80x128xf32, #tpu.memory_space<vmem>>
      %dma_wait3A_289 = arith.constant 0 : i32
      %dma_wait3A_290 = tpu.memref_slice %arg5[%dma_wait3A_284, %dma_wait3A_285, %dma_wait3A_289] : memref<4x32x80xi32, #tpu.memory_space<vmem>> -> memref<1x1x80xi32, #tpu.memory_space<vmem>>
      %dma_wait3A_291 = tpu.memref_squeeze %dma_wait3A_290 : memref<1x1x80xi32, #tpu.memory_space<vmem>> -> memref<80xi32, #tpu.memory_space<vmem>>
      %dma_wait3A_292 = arith.constant 0 : i32
      %dma_wait3A_293 = arith.constant 0 : i32
      %dma_wait3A_294 = tpu.memref_slice %arg2[%dma_wait3A_292, %dma_wait3A_293] : memref<10000x128xf32, #tpu.memory_space<hbm>> -> memref<10000x128xf32, #tpu.memory_space<hbm>>
      tpu.wait_indirect_dma semaphore(%arg9 : memref<!tpu.dma_semaphore, #tpu.memory_space<semaphore_mem>>) src(%dma_wait3A_294 : memref<10000x128xf32, #tpu.memory_space<hbm>>) dst(%dma_wait3A_288 : memref<80x128xf32, #tpu.memory_space<vmem>>)
      %dma_wait3A_295 = arith.constant 2 : i32
      %dma_wait3A_296 = arith.constant 19 : i32
      %dma_wait3A_297 = arith.constant 160 : i32
      %dma_wait3A_298 = arith.constant 0 : i32
      %dma_wait3A_299 = tpu.memref_slice %arg6[%dma_wait3A_297, %dma_wait3A_298] : memref<320x128xf32, #tpu.memory_space<vmem>> -> memref<80x128xf32, #tpu.memory_space<vmem>>
      %dma_wait3A_300 = arith.constant 0 : i32
      %dma_wait3A_301 = tpu.memref_slice %arg5[%dma_wait3A_295, %dma_wait3A_296, %dma_wait3A_300] : memref<4x32x80xi32, #tpu.memory_space<vmem>> -> memref<1x1x80xi32, #tpu.memory_space<vmem>>
      %dma_wait3A_302 = tpu.memref_squeeze %dma_wait3A_301 : memref<1x1x80xi32, #tpu.memory_space<vmem>> -> memref<80xi32, #tpu.memory_space<vmem>>
      %dma_wait3A_303 = arith.constant 0 : i32
      %dma_wait3A_304 = arith.constant 0 : i32
      %dma_wait3A_305 = tpu.memref_slice %arg2[%dma_wait3A_303, %dma_wait3A_304] : memref<10000x128xf32, #tpu.memory_space<hbm>> -> memref<10000x128xf32, #tpu.memory_space<hbm>>
      tpu.wait_indirect_dma semaphore(%arg9 : memref<!tpu.dma_semaphore, #tpu.memory_space<semaphore_mem>>) src(%dma_wait3A_305 : memref<10000x128xf32, #tpu.memory_space<hbm>>) dst(%dma_wait3A_299 : memref<80x128xf32, #tpu.memory_space<vmem>>)
      %dma_wait3A_306 = arith.constant 2 : i32
      %dma_wait3A_307 = arith.constant 20 : i32
      %dma_wait3A_308 = arith.constant 160 : i32
      %dma_wait3A_309 = arith.constant 0 : i32
      %dma_wait3A_310 = tpu.memref_slice %arg6[%dma_wait3A_308, %dma_wait3A_309] : memref<320x128xf32, #tpu.memory_space<vmem>> -> memref<80x128xf32, #tpu.memory_space<vmem>>
      %dma_wait3A_311 = arith.constant 0 : i32
      %dma_wait3A_312 = tpu.memref_slice %arg5[%dma_wait3A_306, %dma_wait3A_307, %dma_wait3A_311] : memref<4x32x80xi32, #tpu.memory_space<vmem>> -> memref<1x1x80xi32, #tpu.memory_space<vmem>>
      %dma_wait3A_313 = tpu.memref_squeeze %dma_wait3A_312 : memref<1x1x80xi32, #tpu.memory_space<vmem>> -> memref<80xi32, #tpu.memory_space<vmem>>
      %dma_wait3A_314 = arith.constant 0 : i32
      %dma_wait3A_315 = arith.constant 0 : i32
      %dma_wait3A_316 = tpu.memref_slice %arg2[%dma_wait3A_314, %dma_wait3A_315] : memref<10000x128xf32, #tpu.memory_space<hbm>> -> memref<10000x128xf32, #tpu.memory_space<hbm>>
      tpu.wait_indirect_dma semaphore(%arg9 : memref<!tpu.dma_semaphore, #tpu.memory_space<semaphore_mem>>) src(%dma_wait3A_316 : memref<10000x128xf32, #tpu.memory_space<hbm>>) dst(%dma_wait3A_310 : memref<80x128xf32, #tpu.memory_space<vmem>>)
      %dma_wait3A_317 = arith.constant 2 : i32
      %dma_wait3A_318 = arith.constant 21 : i32
      %dma_wait3A_319 = arith.constant 160 : i32
      %dma_wait3A_320 = arith.constant 0 : i32
      %dma_wait3A_321 = tpu.memref_slice %arg6[%dma_wait3A_319, %dma_wait3A_320] : memref<320x128xf32, #tpu.memory_space<vmem>> -> memref<80x128xf32, #tpu.memory_space<vmem>>
      %dma_wait3A_322 = arith.constant 0 : i32
      %dma_wait3A_323 = tpu.memref_slice %arg5[%dma_wait3A_317, %dma_wait3A_318, %dma_wait3A_322] : memref<4x32x80xi32, #tpu.memory_space<vmem>> -> memref<1x1x80xi32, #tpu.memory_space<vmem>>
      %dma_wait3A_324 = tpu.memref_squeeze %dma_wait3A_323 : memref<1x1x80xi32, #tpu.memory_space<vmem>> -> memref<80xi32, #tpu.memory_space<vmem>>
      %dma_wait3A_325 = arith.constant 0 : i32
      %dma_wait3A_326 = arith.constant 0 : i32
      %dma_wait3A_327 = tpu.memref_slice %arg2[%dma_wait3A_325, %dma_wait3A_326] : memref<10000x128xf32, #tpu.memory_space<hbm>> -> memref<10000x128xf32, #tpu.memory_space<hbm>>
      tpu.wait_indirect_dma semaphore(%arg9 : memref<!tpu.dma_semaphore, #tpu.memory_space<semaphore_mem>>) src(%dma_wait3A_327 : memref<10000x128xf32, #tpu.memory_space<hbm>>) dst(%dma_wait3A_321 : memref<80x128xf32, #tpu.memory_space<vmem>>)
      %dma_wait3A_328 = arith.constant 2 : i32
      %dma_wait3A_329 = arith.constant 22 : i32
      %dma_wait3A_330 = arith.constant 160 : i32
      %dma_wait3A_331 = arith.constant 0 : i32
      %dma_wait3A_332 = tpu.memref_slice %arg6[%dma_wait3A_330, %dma_wait3A_331] : memref<320x128xf32, #tpu.memory_space<vmem>> -> memref<80x128xf32, #tpu.memory_space<vmem>>
      %dma_wait3A_333 = arith.constant 0 : i32
      %dma_wait3A_334 = tpu.memref_slice %arg5[%dma_wait3A_328, %dma_wait3A_329, %dma_wait3A_333] : memref<4x32x80xi32, #tpu.memory_space<vmem>> -> memref<1x1x80xi32, #tpu.memory_space<vmem>>
      %dma_wait3A_335 = tpu.memref_squeeze %dma_wait3A_334 : memref<1x1x80xi32, #tpu.memory_space<vmem>> -> memref<80xi32, #tpu.memory_space<vmem>>
      %dma_wait3A_336 = arith.constant 0 : i32
      %dma_wait3A_337 = arith.constant 0 : i32
      %dma_wait3A_338 = tpu.memref_slice %arg2[%dma_wait3A_336, %dma_wait3A_337] : memref<10000x128xf32, #tpu.memory_space<hbm>> -> memref<10000x128xf32, #tpu.memory_space<hbm>>
      tpu.wait_indirect_dma semaphore(%arg9 : memref<!tpu.dma_semaphore, #tpu.memory_space<semaphore_mem>>) src(%dma_wait3A_338 : memref<10000x128xf32, #tpu.memory_space<hbm>>) dst(%dma_wait3A_332 : memref<80x128xf32, #tpu.memory_space<vmem>>)
      %dma_wait3A_339 = arith.constant 2 : i32
      %dma_wait3A_340 = arith.constant 23 : i32
      %dma_wait3A_341 = arith.constant 160 : i32
      %dma_wait3A_342 = arith.constant 0 : i32
      %dma_wait3A_343 = tpu.memref_slice %arg6[%dma_wait3A_341, %dma_wait3A_342] : memref<320x128xf32, #tpu.memory_space<vmem>> -> memref<80x128xf32, #tpu.memory_space<vmem>>
      %dma_wait3A_344 = arith.constant 0 : i32
      %dma_wait3A_345 = tpu.memref_slice %arg5[%dma_wait3A_339, %dma_wait3A_340, %dma_wait3A_344] : memref<4x32x80xi32, #tpu.memory_space<vmem>> -> memref<1x1x80xi32, #tpu.memory_space<vmem>>
      %dma_wait3A_346 = tpu.memref_squeeze %dma_wait3A_345 : memref<1x1x80xi32, #tpu.memory_space<vmem>> -> memref<80xi32, #tpu.memory_space<vmem>>
      %dma_wait3A_347 = arith.constant 0 : i32
      %dma_wait3A_348 = arith.constant 0 : i32
      %dma_wait3A_349 = tpu.memref_slice %arg2[%dma_wait3A_347, %dma_wait3A_348] : memref<10000x128xf32, #tpu.memory_space<hbm>> -> memref<10000x128xf32, #tpu.memory_space<hbm>>
      tpu.wait_indirect_dma semaphore(%arg9 : memref<!tpu.dma_semaphore, #tpu.memory_space<semaphore_mem>>) src(%dma_wait3A_349 : memref<10000x128xf32, #tpu.memory_space<hbm>>) dst(%dma_wait3A_343 : memref<80x128xf32, #tpu.memory_space<vmem>>)
      %dma_wait3A_350 = arith.constant 2 : i32
      %dma_wait3A_351 = arith.constant 24 : i32
      %dma_wait3A_352 = arith.constant 160 : i32
      %dma_wait3A_353 = arith.constant 0 : i32
      %dma_wait3A_354 = tpu.memref_slice %arg6[%dma_wait3A_352, %dma_wait3A_353] : memref<320x128xf32, #tpu.memory_space<vmem>> -> memref<80x128xf32, #tpu.memory_space<vmem>>
      %dma_wait3A_355 = arith.constant 0 : i32
      %dma_wait3A_356 = tpu.memref_slice %arg5[%dma_wait3A_350, %dma_wait3A_351, %dma_wait3A_355] : memref<4x32x80xi32, #tpu.memory_space<vmem>> -> memref<1x1x80xi32, #tpu.memory_space<vmem>>
      %dma_wait3A_357 = tpu.memref_squeeze %dma_wait3A_356 : memref<1x1x80xi32, #tpu.memory_space<vmem>> -> memref<80xi32, #tpu.memory_space<vmem>>
      %dma_wait3A_358 = arith.constant 0 : i32
      %dma_wait3A_359 = arith.constant 0 : i32
      %dma_wait3A_360 = tpu.memref_slice %arg2[%dma_wait3A_358, %dma_wait3A_359] : memref<10000x128xf32, #tpu.memory_space<hbm>> -> memref<10000x128xf32, #tpu.memory_space<hbm>>
      tpu.wait_indirect_dma semaphore(%arg9 : memref<!tpu.dma_semaphore, #tpu.memory_space<semaphore_mem>>) src(%dma_wait3A_360 : memref<10000x128xf32, #tpu.memory_space<hbm>>) dst(%dma_wait3A_354 : memref<80x128xf32, #tpu.memory_space<vmem>>)
      %dma_wait3A_361 = arith.constant 2 : i32
      %dma_wait3A_362 = arith.constant 25 : i32
      %dma_wait3A_363 = arith.constant 160 : i32
      %dma_wait3A_364 = arith.constant 0 : i32
      %dma_wait3A_365 = tpu.memref_slice %arg6[%dma_wait3A_363, %dma_wait3A_364] : memref<320x128xf32, #tpu.memory_space<vmem>> -> memref<80x128xf32, #tpu.memory_space<vmem>>
      %dma_wait3A_366 = arith.constant 0 : i32
      %dma_wait3A_367 = tpu.memref_slice %arg5[%dma_wait3A_361, %dma_wait3A_362, %dma_wait3A_366] : memref<4x32x80xi32, #tpu.memory_space<vmem>> -> memref<1x1x80xi32, #tpu.memory_space<vmem>>
      %dma_wait3A_368 = tpu.memref_squeeze %dma_wait3A_367 : memref<1x1x80xi32, #tpu.memory_space<vmem>> -> memref<80xi32, #tpu.memory_space<vmem>>
      %dma_wait3A_369 = arith.constant 0 : i32
      %dma_wait3A_370 = arith.constant 0 : i32
      %dma_wait3A_371 = tpu.memref_slice %arg2[%dma_wait3A_369, %dma_wait3A_370] : memref<10000x128xf32, #tpu.memory_space<hbm>> -> memref<10000x128xf32, #tpu.memory_space<hbm>>
      tpu.wait_indirect_dma semaphore(%arg9 : memref<!tpu.dma_semaphore, #tpu.memory_space<semaphore_mem>>) src(%dma_wait3A_371 : memref<10000x128xf32, #tpu.memory_space<hbm>>) dst(%dma_wait3A_365 : memref<80x128xf32, #tpu.memory_space<vmem>>)
      %dma_wait3A_372 = arith.constant 2 : i32
      %dma_wait3A_373 = arith.constant 26 : i32
      %dma_wait3A_374 = arith.constant 160 : i32
      %dma_wait3A_375 = arith.constant 0 : i32
      %dma_wait3A_376 = tpu.memref_slice %arg6[%dma_wait3A_374, %dma_wait3A_375] : memref<320x128xf32, #tpu.memory_space<vmem>> -> memref<80x128xf32, #tpu.memory_space<vmem>>
      %dma_wait3A_377 = arith.constant 0 : i32
      %dma_wait3A_378 = tpu.memref_slice %arg5[%dma_wait3A_372, %dma_wait3A_373, %dma_wait3A_377] : memref<4x32x80xi32, #tpu.memory_space<vmem>> -> memref<1x1x80xi32, #tpu.memory_space<vmem>>
      %dma_wait3A_379 = tpu.memref_squeeze %dma_wait3A_378 : memref<1x1x80xi32, #tpu.memory_space<vmem>> -> memref<80xi32, #tpu.memory_space<vmem>>
      %dma_wait3A_380 = arith.constant 0 : i32
      %dma_wait3A_381 = arith.constant 0 : i32
      %dma_wait3A_382 = tpu.memref_slice %arg2[%dma_wait3A_380, %dma_wait3A_381] : memref<10000x128xf32, #tpu.memory_space<hbm>> -> memref<10000x128xf32, #tpu.memory_space<hbm>>
      tpu.wait_indirect_dma semaphore(%arg9 : memref<!tpu.dma_semaphore, #tpu.memory_space<semaphore_mem>>) src(%dma_wait3A_382 : memref<10000x128xf32, #tpu.memory_space<hbm>>) dst(%dma_wait3A_376 : memref<80x128xf32, #tpu.memory_space<vmem>>)
      %dma_wait3A_383 = arith.constant 2 : i32
      %dma_wait3A_384 = arith.constant 27 : i32
      %dma_wait3A_385 = arith.constant 160 : i32
      %dma_wait3A_386 = arith.constant 0 : i32
      %dma_wait3A_387 = tpu.memref_slice %arg6[%dma_wait3A_385, %dma_wait3A_386] : memref<320x128xf32, #tpu.memory_space<vmem>> -> memref<80x128xf32, #tpu.memory_space<vmem>>
      %dma_wait3A_388 = arith.constant 0 : i32
      %dma_wait3A_389 = tpu.memref_slice %arg5[%dma_wait3A_383, %dma_wait3A_384, %dma_wait3A_388] : memref<4x32x80xi32, #tpu.memory_space<vmem>> -> memref<1x1x80xi32, #tpu.memory_space<vmem>>
      %dma_wait3A_390 = tpu.memref_squeeze %dma_wait3A_389 : memref<1x1x80xi32, #tpu.memory_space<vmem>> -> memref<80xi32, #tpu.memory_space<vmem>>
      %dma_wait3A_391 = arith.constant 0 : i32
      %dma_wait3A_392 = arith.constant 0 : i32
      %dma_wait3A_393 = tpu.memref_slice %arg2[%dma_wait3A_391, %dma_wait3A_392] : memref<10000x128xf32, #tpu.memory_space<hbm>> -> memref<10000x128xf32, #tpu.memory_space<hbm>>
      tpu.wait_indirect_dma semaphore(%arg9 : memref<!tpu.dma_semaphore, #tpu.memory_space<semaphore_mem>>) src(%dma_wait3A_393 : memref<10000x128xf32, #tpu.memory_space<hbm>>) dst(%dma_wait3A_387 : memref<80x128xf32, #tpu.memory_space<vmem>>)
      %dma_wait3A_394 = arith.constant 2 : i32
      %dma_wait3A_395 = arith.constant 28 : i32
      %dma_wait3A_396 = arith.constant 160 : i32
      %dma_wait3A_397 = arith.constant 0 : i32
      %dma_wait3A_398 = tpu.memref_slice %arg6[%dma_wait3A_396, %dma_wait3A_397] : memref<320x128xf32, #tpu.memory_space<vmem>> -> memref<80x128xf32, #tpu.memory_space<vmem>>
      %dma_wait3A_399 = arith.constant 0 : i32
      %dma_wait3A_400 = tpu.memref_slice %arg5[%dma_wait3A_394, %dma_wait3A_395, %dma_wait3A_399] : memref<4x32x80xi32, #tpu.memory_space<vmem>> -> memref<1x1x80xi32, #tpu.memory_space<vmem>>
      %dma_wait3A_401 = tpu.memref_squeeze %dma_wait3A_400 : memref<1x1x80xi32, #tpu.memory_space<vmem>> -> memref<80xi32, #tpu.memory_space<vmem>>
      %dma_wait3A_402 = arith.constant 0 : i32
      %dma_wait3A_403 = arith.constant 0 : i32
      %dma_wait3A_404 = tpu.memref_slice %arg2[%dma_wait3A_402, %dma_wait3A_403] : memref<10000x128xf32, #tpu.memory_space<hbm>> -> memref<10000x128xf32, #tpu.memory_space<hbm>>
      tpu.wait_indirect_dma semaphore(%arg9 : memref<!tpu.dma_semaphore, #tpu.memory_space<semaphore_mem>>) src(%dma_wait3A_404 : memref<10000x128xf32, #tpu.memory_space<hbm>>) dst(%dma_wait3A_398 : memref<80x128xf32, #tpu.memory_space<vmem>>)
      %dma_wait3A_405 = arith.constant 2 : i32
      %dma_wait3A_406 = arith.constant 29 : i32
      %dma_wait3A_407 = arith.constant 160 : i32
      %dma_wait3A_408 = arith.constant 0 : i32
      %dma_wait3A_409 = tpu.memref_slice %arg6[%dma_wait3A_407, %dma_wait3A_408] : memref<320x128xf32, #tpu.memory_space<vmem>> -> memref<80x128xf32, #tpu.memory_space<vmem>>
      %dma_wait3A_410 = arith.constant 0 : i32
      %dma_wait3A_411 = tpu.memref_slice %arg5[%dma_wait3A_405, %dma_wait3A_406, %dma_wait3A_410] : memref<4x32x80xi32, #tpu.memory_space<vmem>> -> memref<1x1x80xi32, #tpu.memory_space<vmem>>
      %dma_wait3A_412 = tpu.memref_squeeze %dma_wait3A_411 : memref<1x1x80xi32, #tpu.memory_space<vmem>> -> memref<80xi32, #tpu.memory_space<vmem>>
      %dma_wait3A_413 = arith.constant 0 : i32
      %dma_wait3A_414 = arith.constant 0 : i32
      %dma_wait3A_415 = tpu.memref_slice %arg2[%dma_wait3A_413, %dma_wait3A_414] : memref<10000x128xf32, #tpu.memory_space<hbm>> -> memref<10000x128xf32, #tpu.memory_space<hbm>>
      tpu.wait_indirect_dma semaphore(%arg9 : memref<!tpu.dma_semaphore, #tpu.memory_space<semaphore_mem>>) src(%dma_wait3A_415 : memref<10000x128xf32, #tpu.memory_space<hbm>>) dst(%dma_wait3A_409 : memref<80x128xf32, #tpu.memory_space<vmem>>)
      %dma_wait3A_416 = arith.constant 2 : i32
      %dma_wait3A_417 = arith.constant 30 : i32
      %dma_wait3A_418 = arith.constant 160 : i32
      %dma_wait3A_419 = arith.constant 0 : i32
      %dma_wait3A_420 = tpu.memref_slice %arg6[%dma_wait3A_418, %dma_wait3A_419] : memref<320x128xf32, #tpu.memory_space<vmem>> -> memref<80x128xf32, #tpu.memory_space<vmem>>
      %dma_wait3A_421 = arith.constant 0 : i32
      %dma_wait3A_422 = tpu.memref_slice %arg5[%dma_wait3A_416, %dma_wait3A_417, %dma_wait3A_421] : memref<4x32x80xi32, #tpu.memory_space<vmem>> -> memref<1x1x80xi32, #tpu.memory_space<vmem>>
      %dma_wait3A_423 = tpu.memref_squeeze %dma_wait3A_422 : memref<1x1x80xi32, #tpu.memory_space<vmem>> -> memref<80xi32, #tpu.memory_space<vmem>>
      %dma_wait3A_424 = arith.constant 0 : i32
      %dma_wait3A_425 = arith.constant 0 : i32
      %dma_wait3A_426 = tpu.memref_slice %arg2[%dma_wait3A_424, %dma_wait3A_425] : memref<10000x128xf32, #tpu.memory_space<hbm>> -> memref<10000x128xf32, #tpu.memory_space<hbm>>
      tpu.wait_indirect_dma semaphore(%arg9 : memref<!tpu.dma_semaphore, #tpu.memory_space<semaphore_mem>>) src(%dma_wait3A_426 : memref<10000x128xf32, #tpu.memory_space<hbm>>) dst(%dma_wait3A_420 : memref<80x128xf32, #tpu.memory_space<vmem>>)
      %dma_wait3A_427 = arith.constant 2 : i32
      %dma_wait3A_428 = arith.constant 31 : i32
      %dma_wait3A_429 = arith.constant 160 : i32
      %dma_wait3A_430 = arith.constant 0 : i32
      %dma_wait3A_431 = tpu.memref_slice %arg6[%dma_wait3A_429, %dma_wait3A_430] : memref<320x128xf32, #tpu.memory_space<vmem>> -> memref<80x128xf32, #tpu.memory_space<vmem>>
      %dma_wait3A_432 = arith.constant 0 : i32
      %dma_wait3A_433 = tpu.memref_slice %arg5[%dma_wait3A_427, %dma_wait3A_428, %dma_wait3A_432] : memref<4x32x80xi32, #tpu.memory_space<vmem>> -> memref<1x1x80xi32, #tpu.memory_space<vmem>>
      %dma_wait3A_434 = tpu.memref_squeeze %dma_wait3A_433 : memref<1x1x80xi32, #tpu.memory_space<vmem>> -> memref<80xi32, #tpu.memory_space<vmem>>
      %dma_wait3A_435 = arith.constant 0 : i32
      %dma_wait3A_436 = arith.constant 0 : i32
      %dma_wait3A_437 = tpu.memref_slice %arg2[%dma_wait3A_435, %dma_wait3A_436] : memref<10000x128xf32, #tpu.memory_space<hbm>> -> memref<10000x128xf32, #tpu.memory_space<hbm>>
      tpu.wait_indirect_dma semaphore(%arg9 : memref<!tpu.dma_semaphore, #tpu.memory_space<semaphore_mem>>) src(%dma_wait3A_437 : memref<10000x128xf32, #tpu.memory_space<hbm>>) dst(%dma_wait3A_431 : memref<80x128xf32, #tpu.memory_space<vmem>>)
      %add3A_438 = arith.constant 160 : i32
      %add3A_439 = arith.addi %mul3A_8, %add3A_438 : i32
      %dma_start3A = arith.constant 160 : i32
      %dma_start3A_440 = arith.constant 0 : i32
      %dma_start3A_441 = tpu.memref_slice %arg6[%dma_start3A, %dma_start3A_440] : memref<320x128xf32, #tpu.memory_space<vmem>> -> memref<80x128xf32, #tpu.memory_space<vmem>>
      %dma_start3A_442 = arith.constant 0 : i32
      %dma_start3A_443 = tpu.memref_slice %arg4[%add3A_439, %dma_start3A_442] : memref<10000x128xf32, #tpu.memory_space<hbm>> -> memref<80x128xf32, #tpu.memory_space<hbm>>
      %dma_start3A_444 = arith.constant 0 : i32
      %dma_start3A_445 = tpu.memref_slice %arg4[%add3A_439, %dma_start3A_444] : memref<10000x128xf32, #tpu.memory_space<hbm>> -> memref<80x128xf32, #tpu.memory_space<hbm>>
      %dma_start3A_446 = arith.constant 160 : i32
      %dma_start3A_447 = arith.constant 0 : i32
      %dma_start3A_448 = tpu.memref_slice %arg6[%dma_start3A_446, %dma_start3A_447] : memref<320x128xf32, #tpu.memory_space<vmem>> -> memref<80x128xf32, #tpu.memory_space<vmem>>
      tpu.enqueue_dma source(%dma_start3A_448 : memref<80x128xf32, #tpu.memory_space<vmem>>) target(%dma_start3A_445 : memref<80x128xf32, #tpu.memory_space<hbm>>) target_semaphore(%arg12 : memref<!tpu.dma_semaphore, #tpu.memory_space<semaphore_mem>>)
    } else {
    }
    %gt3A_62 = arith.constant 3 : i32
    %gt3A_63 = arith.cmpi sgt, %select_n3A, %gt3A_62 : i32
    %convert_element_type3A_64 = arith.extui %gt3A_63 : i1 to i32
    %cond3A_65 = arith.constant 0 : i32
    %cond3A_66 = arith.cmpi ne, %convert_element_type3A_64, %cond3A_65 : i32
    scf.if %cond3A_66 {
      %dma_wait3A = arith.constant 3 : i32
      %dma_wait3A_87 = arith.constant 0 : i32
      %dma_wait3A_88 = arith.constant 240 : i32
      %dma_wait3A_89 = arith.constant 0 : i32
      %dma_wait3A_90 = tpu.memref_slice %arg6[%dma_wait3A_88, %dma_wait3A_89] : memref<320x128xf32, #tpu.memory_space<vmem>> -> memref<80x128xf32, #tpu.memory_space<vmem>>
      %dma_wait3A_91 = arith.constant 0 : i32
      %dma_wait3A_92 = tpu.memref_slice %arg5[%dma_wait3A, %dma_wait3A_87, %dma_wait3A_91] : memref<4x32x80xi32, #tpu.memory_space<vmem>> -> memref<1x1x80xi32, #tpu.memory_space<vmem>>
      %dma_wait3A_93 = tpu.memref_squeeze %dma_wait3A_92 : memref<1x1x80xi32, #tpu.memory_space<vmem>> -> memref<80xi32, #tpu.memory_space<vmem>>
      %dma_wait3A_94 = arith.constant 0 : i32
      %dma_wait3A_95 = arith.constant 0 : i32
      %dma_wait3A_96 = tpu.memref_slice %arg2[%dma_wait3A_94, %dma_wait3A_95] : memref<10000x128xf32, #tpu.memory_space<hbm>> -> memref<10000x128xf32, #tpu.memory_space<hbm>>
      tpu.wait_indirect_dma semaphore(%arg10 : memref<!tpu.dma_semaphore, #tpu.memory_space<semaphore_mem>>) src(%dma_wait3A_96 : memref<10000x128xf32, #tpu.memory_space<hbm>>) dst(%dma_wait3A_90 : memref<80x128xf32, #tpu.memory_space<vmem>>)
      %dma_wait3A_97 = arith.constant 3 : i32
      %dma_wait3A_98 = arith.constant 1 : i32
      %dma_wait3A_99 = arith.constant 240 : i32
      %dma_wait3A_100 = arith.constant 0 : i32
      %dma_wait3A_101 = tpu.memref_slice %arg6[%dma_wait3A_99, %dma_wait3A_100] : memref<320x128xf32, #tpu.memory_space<vmem>> -> memref<80x128xf32, #tpu.memory_space<vmem>>
      %dma_wait3A_102 = arith.constant 0 : i32
      %dma_wait3A_103 = tpu.memref_slice %arg5[%dma_wait3A_97, %dma_wait3A_98, %dma_wait3A_102] : memref<4x32x80xi32, #tpu.memory_space<vmem>> -> memref<1x1x80xi32, #tpu.memory_space<vmem>>
      %dma_wait3A_104 = tpu.memref_squeeze %dma_wait3A_103 : memref<1x1x80xi32, #tpu.memory_space<vmem>> -> memref<80xi32, #tpu.memory_space<vmem>>
      %dma_wait3A_105 = arith.constant 0 : i32
      %dma_wait3A_106 = arith.constant 0 : i32
      %dma_wait3A_107 = tpu.memref_slice %arg2[%dma_wait3A_105, %dma_wait3A_106] : memref<10000x128xf32, #tpu.memory_space<hbm>> -> memref<10000x128xf32, #tpu.memory_space<hbm>>
      tpu.wait_indirect_dma semaphore(%arg10 : memref<!tpu.dma_semaphore, #tpu.memory_space<semaphore_mem>>) src(%dma_wait3A_107 : memref<10000x128xf32, #tpu.memory_space<hbm>>) dst(%dma_wait3A_101 : memref<80x128xf32, #tpu.memory_space<vmem>>)
      %dma_wait3A_108 = arith.constant 3 : i32
      %dma_wait3A_109 = arith.constant 2 : i32
      %dma_wait3A_110 = arith.constant 240 : i32
      %dma_wait3A_111 = arith.constant 0 : i32
      %dma_wait3A_112 = tpu.memref_slice %arg6[%dma_wait3A_110, %dma_wait3A_111] : memref<320x128xf32, #tpu.memory_space<vmem>> -> memref<80x128xf32, #tpu.memory_space<vmem>>
      %dma_wait3A_113 = arith.constant 0 : i32
      %dma_wait3A_114 = tpu.memref_slice %arg5[%dma_wait3A_108, %dma_wait3A_109, %dma_wait3A_113] : memref<4x32x80xi32, #tpu.memory_space<vmem>> -> memref<1x1x80xi32, #tpu.memory_space<vmem>>
      %dma_wait3A_115 = tpu.memref_squeeze %dma_wait3A_114 : memref<1x1x80xi32, #tpu.memory_space<vmem>> -> memref<80xi32, #tpu.memory_space<vmem>>
      %dma_wait3A_116 = arith.constant 0 : i32
      %dma_wait3A_117 = arith.constant 0 : i32
      %dma_wait3A_118 = tpu.memref_slice %arg2[%dma_wait3A_116, %dma_wait3A_117] : memref<10000x128xf32, #tpu.memory_space<hbm>> -> memref<10000x128xf32, #tpu.memory_space<hbm>>
      tpu.wait_indirect_dma semaphore(%arg10 : memref<!tpu.dma_semaphore, #tpu.memory_space<semaphore_mem>>) src(%dma_wait3A_118 : memref<10000x128xf32, #tpu.memory_space<hbm>>) dst(%dma_wait3A_112 : memref<80x128xf32, #tpu.memory_space<vmem>>)
      %dma_wait3A_119 = arith.constant 3 : i32
      %dma_wait3A_120 = arith.constant 3 : i32
      %dma_wait3A_121 = arith.constant 240 : i32
      %dma_wait3A_122 = arith.constant 0 : i32
      %dma_wait3A_123 = tpu.memref_slice %arg6[%dma_wait3A_121, %dma_wait3A_122] : memref<320x128xf32, #tpu.memory_space<vmem>> -> memref<80x128xf32, #tpu.memory_space<vmem>>
      %dma_wait3A_124 = arith.constant 0 : i32
      %dma_wait3A_125 = tpu.memref_slice %arg5[%dma_wait3A_119, %dma_wait3A_120, %dma_wait3A_124] : memref<4x32x80xi32, #tpu.memory_space<vmem>> -> memref<1x1x80xi32, #tpu.memory_space<vmem>>
      %dma_wait3A_126 = tpu.memref_squeeze %dma_wait3A_125 : memref<1x1x80xi32, #tpu.memory_space<vmem>> -> memref<80xi32, #tpu.memory_space<vmem>>
      %dma_wait3A_127 = arith.constant 0 : i32
      %dma_wait3A_128 = arith.constant 0 : i32
      %dma_wait3A_129 = tpu.memref_slice %arg2[%dma_wait3A_127, %dma_wait3A_128] : memref<10000x128xf32, #tpu.memory_space<hbm>> -> memref<10000x128xf32, #tpu.memory_space<hbm>>
      tpu.wait_indirect_dma semaphore(%arg10 : memref<!tpu.dma_semaphore, #tpu.memory_space<semaphore_mem>>) src(%dma_wait3A_129 : memref<10000x128xf32, #tpu.memory_space<hbm>>) dst(%dma_wait3A_123 : memref<80x128xf32, #tpu.memory_space<vmem>>)
      %dma_wait3A_130 = arith.constant 3 : i32
      %dma_wait3A_131 = arith.constant 4 : i32
      %dma_wait3A_132 = arith.constant 240 : i32
      %dma_wait3A_133 = arith.constant 0 : i32
      %dma_wait3A_134 = tpu.memref_slice %arg6[%dma_wait3A_132, %dma_wait3A_133] : memref<320x128xf32, #tpu.memory_space<vmem>> -> memref<80x128xf32, #tpu.memory_space<vmem>>
      %dma_wait3A_135 = arith.constant 0 : i32
      %dma_wait3A_136 = tpu.memref_slice %arg5[%dma_wait3A_130, %dma_wait3A_131, %dma_wait3A_135] : memref<4x32x80xi32, #tpu.memory_space<vmem>> -> memref<1x1x80xi32, #tpu.memory_space<vmem>>
      %dma_wait3A_137 = tpu.memref_squeeze %dma_wait3A_136 : memref<1x1x80xi32, #tpu.memory_space<vmem>> -> memref<80xi32, #tpu.memory_space<vmem>>
      %dma_wait3A_138 = arith.constant 0 : i32
      %dma_wait3A_139 = arith.constant 0 : i32
      %dma_wait3A_140 = tpu.memref_slice %arg2[%dma_wait3A_138, %dma_wait3A_139] : memref<10000x128xf32, #tpu.memory_space<hbm>> -> memref<10000x128xf32, #tpu.memory_space<hbm>>
      tpu.wait_indirect_dma semaphore(%arg10 : memref<!tpu.dma_semaphore, #tpu.memory_space<semaphore_mem>>) src(%dma_wait3A_140 : memref<10000x128xf32, #tpu.memory_space<hbm>>) dst(%dma_wait3A_134 : memref<80x128xf32, #tpu.memory_space<vmem>>)
      %dma_wait3A_141 = arith.constant 3 : i32
      %dma_wait3A_142 = arith.constant 5 : i32
      %dma_wait3A_143 = arith.constant 240 : i32
      %dma_wait3A_144 = arith.constant 0 : i32
      %dma_wait3A_145 = tpu.memref_slice %arg6[%dma_wait3A_143, %dma_wait3A_144] : memref<320x128xf32, #tpu.memory_space<vmem>> -> memref<80x128xf32, #tpu.memory_space<vmem>>
      %dma_wait3A_146 = arith.constant 0 : i32
      %dma_wait3A_147 = tpu.memref_slice %arg5[%dma_wait3A_141, %dma_wait3A_142, %dma_wait3A_146] : memref<4x32x80xi32, #tpu.memory_space<vmem>> -> memref<1x1x80xi32, #tpu.memory_space<vmem>>
      %dma_wait3A_148 = tpu.memref_squeeze %dma_wait3A_147 : memref<1x1x80xi32, #tpu.memory_space<vmem>> -> memref<80xi32, #tpu.memory_space<vmem>>
      %dma_wait3A_149 = arith.constant 0 : i32
      %dma_wait3A_150 = arith.constant 0 : i32
      %dma_wait3A_151 = tpu.memref_slice %arg2[%dma_wait3A_149, %dma_wait3A_150] : memref<10000x128xf32, #tpu.memory_space<hbm>> -> memref<10000x128xf32, #tpu.memory_space<hbm>>
      tpu.wait_indirect_dma semaphore(%arg10 : memref<!tpu.dma_semaphore, #tpu.memory_space<semaphore_mem>>) src(%dma_wait3A_151 : memref<10000x128xf32, #tpu.memory_space<hbm>>) dst(%dma_wait3A_145 : memref<80x128xf32, #tpu.memory_space<vmem>>)
      %dma_wait3A_152 = arith.constant 3 : i32
      %dma_wait3A_153 = arith.constant 6 : i32
      %dma_wait3A_154 = arith.constant 240 : i32
      %dma_wait3A_155 = arith.constant 0 : i32
      %dma_wait3A_156 = tpu.memref_slice %arg6[%dma_wait3A_154, %dma_wait3A_155] : memref<320x128xf32, #tpu.memory_space<vmem>> -> memref<80x128xf32, #tpu.memory_space<vmem>>
      %dma_wait3A_157 = arith.constant 0 : i32
      %dma_wait3A_158 = tpu.memref_slice %arg5[%dma_wait3A_152, %dma_wait3A_153, %dma_wait3A_157] : memref<4x32x80xi32, #tpu.memory_space<vmem>> -> memref<1x1x80xi32, #tpu.memory_space<vmem>>
      %dma_wait3A_159 = tpu.memref_squeeze %dma_wait3A_158 : memref<1x1x80xi32, #tpu.memory_space<vmem>> -> memref<80xi32, #tpu.memory_space<vmem>>
      %dma_wait3A_160 = arith.constant 0 : i32
      %dma_wait3A_161 = arith.constant 0 : i32
      %dma_wait3A_162 = tpu.memref_slice %arg2[%dma_wait3A_160, %dma_wait3A_161] : memref<10000x128xf32, #tpu.memory_space<hbm>> -> memref<10000x128xf32, #tpu.memory_space<hbm>>
      tpu.wait_indirect_dma semaphore(%arg10 : memref<!tpu.dma_semaphore, #tpu.memory_space<semaphore_mem>>) src(%dma_wait3A_162 : memref<10000x128xf32, #tpu.memory_space<hbm>>) dst(%dma_wait3A_156 : memref<80x128xf32, #tpu.memory_space<vmem>>)
      %dma_wait3A_163 = arith.constant 3 : i32
      %dma_wait3A_164 = arith.constant 7 : i32
      %dma_wait3A_165 = arith.constant 240 : i32
      %dma_wait3A_166 = arith.constant 0 : i32
      %dma_wait3A_167 = tpu.memref_slice %arg6[%dma_wait3A_165, %dma_wait3A_166] : memref<320x128xf32, #tpu.memory_space<vmem>> -> memref<80x128xf32, #tpu.memory_space<vmem>>
      %dma_wait3A_168 = arith.constant 0 : i32
      %dma_wait3A_169 = tpu.memref_slice %arg5[%dma_wait3A_163, %dma_wait3A_164, %dma_wait3A_168] : memref<4x32x80xi32, #tpu.memory_space<vmem>> -> memref<1x1x80xi32, #tpu.memory_space<vmem>>
      %dma_wait3A_170 = tpu.memref_squeeze %dma_wait3A_169 : memref<1x1x80xi32, #tpu.memory_space<vmem>> -> memref<80xi32, #tpu.memory_space<vmem>>
      %dma_wait3A_171 = arith.constant 0 : i32
      %dma_wait3A_172 = arith.constant 0 : i32
      %dma_wait3A_173 = tpu.memref_slice %arg2[%dma_wait3A_171, %dma_wait3A_172] : memref<10000x128xf32, #tpu.memory_space<hbm>> -> memref<10000x128xf32, #tpu.memory_space<hbm>>
      tpu.wait_indirect_dma semaphore(%arg10 : memref<!tpu.dma_semaphore, #tpu.memory_space<semaphore_mem>>) src(%dma_wait3A_173 : memref<10000x128xf32, #tpu.memory_space<hbm>>) dst(%dma_wait3A_167 : memref<80x128xf32, #tpu.memory_space<vmem>>)
      %dma_wait3A_174 = arith.constant 3 : i32
      %dma_wait3A_175 = arith.constant 8 : i32
      %dma_wait3A_176 = arith.constant 240 : i32
      %dma_wait3A_177 = arith.constant 0 : i32
      %dma_wait3A_178 = tpu.memref_slice %arg6[%dma_wait3A_176, %dma_wait3A_177] : memref<320x128xf32, #tpu.memory_space<vmem>> -> memref<80x128xf32, #tpu.memory_space<vmem>>
      %dma_wait3A_179 = arith.constant 0 : i32
      %dma_wait3A_180 = tpu.memref_slice %arg5[%dma_wait3A_174, %dma_wait3A_175, %dma_wait3A_179] : memref<4x32x80xi32, #tpu.memory_space<vmem>> -> memref<1x1x80xi32, #tpu.memory_space<vmem>>
      %dma_wait3A_181 = tpu.memref_squeeze %dma_wait3A_180 : memref<1x1x80xi32, #tpu.memory_space<vmem>> -> memref<80xi32, #tpu.memory_space<vmem>>
      %dma_wait3A_182 = arith.constant 0 : i32
      %dma_wait3A_183 = arith.constant 0 : i32
      %dma_wait3A_184 = tpu.memref_slice %arg2[%dma_wait3A_182, %dma_wait3A_183] : memref<10000x128xf32, #tpu.memory_space<hbm>> -> memref<10000x128xf32, #tpu.memory_space<hbm>>
      tpu.wait_indirect_dma semaphore(%arg10 : memref<!tpu.dma_semaphore, #tpu.memory_space<semaphore_mem>>) src(%dma_wait3A_184 : memref<10000x128xf32, #tpu.memory_space<hbm>>) dst(%dma_wait3A_178 : memref<80x128xf32, #tpu.memory_space<vmem>>)
      %dma_wait3A_185 = arith.constant 3 : i32
      %dma_wait3A_186 = arith.constant 9 : i32
      %dma_wait3A_187 = arith.constant 240 : i32
      %dma_wait3A_188 = arith.constant 0 : i32
      %dma_wait3A_189 = tpu.memref_slice %arg6[%dma_wait3A_187, %dma_wait3A_188] : memref<320x128xf32, #tpu.memory_space<vmem>> -> memref<80x128xf32, #tpu.memory_space<vmem>>
      %dma_wait3A_190 = arith.constant 0 : i32
      %dma_wait3A_191 = tpu.memref_slice %arg5[%dma_wait3A_185, %dma_wait3A_186, %dma_wait3A_190] : memref<4x32x80xi32, #tpu.memory_space<vmem>> -> memref<1x1x80xi32, #tpu.memory_space<vmem>>
      %dma_wait3A_192 = tpu.memref_squeeze %dma_wait3A_191 : memref<1x1x80xi32, #tpu.memory_space<vmem>> -> memref<80xi32, #tpu.memory_space<vmem>>
      %dma_wait3A_193 = arith.constant 0 : i32
      %dma_wait3A_194 = arith.constant 0 : i32
      %dma_wait3A_195 = tpu.memref_slice %arg2[%dma_wait3A_193, %dma_wait3A_194] : memref<10000x128xf32, #tpu.memory_space<hbm>> -> memref<10000x128xf32, #tpu.memory_space<hbm>>
      tpu.wait_indirect_dma semaphore(%arg10 : memref<!tpu.dma_semaphore, #tpu.memory_space<semaphore_mem>>) src(%dma_wait3A_195 : memref<10000x128xf32, #tpu.memory_space<hbm>>) dst(%dma_wait3A_189 : memref<80x128xf32, #tpu.memory_space<vmem>>)
      %dma_wait3A_196 = arith.constant 3 : i32
      %dma_wait3A_197 = arith.constant 10 : i32
      %dma_wait3A_198 = arith.constant 240 : i32
      %dma_wait3A_199 = arith.constant 0 : i32
      %dma_wait3A_200 = tpu.memref_slice %arg6[%dma_wait3A_198, %dma_wait3A_199] : memref<320x128xf32, #tpu.memory_space<vmem>> -> memref<80x128xf32, #tpu.memory_space<vmem>>
      %dma_wait3A_201 = arith.constant 0 : i32
      %dma_wait3A_202 = tpu.memref_slice %arg5[%dma_wait3A_196, %dma_wait3A_197, %dma_wait3A_201] : memref<4x32x80xi32, #tpu.memory_space<vmem>> -> memref<1x1x80xi32, #tpu.memory_space<vmem>>
      %dma_wait3A_203 = tpu.memref_squeeze %dma_wait3A_202 : memref<1x1x80xi32, #tpu.memory_space<vmem>> -> memref<80xi32, #tpu.memory_space<vmem>>
      %dma_wait3A_204 = arith.constant 0 : i32
      %dma_wait3A_205 = arith.constant 0 : i32
      %dma_wait3A_206 = tpu.memref_slice %arg2[%dma_wait3A_204, %dma_wait3A_205] : memref<10000x128xf32, #tpu.memory_space<hbm>> -> memref<10000x128xf32, #tpu.memory_space<hbm>>
      tpu.wait_indirect_dma semaphore(%arg10 : memref<!tpu.dma_semaphore, #tpu.memory_space<semaphore_mem>>) src(%dma_wait3A_206 : memref<10000x128xf32, #tpu.memory_space<hbm>>) dst(%dma_wait3A_200 : memref<80x128xf32, #tpu.memory_space<vmem>>)
      %dma_wait3A_207 = arith.constant 3 : i32
      %dma_wait3A_208 = arith.constant 11 : i32
      %dma_wait3A_209 = arith.constant 240 : i32
      %dma_wait3A_210 = arith.constant 0 : i32
      %dma_wait3A_211 = tpu.memref_slice %arg6[%dma_wait3A_209, %dma_wait3A_210] : memref<320x128xf32, #tpu.memory_space<vmem>> -> memref<80x128xf32, #tpu.memory_space<vmem>>
      %dma_wait3A_212 = arith.constant 0 : i32
      %dma_wait3A_213 = tpu.memref_slice %arg5[%dma_wait3A_207, %dma_wait3A_208, %dma_wait3A_212] : memref<4x32x80xi32, #tpu.memory_space<vmem>> -> memref<1x1x80xi32, #tpu.memory_space<vmem>>
      %dma_wait3A_214 = tpu.memref_squeeze %dma_wait3A_213 : memref<1x1x80xi32, #tpu.memory_space<vmem>> -> memref<80xi32, #tpu.memory_space<vmem>>
      %dma_wait3A_215 = arith.constant 0 : i32
      %dma_wait3A_216 = arith.constant 0 : i32
      %dma_wait3A_217 = tpu.memref_slice %arg2[%dma_wait3A_215, %dma_wait3A_216] : memref<10000x128xf32, #tpu.memory_space<hbm>> -> memref<10000x128xf32, #tpu.memory_space<hbm>>
      tpu.wait_indirect_dma semaphore(%arg10 : memref<!tpu.dma_semaphore, #tpu.memory_space<semaphore_mem>>) src(%dma_wait3A_217 : memref<10000x128xf32, #tpu.memory_space<hbm>>) dst(%dma_wait3A_211 : memref<80x128xf32, #tpu.memory_space<vmem>>)
      %dma_wait3A_218 = arith.constant 3 : i32
      %dma_wait3A_219 = arith.constant 12 : i32
      %dma_wait3A_220 = arith.constant 240 : i32
      %dma_wait3A_221 = arith.constant 0 : i32
      %dma_wait3A_222 = tpu.memref_slice %arg6[%dma_wait3A_220, %dma_wait3A_221] : memref<320x128xf32, #tpu.memory_space<vmem>> -> memref<80x128xf32, #tpu.memory_space<vmem>>
      %dma_wait3A_223 = arith.constant 0 : i32
      %dma_wait3A_224 = tpu.memref_slice %arg5[%dma_wait3A_218, %dma_wait3A_219, %dma_wait3A_223] : memref<4x32x80xi32, #tpu.memory_space<vmem>> -> memref<1x1x80xi32, #tpu.memory_space<vmem>>
      %dma_wait3A_225 = tpu.memref_squeeze %dma_wait3A_224 : memref<1x1x80xi32, #tpu.memory_space<vmem>> -> memref<80xi32, #tpu.memory_space<vmem>>
      %dma_wait3A_226 = arith.constant 0 : i32
      %dma_wait3A_227 = arith.constant 0 : i32
      %dma_wait3A_228 = tpu.memref_slice %arg2[%dma_wait3A_226, %dma_wait3A_227] : memref<10000x128xf32, #tpu.memory_space<hbm>> -> memref<10000x128xf32, #tpu.memory_space<hbm>>
      tpu.wait_indirect_dma semaphore(%arg10 : memref<!tpu.dma_semaphore, #tpu.memory_space<semaphore_mem>>) src(%dma_wait3A_228 : memref<10000x128xf32, #tpu.memory_space<hbm>>) dst(%dma_wait3A_222 : memref<80x128xf32, #tpu.memory_space<vmem>>)
      %dma_wait3A_229 = arith.constant 3 : i32
      %dma_wait3A_230 = arith.constant 13 : i32
      %dma_wait3A_231 = arith.constant 240 : i32
      %dma_wait3A_232 = arith.constant 0 : i32
      %dma_wait3A_233 = tpu.memref_slice %arg6[%dma_wait3A_231, %dma_wait3A_232] : memref<320x128xf32, #tpu.memory_space<vmem>> -> memref<80x128xf32, #tpu.memory_space<vmem>>
      %dma_wait3A_234 = arith.constant 0 : i32
      %dma_wait3A_235 = tpu.memref_slice %arg5[%dma_wait3A_229, %dma_wait3A_230, %dma_wait3A_234] : memref<4x32x80xi32, #tpu.memory_space<vmem>> -> memref<1x1x80xi32, #tpu.memory_space<vmem>>
      %dma_wait3A_236 = tpu.memref_squeeze %dma_wait3A_235 : memref<1x1x80xi32, #tpu.memory_space<vmem>> -> memref<80xi32, #tpu.memory_space<vmem>>
      %dma_wait3A_237 = arith.constant 0 : i32
      %dma_wait3A_238 = arith.constant 0 : i32
      %dma_wait3A_239 = tpu.memref_slice %arg2[%dma_wait3A_237, %dma_wait3A_238] : memref<10000x128xf32, #tpu.memory_space<hbm>> -> memref<10000x128xf32, #tpu.memory_space<hbm>>
      tpu.wait_indirect_dma semaphore(%arg10 : memref<!tpu.dma_semaphore, #tpu.memory_space<semaphore_mem>>) src(%dma_wait3A_239 : memref<10000x128xf32, #tpu.memory_space<hbm>>) dst(%dma_wait3A_233 : memref<80x128xf32, #tpu.memory_space<vmem>>)
      %dma_wait3A_240 = arith.constant 3 : i32
      %dma_wait3A_241 = arith.constant 14 : i32
      %dma_wait3A_242 = arith.constant 240 : i32
      %dma_wait3A_243 = arith.constant 0 : i32
      %dma_wait3A_244 = tpu.memref_slice %arg6[%dma_wait3A_242, %dma_wait3A_243] : memref<320x128xf32, #tpu.memory_space<vmem>> -> memref<80x128xf32, #tpu.memory_space<vmem>>
      %dma_wait3A_245 = arith.constant 0 : i32
      %dma_wait3A_246 = tpu.memref_slice %arg5[%dma_wait3A_240, %dma_wait3A_241, %dma_wait3A_245] : memref<4x32x80xi32, #tpu.memory_space<vmem>> -> memref<1x1x80xi32, #tpu.memory_space<vmem>>
      %dma_wait3A_247 = tpu.memref_squeeze %dma_wait3A_246 : memref<1x1x80xi32, #tpu.memory_space<vmem>> -> memref<80xi32, #tpu.memory_space<vmem>>
      %dma_wait3A_248 = arith.constant 0 : i32
      %dma_wait3A_249 = arith.constant 0 : i32
      %dma_wait3A_250 = tpu.memref_slice %arg2[%dma_wait3A_248, %dma_wait3A_249] : memref<10000x128xf32, #tpu.memory_space<hbm>> -> memref<10000x128xf32, #tpu.memory_space<hbm>>
      tpu.wait_indirect_dma semaphore(%arg10 : memref<!tpu.dma_semaphore, #tpu.memory_space<semaphore_mem>>) src(%dma_wait3A_250 : memref<10000x128xf32, #tpu.memory_space<hbm>>) dst(%dma_wait3A_244 : memref<80x128xf32, #tpu.memory_space<vmem>>)
      %dma_wait3A_251 = arith.constant 3 : i32
      %dma_wait3A_252 = arith.constant 15 : i32
      %dma_wait3A_253 = arith.constant 240 : i32
      %dma_wait3A_254 = arith.constant 0 : i32
      %dma_wait3A_255 = tpu.memref_slice %arg6[%dma_wait3A_253, %dma_wait3A_254] : memref<320x128xf32, #tpu.memory_space<vmem>> -> memref<80x128xf32, #tpu.memory_space<vmem>>
      %dma_wait3A_256 = arith.constant 0 : i32
      %dma_wait3A_257 = tpu.memref_slice %arg5[%dma_wait3A_251, %dma_wait3A_252, %dma_wait3A_256] : memref<4x32x80xi32, #tpu.memory_space<vmem>> -> memref<1x1x80xi32, #tpu.memory_space<vmem>>
      %dma_wait3A_258 = tpu.memref_squeeze %dma_wait3A_257 : memref<1x1x80xi32, #tpu.memory_space<vmem>> -> memref<80xi32, #tpu.memory_space<vmem>>
      %dma_wait3A_259 = arith.constant 0 : i32
      %dma_wait3A_260 = arith.constant 0 : i32
      %dma_wait3A_261 = tpu.memref_slice %arg2[%dma_wait3A_259, %dma_wait3A_260] : memref<10000x128xf32, #tpu.memory_space<hbm>> -> memref<10000x128xf32, #tpu.memory_space<hbm>>
      tpu.wait_indirect_dma semaphore(%arg10 : memref<!tpu.dma_semaphore, #tpu.memory_space<semaphore_mem>>) src(%dma_wait3A_261 : memref<10000x128xf32, #tpu.memory_space<hbm>>) dst(%dma_wait3A_255 : memref<80x128xf32, #tpu.memory_space<vmem>>)
      %dma_wait3A_262 = arith.constant 3 : i32
      %dma_wait3A_263 = arith.constant 16 : i32
      %dma_wait3A_264 = arith.constant 240 : i32
      %dma_wait3A_265 = arith.constant 0 : i32
      %dma_wait3A_266 = tpu.memref_slice %arg6[%dma_wait3A_264, %dma_wait3A_265] : memref<320x128xf32, #tpu.memory_space<vmem>> -> memref<80x128xf32, #tpu.memory_space<vmem>>
      %dma_wait3A_267 = arith.constant 0 : i32
      %dma_wait3A_268 = tpu.memref_slice %arg5[%dma_wait3A_262, %dma_wait3A_263, %dma_wait3A_267] : memref<4x32x80xi32, #tpu.memory_space<vmem>> -> memref<1x1x80xi32, #tpu.memory_space<vmem>>
      %dma_wait3A_269 = tpu.memref_squeeze %dma_wait3A_268 : memref<1x1x80xi32, #tpu.memory_space<vmem>> -> memref<80xi32, #tpu.memory_space<vmem>>
      %dma_wait3A_270 = arith.constant 0 : i32
      %dma_wait3A_271 = arith.constant 0 : i32
      %dma_wait3A_272 = tpu.memref_slice %arg2[%dma_wait3A_270, %dma_wait3A_271] : memref<10000x128xf32, #tpu.memory_space<hbm>> -> memref<10000x128xf32, #tpu.memory_space<hbm>>
      tpu.wait_indirect_dma semaphore(%arg10 : memref<!tpu.dma_semaphore, #tpu.memory_space<semaphore_mem>>) src(%dma_wait3A_272 : memref<10000x128xf32, #tpu.memory_space<hbm>>) dst(%dma_wait3A_266 : memref<80x128xf32, #tpu.memory_space<vmem>>)
      %dma_wait3A_273 = arith.constant 3 : i32
      %dma_wait3A_274 = arith.constant 17 : i32
      %dma_wait3A_275 = arith.constant 240 : i32
      %dma_wait3A_276 = arith.constant 0 : i32
      %dma_wait3A_277 = tpu.memref_slice %arg6[%dma_wait3A_275, %dma_wait3A_276] : memref<320x128xf32, #tpu.memory_space<vmem>> -> memref<80x128xf32, #tpu.memory_space<vmem>>
      %dma_wait3A_278 = arith.constant 0 : i32
      %dma_wait3A_279 = tpu.memref_slice %arg5[%dma_wait3A_273, %dma_wait3A_274, %dma_wait3A_278] : memref<4x32x80xi32, #tpu.memory_space<vmem>> -> memref<1x1x80xi32, #tpu.memory_space<vmem>>
      %dma_wait3A_280 = tpu.memref_squeeze %dma_wait3A_279 : memref<1x1x80xi32, #tpu.memory_space<vmem>> -> memref<80xi32, #tpu.memory_space<vmem>>
      %dma_wait3A_281 = arith.constant 0 : i32
      %dma_wait3A_282 = arith.constant 0 : i32
      %dma_wait3A_283 = tpu.memref_slice %arg2[%dma_wait3A_281, %dma_wait3A_282] : memref<10000x128xf32, #tpu.memory_space<hbm>> -> memref<10000x128xf32, #tpu.memory_space<hbm>>
      tpu.wait_indirect_dma semaphore(%arg10 : memref<!tpu.dma_semaphore, #tpu.memory_space<semaphore_mem>>) src(%dma_wait3A_283 : memref<10000x128xf32, #tpu.memory_space<hbm>>) dst(%dma_wait3A_277 : memref<80x128xf32, #tpu.memory_space<vmem>>)
      %dma_wait3A_284 = arith.constant 3 : i32
      %dma_wait3A_285 = arith.constant 18 : i32
      %dma_wait3A_286 = arith.constant 240 : i32
      %dma_wait3A_287 = arith.constant 0 : i32
      %dma_wait3A_288 = tpu.memref_slice %arg6[%dma_wait3A_286, %dma_wait3A_287] : memref<320x128xf32, #tpu.memory_space<vmem>> -> memref<80x128xf32, #tpu.memory_space<vmem>>
      %dma_wait3A_289 = arith.constant 0 : i32
      %dma_wait3A_290 = tpu.memref_slice %arg5[%dma_wait3A_284, %dma_wait3A_285, %dma_wait3A_289] : memref<4x32x80xi32, #tpu.memory_space<vmem>> -> memref<1x1x80xi32, #tpu.memory_space<vmem>>
      %dma_wait3A_291 = tpu.memref_squeeze %dma_wait3A_290 : memref<1x1x80xi32, #tpu.memory_space<vmem>> -> memref<80xi32, #tpu.memory_space<vmem>>
      %dma_wait3A_292 = arith.constant 0 : i32
      %dma_wait3A_293 = arith.constant 0 : i32
      %dma_wait3A_294 = tpu.memref_slice %arg2[%dma_wait3A_292, %dma_wait3A_293] : memref<10000x128xf32, #tpu.memory_space<hbm>> -> memref<10000x128xf32, #tpu.memory_space<hbm>>
      tpu.wait_indirect_dma semaphore(%arg10 : memref<!tpu.dma_semaphore, #tpu.memory_space<semaphore_mem>>) src(%dma_wait3A_294 : memref<10000x128xf32, #tpu.memory_space<hbm>>) dst(%dma_wait3A_288 : memref<80x128xf32, #tpu.memory_space<vmem>>)
      %dma_wait3A_295 = arith.constant 3 : i32
      %dma_wait3A_296 = arith.constant 19 : i32
      %dma_wait3A_297 = arith.constant 240 : i32
      %dma_wait3A_298 = arith.constant 0 : i32
      %dma_wait3A_299 = tpu.memref_slice %arg6[%dma_wait3A_297, %dma_wait3A_298] : memref<320x128xf32, #tpu.memory_space<vmem>> -> memref<80x128xf32, #tpu.memory_space<vmem>>
      %dma_wait3A_300 = arith.constant 0 : i32
      %dma_wait3A_301 = tpu.memref_slice %arg5[%dma_wait3A_295, %dma_wait3A_296, %dma_wait3A_300] : memref<4x32x80xi32, #tpu.memory_space<vmem>> -> memref<1x1x80xi32, #tpu.memory_space<vmem>>
      %dma_wait3A_302 = tpu.memref_squeeze %dma_wait3A_301 : memref<1x1x80xi32, #tpu.memory_space<vmem>> -> memref<80xi32, #tpu.memory_space<vmem>>
      %dma_wait3A_303 = arith.constant 0 : i32
      %dma_wait3A_304 = arith.constant 0 : i32
      %dma_wait3A_305 = tpu.memref_slice %arg2[%dma_wait3A_303, %dma_wait3A_304] : memref<10000x128xf32, #tpu.memory_space<hbm>> -> memref<10000x128xf32, #tpu.memory_space<hbm>>
      tpu.wait_indirect_dma semaphore(%arg10 : memref<!tpu.dma_semaphore, #tpu.memory_space<semaphore_mem>>) src(%dma_wait3A_305 : memref<10000x128xf32, #tpu.memory_space<hbm>>) dst(%dma_wait3A_299 : memref<80x128xf32, #tpu.memory_space<vmem>>)
      %dma_wait3A_306 = arith.constant 3 : i32
      %dma_wait3A_307 = arith.constant 20 : i32
      %dma_wait3A_308 = arith.constant 240 : i32
      %dma_wait3A_309 = arith.constant 0 : i32
      %dma_wait3A_310 = tpu.memref_slice %arg6[%dma_wait3A_308, %dma_wait3A_309] : memref<320x128xf32, #tpu.memory_space<vmem>> -> memref<80x128xf32, #tpu.memory_space<vmem>>
      %dma_wait3A_311 = arith.constant 0 : i32
      %dma_wait3A_312 = tpu.memref_slice %arg5[%dma_wait3A_306, %dma_wait3A_307, %dma_wait3A_311] : memref<4x32x80xi32, #tpu.memory_space<vmem>> -> memref<1x1x80xi32, #tpu.memory_space<vmem>>
      %dma_wait3A_313 = tpu.memref_squeeze %dma_wait3A_312 : memref<1x1x80xi32, #tpu.memory_space<vmem>> -> memref<80xi32, #tpu.memory_space<vmem>>
      %dma_wait3A_314 = arith.constant 0 : i32
      %dma_wait3A_315 = arith.constant 0 : i32
      %dma_wait3A_316 = tpu.memref_slice %arg2[%dma_wait3A_314, %dma_wait3A_315] : memref<10000x128xf32, #tpu.memory_space<hbm>> -> memref<10000x128xf32, #tpu.memory_space<hbm>>
      tpu.wait_indirect_dma semaphore(%arg10 : memref<!tpu.dma_semaphore, #tpu.memory_space<semaphore_mem>>) src(%dma_wait3A_316 : memref<10000x128xf32, #tpu.memory_space<hbm>>) dst(%dma_wait3A_310 : memref<80x128xf32, #tpu.memory_space<vmem>>)
      %dma_wait3A_317 = arith.constant 3 : i32
      %dma_wait3A_318 = arith.constant 21 : i32
      %dma_wait3A_319 = arith.constant 240 : i32
      %dma_wait3A_320 = arith.constant 0 : i32
      %dma_wait3A_321 = tpu.memref_slice %arg6[%dma_wait3A_319, %dma_wait3A_320] : memref<320x128xf32, #tpu.memory_space<vmem>> -> memref<80x128xf32, #tpu.memory_space<vmem>>
      %dma_wait3A_322 = arith.constant 0 : i32
      %dma_wait3A_323 = tpu.memref_slice %arg5[%dma_wait3A_317, %dma_wait3A_318, %dma_wait3A_322] : memref<4x32x80xi32, #tpu.memory_space<vmem>> -> memref<1x1x80xi32, #tpu.memory_space<vmem>>
      %dma_wait3A_324 = tpu.memref_squeeze %dma_wait3A_323 : memref<1x1x80xi32, #tpu.memory_space<vmem>> -> memref<80xi32, #tpu.memory_space<vmem>>
      %dma_wait3A_325 = arith.constant 0 : i32
      %dma_wait3A_326 = arith.constant 0 : i32
      %dma_wait3A_327 = tpu.memref_slice %arg2[%dma_wait3A_325, %dma_wait3A_326] : memref<10000x128xf32, #tpu.memory_space<hbm>> -> memref<10000x128xf32, #tpu.memory_space<hbm>>
      tpu.wait_indirect_dma semaphore(%arg10 : memref<!tpu.dma_semaphore, #tpu.memory_space<semaphore_mem>>) src(%dma_wait3A_327 : memref<10000x128xf32, #tpu.memory_space<hbm>>) dst(%dma_wait3A_321 : memref<80x128xf32, #tpu.memory_space<vmem>>)
      %dma_wait3A_328 = arith.constant 3 : i32
      %dma_wait3A_329 = arith.constant 22 : i32
      %dma_wait3A_330 = arith.constant 240 : i32
      %dma_wait3A_331 = arith.constant 0 : i32
      %dma_wait3A_332 = tpu.memref_slice %arg6[%dma_wait3A_330, %dma_wait3A_331] : memref<320x128xf32, #tpu.memory_space<vmem>> -> memref<80x128xf32, #tpu.memory_space<vmem>>
      %dma_wait3A_333 = arith.constant 0 : i32
      %dma_wait3A_334 = tpu.memref_slice %arg5[%dma_wait3A_328, %dma_wait3A_329, %dma_wait3A_333] : memref<4x32x80xi32, #tpu.memory_space<vmem>> -> memref<1x1x80xi32, #tpu.memory_space<vmem>>
      %dma_wait3A_335 = tpu.memref_squeeze %dma_wait3A_334 : memref<1x1x80xi32, #tpu.memory_space<vmem>> -> memref<80xi32, #tpu.memory_space<vmem>>
      %dma_wait3A_336 = arith.constant 0 : i32
      %dma_wait3A_337 = arith.constant 0 : i32
      %dma_wait3A_338 = tpu.memref_slice %arg2[%dma_wait3A_336, %dma_wait3A_337] : memref<10000x128xf32, #tpu.memory_space<hbm>> -> memref<10000x128xf32, #tpu.memory_space<hbm>>
      tpu.wait_indirect_dma semaphore(%arg10 : memref<!tpu.dma_semaphore, #tpu.memory_space<semaphore_mem>>) src(%dma_wait3A_338 : memref<10000x128xf32, #tpu.memory_space<hbm>>) dst(%dma_wait3A_332 : memref<80x128xf32, #tpu.memory_space<vmem>>)
      %dma_wait3A_339 = arith.constant 3 : i32
      %dma_wait3A_340 = arith.constant 23 : i32
      %dma_wait3A_341 = arith.constant 240 : i32
      %dma_wait3A_342 = arith.constant 0 : i32
      %dma_wait3A_343 = tpu.memref_slice %arg6[%dma_wait3A_341, %dma_wait3A_342] : memref<320x128xf32, #tpu.memory_space<vmem>> -> memref<80x128xf32, #tpu.memory_space<vmem>>
      %dma_wait3A_344 = arith.constant 0 : i32
      %dma_wait3A_345 = tpu.memref_slice %arg5[%dma_wait3A_339, %dma_wait3A_340, %dma_wait3A_344] : memref<4x32x80xi32, #tpu.memory_space<vmem>> -> memref<1x1x80xi32, #tpu.memory_space<vmem>>
      %dma_wait3A_346 = tpu.memref_squeeze %dma_wait3A_345 : memref<1x1x80xi32, #tpu.memory_space<vmem>> -> memref<80xi32, #tpu.memory_space<vmem>>
      %dma_wait3A_347 = arith.constant 0 : i32
      %dma_wait3A_348 = arith.constant 0 : i32
      %dma_wait3A_349 = tpu.memref_slice %arg2[%dma_wait3A_347, %dma_wait3A_348] : memref<10000x128xf32, #tpu.memory_space<hbm>> -> memref<10000x128xf32, #tpu.memory_space<hbm>>
      tpu.wait_indirect_dma semaphore(%arg10 : memref<!tpu.dma_semaphore, #tpu.memory_space<semaphore_mem>>) src(%dma_wait3A_349 : memref<10000x128xf32, #tpu.memory_space<hbm>>) dst(%dma_wait3A_343 : memref<80x128xf32, #tpu.memory_space<vmem>>)
      %dma_wait3A_350 = arith.constant 3 : i32
      %dma_wait3A_351 = arith.constant 24 : i32
      %dma_wait3A_352 = arith.constant 240 : i32
      %dma_wait3A_353 = arith.constant 0 : i32
      %dma_wait3A_354 = tpu.memref_slice %arg6[%dma_wait3A_352, %dma_wait3A_353] : memref<320x128xf32, #tpu.memory_space<vmem>> -> memref<80x128xf32, #tpu.memory_space<vmem>>
      %dma_wait3A_355 = arith.constant 0 : i32
      %dma_wait3A_356 = tpu.memref_slice %arg5[%dma_wait3A_350, %dma_wait3A_351, %dma_wait3A_355] : memref<4x32x80xi32, #tpu.memory_space<vmem>> -> memref<1x1x80xi32, #tpu.memory_space<vmem>>
      %dma_wait3A_357 = tpu.memref_squeeze %dma_wait3A_356 : memref<1x1x80xi32, #tpu.memory_space<vmem>> -> memref<80xi32, #tpu.memory_space<vmem>>
      %dma_wait3A_358 = arith.constant 0 : i32
      %dma_wait3A_359 = arith.constant 0 : i32
      %dma_wait3A_360 = tpu.memref_slice %arg2[%dma_wait3A_358, %dma_wait3A_359] : memref<10000x128xf32, #tpu.memory_space<hbm>> -> memref<10000x128xf32, #tpu.memory_space<hbm>>
      tpu.wait_indirect_dma semaphore(%arg10 : memref<!tpu.dma_semaphore, #tpu.memory_space<semaphore_mem>>) src(%dma_wait3A_360 : memref<10000x128xf32, #tpu.memory_space<hbm>>) dst(%dma_wait3A_354 : memref<80x128xf32, #tpu.memory_space<vmem>>)
      %dma_wait3A_361 = arith.constant 3 : i32
      %dma_wait3A_362 = arith.constant 25 : i32
      %dma_wait3A_363 = arith.constant 240 : i32
      %dma_wait3A_364 = arith.constant 0 : i32
      %dma_wait3A_365 = tpu.memref_slice %arg6[%dma_wait3A_363, %dma_wait3A_364] : memref<320x128xf32, #tpu.memory_space<vmem>> -> memref<80x128xf32, #tpu.memory_space<vmem>>
      %dma_wait3A_366 = arith.constant 0 : i32
      %dma_wait3A_367 = tpu.memref_slice %arg5[%dma_wait3A_361, %dma_wait3A_362, %dma_wait3A_366] : memref<4x32x80xi32, #tpu.memory_space<vmem>> -> memref<1x1x80xi32, #tpu.memory_space<vmem>>
      %dma_wait3A_368 = tpu.memref_squeeze %dma_wait3A_367 : memref<1x1x80xi32, #tpu.memory_space<vmem>> -> memref<80xi32, #tpu.memory_space<vmem>>
      %dma_wait3A_369 = arith.constant 0 : i32
      %dma_wait3A_370 = arith.constant 0 : i32
      %dma_wait3A_371 = tpu.memref_slice %arg2[%dma_wait3A_369, %dma_wait3A_370] : memref<10000x128xf32, #tpu.memory_space<hbm>> -> memref<10000x128xf32, #tpu.memory_space<hbm>>
      tpu.wait_indirect_dma semaphore(%arg10 : memref<!tpu.dma_semaphore, #tpu.memory_space<semaphore_mem>>) src(%dma_wait3A_371 : memref<10000x128xf32, #tpu.memory_space<hbm>>) dst(%dma_wait3A_365 : memref<80x128xf32, #tpu.memory_space<vmem>>)
      %dma_wait3A_372 = arith.constant 3 : i32
      %dma_wait3A_373 = arith.constant 26 : i32
      %dma_wait3A_374 = arith.constant 240 : i32
      %dma_wait3A_375 = arith.constant 0 : i32
      %dma_wait3A_376 = tpu.memref_slice %arg6[%dma_wait3A_374, %dma_wait3A_375] : memref<320x128xf32, #tpu.memory_space<vmem>> -> memref<80x128xf32, #tpu.memory_space<vmem>>
      %dma_wait3A_377 = arith.constant 0 : i32
      %dma_wait3A_378 = tpu.memref_slice %arg5[%dma_wait3A_372, %dma_wait3A_373, %dma_wait3A_377] : memref<4x32x80xi32, #tpu.memory_space<vmem>> -> memref<1x1x80xi32, #tpu.memory_space<vmem>>
      %dma_wait3A_379 = tpu.memref_squeeze %dma_wait3A_378 : memref<1x1x80xi32, #tpu.memory_space<vmem>> -> memref<80xi32, #tpu.memory_space<vmem>>
      %dma_wait3A_380 = arith.constant 0 : i32
      %dma_wait3A_381 = arith.constant 0 : i32
      %dma_wait3A_382 = tpu.memref_slice %arg2[%dma_wait3A_380, %dma_wait3A_381] : memref<10000x128xf32, #tpu.memory_space<hbm>> -> memref<10000x128xf32, #tpu.memory_space<hbm>>
      tpu.wait_indirect_dma semaphore(%arg10 : memref<!tpu.dma_semaphore, #tpu.memory_space<semaphore_mem>>) src(%dma_wait3A_382 : memref<10000x128xf32, #tpu.memory_space<hbm>>) dst(%dma_wait3A_376 : memref<80x128xf32, #tpu.memory_space<vmem>>)
      %dma_wait3A_383 = arith.constant 3 : i32
      %dma_wait3A_384 = arith.constant 27 : i32
      %dma_wait3A_385 = arith.constant 240 : i32
      %dma_wait3A_386 = arith.constant 0 : i32
      %dma_wait3A_387 = tpu.memref_slice %arg6[%dma_wait3A_385, %dma_wait3A_386] : memref<320x128xf32, #tpu.memory_space<vmem>> -> memref<80x128xf32, #tpu.memory_space<vmem>>
      %dma_wait3A_388 = arith.constant 0 : i32
      %dma_wait3A_389 = tpu.memref_slice %arg5[%dma_wait3A_383, %dma_wait3A_384, %dma_wait3A_388] : memref<4x32x80xi32, #tpu.memory_space<vmem>> -> memref<1x1x80xi32, #tpu.memory_space<vmem>>
      %dma_wait3A_390 = tpu.memref_squeeze %dma_wait3A_389 : memref<1x1x80xi32, #tpu.memory_space<vmem>> -> memref<80xi32, #tpu.memory_space<vmem>>
      %dma_wait3A_391 = arith.constant 0 : i32
      %dma_wait3A_392 = arith.constant 0 : i32
      %dma_wait3A_393 = tpu.memref_slice %arg2[%dma_wait3A_391, %dma_wait3A_392] : memref<10000x128xf32, #tpu.memory_space<hbm>> -> memref<10000x128xf32, #tpu.memory_space<hbm>>
      tpu.wait_indirect_dma semaphore(%arg10 : memref<!tpu.dma_semaphore, #tpu.memory_space<semaphore_mem>>) src(%dma_wait3A_393 : memref<10000x128xf32, #tpu.memory_space<hbm>>) dst(%dma_wait3A_387 : memref<80x128xf32, #tpu.memory_space<vmem>>)
      %dma_wait3A_394 = arith.constant 3 : i32
      %dma_wait3A_395 = arith.constant 28 : i32
      %dma_wait3A_396 = arith.constant 240 : i32
      %dma_wait3A_397 = arith.constant 0 : i32
      %dma_wait3A_398 = tpu.memref_slice %arg6[%dma_wait3A_396, %dma_wait3A_397] : memref<320x128xf32, #tpu.memory_space<vmem>> -> memref<80x128xf32, #tpu.memory_space<vmem>>
      %dma_wait3A_399 = arith.constant 0 : i32
      %dma_wait3A_400 = tpu.memref_slice %arg5[%dma_wait3A_394, %dma_wait3A_395, %dma_wait3A_399] : memref<4x32x80xi32, #tpu.memory_space<vmem>> -> memref<1x1x80xi32, #tpu.memory_space<vmem>>
      %dma_wait3A_401 = tpu.memref_squeeze %dma_wait3A_400 : memref<1x1x80xi32, #tpu.memory_space<vmem>> -> memref<80xi32, #tpu.memory_space<vmem>>
      %dma_wait3A_402 = arith.constant 0 : i32
      %dma_wait3A_403 = arith.constant 0 : i32
      %dma_wait3A_404 = tpu.memref_slice %arg2[%dma_wait3A_402, %dma_wait3A_403] : memref<10000x128xf32, #tpu.memory_space<hbm>> -> memref<10000x128xf32, #tpu.memory_space<hbm>>
      tpu.wait_indirect_dma semaphore(%arg10 : memref<!tpu.dma_semaphore, #tpu.memory_space<semaphore_mem>>) src(%dma_wait3A_404 : memref<10000x128xf32, #tpu.memory_space<hbm>>) dst(%dma_wait3A_398 : memref<80x128xf32, #tpu.memory_space<vmem>>)
      %dma_wait3A_405 = arith.constant 3 : i32
      %dma_wait3A_406 = arith.constant 29 : i32
      %dma_wait3A_407 = arith.constant 240 : i32
      %dma_wait3A_408 = arith.constant 0 : i32
      %dma_wait3A_409 = tpu.memref_slice %arg6[%dma_wait3A_407, %dma_wait3A_408] : memref<320x128xf32, #tpu.memory_space<vmem>> -> memref<80x128xf32, #tpu.memory_space<vmem>>
      %dma_wait3A_410 = arith.constant 0 : i32
      %dma_wait3A_411 = tpu.memref_slice %arg5[%dma_wait3A_405, %dma_wait3A_406, %dma_wait3A_410] : memref<4x32x80xi32, #tpu.memory_space<vmem>> -> memref<1x1x80xi32, #tpu.memory_space<vmem>>
      %dma_wait3A_412 = tpu.memref_squeeze %dma_wait3A_411 : memref<1x1x80xi32, #tpu.memory_space<vmem>> -> memref<80xi32, #tpu.memory_space<vmem>>
      %dma_wait3A_413 = arith.constant 0 : i32
      %dma_wait3A_414 = arith.constant 0 : i32
      %dma_wait3A_415 = tpu.memref_slice %arg2[%dma_wait3A_413, %dma_wait3A_414] : memref<10000x128xf32, #tpu.memory_space<hbm>> -> memref<10000x128xf32, #tpu.memory_space<hbm>>
      tpu.wait_indirect_dma semaphore(%arg10 : memref<!tpu.dma_semaphore, #tpu.memory_space<semaphore_mem>>) src(%dma_wait3A_415 : memref<10000x128xf32, #tpu.memory_space<hbm>>) dst(%dma_wait3A_409 : memref<80x128xf32, #tpu.memory_space<vmem>>)
      %dma_wait3A_416 = arith.constant 3 : i32
      %dma_wait3A_417 = arith.constant 30 : i32
      %dma_wait3A_418 = arith.constant 240 : i32
      %dma_wait3A_419 = arith.constant 0 : i32
      %dma_wait3A_420 = tpu.memref_slice %arg6[%dma_wait3A_418, %dma_wait3A_419] : memref<320x128xf32, #tpu.memory_space<vmem>> -> memref<80x128xf32, #tpu.memory_space<vmem>>
      %dma_wait3A_421 = arith.constant 0 : i32
      %dma_wait3A_422 = tpu.memref_slice %arg5[%dma_wait3A_416, %dma_wait3A_417, %dma_wait3A_421] : memref<4x32x80xi32, #tpu.memory_space<vmem>> -> memref<1x1x80xi32, #tpu.memory_space<vmem>>
      %dma_wait3A_423 = tpu.memref_squeeze %dma_wait3A_422 : memref<1x1x80xi32, #tpu.memory_space<vmem>> -> memref<80xi32, #tpu.memory_space<vmem>>
      %dma_wait3A_424 = arith.constant 0 : i32
      %dma_wait3A_425 = arith.constant 0 : i32
      %dma_wait3A_426 = tpu.memref_slice %arg2[%dma_wait3A_424, %dma_wait3A_425] : memref<10000x128xf32, #tpu.memory_space<hbm>> -> memref<10000x128xf32, #tpu.memory_space<hbm>>
      tpu.wait_indirect_dma semaphore(%arg10 : memref<!tpu.dma_semaphore, #tpu.memory_space<semaphore_mem>>) src(%dma_wait3A_426 : memref<10000x128xf32, #tpu.memory_space<hbm>>) dst(%dma_wait3A_420 : memref<80x128xf32, #tpu.memory_space<vmem>>)
      %dma_wait3A_427 = arith.constant 3 : i32
      %dma_wait3A_428 = arith.constant 31 : i32
      %dma_wait3A_429 = arith.constant 240 : i32
      %dma_wait3A_430 = arith.constant 0 : i32
      %dma_wait3A_431 = tpu.memref_slice %arg6[%dma_wait3A_429, %dma_wait3A_430] : memref<320x128xf32, #tpu.memory_space<vmem>> -> memref<80x128xf32, #tpu.memory_space<vmem>>
      %dma_wait3A_432 = arith.constant 0 : i32
      %dma_wait3A_433 = tpu.memref_slice %arg5[%dma_wait3A_427, %dma_wait3A_428, %dma_wait3A_432] : memref<4x32x80xi32, #tpu.memory_space<vmem>> -> memref<1x1x80xi32, #tpu.memory_space<vmem>>
      %dma_wait3A_434 = tpu.memref_squeeze %dma_wait3A_433 : memref<1x1x80xi32, #tpu.memory_space<vmem>> -> memref<80xi32, #tpu.memory_space<vmem>>
      %dma_wait3A_435 = arith.constant 0 : i32
      %dma_wait3A_436 = arith.constant 0 : i32
      %dma_wait3A_437 = tpu.memref_slice %arg2[%dma_wait3A_435, %dma_wait3A_436] : memref<10000x128xf32, #tpu.memory_space<hbm>> -> memref<10000x128xf32, #tpu.memory_space<hbm>>
      tpu.wait_indirect_dma semaphore(%arg10 : memref<!tpu.dma_semaphore, #tpu.memory_space<semaphore_mem>>) src(%dma_wait3A_437 : memref<10000x128xf32, #tpu.memory_space<hbm>>) dst(%dma_wait3A_431 : memref<80x128xf32, #tpu.memory_space<vmem>>)
      %add3A_438 = arith.constant 240 : i32
      %add3A_439 = arith.addi %mul3A_8, %add3A_438 : i32
      %dma_start3A = arith.constant 240 : i32
      %dma_start3A_440 = arith.constant 0 : i32
      %dma_start3A_441 = tpu.memref_slice %arg6[%dma_start3A, %dma_start3A_440] : memref<320x128xf32, #tpu.memory_space<vmem>> -> memref<80x128xf32, #tpu.memory_space<vmem>>
      %dma_start3A_442 = arith.constant 0 : i32
      %dma_start3A_443 = tpu.memref_slice %arg4[%add3A_439, %dma_start3A_442] : memref<10000x128xf32, #tpu.memory_space<hbm>> -> memref<80x128xf32, #tpu.memory_space<hbm>>
      %dma_start3A_444 = arith.constant 0 : i32
      %dma_start3A_445 = tpu.memref_slice %arg4[%add3A_439, %dma_start3A_444] : memref<10000x128xf32, #tpu.memory_space<hbm>> -> memref<80x128xf32, #tpu.memory_space<hbm>>
      %dma_start3A_446 = arith.constant 240 : i32
      %dma_start3A_447 = arith.constant 0 : i32
      %dma_start3A_448 = tpu.memref_slice %arg6[%dma_start3A_446, %dma_start3A_447] : memref<320x128xf32, #tpu.memory_space<vmem>> -> memref<80x128xf32, #tpu.memory_space<vmem>>
      tpu.enqueue_dma source(%dma_start3A_448 : memref<80x128xf32, #tpu.memory_space<vmem>>) target(%dma_start3A_445 : memref<80x128xf32, #tpu.memory_space<hbm>>) target_semaphore(%arg12 : memref<!tpu.dma_semaphore, #tpu.memory_space<semaphore_mem>>)
    } else {
    }
    %gt3A_67 = arith.constant 0 : i32
    %gt3A_68 = arith.cmpi sgt, %select_n3A, %gt3A_67 : i32
    %convert_element_type3A_69 = arith.extui %gt3A_68 : i1 to i32
    %cond3A_70 = arith.constant 0 : i32
    %cond3A_71 = arith.cmpi ne, %convert_element_type3A_69, %cond3A_70 : i32
    scf.if %cond3A_71 {
      %add3A_87 = arith.constant 0 : i32
      %add3A_88 = arith.addi %mul3A_8, %add3A_87 : i32
      %dma_wait3A = arith.constant 0 : i32
      %dma_wait3A_89 = arith.constant 0 : i32
      %dma_wait3A_90 = tpu.memref_slice %arg6[%dma_wait3A, %dma_wait3A_89] : memref<320x128xf32, #tpu.memory_space<vmem>> -> memref<80x128xf32, #tpu.memory_space<vmem>>
      %dma_wait3A_91 = arith.constant 0 : i32
      %dma_wait3A_92 = tpu.memref_slice %arg4[%add3A_88, %dma_wait3A_91] : memref<10000x128xf32, #tpu.memory_space<hbm>> -> memref<80x128xf32, #tpu.memory_space<hbm>>
      %dma_wait3A_93 = arith.constant 0 : i32
      %dma_wait3A_94 = tpu.memref_slice %arg4[%add3A_88, %dma_wait3A_93] : memref<10000x128xf32, #tpu.memory_space<hbm>> -> memref<80x128xf32, #tpu.memory_space<hbm>>
      %dma_wait3A_95 = arith.constant 0 : i32
      %dma_wait3A_96 = arith.constant 0 : i32
      %dma_wait3A_97 = tpu.memref_slice %arg6[%dma_wait3A_95, %dma_wait3A_96] : memref<320x128xf32, #tpu.memory_space<vmem>> -> memref<80x128xf32, #tpu.memory_space<vmem>>
      tpu.wait_dma2 semaphore(%arg12 : memref<!tpu.dma_semaphore, #tpu.memory_space<semaphore_mem>>) src(%dma_wait3A_97 : memref<80x128xf32, #tpu.memory_space<vmem>>) dst(%dma_wait3A_94 : memref<80x128xf32, #tpu.memory_space<hbm>>)
    } else {
    }
    %gt3A_72 = arith.constant 1 : i32
    %gt3A_73 = arith.cmpi sgt, %select_n3A, %gt3A_72 : i32
    %convert_element_type3A_74 = arith.extui %gt3A_73 : i1 to i32
    %cond3A_75 = arith.constant 0 : i32
    %cond3A_76 = arith.cmpi ne, %convert_element_type3A_74, %cond3A_75 : i32
    scf.if %cond3A_76 {
      %add3A_87 = arith.constant 80 : i32
      %add3A_88 = arith.addi %mul3A_8, %add3A_87 : i32
      %dma_wait3A = arith.constant 80 : i32
      %dma_wait3A_89 = arith.constant 0 : i32
      %dma_wait3A_90 = tpu.memref_slice %arg6[%dma_wait3A, %dma_wait3A_89] : memref<320x128xf32, #tpu.memory_space<vmem>> -> memref<80x128xf32, #tpu.memory_space<vmem>>
      %dma_wait3A_91 = arith.constant 0 : i32
      %dma_wait3A_92 = tpu.memref_slice %arg4[%add3A_88, %dma_wait3A_91] : memref<10000x128xf32, #tpu.memory_space<hbm>> -> memref<80x128xf32, #tpu.memory_space<hbm>>
      %dma_wait3A_93 = arith.constant 0 : i32
      %dma_wait3A_94 = tpu.memref_slice %arg4[%add3A_88, %dma_wait3A_93] : memref<10000x128xf32, #tpu.memory_space<hbm>> -> memref<80x128xf32, #tpu.memory_space<hbm>>
      %dma_wait3A_95 = arith.constant 80 : i32
      %dma_wait3A_96 = arith.constant 0 : i32
      %dma_wait3A_97 = tpu.memref_slice %arg6[%dma_wait3A_95, %dma_wait3A_96] : memref<320x128xf32, #tpu.memory_space<vmem>> -> memref<80x128xf32, #tpu.memory_space<vmem>>
      tpu.wait_dma2 semaphore(%arg12 : memref<!tpu.dma_semaphore, #tpu.memory_space<semaphore_mem>>) src(%dma_wait3A_97 : memref<80x128xf32, #tpu.memory_space<vmem>>) dst(%dma_wait3A_94 : memref<80x128xf32, #tpu.memory_space<hbm>>)
    } else {
    }
    %gt3A_77 = arith.constant 2 : i32
    %gt3A_78 = arith.cmpi sgt, %select_n3A, %gt3A_77 : i32
    %convert_element_type3A_79 = arith.extui %gt3A_78 : i1 to i32
    %cond3A_80 = arith.constant 0 : i32
    %cond3A_81 = arith.cmpi ne, %convert_element_type3A_79, %cond3A_80 : i32
    scf.if %cond3A_81 {
      %add3A_87 = arith.constant 160 : i32
      %add3A_88 = arith.addi %mul3A_8, %add3A_87 : i32
      %dma_wait3A = arith.constant 160 : i32
      %dma_wait3A_89 = arith.constant 0 : i32
      %dma_wait3A_90 = tpu.memref_slice %arg6[%dma_wait3A, %dma_wait3A_89] : memref<320x128xf32, #tpu.memory_space<vmem>> -> memref<80x128xf32, #tpu.memory_space<vmem>>
      %dma_wait3A_91 = arith.constant 0 : i32
      %dma_wait3A_92 = tpu.memref_slice %arg4[%add3A_88, %dma_wait3A_91] : memref<10000x128xf32, #tpu.memory_space<hbm>> -> memref<80x128xf32, #tpu.memory_space<hbm>>
      %dma_wait3A_93 = arith.constant 0 : i32
      %dma_wait3A_94 = tpu.memref_slice %arg4[%add3A_88, %dma_wait3A_93] : memref<10000x128xf32, #tpu.memory_space<hbm>> -> memref<80x128xf32, #tpu.memory_space<hbm>>
      %dma_wait3A_95 = arith.constant 160 : i32
      %dma_wait3A_96 = arith.constant 0 : i32
      %dma_wait3A_97 = tpu.memref_slice %arg6[%dma_wait3A_95, %dma_wait3A_96] : memref<320x128xf32, #tpu.memory_space<vmem>> -> memref<80x128xf32, #tpu.memory_space<vmem>>
      tpu.wait_dma2 semaphore(%arg12 : memref<!tpu.dma_semaphore, #tpu.memory_space<semaphore_mem>>) src(%dma_wait3A_97 : memref<80x128xf32, #tpu.memory_space<vmem>>) dst(%dma_wait3A_94 : memref<80x128xf32, #tpu.memory_space<hbm>>)
    } else {
    }
    %gt3A_82 = arith.constant 3 : i32
    %gt3A_83 = arith.cmpi sgt, %select_n3A, %gt3A_82 : i32
    %convert_element_type3A_84 = arith.extui %gt3A_83 : i1 to i32
    %cond3A_85 = arith.constant 0 : i32
    %cond3A_86 = arith.cmpi ne, %convert_element_type3A_84, %cond3A_85 : i32
    scf.if %cond3A_86 {
      %add3A_87 = arith.constant 240 : i32
      %add3A_88 = arith.addi %mul3A_8, %add3A_87 : i32
      %dma_wait3A = arith.constant 240 : i32
      %dma_wait3A_89 = arith.constant 0 : i32
      %dma_wait3A_90 = tpu.memref_slice %arg6[%dma_wait3A, %dma_wait3A_89] : memref<320x128xf32, #tpu.memory_space<vmem>> -> memref<80x128xf32, #tpu.memory_space<vmem>>
      %dma_wait3A_91 = arith.constant 0 : i32
      %dma_wait3A_92 = tpu.memref_slice %arg4[%add3A_88, %dma_wait3A_91] : memref<10000x128xf32, #tpu.memory_space<hbm>> -> memref<80x128xf32, #tpu.memory_space<hbm>>
      %dma_wait3A_93 = arith.constant 0 : i32
      %dma_wait3A_94 = tpu.memref_slice %arg4[%add3A_88, %dma_wait3A_93] : memref<10000x128xf32, #tpu.memory_space<hbm>> -> memref<80x128xf32, #tpu.memory_space<hbm>>
      %dma_wait3A_95 = arith.constant 240 : i32
      %dma_wait3A_96 = arith.constant 0 : i32
      %dma_wait3A_97 = tpu.memref_slice %arg6[%dma_wait3A_95, %dma_wait3A_96] : memref<320x128xf32, #tpu.memory_space<vmem>> -> memref<80x128xf32, #tpu.memory_space<vmem>>
      tpu.wait_dma2 semaphore(%arg12 : memref<!tpu.dma_semaphore, #tpu.memory_space<semaphore_mem>>) src(%dma_wait3A_97 : memref<80x128xf32, #tpu.memory_space<vmem>>) dst(%dma_wait3A_94 : memref<80x128xf32, #tpu.memory_space<hbm>>)
    } else {
    }
    return
  }
}

module attributes {stable_mosaic.version = 14 : i64} {
  func.func @_tc_fuse_body(%arg0: i32, %arg1: memref<2000x128xf32, #tpu.memory_space<vmem>>, %arg2: memref<2000x128xf32, #tpu.memory_space<vmem>>, %arg3: memref<128x128xf32, #tpu.memory_space<vmem>>, %arg4: memref<128x128xf32, #tpu.memory_space<vmem>>, %arg5: memref<1x128xf32, #tpu.memory_space<vmem>>, %arg6: memref<2000x128xf32, #tpu.memory_space<vmem>>) attributes {dimension_semantics = [#tpu.dimension_semantics<arbitrary>], iteration_bounds = array<i64: 5>, scalar_prefetch = 0 : i64, scratch_operands = 0 : i64, tpu.core_type = #tpu.core_type<tc>, window_params = [{transform_indices = @transform_0, window_bounds = array<i64: 2000, 128>}, {transform_indices = @transform_1, window_bounds = array<i64: 2000, 128>}, {pipeline_mode = #tpu.pipeline_mode<synchronous>, transform_indices = @transform_2, window_bounds = array<i64: 128, 128>}, {pipeline_mode = #tpu.pipeline_mode<synchronous>, transform_indices = @transform_3, window_bounds = array<i64: 128, 128>}, {pipeline_mode = #tpu.pipeline_mode<synchronous>, transform_indices = @transform_4, window_bounds = array<i64: 1, 128>}, {transform_indices = @transform_5, window_bounds = array<i64: 2000, 128>}]} {
    %get3A = arith.constant 0 : index
    %get3A_0 = arith.constant 0 : index
    %get3A_1 = vector.load %arg1[%get3A, %get3A_0] : memref<2000x128xf32, #tpu.memory_space<vmem>>, vector<2000x128xf32>
    %get3A_2 = arith.constant 0 : index
    %get3A_3 = arith.constant 0 : index
    %get3A_4 = vector.load %arg3[%get3A_2, %get3A_3] : memref<128x128xf32, #tpu.memory_space<vmem>>, vector<128x128xf32>
    %dot_general3A = arith.constant dense<0.000000e+00> : vector<2000x128xf32>
    %dot_general3A_5 = tpu.matmul %get3A_1, %get3A_4, %dot_general3A {dimension_numbers = #tpu.dot_dimension_numbers<[1], [1], [0], [0], [0, 0, 1, 0], [], []>, transpose_lhs_hint = false} : vector<2000x128xf32>, vector<128x128xf32>, vector<2000x128xf32> -> vector<2000x128xf32>
    %get3A_6 = arith.constant 0 : index
    %get3A_7 = arith.constant 0 : index
    %get3A_8 = vector.load %arg2[%get3A_6, %get3A_7] : memref<2000x128xf32, #tpu.memory_space<vmem>>, vector<2000x128xf32>
    %get3A_9 = arith.constant 0 : index
    %get3A_10 = arith.constant 0 : index
    %get3A_11 = vector.load %arg4[%get3A_9, %get3A_10] : memref<128x128xf32, #tpu.memory_space<vmem>>, vector<128x128xf32>
    %dot_general3A_12 = arith.constant dense<0.000000e+00> : vector<2000x128xf32>
    %dot_general3A_13 = tpu.matmul %get3A_8, %get3A_11, %dot_general3A_12 {dimension_numbers = #tpu.dot_dimension_numbers<[1], [1], [0], [0], [0, 0, 1, 0], [], []>, transpose_lhs_hint = false} : vector<2000x128xf32>, vector<128x128xf32>, vector<2000x128xf32> -> vector<2000x128xf32>
    %add3A = arith.addf %dot_general3A_5, %dot_general3A_13 : vector<2000x128xf32>
    %get3A_14 = arith.constant 0 : index
    %get3A_15 = arith.constant 0 : index
    %get3A_16 = vector.load %arg5[%get3A_14, %get3A_15] : memref<1x128xf32, #tpu.memory_space<vmem>>, vector<1x128xf32>
    %add3A_17 = vector.broadcast %get3A_16 : vector<1x128xf32> to vector<2000x128xf32>
    %add3A_18 = arith.addf %add3A, %add3A_17 : vector<2000x128xf32>
    %gt3A = arith.constant 0.000000e+00 : f32
    %gt3A_19 = vector.broadcast %gt3A : f32 to vector<2000x128xf32>
    %gt3A_20 = arith.cmpf ogt, %add3A_18, %gt3A_19 : vector<2000x128xf32>
    %min3A = arith.constant 0.000000e+00 : f32
    %min3A_21 = vector.broadcast %min3A : f32 to vector<2000x128xf32>
    %min3A_22 = arith.minimumf %add3A_18, %min3A_21 : vector<2000x128xf32>
    %exp3A = math.exp %min3A_22 : vector<2000x128xf32>
    %sub3A = arith.constant 1.000000e+00 : f32
    %sub3A_23 = vector.broadcast %sub3A : f32 to vector<2000x128xf32>
    %sub3A_24 = arith.subf %exp3A, %sub3A_23 : vector<2000x128xf32>
    %select_n3A = arith.select %gt3A_20, %add3A_18, %sub3A_24 : vector<2000x128xi1>, vector<2000x128xf32>
    %swap3A = arith.constant 0 : index
    %swap3A_25 = arith.constant 0 : index
    %swap3A_26 = vector.load %arg6[%swap3A, %swap3A_25] : memref<2000x128xf32, #tpu.memory_space<vmem>>, vector<2000x128xf32>
    tpu.vector_store %arg6[%swap3A, %swap3A_25], %select_n3A {strides = array<i32>} : memref<2000x128xf32, #tpu.memory_space<vmem>>, vector<2000x128xf32>,
    return
  }
  func.func @transform_0(%arg0: i32) -> (i32, i32) {
    %c0_i32 = arith.constant 0 : i32
    %c0_i32_0 = arith.constant 0 : i32
    return %arg0, %c0_i32 : i32, i32
  }
  func.func @transform_1(%arg0: i32) -> (i32, i32) {
    %c0_i32 = arith.constant 0 : i32
    %c0_i32_0 = arith.constant 0 : i32
    return %arg0, %c0_i32 : i32, i32
  }
  func.func @transform_2(%arg0: i32) -> (i32, i32) {
    %c0_i32 = arith.constant 0 : i32
    %c0_i32_0 = arith.constant 0 : i32
    %c0_i32_1 = arith.constant 0 : i32
    return %c0_i32, %c0_i32_0 : i32, i32
  }
  func.func @transform_3(%arg0: i32) -> (i32, i32) {
    %c0_i32 = arith.constant 0 : i32
    %c0_i32_0 = arith.constant 0 : i32
    %c0_i32_1 = arith.constant 0 : i32
    return %c0_i32, %c0_i32_0 : i32, i32
  }
  func.func @transform_4(%arg0: i32) -> (i32, i32) {
    %c0_i32 = arith.constant 0 : i32
    %c0_i32_0 = arith.constant 0 : i32
    %c0_i32_1 = arith.constant 0 : i32
    return %c0_i32, %c0_i32_0 : i32, i32
  }
  func.func @transform_5(%arg0: i32) -> (i32, i32) {
    %c0_i32 = arith.constant 0 : i32
    %c0_i32_0 = arith.constant 0 : i32
    return %arg0, %c0_i32 : i32, i32
  }
}

</mosaic_0001>

<sc_bundles>
// kernel: kernel.4.cloned.1.call-start
scs
__scs_entry_jumppad:
0x0: {  	(pc) =	sbr.rel $0x88, $3  }
0x1: {  	(tag) =	ssettag $0x0;
	lr =	simm.s32 $0x1  }
0x2: {  	[smem:$0x3F9B] =	sst lr;
	_ =	strace $0xD0000000  }
0x3: {  	_ = 	snop  }
0x4: {  	_ = 	snop  }
0x5: {  	_ = 	snop  }
0x6: {  	_ = 	snop  }
0x7: {  	_ = 	snop  }
__scs_overlays_trampoline_lowered:
0x8: {  	[smem:$0x3FAA] =	sst s0  }
0x9: {  	[smem:$0x3FAB] =	sst s1  }
0xa: {  	[smem:$0x3FAC] =	sst s2  }
0xb: {  	[smem:$0x3FAD] =	sst s3  }
0xc: {  	[smem:$0x3FAE] =	sst s4  }
0xd: {  	[smem:$0x3FAF] =	sst s5  }
0xe: {  	[smem:$0x3FB0] =	sst s6  }
0xf: {  	[smem:$0x3FB1] =	sst s7  }
0x10: {  	[smem:$0x3FB2] =	sst s8  }
0x11: {  	[smem:$0x3FB3] =	sst s9;
	s0 =	simm.s32 @!p0 $0x0  }
0x12: {  	s1 =	sld [smem:$0x3F99];
	s0 =	simm.s32 @p0 $0x1  }
0x13: {  	[smem:$0x3FB4] =	sst s0;
	s0 =	simm.s32 @!p1 $0x0  }
0x14: {  	s2 =	sld [smem:$0x3F98];
	s0 =	simm.s32 @p1 $0x1  }
0x15: {  	[smem:$0x3FB5] =	sst s0;
	s0 =	simm.s32 @!p2 $0x0  }
0x16: {  	s3 =	sld [smem:$0x3FDB];
	s0 =	simm.s32 @p2 $0x1  }
0x17: {  	s4 =	simm.s32 $0x1BF5;
	[smem:$0x3FB7] =	sst s0  }
0x18: {  	s0 =	sld [smem:$0x3F9A];
	_ =	swait.ge [sflag:s4], $0x0  }
0x19: {  	s7 =	sld [smem:$0x3F9B]  }
0x1a: {  	s8 =	sadd.s32 $0xFFFFE003, lr  }
0x1b: {  	s9 =	sadd.s32 $0xFFFFFEF7, lr;
	s5 =	simm.s32 $0xFFFFFFFF;
	p2 =	slt.u32 s8, $0xFFFFF086  }
0x1c: {  	p1 =	slt.u32 s9, $0xF7A;
	s5 =	simm.s32 @!p2 $0x0  }
0x1d: {  	s5 =	simm.s32 @p1 $0x1;
	p0 =	seq.s32 s7, s2  }
0x1e: {  	s7 =	smul.u32 @!p0 $0xF7A, s2;
	p2 =	seq.s32 @!p0 s5, $0x0  }
0x1f: {  	s9 =	smul.u32 $0xF7A, s1;
	s8 =	simm.s32 @!p0 $0x1BF5;
	p2 =	por !p2, p0  }
0x20: {  	[sflag:s8] =	ssyncset.s32 @!p0 $0xFFFFF086;
	s6 =	sadd.s32 @!p0 s3, s7;
	s7 =	simm.s32 @!p0 $0x108  }
0x21: {  	s3 =	sadd.s32 s3, s9;
	s6 =	sadd.s32 @!p0 $0x88, s6;
	s7 =	simm.s32 @p2 $0x1082  }
0x22: {  	[simem:s7], [sflag:s8] =	dma.local @!p0 [hbm:s6], $0xF7A  }
0x23: {  	s9 =	sor.u32 $0xD0000000, s2;
	s6 =	simm.s32 $0x108;
	_ =	swait.ge @!p0 [sflag:s8], $0x0  }
0x24: {  	s3 =	sadd.s32 $0x88, s3;
	s6 =	simm.s32 @!p1 $0x1082;
	[sflag:s4] =	ssyncset.s32 $0xFFFFF086  }
0x25: {  	[simem:s6], [sflag:s4] =	dma.local [hbm:s3], $0xF7A  }
0x26: {  	[smem:$0x3F9B] =	sst s1;
	(tag) =	ssettag s2;
	_ =	strace s9  }
0x27: {  	s1 =	sld [smem:$0x3FAB]  }
0x28: {  	s2 =	sld [smem:$0x3FAC]  }
0x29: {  	s4 =	sld [smem:$0x3FAE]  }
0x2a: {  	p0 =	seq.s32 s5, $0x0;
	s5 =	sld [smem:$0x3FAF]  }
0x2b: {  	s6 =	sld [smem:$0x3FB0]  }
0x2c: {  	s7 =	sld [smem:$0x3FB1]  }
0x2d: {  	s3 =	simm.s32 $0x108;
	s8 =	sld [smem:$0x3FB2]  }
0x2e: {  	s3 =	simm.s32 @!p0 $0x1082;
	s9 =	sld [smem:$0x3FB3]  }
0x2f: {  	lr =	sadd.s32 s0, s3;
	s0 =	sld [smem:$0x3FAA]  }
0x30: {  	s3 =	sld [smem:$0x3FAD]  }
0x31: {  	[smem:$0x3FB6] =	sst s10  }
0x32: {  	s10 =	sld [smem:$0x3FB4];
	_ =	sdelay $0x3  }
0x33: {  	p0 =	seq.s32 s10, $0x1;
	s10 =	sld [smem:$0x3FB6];
	_ =	sdelay $0x3  }
0x34: {  	[smem:$0x3FB6] =	sst s10  }
0x35: {  	s10 =	sld [smem:$0x3FB5];
	_ =	sdelay $0x3  }
0x36: {  	p1 =	seq.s32 s10, $0x1;
	s10 =	sld [smem:$0x3FB6];
	_ =	sdelay $0x3  }
0x37: {  	[smem:$0x3FB6] =	sst s10  }
0x38: {  	s10 =	sld [smem:$0x3FB7]  }
0x39: {  	_ = 	snop;
	(pc) =	sbr.ind lr, $3  }
0x3a: {  	_ = 	snop  }
0x3b: {  	_ = 	snop  }
0x3c: {  	p2 =	seq.s32 s10, $0x1;
	s10 =	sld [smem:$0x3FB6]  }
0x3d: {  	_ =	shalt  }
0x3e: {  	_ =	shalt  }
0x3f: {  	_ =	shalt  }
0x40: {  	_ =	shalt  }
0x41: {  	_ =	shalt  }
0x42: {  	_ =	shalt  }
0x43: {  	_ =	shalt  }
0x44: {  	_ =	shalt  }
0x45: {  	_ =	shalt  }
0x46: {  	_ =	shalt  }
0x47: {  	_ =	shalt  }
0x48: {  	_ =	shalt  }
0x49: {  	_ =	shalt  }
0x4a: {  	_ =	shalt  }
0x4b: {  	_ =	shalt  }
0x4c: {  	_ =	shalt  }
0x4d: {  	_ =	shalt  }
0x4e: {  	_ =	shalt  }
0x4f: {  	_ =	shalt  }
0x50: {  	_ =	shalt  }
0x51: {  	_ =	shalt  }
0x52: {  	_ =	shalt  }
0x53: {  	_ =	shalt  }
0x54: {  	_ =	shalt  }
0x55: {  	_ =	shalt  }
0x56: {  	_ =	shalt  }
0x57: {  	_ =	shalt  }
0x58: {  	_ =	shalt  }
0x59: {  	_ =	shalt  }
0x5a: {  	_ =	shalt  }
0x5b: {  	_ =	shalt  }
0x5c: {  	_ =	shalt  }
0x5d: {  	_ =	shalt  }
0x5e: {  	_ =	shalt  }
0x5f: {  	_ =	shalt  }
0x60: {  	_ =	shalt  }
0x61: {  	_ =	shalt  }
0x62: {  	_ =	shalt  }
0x63: {  	_ =	shalt  }
0x64: {  	_ =	shalt  }
0x65: {  	_ =	shalt  }
0x66: {  	_ =	shalt  }
0x67: {  	_ =	shalt  }
0x68: {  	_ =	shalt  }
0x69: {  	_ =	shalt  }
0x6a: {  	_ =	shalt  }
0x6b: {  	_ =	shalt  }
0x6c: {  	_ =	shalt  }
0x6d: {  	_ =	shalt  }
0x6e: {  	_ =	shalt  }
0x6f: {  	_ =	shalt  }
0x70: {  	_ =	shalt  }
0x71: {  	_ =	shalt  }
0x72: {  	_ =	shalt  }
0x73: {  	_ =	shalt  }
0x74: {  	_ =	shalt  }
0x75: {  	_ =	shalt  }
0x76: {  	_ =	shalt  }
0x77: {  	_ =	shalt  }
0x78: {  	_ =	shalt  }
0x79: {  	_ =	shalt  }
0x7a: {  	_ =	shalt  }
0x7b: {  	_ =	shalt  }
0x7c: {  	_ =	shalt  }
0x7d: {  	_ =	shalt  }
0x7e: {  	_ =	shalt  }
0x7f: {  	_ =	shalt  }
0x80: {  	_ =	shalt  }
0x81: {  	_ =	shalt  }
0x82: {  	_ =	shalt  }
0x83: {  	_ =	shalt  }
0x84: {  	_ =	shalt  }
0x85: {  	_ =	shalt  }
0x86: {  	_ =	shalt  }
0x87: {  	_ =	shalt  }
.Lfunc_end0:
.L_simem_size_0:
called_computation_lowered:
.L_overlay_start_0:
0x88: {  	s2 =	sld [smem:$0x3FD9]  }
0x89: {  	s3 =	sld [smem:$0x3FFE];
	_ =	sdelay $0x1  }
0x8a: {  	s1 =	srdreg.scid  }
0x8b: {  	s0 =	sand.u32 $0x1, s1  }
0x8c: {  	s17 =	sshll.u32 s0, $0xA;
	s2 =	sadd.s32 s3, s2  }
0x8d: {  	s2 =	sadd.s32 s2, s17  }
0x8e: {  	[smem:$0x3FC2] =	sst s2  }
0x8f: {  	_ = 	snop  }
0x90: {  	s2 =	sld [smem:$0x3FC9]  }
0x91: {  	s18 =	sld [smem:$0x3FD0];
	(tm) =	ssettm $0x1  }
0x92: {  	s4 =	sld [smem:$0x3FFB];
	_ =	sdelay $0x3  }
0x93: {  	_ =	strace s4  }
0x94: {  	s4 =	sld [smem:$0x3FFC];
	_ =	sdelay $0x3  }
0x95: {  	_ =	strace s4  }
0x96: {  	s4 =	sld [smem:$0x3FFD];
	_ =	sdelay $0x3  }
0x97: {  	_ =	strace s4  }
0x98: {  	_ =	strace $0x8FFFFFFF  }
0x99: {  	s19 =	sld [smem:$0x3FDB];
	_ =	sdelay $0x1  }
0x9a: {  	s5 =	simm.s32 $_scs_section_size  }
0x9b: {  	s6 =	simm.s32 $_size__tile_overlayer_lowered;
	s7 =	simm.s32 $_tile_overlayer_lowered  }
0x9c: {  	s22 =	simm.s32 $0x1BFF;
	s21 =	sshll.u32 s7, $0x1;
	s4 =	sadd.s32 s5, s19  }
0x9d: {  	s8 =	simm.s32 $0x0;
	s20 =	sshll.u32 s6, $0x1;
	s6 =	sadd.s32 s21, s4  }
0x9e: {  	[timem:s8], [sflag:s22] =	dma.local [hbm:s6], s20  }
0x9f: {  	_ =	swait.ge [sflag:s22], s20  }
0xa0: {  	s5 =	ssub.s32 $0x0, s20;
	[sflag:s22] =	ssyncset.done $0x0  }
0xa1: {  	[sflag:s22] =	ssyncadd.s32 s5;
	_ =	sdelay $0x1  }
0xa2: {  	s23 =	simm.s32 $0x1B8B  }
0xa3: {  	_ =	swait.ge [sflag:s23], $0x1  }
0xa4: {  	[sflag:s23] =	ssyncset.done $0x0  }
0xa5: {  	s25 =	simm.s32 $0x1B8E;
	s24 =	sld [smem:$0x3FFE];
	[sflag:s23] =	ssyncadd.s32 $0xFFFFFFFF  }
0xa6: {  	s26 =	simm.s32 $execute0_lowered;
	[smem:$0x3FD2] =	sst s25  }
0xa7: {  	s6 =	sshll.u32 s26, $0x1;
	_ =	strace $0x80000046;
	[dreg:$0x1] =	wrdreg $0xFFFFFFFF  }
0xa8: {  	s28 =	simm.s32 $_size_execute0_lowered;
	s4 =	sadd.s32 s4, s6;
	[dreg:$0x0] =	wrdreg $0x0  }
0xa9: {  	s6 =	sshll.u32 s28, $0x1;
	[dreg:$0x2] =	wrdreg s4  }
0xaa: {  	[dreg:$0x3] =	wrdreg s6  }
0xab: {  	[dreg:$0x4] =	wrdreg $0xC0  }
0xac: {  	_ =	task [dreg:s8], $0x5FFFF  }
0xad: {  	[dreg:$0x1] =	wrdreg $0xFFFFFFFF  }
0xae: {  	[dreg:$0x0] =	wrdreg $0x60  }
0xaf: {  	[dreg:$0x2] =	wrdreg s2  }
0xb0: {  	[dreg:$0x3] =	wrdreg s24  }
0xb1: {  	[dreg:$0x4] =	wrdreg s18  }
0xb2: {  	[dreg:$0x5] =	wrdreg $0x9  }
0xb3: {  	_ =	task.clear_ibuf [dreg:s8], $0x6FFFF;
	_ =	strace $0x90000046  }
0xb4: {  	s29 =	simm.s32 $0x9;
	_ =	strace $0x80000048  }
0xb5: {  	_ =	swait.ge [sflag:s29], $0x1  }
0xb6: {  	[sflag:s29] =	ssyncadd.s32 $0xFFFFFFFF  }
0xb7: {  	_ =	strace $0x90000048  }
0xb8: {  	_ =	sfence  }
0xb9: {  	s30 =	sld [smem:$0x0];
	_ =	sdelay $0x2  }
0xba: {  	s31 =	sshll.u32 s1, $0xD;
	s1 =	sshrl.u32 s1, $0x2  }
0xbb: {  	s3 =	sand.u32 $0x4000, s31;
	s1 =	sadd.s32 s1, s30  }
0xbc: {  	s0 =	sor.u32 s3, s0;
	s1 =	sshll.u32 s1, $0x11  }
0xbd: {  	s0 =	sor.u32 s1, s0  }
0xbe: {  	s0 =	sadd.s32 $0x8F2B, s0  }
0xbf: {  	[sflag:s0] =	ssyncadd.remote.s32 $0x1  }
0xc0: {  	_ =	sfence.sel $0xFFFF  }
0xc1: {  	[dreg:$0x0] =	wrdreg $0xFFFFFFFF;
	(pc) =	sbr.abs _section_cstart, $3  }
0xc2: {  	[dreg:$0x1] =	wrdreg $0xFFFFFFFF  }
0xc3: {  	_ =	task.clear_ibuf [dreg:s8], $0x2FFFF;
	_ =	strace $0x9FFFFFFF  }
0xc4: {  	(tm) =	ssettm $0x7FFFFFFF  }
0xc5: {  	_ =	shalt  }
tec
execute0_lowered:
.L_overlay_start_1:
0x0: {  	(tag) =	ssettag $0x1  }
0x1: {  	s2 =	rddreg [dreg:$0x0]  }
0x2: {  	s0 =	srdreg.scid;
	s4 =	rddreg [dreg:$0x1]  }
0x3: {  	s3 =	stileid.u32;
	s6 =	rddreg [dreg:$0x2];
	s10 =	simm.s32 $0x50  }
0x4: {  	s11 =	simm.s32 $0x4000;
	s23 =	simm.s32 $0x6800;
	s13 =	simm.s32 $0x9000  }
0x5: {  	s14 =	simm.s32 $0x2A80;
	s15 =	simm.s32 $0x2B00;
	s16 =	simm.s32 $0x2B80  }
0x6: {  	s17 =	simm.s32 $0x2C00;
	s18 =	simm.s32 $0x2C80;
	s19 =	simm.s32 $0x2D00  }
0x7: {  	s20 =	simm.s32 $0x2D80;
	s21 =	simm.s32 $0x2E00;
	s0 =	sand.u32 $0x1, s0  }
0x8: {  	s22 =	simm.s32 $0x2E80;
	s24 =	simm.s32 $0x2F00;
	s1 =	sshll.u32 s0, $0x4  }
0x9: {  	s25 =	simm.s32 $0x2F80;
	s28 =	simm.s32 $0x2;
	s1 =	sor.u32 s3, s1  }
0xa: {  	s29 =	simm.s32 $0x3;
	s30 =	simm.s32 $0x6;
	s5 =	smul.u32 $0x3, s1  }
0xb: {  	s31 =	simm.s32 $0x4;
	s0 =	ssub.s32 $0x2, s0;
	s7 =	smin.u32 s1, $0x1D  }
0xc: {  	s3 =	simm.s32 $0x0;
	s26 =	sshrl.u32 s0, $0x1;
	s5 =	sadd.s32 s7, s5  }
0xd: {  	[smem:$0x7FF] =	sst s3;
	s0 =	ssub.s32 s0, s26;
	s8 =	smul.u32 $0x2800, s5  }
0xe: {  	p0 =	sgt.u32 s1, $0x1C;
	s7 =	sshll.u32 s5, $0x9;
	s5 =	smul.u32 $0x500, s5  }
.Ltmp0:
0xf: {  	s26 =	simm.s32 $0x1;
	s1 =	simm.s32 $0xB800;
	(pc) =	sbr.rel .LBB2_1-.Ltmp0, $4  }
0x10: {  	_ =	strace $0x80000047;
	s9 =	smax.u32 s0, $0x1;
	s8 =	sshrl.u32 s8, $0x3  }
0x11: {  	s4 =	sadd.s32 s7, s4;
	s5 =	sadd.s32 s6, s5;
	s8 =	sadd.s32 s6, s8  }
0x12: {  	s6 =	sadd.s32 $0x500, s8;
	s7 =	sadd.s32 $0xA00, s8;
	s8 =	sadd.s32 $0xF00, s8  }
0x13: {  	v0 =	vimm.f32 $0.0e+00;
	s0 =	simm.s32 $0x0;
	s4 =	sadd.s32 $0x1400, s4;
	[dreg:$0x4] =	wrdreg s8  }
.LBB2_13:
0x14: {  	_ =	swait.ge [sflag:s30], $0x2800  }
0x15: {  	[sflag:s30] =	ssyncset.done $0x0  }
0x16: {  	s0 =	sadd.s32 $0x1, s0;
	[sflag:s30] =	ssyncadd.s32 $0xFFFFD800  }
0x17: {  	p1 =	sne.s32 s0, s9;
	_ =	swait.ge [sflag:s30], $0x2800  }
.Ltmp1:
0x18: {  	[sflag:s30] =	ssyncset.done $0x0;
	(pc) =	sbr.rel @!p1 .LBB2_14-.Ltmp1, $4  }
0x19: {  	[sflag:s30] =	ssyncadd.s32 $0xFFFFD800  }
0x1a: {  	_ =	swait.ge [sflag:s30], $0x2800  }
0x1b: {  	[sflag:s30] =	ssyncset.done $0x0  }
0x1c: {  	[sflag:s30] =	ssyncadd.s32 $0xFFFFD800  }
.LBB2_1:
0x1d: {  	s8 =	simm.s32 @p0 $0x0  }
0x1e: {  	[tilespmem:s8], [sflag:$0x5] =	stream.linear.gather @p0 [hbm4b:s4+s8], $0x3000, $0x38;
	[tilespmem:$0xE000] =	vst v63  }
0x1f: {  	s8 =	simm.s32 @!p0 $0x0  }
0x20: {  	[tilespmem:s8], [sflag:$0x5] =	stream.linear.gather @!p0 [hbm4b:s4+s8], $0x4000, $0x38;
	[tilespmem:$0xE000] =	vst v63  }
0x21: {  	s12 =	simm.s32 $0x200;
	s8 =	simm.s32 $0x0  }
.LBB2_2:
0x22: {  	p1 =	sne.s32 s12, $0x9E00;
	[tilespmem:s8+$0x4070] =	vst v0  }
0x23: {  	[tilespmem:s8+$0x4000] =	vst v0  }
0x24: {  	[tilespmem:s8+$0x4010] =	vst v0  }
.Ltmp2:
0x25: {  	[tilespmem:s8+$0x4020] =	vst v0;
	(pc) =	sbr.rel @p1 .LBB2_2-.Ltmp2, $4  }
0x26: {  	[tilespmem:s8+$0x4030] =	vst v0  }
0x27: {  	[tilespmem:s8+$0x4040] =	vst v0  }
0x28: {  	[tilespmem:s8+$0x4050] =	vst v0  }
0x29: {  	[tilespmem:s8+$0x4060] =	vst v0;
	s8 =	sshra.s32 s12, $0x2;
	s12 =	sadd.s32 $0x200, s12  }
0x2a: {  	[tilespmem:s8+$0x4070] =	vst v0  }
0x2b: {  	[tilespmem:s8+$0x4000] =	vst v0  }
0x2c: {  	[tilespmem:s8+$0x4010] =	vst v0  }
0x2d: {  	[tilespmem:s8+$0x4020] =	vst v0  }
0x2e: {  	[tilespmem:s8+$0x4030] =	vst v0  }
0x2f: {  	[tilespmem:s8+$0x4040] =	vst v0  }
0x30: {  	[tilespmem:s8+$0x4050] =	vst v0  }
0x31: {  	[tilespmem:s8+$0x4060] =	vst v0;
	s8 =	simm.s32 @p0 $0x5  }
0x32: {  	_ =	swait.ge @p0 [sflag:s8], $0x3000  }
0x33: {  	[sflag:s8] =	ssyncset.done @p0 $0x0  }
0x34: {  	[sflag:s8] =	ssyncadd.s32 @p0 $0xFFFFD000;
	s8 =	simm.s32 @!p0 $0x5  }
0x35: {  	_ =	swait.ge @!p0 [sflag:s8], $0x4000  }
0x36: {  	[sflag:s8] =	ssyncset.done @!p0 $0x0  }
0x37: {  	s12 =	simm.s32 $0x0;
	[sflag:s8] =	ssyncadd.s32 @!p0 $0xFFFFC000  }
0x38: {  	[tilespmem:s11], [sflag:$0x1] =	stream.indirect.gather.add.f32 [hbm:s2], $0x80, s12, s10, $0xb8;
	[tilespmem:$0xE000] =	vst v63  }
0x39: {  	s12 =	simm.s32 $0x80  }
0x3a: {  	[tilespmem:s11], [sflag:$0x1] =	stream.indirect.gather.add.f32 [hbm:s2], $0x80, s12, s10, $0xb8;
	[tilespmem:$0xE000] =	vst v63  }
0x3b: {  	s12 =	simm.s32 $0x100  }
0x3c: {  	[tilespmem:s11], [sflag:$0x1] =	stream.indirect.gather.add.f32 [hbm:s2], $0x80, s12, s10, $0xb8;
	[tilespmem:$0xE000] =	vst v63  }
0x3d: {  	s12 =	simm.s32 $0x180  }
0x3e: {  	[tilespmem:s11], [sflag:$0x1] =	stream.indirect.gather.add.f32 [hbm:s2], $0x80, s12, s10, $0xb8;
	[tilespmem:$0xE000] =	vst v63  }
0x3f: {  	s12 =	simm.s32 $0x200  }
0x40: {  	[tilespmem:s11], [sflag:$0x1] =	stream.indirect.gather.add.f32 [hbm:s2], $0x80, s12, s10, $0xb8;
	[tilespmem:$0xE000] =	vst v63  }
0x41: {  	s12 =	simm.s32 $0x280  }
0x42: {  	[tilespmem:s11], [sflag:$0x1] =	stream.indirect.gather.add.f32 [hbm:s2], $0x80, s12, s10, $0xb8;
	[tilespmem:$0xE000] =	vst v63  }
0x43: {  	s12 =	simm.s32 $0x300  }
0x44: {  	[tilespmem:s11], [sflag:$0x1] =	stream.indirect.gather.add.f32 [hbm:s2], $0x80, s12, s10, $0xb8;
	[tilespmem:$0xE000] =	vst v63  }
0x45: {  	s12 =	simm.s32 $0x380  }
0x46: {  	[tilespmem:s11], [sflag:$0x1] =	stream.indirect.gather.add.f32 [hbm:s2], $0x80, s12, s10, $0xb8;
	[tilespmem:$0xE000] =	vst v63  }
0x47: {  	s12 =	simm.s32 $0x400  }
0x48: {  	[tilespmem:s11], [sflag:$0x1] =	stream.indirect.gather.add.f32 [hbm:s2], $0x80, s12, s10, $0xb8;
	[tilespmem:$0xE000] =	vst v63  }
0x49: {  	s12 =	simm.s32 $0x480  }
0x4a: {  	[tilespmem:s11], [sflag:$0x1] =	stream.indirect.gather.add.f32 [hbm:s2], $0x80, s12, s10, $0xb8;
	[tilespmem:$0xE000] =	vst v63  }
0x4b: {  	s12 =	simm.s32 $0x500  }
0x4c: {  	[tilespmem:s11], [sflag:$0x1] =	stream.indirect.gather.add.f32 [hbm:s2], $0x80, s12, s10, $0xb8;
	[tilespmem:$0xE000] =	vst v63  }
0x4d: {  	s12 =	simm.s32 $0x580  }
0x4e: {  	[tilespmem:s11], [sflag:$0x1] =	stream.indirect.gather.add.f32 [hbm:s2], $0x80, s12, s10, $0xb8;
	[tilespmem:$0xE000] =	vst v63  }
0x4f: {  	s12 =	simm.s32 $0x600  }
0x50: {  	[tilespmem:s11], [sflag:$0x1] =	stream.indirect.gather.add.f32 [hbm:s2], $0x80, s12, s10, $0xb8;
	[tilespmem:$0xE000] =	vst v63  }
0x51: {  	s12 =	simm.s32 $0x680  }
0x52: {  	[tilespmem:s11], [sflag:$0x1] =	stream.indirect.gather.add.f32 [hbm:s2], $0x80, s12, s10, $0xb8;
	[tilespmem:$0xE000] =	vst v63  }
0x53: {  	s12 =	simm.s32 $0x700  }
0x54: {  	[tilespmem:s11], [sflag:$0x1] =	stream.indirect.gather.add.f32 [hbm:s2], $0x80, s12, s10, $0xb8;
	[tilespmem:$0xE000] =	vst v63  }
0x55: {  	s12 =	simm.s32 $0x780  }
0x56: {  	[tilespmem:s11], [sflag:$0x1] =	stream.indirect.gather.add.f32 [hbm:s2], $0x80, s12, s10, $0xb8;
	[tilespmem:$0xE000] =	vst v63  }
0x57: {  	s12 =	simm.s32 $0x800  }
0x58: {  	[tilespmem:s11], [sflag:$0x1] =	stream.indirect.gather.add.f32 [hbm:s2], $0x80, s12, s10, $0xb8;
	[tilespmem:$0xE000] =	vst v63  }
0x59: {  	s12 =	simm.s32 $0x880  }
0x5a: {  	[tilespmem:s11], [sflag:$0x1] =	stream.indirect.gather.add.f32 [hbm:s2], $0x80, s12, s10, $0xb8;
	[tilespmem:$0xE000] =	vst v63  }
0x5b: {  	s12 =	simm.s32 $0x900  }
0x5c: {  	[tilespmem:s11], [sflag:$0x1] =	stream.indirect.gather.add.f32 [hbm:s2], $0x80, s12, s10, $0xb8;
	[tilespmem:$0xE000] =	vst v63  }
0x5d: {  	s12 =	simm.s32 $0x980  }
0x5e: {  	[tilespmem:s11], [sflag:$0x1] =	stream.indirect.gather.add.f32 [hbm:s2], $0x80, s12, s10, $0xb8;
	[tilespmem:$0xE000] =	vst v63  }
0x5f: {  	s12 =	simm.s32 $0xA00  }
0x60: {  	[tilespmem:s11], [sflag:$0x1] =	stream.indirect.gather.add.f32 [hbm:s2], $0x80, s12, s10, $0xb8;
	[tilespmem:$0xE000] =	vst v63  }
0x61: {  	s12 =	simm.s32 $0xA80  }
0x62: {  	[tilespmem:s11], [sflag:$0x1] =	stream.indirect.gather.add.f32 [hbm:s2], $0x80, s12, s10, $0xb8;
	[tilespmem:$0xE000] =	vst v63  }
0x63: {  	s12 =	simm.s32 $0xB00  }
0x64: {  	[tilespmem:s11], [sflag:$0x1] =	stream.indirect.gather.add.f32 [hbm:s2], $0x80, s12, s10, $0xb8;
	[tilespmem:$0xE000] =	vst v63  }
0x65: {  	s12 =	simm.s32 $0xB80  }
0x66: {  	[tilespmem:s11], [sflag:$0x1] =	stream.indirect.gather.add.f32 [hbm:s2], $0x80, s12, s10, $0xb8;
	[tilespmem:$0xE000] =	vst v63  }
0x67: {  	s12 =	simm.s32 $0xC00  }
0x68: {  	[tilespmem:s11], [sflag:$0x1] =	stream.indirect.gather.add.f32 [hbm:s2], $0x80, s12, s10, $0xb8;
	[tilespmem:$0xE000] =	vst v63  }
0x69: {  	s12 =	simm.s32 $0xC80  }
0x6a: {  	[tilespmem:s11], [sflag:$0x1] =	stream.indirect.gather.add.f32 [hbm:s2], $0x80, s12, s10, $0xb8;
	[tilespmem:$0xE000] =	vst v63  }
0x6b: {  	s12 =	simm.s32 $0xD00  }
0x6c: {  	[tilespmem:s11], [sflag:$0x1] =	stream.indirect.gather.add.f32 [hbm:s2], $0x80, s12, s10, $0xb8;
	[tilespmem:$0xE000] =	vst v63  }
0x6d: {  	s12 =	simm.s32 $0xD80  }
0x6e: {  	[tilespmem:s11], [sflag:$0x1] =	stream.indirect.gather.add.f32 [hbm:s2], $0x80, s12, s10, $0xb8;
	[tilespmem:$0xE000] =	vst v63  }
0x6f: {  	s12 =	simm.s32 $0xE00  }
0x70: {  	[tilespmem:s11], [sflag:$0x1] =	stream.indirect.gather.add.f32 [hbm:s2], $0x80, s12, s10, $0xb8;
	[tilespmem:$0xE000] =	vst v63  }
0x71: {  	s12 =	simm.s32 $0xE80  }
0x72: {  	[tilespmem:s11], [sflag:$0x1] =	stream.indirect.gather.add.f32 [hbm:s2], $0x80, s12, s10, $0xb8;
	[tilespmem:$0xE000] =	vst v63  }
0x73: {  	s12 =	simm.s32 $0xF00  }
0x74: {  	[tilespmem:s11], [sflag:$0x1] =	stream.indirect.gather.add.f32 [hbm:s2], $0x80, s12, s10, $0xb8;
	[tilespmem:$0xE000] =	vst v63  }
0x75: {  	s12 =	simm.s32 $0xF80  }
0x76: {  	[tilespmem:s11], [sflag:$0x1] =	stream.indirect.gather.add.f32 [hbm:s2], $0x80, s12, s10, $0xb8;
	[tilespmem:$0xE000] =	vst v63  }
0x77: {  	s8 =	simm.s32 $0x0;
	s12 =	simm.s32 $0x200  }
.LBB2_4:
0x78: {  	p1 =	sne.s32 s12, $0x9E00;
	[tilespmem:s8+$0x6870] =	vst v0  }
0x79: {  	[tilespmem:s8+$0x6800] =	vst v0  }
0x7a: {  	[tilespmem:s8+$0x6810] =	vst v0  }
.Ltmp3:
0x7b: {  	[tilespmem:s8+$0x6820] =	vst v0;
	(pc) =	sbr.rel @p1 .LBB2_4-.Ltmp3, $4  }
0x7c: {  	[tilespmem:s8+$0x6830] =	vst v0  }
0x7d: {  	[tilespmem:s8+$0x6840] =	vst v0  }
0x7e: {  	[tilespmem:s8+$0x6850] =	vst v0  }
0x7f: {  	[tilespmem:s8+$0x6860] =	vst v0;
	s8 =	sshra.s32 s12, $0x2;
	s12 =	sadd.s32 $0x200, s12  }
0x80: {  	[tilespmem:s8+$0x6870] =	vst v0  }
0x81: {  	[tilespmem:s8+$0x6800] =	vst v0  }
0x82: {  	[tilespmem:s8+$0x6810] =	vst v0  }
0x83: {  	[tilespmem:s8+$0x6820] =	vst v0  }
0x84: {  	[tilespmem:s8+$0x6830] =	vst v0  }
0x85: {  	[tilespmem:s8+$0x6840] =	vst v0  }
0x86: {  	[tilespmem:s8+$0x6850] =	vst v0  }
0x87: {  	[tilespmem:s8+$0x6860] =	vst v0;
	s12 =	simm.s32 $0x1000  }
0x88: {  	[tilespmem:s23], [sflag:$0x2] =	stream.indirect.gather.add.f32 [hbm:s2], $0x80, s12, s10, $0xb8;
	[tilespmem:$0xE000] =	vst v63  }
0x89: {  	s12 =	simm.s32 $0x1080  }
0x8a: {  	[tilespmem:s23], [sflag:$0x2] =	stream.indirect.gather.add.f32 [hbm:s2], $0x80, s12, s10, $0xb8;
	[tilespmem:$0xE000] =	vst v63  }
0x8b: {  	s12 =	simm.s32 $0x1100  }
0x8c: {  	[tilespmem:s23], [sflag:$0x2] =	stream.indirect.gather.add.f32 [hbm:s2], $0x80, s12, s10, $0xb8;
	[tilespmem:$0xE000] =	vst v63  }
0x8d: {  	s12 =	simm.s32 $0x1180  }
0x8e: {  	[tilespmem:s23], [sflag:$0x2] =	stream.indirect.gather.add.f32 [hbm:s2], $0x80, s12, s10, $0xb8;
	[tilespmem:$0xE000] =	vst v63  }
0x8f: {  	s12 =	simm.s32 $0x1200  }
0x90: {  	[tilespmem:s23], [sflag:$0x2] =	stream.indirect.gather.add.f32 [hbm:s2], $0x80, s12, s10, $0xb8;
	[tilespmem:$0xE000] =	vst v63  }
0x91: {  	s12 =	simm.s32 $0x1280  }
0x92: {  	[tilespmem:s23], [sflag:$0x2] =	stream.indirect.gather.add.f32 [hbm:s2], $0x80, s12, s10, $0xb8;
	[tilespmem:$0xE000] =	vst v63  }
0x93: {  	s12 =	simm.s32 $0x1300  }
0x94: {  	[tilespmem:s23], [sflag:$0x2] =	stream.indirect.gather.add.f32 [hbm:s2], $0x80, s12, s10, $0xb8;
	[tilespmem:$0xE000] =	vst v63  }
0x95: {  	s12 =	simm.s32 $0x1380  }
0x96: {  	[tilespmem:s23], [sflag:$0x2] =	stream.indirect.gather.add.f32 [hbm:s2], $0x80, s12, s10, $0xb8;
	[tilespmem:$0xE000] =	vst v63  }
0x97: {  	s12 =	simm.s32 $0x1400  }
0x98: {  	[tilespmem:s23], [sflag:$0x2] =	stream.indirect.gather.add.f32 [hbm:s2], $0x80, s12, s10, $0xb8;
	[tilespmem:$0xE000] =	vst v63  }
0x99: {  	s12 =	simm.s32 $0x1480  }
0x9a: {  	[tilespmem:s23], [sflag:$0x2] =	stream.indirect.gather.add.f32 [hbm:s2], $0x80, s12, s10, $0xb8;
	[tilespmem:$0xE000] =	vst v63  }
0x9b: {  	s12 =	simm.s32 $0x1500  }
0x9c: {  	[tilespmem:s23], [sflag:$0x2] =	stream.indirect.gather.add.f32 [hbm:s2], $0x80, s12, s10, $0xb8;
	[tilespmem:$0xE000] =	vst v63  }
0x9d: {  	s12 =	simm.s32 $0x1580  }
0x9e: {  	[tilespmem:s23], [sflag:$0x2] =	stream.indirect.gather.add.f32 [hbm:s2], $0x80, s12, s10, $0xb8;
	[tilespmem:$0xE000] =	vst v63  }
0x9f: {  	s12 =	simm.s32 $0x1600  }
0xa0: {  	[tilespmem:s23], [sflag:$0x2] =	stream.indirect.gather.add.f32 [hbm:s2], $0x80, s12, s10, $0xb8;
	[tilespmem:$0xE000] =	vst v63  }
0xa1: {  	s12 =	simm.s32 $0x1680  }
0xa2: {  	[tilespmem:s23], [sflag:$0x2] =	stream.indirect.gather.add.f32 [hbm:s2], $0x80, s12, s10, $0xb8;
	[tilespmem:$0xE000] =	vst v63  }
0xa3: {  	s12 =	simm.s32 $0x1700  }
0xa4: {  	[tilespmem:s23], [sflag:$0x2] =	stream.indirect.gather.add.f32 [hbm:s2], $0x80, s12, s10, $0xb8;
	[tilespmem:$0xE000] =	vst v63  }
0xa5: {  	s12 =	simm.s32 $0x1780  }
0xa6: {  	[tilespmem:s23], [sflag:$0x2] =	stream.indirect.gather.add.f32 [hbm:s2], $0x80, s12, s10, $0xb8;
	[tilespmem:$0xE000] =	vst v63  }
0xa7: {  	s12 =	simm.s32 $0x1800  }
0xa8: {  	[tilespmem:s23], [sflag:$0x2] =	stream.indirect.gather.add.f32 [hbm:s2], $0x80, s12, s10, $0xb8;
	[tilespmem:$0xE000] =	vst v63  }
0xa9: {  	s12 =	simm.s32 $0x1880  }
0xaa: {  	[tilespmem:s23], [sflag:$0x2] =	stream.indirect.gather.add.f32 [hbm:s2], $0x80, s12, s10, $0xb8;
	[tilespmem:$0xE000] =	vst v63  }
0xab: {  	s12 =	simm.s32 $0x1900  }
0xac: {  	[tilespmem:s23], [sflag:$0x2] =	stream.indirect.gather.add.f32 [hbm:s2], $0x80, s12, s10, $0xb8;
	[tilespmem:$0xE000] =	vst v63  }
0xad: {  	s12 =	simm.s32 $0x1980  }
0xae: {  	[tilespmem:s23], [sflag:$0x2] =	stream.indirect.gather.add.f32 [hbm:s2], $0x80, s12, s10, $0xb8;
	[tilespmem:$0xE000] =	vst v63  }
0xaf: {  	s12 =	simm.s32 $0x1A00  }
0xb0: {  	[tilespmem:s23], [sflag:$0x2] =	stream.indirect.gather.add.f32 [hbm:s2], $0x80, s12, s10, $0xb8;
	[tilespmem:$0xE000] =	vst v63  }
0xb1: {  	s12 =	simm.s32 $0x1A80  }
0xb2: {  	[tilespmem:s23], [sflag:$0x2] =	stream.indirect.gather.add.f32 [hbm:s2], $0x80, s12, s10, $0xb8;
	[tilespmem:$0xE000] =	vst v63  }
0xb3: {  	s12 =	simm.s32 $0x1B00  }
0xb4: {  	[tilespmem:s23], [sflag:$0x2] =	stream.indirect.gather.add.f32 [hbm:s2], $0x80, s12, s10, $0xb8;
	[tilespmem:$0xE000] =	vst v63  }
0xb5: {  	s12 =	simm.s32 $0x1B80  }
0xb6: {  	[tilespmem:s23], [sflag:$0x2] =	stream.indirect.gather.add.f32 [hbm:s2], $0x80, s12, s10, $0xb8;
	[tilespmem:$0xE000] =	vst v63  }
0xb7: {  	s12 =	simm.s32 $0x1C00  }
0xb8: {  	[tilespmem:s23], [sflag:$0x2] =	stream.indirect.gather.add.f32 [hbm:s2], $0x80, s12, s10, $0xb8;
	[tilespmem:$0xE000] =	vst v63  }
0xb9: {  	s12 =	simm.s32 $0x1C80  }
0xba: {  	[tilespmem:s23], [sflag:$0x2] =	stream.indirect.gather.add.f32 [hbm:s2], $0x80, s12, s10, $0xb8;
	[tilespmem:$0xE000] =	vst v63  }
0xbb: {  	s12 =	simm.s32 $0x1D00  }
0xbc: {  	[tilespmem:s23], [sflag:$0x2] =	stream.indirect.gather.add.f32 [hbm:s2], $0x80, s12, s10, $0xb8;
	[tilespmem:$0xE000] =	vst v63  }
0xbd: {  	s12 =	simm.s32 $0x1D80  }
0xbe: {  	[tilespmem:s23], [sflag:$0x2] =	stream.indirect.gather.add.f32 [hbm:s2], $0x80, s12, s10, $0xb8;
	[tilespmem:$0xE000] =	vst v63  }
0xbf: {  	s12 =	simm.s32 $0x1E00  }
0xc0: {  	[tilespmem:s23], [sflag:$0x2] =	stream.indirect.gather.add.f32 [hbm:s2], $0x80, s12, s10, $0xb8;
	[tilespmem:$0xE000] =	vst v63  }
0xc1: {  	s12 =	simm.s32 $0x1E80  }
0xc2: {  	[tilespmem:s23], [sflag:$0x2] =	stream.indirect.gather.add.f32 [hbm:s2], $0x80, s12, s10, $0xb8;
	[tilespmem:$0xE000] =	vst v63  }
0xc3: {  	s12 =	simm.s32 $0x1F00  }
0xc4: {  	[tilespmem:s23], [sflag:$0x2] =	stream.indirect.gather.add.f32 [hbm:s2], $0x80, s12, s10, $0xb8;
	[tilespmem:$0xE000] =	vst v63  }
0xc5: {  	s12 =	simm.s32 $0x1F80  }
0xc6: {  	[tilespmem:s23], [sflag:$0x2] =	stream.indirect.gather.add.f32 [hbm:s2], $0x80, s12, s10, $0xb8;
	[tilespmem:$0xE000] =	vst v63  }
0xc7: {  	s8 =	simm.s32 $0x0;
	s12 =	simm.s32 $0x200  }
.LBB2_6:
0xc8: {  	p1 =	sne.s32 s12, $0x9E00;
	[tilespmem:s8+$0x9070] =	vst v0  }
0xc9: {  	[tilespmem:s8+$0x9000] =	vst v0  }
0xca: {  	[tilespmem:s8+$0x9010] =	vst v0  }
.Ltmp4:
0xcb: {  	[tilespmem:s8+$0x9020] =	vst v0;
	(pc) =	sbr.rel @p1 .LBB2_6-.Ltmp4, $4  }
0xcc: {  	[tilespmem:s8+$0x9030] =	vst v0  }
0xcd: {  	[tilespmem:s8+$0x9040] =	vst v0  }
0xce: {  	[tilespmem:s8+$0x9050] =	vst v0  }
0xcf: {  	[tilespmem:s8+$0x9060] =	vst v0;
	s8 =	sshra.s32 s12, $0x2;
	s12 =	sadd.s32 $0x200, s12  }
0xd0: {  	[tilespmem:s8+$0x9070] =	vst v0  }
0xd1: {  	[tilespmem:s8+$0x9000] =	vst v0  }
0xd2: {  	[tilespmem:s8+$0x9010] =	vst v0  }
0xd3: {  	[tilespmem:s8+$0x9020] =	vst v0  }
0xd4: {  	[tilespmem:s8+$0x9030] =	vst v0  }
0xd5: {  	[tilespmem:s8+$0x9040] =	vst v0  }
0xd6: {  	[tilespmem:s8+$0x9050] =	vst v0  }
0xd7: {  	[tilespmem:s8+$0x9060] =	vst v0;
	s12 =	simm.s32 $0x2000  }
0xd8: {  	[tilespmem:s13], [sflag:$0x3] =	stream.indirect.gather.add.f32 [hbm:s2], $0x80, s12, s10, $0xb8;
	[tilespmem:$0xE000] =	vst v63  }
0xd9: {  	s12 =	simm.s32 $0x2080  }
0xda: {  	[tilespmem:s13], [sflag:$0x3] =	stream.indirect.gather.add.f32 [hbm:s2], $0x80, s12, s10, $0xb8;
	[tilespmem:$0xE000] =	vst v63  }
0xdb: {  	s12 =	simm.s32 $0x2100  }
0xdc: {  	[tilespmem:s13], [sflag:$0x3] =	stream.indirect.gather.add.f32 [hbm:s2], $0x80, s12, s10, $0xb8;
	[tilespmem:$0xE000] =	vst v63  }
0xdd: {  	s12 =	simm.s32 $0x2180  }
0xde: {  	[tilespmem:s13], [sflag:$0x3] =	stream.indirect.gather.add.f32 [hbm:s2], $0x80, s12, s10, $0xb8;
	[tilespmem:$0xE000] =	vst v63  }
0xdf: {  	s12 =	simm.s32 $0x2200  }
0xe0: {  	[tilespmem:s13], [sflag:$0x3] =	stream.indirect.gather.add.f32 [hbm:s2], $0x80, s12, s10, $0xb8;
	[tilespmem:$0xE000] =	vst v63  }
0xe1: {  	s12 =	simm.s32 $0x2280  }
0xe2: {  	[tilespmem:s13], [sflag:$0x3] =	stream.indirect.gather.add.f32 [hbm:s2], $0x80, s12, s10, $0xb8;
	[tilespmem:$0xE000] =	vst v63  }
0xe3: {  	s12 =	simm.s32 $0x2300  }
0xe4: {  	[tilespmem:s13], [sflag:$0x3] =	stream.indirect.gather.add.f32 [hbm:s2], $0x80, s12, s10, $0xb8;
	[tilespmem:$0xE000] =	vst v63  }
0xe5: {  	s12 =	simm.s32 $0x2380  }
0xe6: {  	[tilespmem:s13], [sflag:$0x3] =	stream.indirect.gather.add.f32 [hbm:s2], $0x80, s12, s10, $0xb8;
	[tilespmem:$0xE000] =	vst v63  }
0xe7: {  	s12 =	simm.s32 $0x2400  }
0xe8: {  	[tilespmem:s13], [sflag:$0x3] =	stream.indirect.gather.add.f32 [hbm:s2], $0x80, s12, s10, $0xb8;
	[tilespmem:$0xE000] =	vst v63  }
0xe9: {  	s12 =	simm.s32 $0x2480  }
0xea: {  	[tilespmem:s13], [sflag:$0x3] =	stream.indirect.gather.add.f32 [hbm:s2], $0x80, s12, s10, $0xb8;
	[tilespmem:$0xE000] =	vst v63  }
0xeb: {  	s12 =	simm.s32 $0x2500  }
0xec: {  	[tilespmem:s13], [sflag:$0x3] =	stream.indirect.gather.add.f32 [hbm:s2], $0x80, s12, s10, $0xb8;
	[tilespmem:$0xE000] =	vst v63  }
0xed: {  	s12 =	simm.s32 $0x2580  }
0xee: {  	[tilespmem:s13], [sflag:$0x3] =	stream.indirect.gather.add.f32 [hbm:s2], $0x80, s12, s10, $0xb8;
	[tilespmem:$0xE000] =	vst v63  }
0xef: {  	s12 =	simm.s32 $0x2600  }
0xf0: {  	[tilespmem:s13], [sflag:$0x3] =	stream.indirect.gather.add.f32 [hbm:s2], $0x80, s12, s10, $0xb8;
	[tilespmem:$0xE000] =	vst v63  }
0xf1: {  	s12 =	simm.s32 $0x2680  }
0xf2: {  	[tilespmem:s13], [sflag:$0x3] =	stream.indirect.gather.add.f32 [hbm:s2], $0x80, s12, s10, $0xb8;
	[tilespmem:$0xE000] =	vst v63  }
0xf3: {  	s12 =	simm.s32 $0x2700  }
0xf4: {  	[tilespmem:s13], [sflag:$0x3] =	stream.indirect.gather.add.f32 [hbm:s2], $0x80, s12, s10, $0xb8;
	[tilespmem:$0xE000] =	vst v63  }
0xf5: {  	s12 =	simm.s32 $0x2780  }
0xf6: {  	[tilespmem:s13], [sflag:$0x3] =	stream.indirect.gather.add.f32 [hbm:s2], $0x80, s12, s10, $0xb8;
	[tilespmem:$0xE000] =	vst v63  }
0xf7: {  	s12 =	simm.s32 $0x2800  }
0xf8: {  	[tilespmem:s13], [sflag:$0x3] =	stream.indirect.gather.add.f32 [hbm:s2], $0x80, s12, s10, $0xb8;
	[tilespmem:$0xE000] =	vst v63  }
0xf9: {  	s12 =	simm.s32 $0x2880  }
0xfa: {  	[tilespmem:s13], [sflag:$0x3] =	stream.indirect.gather.add.f32 [hbm:s2], $0x80, s12, s10, $0xb8;
	[tilespmem:$0xE000] =	vst v63  }
0xfb: {  	s12 =	simm.s32 $0x2900  }
0xfc: {  	[tilespmem:s13], [sflag:$0x3] =	stream.indirect.gather.add.f32 [hbm:s2], $0x80, s12, s10, $0xb8;
	[tilespmem:$0xE000] =	vst v63  }
0xfd: {  	s12 =	simm.s32 $0x2980  }
0xfe: {  	[tilespmem:s13], [sflag:$0x3] =	stream.indirect.gather.add.f32 [hbm:s2], $0x80, s12, s10, $0xb8;
	[tilespmem:$0xE000] =	vst v63  }
0xff: {  	s12 =	simm.s32 $0x2A00  }
0x100: {  	[tilespmem:s13], [sflag:$0x3] =	stream.indirect.gather.add.f32 [hbm:s2], $0x80, s12, s10, $0xb8;
	[tilespmem:$0xE000] =	vst v63  }
0x101: {  	_ = 	snop  }
0x102: {  	[tilespmem:s13], [sflag:$0x3] =	stream.indirect.gather.add.f32 [hbm:s2], $0x80, s14, s10, $0xb8;
	[tilespmem:$0xE000] =	vst v63  }
0x103: {  	_ = 	snop  }
0x104: {  	[tilespmem:s13], [sflag:$0x3] =	stream.indirect.gather.add.f32 [hbm:s2], $0x80, s15, s10, $0xb8;
	[tilespmem:$0xE000] =	vst v63  }
0x105: {  	_ = 	snop  }
0x106: {  	[tilespmem:s13], [sflag:$0x3] =	stream.indirect.gather.add.f32 [hbm:s2], $0x80, s16, s10, $0xb8;
	[tilespmem:$0xE000] =	vst v63  }
0x107: {  	_ = 	snop  }
0x108: {  	[tilespmem:s13], [sflag:$0x3] =	stream.indirect.gather.add.f32 [hbm:s2], $0x80, s17, s10, $0xb8;
	[tilespmem:$0xE000] =	vst v63  }
0x109: {  	_ = 	snop  }
0x10a: {  	[tilespmem:s13], [sflag:$0x3] =	stream.indirect.gather.add.f32 [hbm:s2], $0x80, s18, s10, $0xb8;
	[tilespmem:$0xE000] =	vst v63  }
0x10b: {  	_ = 	snop  }
0x10c: {  	[tilespmem:s13], [sflag:$0x3] =	stream.indirect.gather.add.f32 [hbm:s2], $0x80, s19, s10, $0xb8;
	[tilespmem:$0xE000] =	vst v63  }
0x10d: {  	_ = 	snop  }
0x10e: {  	[tilespmem:s13], [sflag:$0x3] =	stream.indirect.gather.add.f32 [hbm:s2], $0x80, s20, s10, $0xb8;
	[tilespmem:$0xE000] =	vst v63  }
0x10f: {  	_ = 	snop  }
0x110: {  	[tilespmem:s13], [sflag:$0x3] =	stream.indirect.gather.add.f32 [hbm:s2], $0x80, s21, s10, $0xb8;
	[tilespmem:$0xE000] =	vst v63  }
0x111: {  	_ = 	snop  }
0x112: {  	[tilespmem:s13], [sflag:$0x3] =	stream.indirect.gather.add.f32 [hbm:s2], $0x80, s22, s10, $0xb8;
	[tilespmem:$0xE000] =	vst v63  }
.Ltmp5:
0x113: {  	_ = 	snop;
	(pc) =	sbr.rel @p0 .LBB2_11-.Ltmp5, $4  }
0x114: {  	_ = 	snop  }
0x115: {  	[tilespmem:s13], [sflag:$0x3] =	stream.indirect.gather.add.f32 [hbm:s2], $0x80, s24, s10, $0xb8;
	[tilespmem:$0xE000] =	vst v63  }
0x116: {  	s12 =	simm.s32 $0x0  }
0x117: {  	[tilespmem:s13], [sflag:$0x3] =	stream.indirect.gather.add.f32 [hbm:s2], $0x80, s25, s10, $0xb8;
	[tilespmem:$0xE000] =	vst v63  }
0x118: {  	s8 =	sshra.s32 s12, $0x2;
	s12 =	sadd.s32 $0x200, s12  }
.LBB2_9:
0x119: {  	p1 =	sne.s32 s12, $0x9E00;
	[tilespmem:s8+$0xB870] =	vst v0  }
0x11a: {  	[tilespmem:s8+$0xB800] =	vst v0  }
0x11b: {  	[tilespmem:s8+$0xB810] =	vst v0  }
.Ltmp6:
0x11c: {  	[tilespmem:s8+$0xB820] =	vst v0;
	(pc) =	sbr.rel @p1 .LBB2_9-.Ltmp6, $4  }
0x11d: {  	[tilespmem:s8+$0xB830] =	vst v0  }
0x11e: {  	[tilespmem:s8+$0xB840] =	vst v0  }
0x11f: {  	[tilespmem:s8+$0xB850] =	vst v0  }
0x120: {  	[tilespmem:s8+$0xB860] =	vst v0;
	s8 =	sshra.s32 s12, $0x2;
	s12 =	sadd.s32 $0x200, s12  }
0x121: {  	[tilespmem:s8+$0xB870] =	vst v0  }
0x122: {  	[tilespmem:s8+$0xB800] =	vst v0  }
0x123: {  	[tilespmem:s8+$0xB810] =	vst v0  }
0x124: {  	[tilespmem:s8+$0xB820] =	vst v0  }
0x125: {  	[tilespmem:s8+$0xB830] =	vst v0  }
0x126: {  	[tilespmem:s8+$0xB840] =	vst v0  }
0x127: {  	[tilespmem:s8+$0xB850] =	vst v0  }
0x128: {  	[tilespmem:s8+$0xB860] =	vst v0;
	s12 =	simm.s32 $0x3000  }
0x129: {  	[tilespmem:s1], [sflag:$0x4] =	stream.indirect.gather.add.f32 [hbm:s2], $0x80, s12, s10, $0xb8;
	[tilespmem:$0xE000] =	vst v63  }
0x12a: {  	s12 =	simm.s32 $0x3080  }
0x12b: {  	[tilespmem:s1], [sflag:$0x4] =	stream.indirect.gather.add.f32 [hbm:s2], $0x80, s12, s10, $0xb8;
	[tilespmem:$0xE000] =	vst v63  }
0x12c: {  	s12 =	simm.s32 $0x3100  }
0x12d: {  	[tilespmem:s1], [sflag:$0x4] =	stream.indirect.gather.add.f32 [hbm:s2], $0x80, s12, s10, $0xb8;
	[tilespmem:$0xE000] =	vst v63  }
0x12e: {  	s12 =	simm.s32 $0x3180  }
0x12f: {  	[tilespmem:s1], [sflag:$0x4] =	stream.indirect.gather.add.f32 [hbm:s2], $0x80, s12, s10, $0xb8;
	[tilespmem:$0xE000] =	vst v63  }
0x130: {  	s12 =	simm.s32 $0x3200  }
0x131: {  	[tilespmem:s1], [sflag:$0x4] =	stream.indirect.gather.add.f32 [hbm:s2], $0x80, s12, s10, $0xb8;
	[tilespmem:$0xE000] =	vst v63  }
0x132: {  	s12 =	simm.s32 $0x3280  }
0x133: {  	[tilespmem:s1], [sflag:$0x4] =	stream.indirect.gather.add.f32 [hbm:s2], $0x80, s12, s10, $0xb8;
	[tilespmem:$0xE000] =	vst v63  }
0x134: {  	s12 =	simm.s32 $0x3300  }
0x135: {  	[tilespmem:s1], [sflag:$0x4] =	stream.indirect.gather.add.f32 [hbm:s2], $0x80, s12, s10, $0xb8;
	[tilespmem:$0xE000] =	vst v63  }
0x136: {  	s12 =	simm.s32 $0x3380  }
0x137: {  	[tilespmem:s1], [sflag:$0x4] =	stream.indirect.gather.add.f32 [hbm:s2], $0x80, s12, s10, $0xb8;
	[tilespmem:$0xE000] =	vst v63  }
0x138: {  	s12 =	simm.s32 $0x3400  }
0x139: {  	[tilespmem:s1], [sflag:$0x4] =	stream.indirect.gather.add.f32 [hbm:s2], $0x80, s12, s10, $0xb8;
	[tilespmem:$0xE000] =	vst v63  }
0x13a: {  	s12 =	simm.s32 $0x3480  }
0x13b: {  	[tilespmem:s1], [sflag:$0x4] =	stream.indirect.gather.add.f32 [hbm:s2], $0x80, s12, s10, $0xb8;
	[tilespmem:$0xE000] =	vst v63  }
0x13c: {  	s12 =	simm.s32 $0x3500  }
0x13d: {  	[tilespmem:s1], [sflag:$0x4] =	stream.indirect.gather.add.f32 [hbm:s2], $0x80, s12, s10, $0xb8;
	[tilespmem:$0xE000] =	vst v63  }
0x13e: {  	s12 =	simm.s32 $0x3580  }
0x13f: {  	[tilespmem:s1], [sflag:$0x4] =	stream.indirect.gather.add.f32 [hbm:s2], $0x80, s12, s10, $0xb8;
	[tilespmem:$0xE000] =	vst v63  }
0x140: {  	s12 =	simm.s32 $0x3600  }
0x141: {  	[tilespmem:s1], [sflag:$0x4] =	stream.indirect.gather.add.f32 [hbm:s2], $0x80, s12, s10, $0xb8;
	[tilespmem:$0xE000] =	vst v63  }
0x142: {  	s12 =	simm.s32 $0x3680  }
0x143: {  	[tilespmem:s1], [sflag:$0x4] =	stream.indirect.gather.add.f32 [hbm:s2], $0x80, s12, s10, $0xb8;
	[tilespmem:$0xE000] =	vst v63  }
0x144: {  	s12 =	simm.s32 $0x3700  }
0x145: {  	[tilespmem:s1], [sflag:$0x4] =	stream.indirect.gather.add.f32 [hbm:s2], $0x80, s12, s10, $0xb8;
	[tilespmem:$0xE000] =	vst v63  }
0x146: {  	s12 =	simm.s32 $0x3780  }
0x147: {  	[tilespmem:s1], [sflag:$0x4] =	stream.indirect.gather.add.f32 [hbm:s2], $0x80, s12, s10, $0xb8;
	[tilespmem:$0xE000] =	vst v63  }
0x148: {  	s12 =	simm.s32 $0x3800  }
0x149: {  	[tilespmem:s1], [sflag:$0x4] =	stream.indirect.gather.add.f32 [hbm:s2], $0x80, s12, s10, $0xb8;
	[tilespmem:$0xE000] =	vst v63  }
0x14a: {  	s12 =	simm.s32 $0x3880  }
0x14b: {  	[tilespmem:s1], [sflag:$0x4] =	stream.indirect.gather.add.f32 [hbm:s2], $0x80, s12, s10, $0xb8;
	[tilespmem:$0xE000] =	vst v63  }
0x14c: {  	s12 =	simm.s32 $0x3900  }
0x14d: {  	[tilespmem:s1], [sflag:$0x4] =	stream.indirect.gather.add.f32 [hbm:s2], $0x80, s12, s10, $0xb8;
	[tilespmem:$0xE000] =	vst v63  }
0x14e: {  	s12 =	simm.s32 $0x3980  }
0x14f: {  	[tilespmem:s1], [sflag:$0x4] =	stream.indirect.gather.add.f32 [hbm:s2], $0x80, s12, s10, $0xb8;
	[tilespmem:$0xE000] =	vst v63  }
0x150: {  	s12 =	simm.s32 $0x3A00  }
0x151: {  	[tilespmem:s1], [sflag:$0x4] =	stream.indirect.gather.add.f32 [hbm:s2], $0x80, s12, s10, $0xb8;
	[tilespmem:$0xE000] =	vst v63  }
0x152: {  	s12 =	simm.s32 $0x3A80  }
0x153: {  	[tilespmem:s1], [sflag:$0x4] =	stream.indirect.gather.add.f32 [hbm:s2], $0x80, s12, s10, $0xb8;
	[tilespmem:$0xE000] =	vst v63  }
0x154: {  	s12 =	simm.s32 $0x3B00  }
0x155: {  	[tilespmem:s1], [sflag:$0x4] =	stream.indirect.gather.add.f32 [hbm:s2], $0x80, s12, s10, $0xb8;
	[tilespmem:$0xE000] =	vst v63  }
0x156: {  	s12 =	simm.s32 $0x3B80  }
0x157: {  	[tilespmem:s1], [sflag:$0x4] =	stream.indirect.gather.add.f32 [hbm:s2], $0x80, s12, s10, $0xb8;
	[tilespmem:$0xE000] =	vst v63  }
0x158: {  	s12 =	simm.s32 $0x3C00  }
0x159: {  	[tilespmem:s1], [sflag:$0x4] =	stream.indirect.gather.add.f32 [hbm:s2], $0x80, s12, s10, $0xb8;
	[tilespmem:$0xE000] =	vst v63  }
0x15a: {  	s12 =	simm.s32 $0x3C80  }
0x15b: {  	[tilespmem:s1], [sflag:$0x4] =	stream.indirect.gather.add.f32 [hbm:s2], $0x80, s12, s10, $0xb8;
	[tilespmem:$0xE000] =	vst v63  }
0x15c: {  	s12 =	simm.s32 $0x3D00  }
0x15d: {  	[tilespmem:s1], [sflag:$0x4] =	stream.indirect.gather.add.f32 [hbm:s2], $0x80, s12, s10, $0xb8;
	[tilespmem:$0xE000] =	vst v63  }
0x15e: {  	s12 =	simm.s32 $0x3D80  }
0x15f: {  	[tilespmem:s1], [sflag:$0x4] =	stream.indirect.gather.add.f32 [hbm:s2], $0x80, s12, s10, $0xb8;
	[tilespmem:$0xE000] =	vst v63  }
0x160: {  	s12 =	simm.s32 $0x3E00  }
0x161: {  	[tilespmem:s1], [sflag:$0x4] =	stream.indirect.gather.add.f32 [hbm:s2], $0x80, s12, s10, $0xb8;
	[tilespmem:$0xE000] =	vst v63  }
0x162: {  	s12 =	simm.s32 $0x3E80  }
0x163: {  	[tilespmem:s1], [sflag:$0x4] =	stream.indirect.gather.add.f32 [hbm:s2], $0x80, s12, s10, $0xb8;
	[tilespmem:$0xE000] =	vst v63  }
0x164: {  	s12 =	simm.s32 $0x3F00  }
0x165: {  	[tilespmem:s1], [sflag:$0x4] =	stream.indirect.gather.add.f32 [hbm:s2], $0x80, s12, s10, $0xb8;
	[tilespmem:$0xE000] =	vst v63  }
0x166: {  	s12 =	simm.s32 $0x3F80  }
0x167: {  	[tilespmem:s1], [sflag:$0x4] =	stream.indirect.gather.add.f32 [hbm:s2], $0x80, s12, s10, $0xb8;
	[tilespmem:$0xE000] =	vst v63  }
.LBB2_11:
0x168: {  	_ =	swait.ge [sflag:s26], $0x2800  }
0x169: {  	[sflag:s26] =	ssyncset.done $0x0  }
0x16a: {  	[sflag:s26] =	ssyncadd.s32 $0xFFFFD800  }
0x16b: {  	_ =	swait.ge [sflag:s26], $0x2800  }
0x16c: {  	[sflag:s26] =	ssyncset.done $0x0  }
0x16d: {  	[sflag:s26] =	ssyncadd.s32 $0xFFFFD800  }
0x16e: {  	_ =	swait.ge [sflag:s26], $0x2800  }
0x16f: {  	[sflag:s26] =	ssyncset.done $0x0  }
0x170: {  	[sflag:s26] =	ssyncadd.s32 $0xFFFFD800  }
0x171: {  	_ =	swait.ge [sflag:s26], $0x2800  }
0x172: {  	[sflag:s26] =	ssyncset.done $0x0  }
0x173: {  	[sflag:s26] =	ssyncadd.s32 $0xFFFFD800  }
0x174: {  	_ =	swait.ge [sflag:s26], $0x2800  }
0x175: {  	[sflag:s26] =	ssyncset.done $0x0  }
0x176: {  	[sflag:s26] =	ssyncadd.s32 $0xFFFFD800  }
0x177: {  	_ =	swait.ge [sflag:s26], $0x2800  }
0x178: {  	[sflag:s26] =	ssyncset.done $0x0  }
0x179: {  	[sflag:s26] =	ssyncadd.s32 $0xFFFFD800  }
0x17a: {  	_ =	swait.ge [sflag:s26], $0x2800  }
0x17b: {  	[sflag:s26] =	ssyncset.done $0x0  }
0x17c: {  	[sflag:s26] =	ssyncadd.s32 $0xFFFFD800  }
0x17d: {  	_ =	swait.ge [sflag:s26], $0x2800  }
0x17e: {  	[sflag:s26] =	ssyncset.done $0x0  }
0x17f: {  	[sflag:s26] =	ssyncadd.s32 $0xFFFFD800  }
0x180: {  	_ =	swait.ge [sflag:s26], $0x2800  }
0x181: {  	[sflag:s26] =	ssyncset.done $0x0  }
0x182: {  	[sflag:s26] =	ssyncadd.s32 $0xFFFFD800  }
0x183: {  	_ =	swait.ge [sflag:s26], $0x2800  }
0x184: {  	[sflag:s26] =	ssyncset.done $0x0  }
0x185: {  	[sflag:s26] =	ssyncadd.s32 $0xFFFFD800  }
0x186: {  	_ =	swait.ge [sflag:s26], $0x2800  }
0x187: {  	[sflag:s26] =	ssyncset.done $0x0  }
0x188: {  	[sflag:s26] =	ssyncadd.s32 $0xFFFFD800  }
0x189: {  	_ =	swait.ge [sflag:s26], $0x2800  }
0x18a: {  	[sflag:s26] =	ssyncset.done $0x0  }
0x18b: {  	[sflag:s26] =	ssyncadd.s32 $0xFFFFD800  }
0x18c: {  	_ =	swait.ge [sflag:s26], $0x2800  }
0x18d: {  	[sflag:s26] =	ssyncset.done $0x0  }
0x18e: {  	[sflag:s26] =	ssyncadd.s32 $0xFFFFD800  }
0x18f: {  	_ =	swait.ge [sflag:s26], $0x2800  }
0x190: {  	[sflag:s26] =	ssyncset.done $0x0  }
0x191: {  	[sflag:s26] =	ssyncadd.s32 $0xFFFFD800  }
0x192: {  	_ =	swait.ge [sflag:s26], $0x2800  }
0x193: {  	[sflag:s26] =	ssyncset.done $0x0  }
0x194: {  	[sflag:s26] =	ssyncadd.s32 $0xFFFFD800  }
0x195: {  	_ =	swait.ge [sflag:s26], $0x2800  }
0x196: {  	[sflag:s26] =	ssyncset.done $0x0  }
0x197: {  	[sflag:s26] =	ssyncadd.s32 $0xFFFFD800  }
0x198: {  	_ =	swait.ge [sflag:s26], $0x2800  }
0x199: {  	[sflag:s26] =	ssyncset.done $0x0  }
0x19a: {  	[sflag:s26] =	ssyncadd.s32 $0xFFFFD800  }
0x19b: {  	_ =	swait.ge [sflag:s26], $0x2800  }
0x19c: {  	[sflag:s26] =	ssyncset.done $0x0  }
0x19d: {  	[sflag:s26] =	ssyncadd.s32 $0xFFFFD800  }
0x19e: {  	_ =	swait.ge [sflag:s26], $0x2800  }
0x19f: {  	[sflag:s26] =	ssyncset.done $0x0  }
0x1a0: {  	[sflag:s26] =	ssyncadd.s32 $0xFFFFD800  }
0x1a1: {  	_ =	swait.ge [sflag:s26], $0x2800  }
0x1a2: {  	[sflag:s26] =	ssyncset.done $0x0  }
0x1a3: {  	[sflag:s26] =	ssyncadd.s32 $0xFFFFD800  }
0x1a4: {  	_ =	swait.ge [sflag:s26], $0x2800  }
0x1a5: {  	[sflag:s26] =	ssyncset.done $0x0  }
0x1a6: {  	[sflag:s26] =	ssyncadd.s32 $0xFFFFD800  }
0x1a7: {  	_ =	swait.ge [sflag:s26], $0x2800  }
0x1a8: {  	[sflag:s26] =	ssyncset.done $0x0  }
0x1a9: {  	[sflag:s26] =	ssyncadd.s32 $0xFFFFD800  }
0x1aa: {  	_ =	swait.ge [sflag:s26], $0x2800  }
0x1ab: {  	[sflag:s26] =	ssyncset.done $0x0  }
0x1ac: {  	[sflag:s26] =	ssyncadd.s32 $0xFFFFD800  }
0x1ad: {  	_ =	swait.ge [sflag:s26], $0x2800  }
0x1ae: {  	[sflag:s26] =	ssyncset.done $0x0  }
0x1af: {  	[sflag:s26] =	ssyncadd.s32 $0xFFFFD800  }
0x1b0: {  	_ =	swait.ge [sflag:s26], $0x2800  }
0x1b1: {  	[sflag:s26] =	ssyncset.done $0x0  }
0x1b2: {  	[sflag:s26] =	ssyncadd.s32 $0xFFFFD800  }
0x1b3: {  	_ =	swait.ge [sflag:s26], $0x2800  }
0x1b4: {  	[sflag:s26] =	ssyncset.done $0x0  }
0x1b5: {  	[sflag:s26] =	ssyncadd.s32 $0xFFFFD800  }
0x1b6: {  	_ =	swait.ge [sflag:s26], $0x2800  }
0x1b7: {  	[sflag:s26] =	ssyncset.done $0x0  }
0x1b8: {  	[sflag:s26] =	ssyncadd.s32 $0xFFFFD800  }
0x1b9: {  	_ =	swait.ge [sflag:s26], $0x2800  }
0x1ba: {  	[sflag:s26] =	ssyncset.done $0x0  }
0x1bb: {  	[sflag:s26] =	ssyncadd.s32 $0xFFFFD800  }
0x1bc: {  	_ =	swait.ge [sflag:s26], $0x2800  }
0x1bd: {  	[sflag:s26] =	ssyncset.done $0x0  }
0x1be: {  	[sflag:s26] =	ssyncadd.s32 $0xFFFFD800  }
0x1bf: {  	_ =	swait.ge [sflag:s26], $0x2800  }
0x1c0: {  	[sflag:s26] =	ssyncset.done $0x0  }
0x1c1: {  	[sflag:s26] =	ssyncadd.s32 $0xFFFFD800  }
0x1c2: {  	_ =	swait.ge [sflag:s26], $0x2800  }
0x1c3: {  	[sflag:s26] =	ssyncset.done $0x0  }
0x1c4: {  	[sflag:s26] =	ssyncadd.s32 $0xFFFFD800  }
0x1c5: {  	_ =	swait.ge [sflag:s26], $0x2800  }
0x1c6: {  	[sflag:s26] =	ssyncset.done $0x0  }
0x1c7: {  	[sflag:s26] =	ssyncadd.s32 $0xFFFFD800  }
0x1c8: {  	[hbm4b:s5+s3] =	stream.linear.scatter [tilespmem:s11], [sflag:$0x6], $0x2800, $0x38;
	[tilespmem:$0xE000] =	vst v63  }
0x1c9: {  	_ =	swait.ge [sflag:s28], $0x2800  }
0x1ca: {  	[sflag:s28] =	ssyncset.done $0x0  }
0x1cb: {  	[sflag:s28] =	ssyncadd.s32 $0xFFFFD800  }
0x1cc: {  	_ =	swait.ge [sflag:s28], $0x2800  }
0x1cd: {  	[sflag:s28] =	ssyncset.done $0x0  }
0x1ce: {  	[sflag:s28] =	ssyncadd.s32 $0xFFFFD800  }
0x1cf: {  	_ =	swait.ge [sflag:s28], $0x2800  }
0x1d0: {  	[sflag:s28] =	ssyncset.done $0x0  }
0x1d1: {  	[sflag:s28] =	ssyncadd.s32 $0xFFFFD800  }
0x1d2: {  	_ =	swait.ge [sflag:s28], $0x2800  }
0x1d3: {  	[sflag:s28] =	ssyncset.done $0x0  }
0x1d4: {  	[sflag:s28] =	ssyncadd.s32 $0xFFFFD800  }
0x1d5: {  	_ =	swait.ge [sflag:s28], $0x2800  }
0x1d6: {  	[sflag:s28] =	ssyncset.done $0x0  }
0x1d7: {  	[sflag:s28] =	ssyncadd.s32 $0xFFFFD800  }
0x1d8: {  	_ =	swait.ge [sflag:s28], $0x2800  }
0x1d9: {  	[sflag:s28] =	ssyncset.done $0x0  }
0x1da: {  	[sflag:s28] =	ssyncadd.s32 $0xFFFFD800  }
0x1db: {  	_ =	swait.ge [sflag:s28], $0x2800  }
0x1dc: {  	[sflag:s28] =	ssyncset.done $0x0  }
0x1dd: {  	[sflag:s28] =	ssyncadd.s32 $0xFFFFD800  }
0x1de: {  	_ =	swait.ge [sflag:s28], $0x2800  }
0x1df: {  	[sflag:s28] =	ssyncset.done $0x0  }
0x1e0: {  	[sflag:s28] =	ssyncadd.s32 $0xFFFFD800  }
0x1e1: {  	_ =	swait.ge [sflag:s28], $0x2800  }
0x1e2: {  	[sflag:s28] =	ssyncset.done $0x0  }
0x1e3: {  	[sflag:s28] =	ssyncadd.s32 $0xFFFFD800  }
0x1e4: {  	_ =	swait.ge [sflag:s28], $0x2800  }
0x1e5: {  	[sflag:s28] =	ssyncset.done $0x0  }
0x1e6: {  	[sflag:s28] =	ssyncadd.s32 $0xFFFFD800  }
0x1e7: {  	_ =	swait.ge [sflag:s28], $0x2800  }
0x1e8: {  	[sflag:s28] =	ssyncset.done $0x0  }
0x1e9: {  	[sflag:s28] =	ssyncadd.s32 $0xFFFFD800  }
0x1ea: {  	_ =	swait.ge [sflag:s28], $0x2800  }
0x1eb: {  	[sflag:s28] =	ssyncset.done $0x0  }
0x1ec: {  	[sflag:s28] =	ssyncadd.s32 $0xFFFFD800  }
0x1ed: {  	_ =	swait.ge [sflag:s28], $0x2800  }
0x1ee: {  	[sflag:s28] =	ssyncset.done $0x0  }
0x1ef: {  	[sflag:s28] =	ssyncadd.s32 $0xFFFFD800  }
0x1f0: {  	_ =	swait.ge [sflag:s28], $0x2800  }
0x1f1: {  	[sflag:s28] =	ssyncset.done $0x0  }
0x1f2: {  	[sflag:s28] =	ssyncadd.s32 $0xFFFFD800  }
0x1f3: {  	_ =	swait.ge [sflag:s28], $0x2800  }
0x1f4: {  	[sflag:s28] =	ssyncset.done $0x0  }
0x1f5: {  	[sflag:s28] =	ssyncadd.s32 $0xFFFFD800  }
0x1f6: {  	_ =	swait.ge [sflag:s28], $0x2800  }
0x1f7: {  	[sflag:s28] =	ssyncset.done $0x0  }
0x1f8: {  	[sflag:s28] =	ssyncadd.s32 $0xFFFFD800  }
0x1f9: {  	_ =	swait.ge [sflag:s28], $0x2800  }
0x1fa: {  	[sflag:s28] =	ssyncset.done $0x0  }
0x1fb: {  	[sflag:s28] =	ssyncadd.s32 $0xFFFFD800  }
0x1fc: {  	_ =	swait.ge [sflag:s28], $0x2800  }
0x1fd: {  	[sflag:s28] =	ssyncset.done $0x0  }
0x1fe: {  	[sflag:s28] =	ssyncadd.s32 $0xFFFFD800  }
0x1ff: {  	_ =	swait.ge [sflag:s28], $0x2800  }
0x200: {  	[sflag:s28] =	ssyncset.done $0x0  }
0x201: {  	[sflag:s28] =	ssyncadd.s32 $0xFFFFD800  }
0x202: {  	_ =	swait.ge [sflag:s28], $0x2800  }
0x203: {  	[sflag:s28] =	ssyncset.done $0x0  }
0x204: {  	[sflag:s28] =	ssyncadd.s32 $0xFFFFD800  }
0x205: {  	_ =	swait.ge [sflag:s28], $0x2800  }
0x206: {  	[sflag:s28] =	ssyncset.done $0x0  }
0x207: {  	[sflag:s28] =	ssyncadd.s32 $0xFFFFD800  }
0x208: {  	_ =	swait.ge [sflag:s28], $0x2800  }
0x209: {  	[sflag:s28] =	ssyncset.done $0x0  }
0x20a: {  	[sflag:s28] =	ssyncadd.s32 $0xFFFFD800  }
0x20b: {  	_ =	swait.ge [sflag:s28], $0x2800  }
0x20c: {  	[sflag:s28] =	ssyncset.done $0x0  }
0x20d: {  	[sflag:s28] =	ssyncadd.s32 $0xFFFFD800  }
0x20e: {  	_ =	swait.ge [sflag:s28], $0x2800  }
0x20f: {  	[sflag:s28] =	ssyncset.done $0x0  }
0x210: {  	[sflag:s28] =	ssyncadd.s32 $0xFFFFD800  }
0x211: {  	_ =	swait.ge [sflag:s28], $0x2800  }
0x212: {  	[sflag:s28] =	ssyncset.done $0x0  }
0x213: {  	[sflag:s28] =	ssyncadd.s32 $0xFFFFD800  }
0x214: {  	_ =	swait.ge [sflag:s28], $0x2800  }
0x215: {  	[sflag:s28] =	ssyncset.done $0x0  }
0x216: {  	[sflag:s28] =	ssyncadd.s32 $0xFFFFD800  }
0x217: {  	_ =	swait.ge [sflag:s28], $0x2800  }
0x218: {  	[sflag:s28] =	ssyncset.done $0x0  }
0x219: {  	[sflag:s28] =	ssyncadd.s32 $0xFFFFD800  }
0x21a: {  	_ =	swait.ge [sflag:s28], $0x2800  }
0x21b: {  	[sflag:s28] =	ssyncset.done $0x0  }
0x21c: {  	[sflag:s28] =	ssyncadd.s32 $0xFFFFD800  }
0x21d: {  	_ =	swait.ge [sflag:s28], $0x2800  }
0x21e: {  	[sflag:s28] =	ssyncset.done $0x0  }
0x21f: {  	[sflag:s28] =	ssyncadd.s32 $0xFFFFD800  }
0x220: {  	_ =	swait.ge [sflag:s28], $0x2800  }
0x221: {  	[sflag:s28] =	ssyncset.done $0x0  }
0x222: {  	[sflag:s28] =	ssyncadd.s32 $0xFFFFD800  }
0x223: {  	_ =	swait.ge [sflag:s28], $0x2800  }
0x224: {  	[sflag:s28] =	ssyncset.done $0x0  }
0x225: {  	[sflag:s28] =	ssyncadd.s32 $0xFFFFD800  }
0x226: {  	_ =	swait.ge [sflag:s28], $0x2800  }
0x227: {  	[sflag:s28] =	ssyncset.done $0x0  }
0x228: {  	[sflag:s28] =	ssyncadd.s32 $0xFFFFD800  }
0x229: {  	[hbm4b:s6+s3] =	stream.linear.scatter [tilespmem:s23], [sflag:$0x6], $0x2800, $0x38;
	[tilespmem:$0xE000] =	vst v63  }
0x22a: {  	_ =	swait.ge [sflag:s29], $0x2800  }
0x22b: {  	[sflag:s29] =	ssyncset.done $0x0  }
0x22c: {  	[sflag:s29] =	ssyncadd.s32 $0xFFFFD800  }
0x22d: {  	_ =	swait.ge [sflag:s29], $0x2800  }
0x22e: {  	[sflag:s29] =	ssyncset.done $0x0  }
0x22f: {  	[sflag:s29] =	ssyncadd.s32 $0xFFFFD800  }
0x230: {  	_ =	swait.ge [sflag:s29], $0x2800  }
0x231: {  	[sflag:s29] =	ssyncset.done $0x0  }
0x232: {  	[sflag:s29] =	ssyncadd.s32 $0xFFFFD800  }
0x233: {  	_ =	swait.ge [sflag:s29], $0x2800  }
0x234: {  	[sflag:s29] =	ssyncset.done $0x0  }
0x235: {  	[sflag:s29] =	ssyncadd.s32 $0xFFFFD800  }
0x236: {  	_ =	swait.ge [sflag:s29], $0x2800  }
0x237: {  	[sflag:s29] =	ssyncset.done $0x0  }
0x238: {  	[sflag:s29] =	ssyncadd.s32 $0xFFFFD800  }
0x239: {  	_ =	swait.ge [sflag:s29], $0x2800  }
0x23a: {  	[sflag:s29] =	ssyncset.done $0x0  }
0x23b: {  	[sflag:s29] =	ssyncadd.s32 $0xFFFFD800  }
0x23c: {  	_ =	swait.ge [sflag:s29], $0x2800  }
0x23d: {  	[sflag:s29] =	ssyncset.done $0x0  }
0x23e: {  	[sflag:s29] =	ssyncadd.s32 $0xFFFFD800  }
0x23f: {  	_ =	swait.ge [sflag:s29], $0x2800  }
0x240: {  	[sflag:s29] =	ssyncset.done $0x0  }
0x241: {  	[sflag:s29] =	ssyncadd.s32 $0xFFFFD800  }
0x242: {  	_ =	swait.ge [sflag:s29], $0x2800  }
0x243: {  	[sflag:s29] =	ssyncset.done $0x0  }
0x244: {  	[sflag:s29] =	ssyncadd.s32 $0xFFFFD800  }
0x245: {  	_ =	swait.ge [sflag:s29], $0x2800  }
0x246: {  	[sflag:s29] =	ssyncset.done $0x0  }
0x247: {  	[sflag:s29] =	ssyncadd.s32 $0xFFFFD800  }
0x248: {  	_ =	swait.ge [sflag:s29], $0x2800  }
0x249: {  	[sflag:s29] =	ssyncset.done $0x0  }
0x24a: {  	[sflag:s29] =	ssyncadd.s32 $0xFFFFD800  }
0x24b: {  	_ =	swait.ge [sflag:s29], $0x2800  }
0x24c: {  	[sflag:s29] =	ssyncset.done $0x0  }
0x24d: {  	[sflag:s29] =	ssyncadd.s32 $0xFFFFD800  }
0x24e: {  	_ =	swait.ge [sflag:s29], $0x2800  }
0x24f: {  	[sflag:s29] =	ssyncset.done $0x0  }
0x250: {  	[sflag:s29] =	ssyncadd.s32 $0xFFFFD800  }
0x251: {  	_ =	swait.ge [sflag:s29], $0x2800  }
0x252: {  	[sflag:s29] =	ssyncset.done $0x0  }
0x253: {  	[sflag:s29] =	ssyncadd.s32 $0xFFFFD800  }
0x254: {  	_ =	swait.ge [sflag:s29], $0x2800  }
0x255: {  	[sflag:s29] =	ssyncset.done $0x0  }
0x256: {  	[sflag:s29] =	ssyncadd.s32 $0xFFFFD800  }
0x257: {  	_ =	swait.ge [sflag:s29], $0x2800  }
0x258: {  	[sflag:s29] =	ssyncset.done $0x0  }
0x259: {  	[sflag:s29] =	ssyncadd.s32 $0xFFFFD800  }
0x25a: {  	_ =	swait.ge [sflag:s29], $0x2800  }
0x25b: {  	[sflag:s29] =	ssyncset.done $0x0  }
0x25c: {  	[sflag:s29] =	ssyncadd.s32 $0xFFFFD800  }
0x25d: {  	_ =	swait.ge [sflag:s29], $0x2800  }
0x25e: {  	[sflag:s29] =	ssyncset.done $0x0  }
0x25f: {  	[sflag:s29] =	ssyncadd.s32 $0xFFFFD800  }
0x260: {  	_ =	swait.ge [sflag:s29], $0x2800  }
0x261: {  	[sflag:s29] =	ssyncset.done $0x0  }
0x262: {  	[sflag:s29] =	ssyncadd.s32 $0xFFFFD800  }
0x263: {  	_ =	swait.ge [sflag:s29], $0x2800  }
0x264: {  	[sflag:s29] =	ssyncset.done $0x0  }
0x265: {  	[sflag:s29] =	ssyncadd.s32 $0xFFFFD800  }
0x266: {  	_ =	swait.ge [sflag:s29], $0x2800  }
0x267: {  	[sflag:s29] =	ssyncset.done $0x0  }
0x268: {  	[sflag:s29] =	ssyncadd.s32 $0xFFFFD800  }
0x269: {  	_ =	swait.ge [sflag:s29], $0x2800  }
0x26a: {  	[sflag:s29] =	ssyncset.done $0x0  }
0x26b: {  	[sflag:s29] =	ssyncadd.s32 $0xFFFFD800  }
0x26c: {  	_ =	swait.ge [sflag:s29], $0x2800  }
0x26d: {  	[sflag:s29] =	ssyncset.done $0x0  }
0x26e: {  	[sflag:s29] =	ssyncadd.s32 $0xFFFFD800  }
0x26f: {  	_ =	swait.ge [sflag:s29], $0x2800  }
0x270: {  	[sflag:s29] =	ssyncset.done $0x0  }
0x271: {  	[sflag:s29] =	ssyncadd.s32 $0xFFFFD800  }
0x272: {  	_ =	swait.ge [sflag:s29], $0x2800  }
0x273: {  	[sflag:s29] =	ssyncset.done $0x0  }
0x274: {  	[sflag:s29] =	ssyncadd.s32 $0xFFFFD800  }
0x275: {  	_ =	swait.ge [sflag:s29], $0x2800  }
0x276: {  	[sflag:s29] =	ssyncset.done $0x0  }
0x277: {  	[sflag:s29] =	ssyncadd.s32 $0xFFFFD800  }
0x278: {  	_ =	swait.ge [sflag:s29], $0x2800  }
0x279: {  	[sflag:s29] =	ssyncset.done $0x0  }
0x27a: {  	[sflag:s29] =	ssyncadd.s32 $0xFFFFD800  }
0x27b: {  	_ =	swait.ge [sflag:s29], $0x2800  }
0x27c: {  	[sflag:s29] =	ssyncset.done $0x0  }
0x27d: {  	[sflag:s29] =	ssyncadd.s32 $0xFFFFD800  }
0x27e: {  	_ =	swait.ge [sflag:s29], $0x2800  }
0x27f: {  	[sflag:s29] =	ssyncset.done $0x0  }
0x280: {  	[sflag:s29] =	ssyncadd.s32 $0xFFFFD800  }
0x281: {  	_ =	swait.ge [sflag:s29], $0x2800  }
0x282: {  	[sflag:s29] =	ssyncset.done $0x0  }
0x283: {  	[sflag:s29] =	ssyncadd.s32 $0xFFFFD800  }
0x284: {  	_ =	swait.ge [sflag:s29], $0x2800  }
0x285: {  	[sflag:s29] =	ssyncset.done $0x0  }
.Ltmp7:
0x286: {  	[sflag:s29] =	ssyncadd.s32 $0xFFFFD800;
	(pc) =	sbr.rel @p0 .LBB2_13-.Ltmp7, $4  }
0x287: {  	_ =	swait.ge [sflag:s29], $0x2800  }
0x288: {  	[sflag:s29] =	ssyncset.done $0x0  }
0x289: {  	[sflag:s29] =	ssyncadd.s32 $0xFFFFD800  }
0x28a: {  	[hbm4b:s7+s3] =	stream.linear.scatter [tilespmem:s13], [sflag:$0x6], $0x2800, $0x38;
	[tilespmem:$0xE000] =	vst v63  }
0x28b: {  	_ =	swait.ge [sflag:s31], $0x2800  }
0x28c: {  	[sflag:s31] =	ssyncset.done $0x0  }
0x28d: {  	[sflag:s31] =	ssyncadd.s32 $0xFFFFD800  }
0x28e: {  	_ =	swait.ge [sflag:s31], $0x2800  }
0x28f: {  	[sflag:s31] =	ssyncset.done $0x0  }
0x290: {  	[sflag:s31] =	ssyncadd.s32 $0xFFFFD800  }
0x291: {  	_ =	swait.ge [sflag:s31], $0x2800  }
0x292: {  	[sflag:s31] =	ssyncset.done $0x0  }
0x293: {  	[sflag:s31] =	ssyncadd.s32 $0xFFFFD800  }
0x294: {  	_ =	swait.ge [sflag:s31], $0x2800  }
0x295: {  	[sflag:s31] =	ssyncset.done $0x0  }
0x296: {  	[sflag:s31] =	ssyncadd.s32 $0xFFFFD800  }
0x297: {  	_ =	swait.ge [sflag:s31], $0x2800  }
0x298: {  	[sflag:s31] =	ssyncset.done $0x0  }
0x299: {  	[sflag:s31] =	ssyncadd.s32 $0xFFFFD800  }
0x29a: {  	_ =	swait.ge [sflag:s31], $0x2800  }
0x29b: {  	[sflag:s31] =	ssyncset.done $0x0  }
0x29c: {  	[sflag:s31] =	ssyncadd.s32 $0xFFFFD800  }
0x29d: {  	_ =	swait.ge [sflag:s31], $0x2800  }
0x29e: {  	[sflag:s31] =	ssyncset.done $0x0  }
0x29f: {  	[sflag:s31] =	ssyncadd.s32 $0xFFFFD800  }
0x2a0: {  	_ =	swait.ge [sflag:s31], $0x2800  }
0x2a1: {  	[sflag:s31] =	ssyncset.done $0x0  }
0x2a2: {  	[sflag:s31] =	ssyncadd.s32 $0xFFFFD800  }
0x2a3: {  	_ =	swait.ge [sflag:s31], $0x2800  }
0x2a4: {  	[sflag:s31] =	ssyncset.done $0x0  }
0x2a5: {  	[sflag:s31] =	ssyncadd.s32 $0xFFFFD800  }
0x2a6: {  	_ =	swait.ge [sflag:s31], $0x2800  }
0x2a7: {  	[sflag:s31] =	ssyncset.done $0x0  }
0x2a8: {  	[sflag:s31] =	ssyncadd.s32 $0xFFFFD800  }
0x2a9: {  	_ =	swait.ge [sflag:s31], $0x2800  }
0x2aa: {  	[sflag:s31] =	ssyncset.done $0x0  }
0x2ab: {  	[sflag:s31] =	ssyncadd.s32 $0xFFFFD800  }
0x2ac: {  	_ =	swait.ge [sflag:s31], $0x2800  }
0x2ad: {  	[sflag:s31] =	ssyncset.done $0x0  }
0x2ae: {  	[sflag:s31] =	ssyncadd.s32 $0xFFFFD800  }
0x2af: {  	_ =	swait.ge [sflag:s31], $0x2800  }
0x2b0: {  	[sflag:s31] =	ssyncset.done $0x0  }
0x2b1: {  	[sflag:s31] =	ssyncadd.s32 $0xFFFFD800  }
0x2b2: {  	_ =	swait.ge [sflag:s31], $0x2800  }
0x2b3: {  	[sflag:s31] =	ssyncset.done $0x0  }
0x2b4: {  	[sflag:s31] =	ssyncadd.s32 $0xFFFFD800  }
0x2b5: {  	_ =	swait.ge [sflag:s31], $0x2800  }
0x2b6: {  	[sflag:s31] =	ssyncset.done $0x0  }
0x2b7: {  	[sflag:s31] =	ssyncadd.s32 $0xFFFFD800  }
0x2b8: {  	_ =	swait.ge [sflag:s31], $0x2800  }
0x2b9: {  	[sflag:s31] =	ssyncset.done $0x0  }
0x2ba: {  	[sflag:s31] =	ssyncadd.s32 $0xFFFFD800  }
0x2bb: {  	_ =	swait.ge [sflag:s31], $0x2800  }
0x2bc: {  	[sflag:s31] =	ssyncset.done $0x0  }
0x2bd: {  	[sflag:s31] =	ssyncadd.s32 $0xFFFFD800  }
0x2be: {  	_ =	swait.ge [sflag:s31], $0x2800  }
0x2bf: {  	[sflag:s31] =	ssyncset.done $0x0  }
0x2c0: {  	[sflag:s31] =	ssyncadd.s32 $0xFFFFD800  }
0x2c1: {  	_ =	swait.ge [sflag:s31], $0x2800  }
0x2c2: {  	[sflag:s31] =	ssyncset.done $0x0  }
0x2c3: {  	[sflag:s31] =	ssyncadd.s32 $0xFFFFD800  }
0x2c4: {  	_ =	swait.ge [sflag:s31], $0x2800  }
0x2c5: {  	[sflag:s31] =	ssyncset.done $0x0  }
0x2c6: {  	[sflag:s31] =	ssyncadd.s32 $0xFFFFD800  }
0x2c7: {  	_ =	swait.ge [sflag:s31], $0x2800  }
0x2c8: {  	[sflag:s31] =	ssyncset.done $0x0  }
0x2c9: {  	[sflag:s31] =	ssyncadd.s32 $0xFFFFD800  }
0x2ca: {  	_ =	swait.ge [sflag:s31], $0x2800  }
0x2cb: {  	[sflag:s31] =	ssyncset.done $0x0  }
0x2cc: {  	[sflag:s31] =	ssyncadd.s32 $0xFFFFD800  }
0x2cd: {  	_ =	swait.ge [sflag:s31], $0x2800  }
0x2ce: {  	[sflag:s31] =	ssyncset.done $0x0  }
0x2cf: {  	[sflag:s31] =	ssyncadd.s32 $0xFFFFD800  }
0x2d0: {  	_ =	swait.ge [sflag:s31], $0x2800  }
0x2d1: {  	[sflag:s31] =	ssyncset.done $0x0  }
0x2d2: {  	[sflag:s31] =	ssyncadd.s32 $0xFFFFD800  }
0x2d3: {  	_ =	swait.ge [sflag:s31], $0x2800  }
0x2d4: {  	[sflag:s31] =	ssyncset.done $0x0  }
0x2d5: {  	[sflag:s31] =	ssyncadd.s32 $0xFFFFD800  }
0x2d6: {  	_ =	swait.ge [sflag:s31], $0x2800  }
0x2d7: {  	[sflag:s31] =	ssyncset.done $0x0  }
0x2d8: {  	[sflag:s31] =	ssyncadd.s32 $0xFFFFD800  }
0x2d9: {  	_ =	swait.ge [sflag:s31], $0x2800  }
0x2da: {  	[sflag:s31] =	ssyncset.done $0x0  }
0x2db: {  	[sflag:s31] =	ssyncadd.s32 $0xFFFFD800  }
0x2dc: {  	_ =	swait.ge [sflag:s31], $0x2800  }
0x2dd: {  	[sflag:s31] =	ssyncset.done $0x0  }
0x2de: {  	[sflag:s31] =	ssyncadd.s32 $0xFFFFD800  }
0x2df: {  	_ =	swait.ge [sflag:s31], $0x2800  }
0x2e0: {  	[sflag:s31] =	ssyncset.done $0x0  }
0x2e1: {  	[sflag:s31] =	ssyncadd.s32 $0xFFFFD800  }
0x2e2: {  	_ =	swait.ge [sflag:s31], $0x2800  }
0x2e3: {  	[sflag:s31] =	ssyncset.done $0x0  }
0x2e4: {  	[sflag:s31] =	ssyncadd.s32 $0xFFFFD800  }
0x2e5: {  	_ =	swait.ge [sflag:s31], $0x2800  }
0x2e6: {  	[sflag:s31] =	ssyncset.done $0x0  }
0x2e7: {  	[sflag:s31] =	ssyncadd.s32 $0xFFFFD800  }
0x2e8: {  	_ =	swait.ge [sflag:s31], $0x2800  }
0x2e9: {  	[sflag:s31] =	ssyncset.done $0x0  }
.Ltmp8:
0x2ea: {  	s8 =	rddreg [dreg:$0x4];
	[sflag:s31] =	ssyncadd.s32 $0xFFFFD800;
	(pc) =	sbr.rel .LBB2_13-.Ltmp8, $4  }
0x2eb: {  	[hbm4b:s8+s3] =	stream.linear.scatter [tilespmem:s1], [sflag:$0x6], $0x2800, $0x38;
	[tilespmem:$0xE000] =	vst v63  }
0x2ec: {  	_ =	swait.ge [sflag:s30], $0x2800  }
0x2ed: {  	[sflag:s30] =	ssyncset.done $0x0  }
0x2ee: {  	[sflag:s30] =	ssyncadd.s32 $0xFFFFD800  }
.LBB2_14:
0x2ef: {  	_ =	sfence.sel $0x180000  }
0x2f0: {  	[bflag:$0x0] =	sbarrier.arrive $0xFFFF  }
0x2f1: {  	_ =	strace $0x90000047  }
0x2f2: {  	s0 =	stileid.u32;
	[bflag:$0x2] =	sbarrier.arrive $0xFFFF  }
0x2f3: {  	p0 =	sne.s32 s0, $0x0;
	s0 =	rddreg [dreg:$0x3]  }
0x2f4: {  	s0 =	sadd.s32 @!p0 $0x100000, s0  }
0x2f5: {  	[sflag:s0] =	ssyncadd.tile.s32 @!p0 $0x1;
	_ =	shalt  }
.Lfunc_end2:
_tile_overlayer_lowered:
.L_overlay_start_2:
0x2f6: {  	(tag) =	ssettag $0x2  }
0x2f7: {  	s0 =	rddreg [dreg:$0x0];
	s2 =	stileid.u32  }
0x2f8: {  	s1 =	rddreg [dreg:$0x1];
	p0 =	sne.s32 s2, $0x0  }
0x2f9: {  	s3 =	rddreg [dreg:$0x2];
	[bflag:$0x3] =	sbarrier.arrive $0xFFFF;
	s2 =	simm.s32 @!p0 $0x1C07  }
0x2fa: {  	[timem:s3], [sflag:s2] =	dma.local @!p0 [hbm:s0], s1  }
0x2fb: {  	s0 =	simm.s32 @!p0 $0x7  }
0x2fc: {  	_ =	swait.ge @!p0 [sflag:s0], s1  }
0x2fd: {  	s1 =	ssub.s32 @!p0 $0x0, s1;
	[sflag:s0] =	ssyncset.done @!p0 $0x0  }
0x2fe: {  	[sflag:s0] =	ssyncadd.s32 @!p0 s1  }
0x2ff: {  	[bflag:$0x3] =	sbarrier.arrive $0xFFFF  }
0x300: {  	_ =	shalt  }

</sc_bundles>
